<compile_context>
chip_gen: v7x
topology: tpu7x:2x2x1
jax: 0.10.2.dev20260603
libtpu: 0.0.44.dev20260713+nightly
codegen_flags: <defaults>
</compile_context>

<pallas_src>
import functools

import jax
import jax.numpy as jnp
from jax import lax
from jax.experimental import pallas as pl
from jax.experimental.pallas import tpu as pltpu
from jax.experimental.pallas import tpu_sc as plsc

D_MODEL = 1024
D_FF = 2048
N_EXPERTS = 8
SEQ = 2048
N_PAIRS = 2 * SEQ
TILE = 256
N_TILES = 24
S_SLOTS = N_TILES * TILE

NC = 2
NW = 32


def _cumsum_lanes(m):
    n = m.shape[1]
    s = 1
    while s < n:
        shifted = jnp.concatenate(
            [jnp.zeros((m.shape[0], s), m.dtype), m[:, :-s]], axis=1)
        m = m + shifted
        s *= 2
    return m


def _cumsum_sublanes(m):
    n = m.shape[0]
    s = 1
    while s < n:
        shifted = jnp.concatenate(
            [jnp.zeros((s, m.shape[1]), m.dtype), m[:-s, :]], axis=0)
        m = m + shifted
        s *= 2
    return m


def _router_body(x_ref, gw_ref, pos_ref, wab_ref, meta_ref):
    lg = jnp.dot(x_ref[...], gw_ref[...].T,
                 preferred_element_type=jnp.float32)
    v0 = jnp.max(lg, axis=1, keepdims=True)
    is0 = (lg == v0).astype(jnp.int32)
    sel0 = (is0 * (_cumsum_lanes(is0) == 1)).astype(jnp.int32)
    neg = jnp.float32(-3.0e38)
    lg1 = jnp.where(sel0 == 1, neg, lg)
    v1 = jnp.max(lg1, axis=1, keepdims=True)
    is1 = (lg1 == v1).astype(jnp.int32)
    sel1 = (is1 * (_cumsum_lanes(is1) == 1)).astype(jnp.int32)

    s = jnp.exp(v1 - v0)
    w_top = 1.0 / (1.0 + s)
    w_sec = s / (1.0 + s)
    wab_ref[...] = jnp.concatenate(
        [jnp.broadcast_to(w_top, (SEQ, 16)),
         jnp.broadcast_to(w_sec, (SEQ, 16))], axis=1)

    onehot = jnp.concatenate([sel0, sel1], axis=0)
    csum = _cumsum_sublanes(onehot)
    rank = jnp.sum(onehot * (csum - 1), axis=1, keepdims=True)
    counts = csum[N_PAIRS - 1:N_PAIRS, :]

    tcnt = (counts + (TILE - 1)) // TILE
    tend = _cumsum_lanes(tcnt)
    tstart = tend - tcnt
    seg = jnp.sum(onehot * (tstart * TILE), axis=1, keepdims=True)
    pos_ref[...] = rank + seg

    e_row = lax.broadcasted_iota(jnp.int32, (128, N_EXPERTS), 1)
    t_col = lax.broadcasted_iota(jnp.int32, (128, N_EXPERTS), 0)
    in_seg = ((t_col >= tstart) & (t_col < tend)).astype(jnp.int32)
    te = jnp.sum(e_row * in_seg, axis=1, keepdims=True)
    act = jnp.sum(in_seg, axis=1, keepdims=True)
    last_e = jnp.max(e_row[:1, :] * (counts > 0), axis=1, keepdims=True)
    te = jnp.where(act > 0, te, last_e)
    meta_ref[...] = jnp.concatenate([te, act], axis=1)[:N_TILES]


def _router(x2, gate_w):
    return pl.pallas_call(
        _router_body,
        in_specs=[
            pl.BlockSpec((SEQ, D_MODEL), lambda: (0, 0)),
            pl.BlockSpec((N_EXPERTS, D_MODEL), lambda: (0, 0)),
        ],
        out_specs=[
            pl.BlockSpec((N_PAIRS, 1), lambda: (0, 0)),
            pl.BlockSpec((SEQ, 32), lambda: (0, 0)),
            pl.BlockSpec((N_TILES, 2), lambda: (0, 0)),
        ],
        out_shape=[
            jax.ShapeDtypeStruct((N_PAIRS, 1), jnp.int32),
            jax.ShapeDtypeStruct((SEQ, 32), jnp.float32),
            jax.ShapeDtypeStruct((N_TILES, 2), jnp.int32),
        ],
    )(x2, gate_w)


_CHUNK_B = 64


@functools.cache
def _sc_mesh():
    return plsc.VectorSubcoreMesh(core_axis_name="c", subcore_axis_name="s")


@functools.cache
def _scatter_kernel():
    @functools.partial(
        pl.kernel,
        out_type=jax.ShapeDtypeStruct((S_SLOTS, D_MODEL), jnp.float32),
        mesh=_sc_mesh(),
        scratch_types=[
            pltpu.VMEM((_CHUNK_B,), jnp.int32),
            pltpu.VMEM((_CHUNK_B, D_MODEL), jnp.float32),
        ],
    )
    def _scatter_body(x_hbm, pos_hbm, xs_hbm, idx_v, rows_v):
        wid = lax.axis_index("s") * NC + lax.axis_index("c")
        per_w = N_PAIRS // NW
        for c in range(per_w // _CHUNK_B):
            base = wid * per_w + c * _CHUNK_B
            pltpu.sync_copy(pos_hbm.at[pl.ds(base, _CHUNK_B)], idx_v)
            src = base % SEQ
            pltpu.sync_copy(x_hbm.at[pl.ds(src, _CHUNK_B)], rows_v)
            pltpu.sync_copy(rows_v, xs_hbm.at[idx_v])

    return _scatter_body


def _scatter_k(x2, pos):
    return _scatter_kernel()(x2, pos)


def _ffn_body(s_ref, xs_ref, wg_ref, w1_ref, w2_ref, o_ref):
    i = pl.program_id(0)

    @pl.when(s_ref[i, 1] == 1)
    def _():
        fast = jax.lax.Precision.DEFAULT
        xt = xs_ref[...]
        g = jnp.dot(xt, wg_ref[0].T, precision=fast,
                    preferred_element_type=jnp.float32)
        a = jnp.dot(xt, w1_ref[0].T, precision=fast,
                    preferred_element_type=jnp.float32)
        h = (g * jax.nn.sigmoid(g)) * a
        o_ref[...] = jnp.dot(h, w2_ref[0].T, precision=fast,
                             preferred_element_type=jnp.float32)


def _ffn(xs, wgb, w1b, w2b, meta):
    grid_spec = pltpu.PrefetchScalarGridSpec(
        num_scalar_prefetch=1,
        grid=(N_TILES,),
        in_specs=[
            pl.BlockSpec((TILE, D_MODEL), lambda i, s: (i, 0)),
            pl.BlockSpec((1, D_FF, D_MODEL), lambda i, s: (s[i, 0], 0, 0)),
            pl.BlockSpec((1, D_FF, D_MODEL), lambda i, s: (s[i, 0], 0, 0)),
            pl.BlockSpec((1, D_MODEL, D_FF), lambda i, s: (s[i, 0], 0, 0)),
        ],
        out_specs=pl.BlockSpec((TILE, D_MODEL), lambda i, s: (i, 0)),
    )
    return pl.pallas_call(
        _ffn_body,
        grid_spec=grid_spec,
        out_shape=jax.ShapeDtypeStruct((S_SLOTS, D_MODEL), jnp.float32),
        compiler_params=pltpu.CompilerParams(
            vmem_limit_bytes=100 * 1024 * 1024),
    )(meta, xs, wgb, w1b, w2b)


_CHUNK_D = 32


@functools.cache
def _combine_kernel():
    @functools.partial(
        pl.kernel,
        out_type=jax.ShapeDtypeStruct((SEQ, D_MODEL), jnp.float32),
        mesh=_sc_mesh(),
        scratch_types=[
            pltpu.VMEM((_CHUNK_D,), jnp.int32),
            pltpu.VMEM((_CHUNK_D,), jnp.int32),
            pltpu.VMEM((SEQ // NW, 32), jnp.float32),
            pltpu.VMEM((_CHUNK_D, D_MODEL), jnp.float32),
            pltpu.VMEM((_CHUNK_D, D_MODEL), jnp.float32),
        ],
    )
    def _combine_body(ys_hbm, pos_hbm, wab_hbm, out_hbm,
                      ia_v, ib_v, wab_v, ra_v, rb_v):
        wid = lax.axis_index("s") * NC + lax.axis_index("c")
        tok0 = wid * (SEQ // NW)
        pltpu.sync_copy(wab_hbm.at[pl.ds(tok0, SEQ // NW)], wab_v)
        for c in range((SEQ // NW) // _CHUNK_D):
            tok = tok0 + c * _CHUNK_D
            pltpu.sync_copy(pos_hbm.at[pl.ds(tok, _CHUNK_D)], ia_v)
            pltpu.sync_copy(pos_hbm.at[pl.ds(SEQ + tok, _CHUNK_D)], ib_v)
            pltpu.sync_copy(ys_hbm.at[ia_v], ra_v)
            pltpu.sync_copy(ys_hbm.at[ib_v], rb_v)

            def row_body(i, _, c=c):
                r = c * _CHUNK_D + i
                wa = wab_v[r, pl.ds(0, 16)]
                wb = wab_v[r, pl.ds(16, 16)]
                for j in range(D_MODEL // 16):
                    a = ra_v[i, pl.ds(j * 16, 16)]
                    b = rb_v[i, pl.ds(j * 16, 16)]
                    ra_v[i, pl.ds(j * 16, 16)] = a * wa + b * wb
                return 0

            lax.fori_loop(0, _CHUNK_D, row_body, 0)
            pltpu.sync_copy(ra_v, out_hbm.at[pl.ds(tok, _CHUNK_D)])

    return _combine_body


def _combine_k(ys, pos, wab):
    return _combine_kernel()(ys, pos, wab)


def kernel(x, gate_w, w1, w_gate, w2):
    B, T, D = x.shape
    x2 = x.reshape(T, D)

    pos2, wab, meta = _router(x2, gate_w)
    pos = pos2.reshape(N_PAIRS)
    xs = _scatter_k(x2, pos)
    ys = _ffn(xs, w_gate, w1, w2, meta)
    out = _combine_k(ys, pos, wab)
    return out.reshape(B, T, D)

# --- scband reference (transcript-rebuilt; emitter-appended) ---
"""Pipeline reference for scband-mo-elayer-37391985279403 (READ-ONLY COPY).

The authoritative reference and input builder live on the scoring server;
editing this copy changes nothing except your own understanding.
"""

import jax, jax.numpy as jnp
import numpy as np

D_MODEL = 1024
D_FF = 2048
N_EXPERTS = 8
TOP_K = 2
BATCH = 1
SEQ = 2048


def setup_inputs(seed: int = 0) -> dict:
    key = jax.random.key(seed)
    ks = jax.random.split(key, 5)
    x = jax.random.normal(ks[0], (BATCH, SEQ, D_MODEL), dtype=jnp.float32)
    # router gate: nn.Linear(d_model, n_experts, bias=False) -> weight (E, D)
    gate_w = jax.random.normal(ks[1], (N_EXPERTS, D_MODEL), dtype=jnp.float32) * 0.02
    # per-expert weights stacked along expert axis; nn.Linear weight is (out, in)
    w1 = jax.random.normal(ks[2], (N_EXPERTS, D_FF, D_MODEL), dtype=jnp.float32) * 0.02
    w_gate = jax.random.normal(ks[3], (N_EXPERTS, D_FF, D_MODEL), dtype=jnp.float32) * 0.02
    w2 = jax.random.normal(ks[4], (N_EXPERTS, D_MODEL, D_FF), dtype=jnp.float32) * 0.02
    return {"x": x, "gate_w": gate_w, "w1": w1, "w_gate": w_gate, "w2": w2}


def reference(x, gate_w, w1, w_gate, w2):
    B, T, D = x.shape
    x_flat = x.reshape(-1, D)
    # TopKRouter
    logits = x_flat @ gate_w.T  # (N, E)
    top_vals, top_idx = jax.lax.top_k(logits, TOP_K)  # (N, K)
    weights = jax.nn.softmax(top_vals, axis=-1)  # (N, K), sums to 1 per token
    # MoE combine: for each expert, per-token weight is the routing weight if
    # the expert was selected in any of the top-k slots, else 0. Computing the
    # expert densely and masking by weight is mathematically identical to the
    # torch boolean-mask dispatch.
    out = jnp.zeros_like(x_flat)
    for e in range(N_EXPERTS):
        w_e = jnp.sum(jnp.where(top_idx == e, weights, 0.0), axis=-1)  # (N,)
        h = jax.nn.silu(x_flat @ w_gate[e].T) * (x_flat @ w1[e].T)  # SwiGLU
        y = h @ w2[e].T  # (N, D)
        out = out + w_e[:, None] * y
    return out.reshape(B, T, D)

if __name__ == "__main__":
    import jax
    _d = setup_inputs()
    print(jax.jit(kernel)(*tuple(_d.values())))

</pallas_src>

<mosaic_0001>
#map = affine_map<(d0, d1) -> (0, 0)>
#map1 = affine_map<(d0, d1) -> (0)>
module attributes {stable_mosaic.version = 14 : i64} {
  func.func @_combine_body(%arg0: i32, %arg1: i32, %arg2: memref<6144x1024xf32, #tpu.memory_space<hbm>>, %arg3: memref<4096xi32, #tpu.memory_space<hbm>>, %arg4: memref<2048x32xf32, #tpu.memory_space<hbm>>, %arg5: memref<2048x1024xf32, #tpu.memory_space<hbm>>, %arg6: memref<32xi32, #tpu.memory_space<vmem>>, %arg7: memref<32xi32, #tpu.memory_space<vmem>>, %arg8: memref<64x32xf32, #tpu.memory_space<vmem>>, %arg9: memref<32x1024xf32, #tpu.memory_space<vmem>>, %arg10: memref<32x1024xf32, #tpu.memory_space<vmem>>) attributes {dimension_semantics = [#tpu.dimension_semantics<core_parallel>, #tpu.dimension_semantics<subcore_parallel>], iteration_bounds = array<i64: 2, 16>, scalar_prefetch = 0 : i64, scratch_operands = 5 : i64, tpu.core_type = #tpu.core_type<sc_vector_subcore>, window_params = [{transform_indices = #map}, {transform_indices = #map1}, {transform_indices = #map}, {transform_indices = #map}]} {
    %mul3A = arith.constant 2 : i32
    %mul3A_0 = arith.muli %arg1, %mul3A : i32
    %add3A = arith.addi %mul3A_0, %arg0 : i32
    %mul3A_1 = arith.constant 64 : i32
    %mul3A_2 = arith.muli %add3A, %mul3A_1 : i32
    "tpu.region"() ({
      %run_scoped3A = tpu.sem_alloc : memref<!tpu.dma_semaphore, #tpu.memory_space<semaphore_mem>>
      %dma_start3A = arith.constant 0 : i32
      %dma_start3A_24 = tpu.memref_slice %arg4[%mul3A_2, %dma_start3A] : memref<2048x32xf32, #tpu.memory_space<hbm>> -> memref<64x32xf32, #tpu.memory_space<hbm>>
      %dma_start3A_25 = arith.constant 0 : i32
      %dma_start3A_26 = tpu.memref_slice %arg4[%mul3A_2, %dma_start3A_25] : memref<2048x32xf32, #tpu.memory_space<hbm>> -> memref<64x32xf32, #tpu.memory_space<hbm>>
      tpu.enqueue_dma source(%dma_start3A_26 : memref<64x32xf32, #tpu.memory_space<hbm>>) target(%arg8 : memref<64x32xf32, #tpu.memory_space<vmem>>) target_semaphore(%run_scoped3A : memref<!tpu.dma_semaphore, #tpu.memory_space<semaphore_mem>>)
      %dma_wait3A = arith.constant 0 : i32
      %dma_wait3A_27 = tpu.memref_slice %arg4[%mul3A_2, %dma_wait3A] : memref<2048x32xf32, #tpu.memory_space<hbm>> -> memref<64x32xf32, #tpu.memory_space<hbm>>
      %dma_wait3A_28 = arith.constant 0 : i32
      %dma_wait3A_29 = tpu.memref_slice %arg4[%mul3A_2, %dma_wait3A_28] : memref<2048x32xf32, #tpu.memory_space<hbm>> -> memref<64x32xf32, #tpu.memory_space<hbm>>
      tpu.wait_dma2 semaphore(%run_scoped3A : memref<!tpu.dma_semaphore, #tpu.memory_space<semaphore_mem>>) src(%dma_wait3A_29 : memref<64x32xf32, #tpu.memory_space<hbm>>) dst(%arg8 : memref<64x32xf32, #tpu.memory_space<vmem>>)
      tpu.yield
    }) : () -> ()
    %add3A_3 = arith.constant 0 : i32
    %add3A_4 = arith.addi %mul3A_2, %add3A_3 : i32
    "tpu.region"() ({
      %run_scoped3A = tpu.sem_alloc : memref<!tpu.dma_semaphore, #tpu.memory_space<semaphore_mem>>
      %dma_start3A = tpu.memref_slice %arg3[%add3A_4] : memref<4096xi32, #tpu.memory_space<hbm>> -> memref<32xi32, #tpu.memory_space<hbm>>
      %dma_start3A_24 = tpu.memref_slice %arg3[%add3A_4] : memref<4096xi32, #tpu.memory_space<hbm>> -> memref<32xi32, #tpu.memory_space<hbm>>
      tpu.enqueue_dma source(%dma_start3A_24 : memref<32xi32, #tpu.memory_space<hbm>>) target(%arg6 : memref<32xi32, #tpu.memory_space<vmem>>) target_semaphore(%run_scoped3A : memref<!tpu.dma_semaphore, #tpu.memory_space<semaphore_mem>>)
      %dma_wait3A = tpu.memref_slice %arg3[%add3A_4] : memref<4096xi32, #tpu.memory_space<hbm>> -> memref<32xi32, #tpu.memory_space<hbm>>
      %dma_wait3A_25 = tpu.memref_slice %arg3[%add3A_4] : memref<4096xi32, #tpu.memory_space<hbm>> -> memref<32xi32, #tpu.memory_space<hbm>>
      tpu.wait_dma2 semaphore(%run_scoped3A : memref<!tpu.dma_semaphore, #tpu.memory_space<semaphore_mem>>) src(%dma_wait3A_25 : memref<32xi32, #tpu.memory_space<hbm>>) dst(%arg6 : memref<32xi32, #tpu.memory_space<vmem>>)
      tpu.yield
    }) : () -> ()
    %add3A_5 = arith.constant 2048 : i32
    %add3A_6 = arith.addi %add3A_5, %add3A_4 : i32
    "tpu.region"() ({
      %run_scoped3A = tpu.sem_alloc : memref<!tpu.dma_semaphore, #tpu.memory_space<semaphore_mem>>
      %dma_start3A = tpu.memref_slice %arg3[%add3A_6] : memref<4096xi32, #tpu.memory_space<hbm>> -> memref<32xi32, #tpu.memory_space<hbm>>
      %dma_start3A_24 = tpu.memref_slice %arg3[%add3A_6] : memref<4096xi32, #tpu.memory_space<hbm>> -> memref<32xi32, #tpu.memory_space<hbm>>
      tpu.enqueue_dma source(%dma_start3A_24 : memref<32xi32, #tpu.memory_space<hbm>>) target(%arg7 : memref<32xi32, #tpu.memory_space<vmem>>) target_semaphore(%run_scoped3A : memref<!tpu.dma_semaphore, #tpu.memory_space<semaphore_mem>>)
      %dma_wait3A = tpu.memref_slice %arg3[%add3A_6] : memref<4096xi32, #tpu.memory_space<hbm>> -> memref<32xi32, #tpu.memory_space<hbm>>
      %dma_wait3A_25 = tpu.memref_slice %arg3[%add3A_6] : memref<4096xi32, #tpu.memory_space<hbm>> -> memref<32xi32, #tpu.memory_space<hbm>>
      tpu.wait_dma2 semaphore(%run_scoped3A : memref<!tpu.dma_semaphore, #tpu.memory_space<semaphore_mem>>) src(%dma_wait3A_25 : memref<32xi32, #tpu.memory_space<hbm>>) dst(%arg7 : memref<32xi32, #tpu.memory_space<vmem>>)
      tpu.yield
    }) : () -> ()
    "tpu.region"() ({
      %run_scoped3A = tpu.sem_alloc : memref<!tpu.dma_semaphore, #tpu.memory_space<semaphore_mem>>
      %dma_start3A = arith.constant 0 : i32
      %dma_start3A_24 = arith.constant 0 : i32
      %dma_start3A_25 = tpu.memref_slice %arg2[%dma_start3A, %dma_start3A_24] : memref<6144x1024xf32, #tpu.memory_space<hbm>> -> memref<6144x1024xf32, #tpu.memory_space<hbm>>
      tpu.enqueue_indirect_dma source(%dma_start3A_25 : memref<6144x1024xf32, #tpu.memory_space<hbm>>) target(%arg9 : memref<32x1024xf32, #tpu.memory_space<vmem>>) offsets(%arg6 : memref<32xi32, #tpu.memory_space<vmem>>) semaphore(%run_scoped3A : memref<!tpu.dma_semaphore, #tpu.memory_space<semaphore_mem>>)
      %dma_wait3A = arith.constant 0 : i32
      %dma_wait3A_26 = arith.constant 0 : i32
      %dma_wait3A_27 = tpu.memref_slice %arg2[%dma_wait3A, %dma_wait3A_26] : memref<6144x1024xf32, #tpu.memory_space<hbm>> -> memref<6144x1024xf32, #tpu.memory_space<hbm>>
      tpu.wait_indirect_dma semaphore(%run_scoped3A : memref<!tpu.dma_semaphore, #tpu.memory_space<semaphore_mem>>) src(%dma_wait3A_27 : memref<6144x1024xf32, #tpu.memory_space<hbm>>) dst(%arg9 : memref<32x1024xf32, #tpu.memory_space<vmem>>)
      tpu.yield
    }) : () -> ()
    "tpu.region"() ({
      %run_scoped3A = tpu.sem_alloc : memref<!tpu.dma_semaphore, #tpu.memory_space<semaphore_mem>>
      %dma_start3A = arith.constant 0 : i32
      %dma_start3A_24 = arith.constant 0 : i32
      %dma_start3A_25 = tpu.memref_slice %arg2[%dma_start3A, %dma_start3A_24] : memref<6144x1024xf32, #tpu.memory_space<hbm>> -> memref<6144x1024xf32, #tpu.memory_space<hbm>>
      tpu.enqueue_indirect_dma source(%dma_start3A_25 : memref<6144x1024xf32, #tpu.memory_space<hbm>>) target(%arg10 : memref<32x1024xf32, #tpu.memory_space<vmem>>) offsets(%arg7 : memref<32xi32, #tpu.memory_space<vmem>>) semaphore(%run_scoped3A : memref<!tpu.dma_semaphore, #tpu.memory_space<semaphore_mem>>)
      %dma_wait3A = arith.constant 0 : i32
      %dma_wait3A_26 = arith.constant 0 : i32
      %dma_wait3A_27 = tpu.memref_slice %arg2[%dma_wait3A, %dma_wait3A_26] : memref<6144x1024xf32, #tpu.memory_space<hbm>> -> memref<6144x1024xf32, #tpu.memory_space<hbm>>
      tpu.wait_indirect_dma semaphore(%run_scoped3A : memref<!tpu.dma_semaphore, #tpu.memory_space<semaphore_mem>>) src(%dma_wait3A_27 : memref<6144x1024xf32, #tpu.memory_space<hbm>>) dst(%arg10 : memref<32x1024xf32, #tpu.memory_space<vmem>>)
      tpu.yield
    }) : () -> ()
    %scan3A = arith.constant 0 : i32
    %scan3A_7 = arith.constant 0 : i32
    %scan3A_8 = arith.constant 32 : i32
    %scan3A_9 = arith.addi %scan3A_7, %scan3A_8 : i32
    %scan3A_10 = arith.constant 1 : i32
    %scan3A_11 = scf.for %scan3A_24 = %scan3A_7 to %scan3A_9 step %scan3A_10 iter_args(%scan3A_25 = %scan3A) -> (i32)  : i32 {
      %add3A_26 = arith.constant 0 : i32
      %add3A_27 = arith.addi %add3A_26, %scan3A_24 : i32
      %get3A = arith.index_cast %add3A_27 : i32 to index
      %get3A_28 = arith.constant 0 : index
      %get3A_29 = tpu.vector_load %arg8[%get3A, %get3A_28] {strides = array<i32>} : memref<64x32xf32, #tpu.memory_space<vmem>>, vector<1x16xf32>,
      %get3A_30 = vector.shape_cast %get3A_29 : vector<1x16xf32> to vector<16xf32>
      %get3A_31 = arith.index_cast %add3A_27 : i32 to index
      %get3A_32 = arith.constant 16 : index
      %get3A_33 = tpu.vector_load %arg8[%get3A_31, %get3A_32] {strides = array<i32>} : memref<64x32xf32, #tpu.memory_space<vmem>>, vector<1x16xf32>,
      %get3A_34 = vector.shape_cast %get3A_33 : vector<1x16xf32> to vector<16xf32>
      %get3A_35 = arith.index_cast %scan3A_24 : i32 to index
      %get3A_36 = arith.constant 0 : index
      %get3A_37 = tpu.vector_load %arg9[%get3A_35, %get3A_36] {strides = array<i32>} : memref<32x1024xf32, #tpu.memory_space<vmem>>, vector<1x16xf32>,
      %get3A_38 = vector.shape_cast %get3A_37 : vector<1x16xf32> to vector<16xf32>
      %get3A_39 = arith.index_cast %scan3A_24 : i32 to index
      %get3A_40 = arith.constant 0 : index
      %get3A_41 = tpu.vector_load %arg10[%get3A_39, %get3A_40] {strides = array<i32>} : memref<32x1024xf32, #tpu.memory_space<vmem>>, vector<1x16xf32>,
      %get3A_42 = vector.shape_cast %get3A_41 : vector<1x16xf32> to vector<16xf32>
      %mul3A_43 = arith.mulf %get3A_38, %get3A_30 : vector<16xf32>
      %mul3A_44 = arith.mulf %get3A_42, %get3A_34 : vector<16xf32>
      %add3A_45 = arith.addf %mul3A_43, %mul3A_44 : vector<16xf32>
      %swap3A = arith.index_cast %scan3A_24 : i32 to index
      %swap3A_46 = arith.constant 0 : index
      %swap3A_47 = tpu.vector_load %arg9[%swap3A, %swap3A_46] {strides = array<i32>} : memref<32x1024xf32, #tpu.memory_space<vmem>>, vector<1x16xf32>,
      %swap3A_48 = vector.shape_cast %swap3A_47 : vector<1x16xf32> to vector<16xf32>
      %swap3A_49 = vector.shape_cast %add3A_45 : vector<16xf32> to vector<1x16xf32>
      tpu.vector_store %arg9[%swap3A, %swap3A_46], %swap3A_49 {strides = array<i32>} : memref<32x1024xf32, #tpu.memory_space<vmem>>, vector<1x16xf32>,
      %get3A_50 = arith.index_cast %scan3A_24 : i32 to index
      %get3A_51 = arith.constant 16 : index
      %get3A_52 = tpu.vector_load %arg9[%get3A_50, %get3A_51] {strides = array<i32>} : memref<32x1024xf32, #tpu.memory_space<vmem>>, vector<1x16xf32>,
      %get3A_53 = vector.shape_cast %get3A_52 : vector<1x16xf32> to vector<16xf32>
      %get3A_54 = arith.index_cast %scan3A_24 : i32 to index
      %get3A_55 = arith.constant 16 : index
      %get3A_56 = tpu.vector_load %arg10[%get3A_54, %get3A_55] {strides = array<i32>} : memref<32x1024xf32, #tpu.memory_space<vmem>>, vector<1x16xf32>,
      %get3A_57 = vector.shape_cast %get3A_56 : vector<1x16xf32> to vector<16xf32>
      %mul3A_58 = arith.mulf %get3A_53, %get3A_30 : vector<16xf32>
      %mul3A_59 = arith.mulf %get3A_57, %get3A_34 : vector<16xf32>
      %add3A_60 = arith.addf %mul3A_58, %mul3A_59 : vector<16xf32>
      %swap3A_61 = arith.index_cast %scan3A_24 : i32 to index
      %swap3A_62 = arith.constant 16 : index
      %swap3A_63 = tpu.vector_load %arg9[%swap3A_61, %swap3A_62] {strides = array<i32>} : memref<32x1024xf32, #tpu.memory_space<vmem>>, vector<1x16xf32>,
      %swap3A_64 = vector.shape_cast %swap3A_63 : vector<1x16xf32> to vector<16xf32>
      %swap3A_65 = vector.shape_cast %add3A_60 : vector<16xf32> to vector<1x16xf32>
      tpu.vector_store %arg9[%swap3A_61, %swap3A_62], %swap3A_65 {strides = array<i32>} : memref<32x1024xf32, #tpu.memory_space<vmem>>, vector<1x16xf32>,
      %get3A_66 = arith.index_cast %scan3A_24 : i32 to index
      %get3A_67 = arith.constant 32 : index
      %get3A_68 = tpu.vector_load %arg9[%get3A_66, %get3A_67] {strides = array<i32>} : memref<32x1024xf32, #tpu.memory_space<vmem>>, vector<1x16xf32>,
      %get3A_69 = vector.shape_cast %get3A_68 : vector<1x16xf32> to vector<16xf32>
      %get3A_70 = arith.index_cast %scan3A_24 : i32 to index
      %get3A_71 = arith.constant 32 : index
      %get3A_72 = tpu.vector_load %arg10[%get3A_70, %get3A_71] {strides = array<i32>} : memref<32x1024xf32, #tpu.memory_space<vmem>>, vector<1x16xf32>,
      %get3A_73 = vector.shape_cast %get3A_72 : vector<1x16xf32> to vector<16xf32>
      %mul3A_74 = arith.mulf %get3A_69, %get3A_30 : vector<16xf32>
      %mul3A_75 = arith.mulf %get3A_73, %get3A_34 : vector<16xf32>
      %add3A_76 = arith.addf %mul3A_74, %mul3A_75 : vector<16xf32>
      %swap3A_77 = arith.index_cast %scan3A_24 : i32 to index
      %swap3A_78 = arith.constant 32 : index
      %swap3A_79 = tpu.vector_load %arg9[%swap3A_77, %swap3A_78] {strides = array<i32>} : memref<32x1024xf32, #tpu.memory_space<vmem>>, vector<1x16xf32>,
      %swap3A_80 = vector.shape_cast %swap3A_79 : vector<1x16xf32> to vector<16xf32>
      %swap3A_81 = vector.shape_cast %add3A_76 : vector<16xf32> to vector<1x16xf32>
      tpu.vector_store %arg9[%swap3A_77, %swap3A_78], %swap3A_81 {strides = array<i32>} : memref<32x1024xf32, #tpu.memory_space<vmem>>, vector<1x16xf32>,
      %get3A_82 = arith.index_cast %scan3A_24 : i32 to index
      %get3A_83 = arith.constant 48 : index
      %get3A_84 = tpu.vector_load %arg9[%get3A_82, %get3A_83] {strides = array<i32>} : memref<32x1024xf32, #tpu.memory_space<vmem>>, vector<1x16xf32>,
      %get3A_85 = vector.shape_cast %get3A_84 : vector<1x16xf32> to vector<16xf32>
      %get3A_86 = arith.index_cast %scan3A_24 : i32 to index
      %get3A_87 = arith.constant 48 : index
      %get3A_88 = tpu.vector_load %arg10[%get3A_86, %get3A_87] {strides = array<i32>} : memref<32x1024xf32, #tpu.memory_space<vmem>>, vector<1x16xf32>,
      %get3A_89 = vector.shape_cast %get3A_88 : vector<1x16xf32> to vector<16xf32>
      %mul3A_90 = arith.mulf %get3A_85, %get3A_30 : vector<16xf32>
      %mul3A_91 = arith.mulf %get3A_89, %get3A_34 : vector<16xf32>
      %add3A_92 = arith.addf %mul3A_90, %mul3A_91 : vector<16xf32>
      %swap3A_93 = arith.index_cast %scan3A_24 : i32 to index
      %swap3A_94 = arith.constant 48 : index
      %swap3A_95 = tpu.vector_load %arg9[%swap3A_93, %swap3A_94] {strides = array<i32>} : memref<32x1024xf32, #tpu.memory_space<vmem>>, vector<1x16xf32>,
      %swap3A_96 = vector.shape_cast %swap3A_95 : vector<1x16xf32> to vector<16xf32>
      %swap3A_97 = vector.shape_cast %add3A_92 : vector<16xf32> to vector<1x16xf32>
      tpu.vector_store %arg9[%swap3A_93, %swap3A_94], %swap3A_97 {strides = array<i32>} : memref<32x1024xf32, #tpu.memory_space<vmem>>, vector<1x16xf32>,
      %get3A_98 = arith.index_cast %scan3A_24 : i32 to index
      %get3A_99 = arith.constant 64 : index
      %get3A_100 = tpu.vector_load %arg9[%get3A_98, %get3A_99] {strides = array<i32>} : memref<32x1024xf32, #tpu.memory_space<vmem>>, vector<1x16xf32>,
      %get3A_101 = vector.shape_cast %get3A_100 : vector<1x16xf32> to vector<16xf32>
      %get3A_102 = arith.index_cast %scan3A_24 : i32 to index
      %get3A_103 = arith.constant 64 : index
      %get3A_104 = tpu.vector_load %arg10[%get3A_102, %get3A_103] {strides = array<i32>} : memref<32x1024xf32, #tpu.memory_space<vmem>>, vector<1x16xf32>,
      %get3A_105 = vector.shape_cast %get3A_104 : vector<1x16xf32> to vector<16xf32>
      %mul3A_106 = arith.mulf %get3A_101, %get3A_30 : vector<16xf32>
      %mul3A_107 = arith.mulf %get3A_105, %get3A_34 : vector<16xf32>
      %add3A_108 = arith.addf %mul3A_106, %mul3A_107 : vector<16xf32>
      %swap3A_109 = arith.index_cast %scan3A_24 : i32 to index
      %swap3A_110 = arith.constant 64 : index
      %swap3A_111 = tpu.vector_load %arg9[%swap3A_109, %swap3A_110] {strides = array<i32>} : memref<32x1024xf32, #tpu.memory_space<vmem>>, vector<1x16xf32>,
      %swap3A_112 = vector.shape_cast %swap3A_111 : vector<1x16xf32> to vector<16xf32>
      %swap3A_113 = vector.shape_cast %add3A_108 : vector<16xf32> to vector<1x16xf32>
      tpu.vector_store %arg9[%swap3A_109, %swap3A_110], %swap3A_113 {strides = array<i32>} : memref<32x1024xf32, #tpu.memory_space<vmem>>, vector<1x16xf32>,
      %get3A_114 = arith.index_cast %scan3A_24 : i32 to index
      %get3A_115 = arith.constant 80 : index
      %get3A_116 = tpu.vector_load %arg9[%get3A_114, %get3A_115] {strides = array<i32>} : memref<32x1024xf32, #tpu.memory_space<vmem>>, vector<1x16xf32>,
      %get3A_117 = vector.shape_cast %get3A_116 : vector<1x16xf32> to vector<16xf32>
      %get3A_118 = arith.index_cast %scan3A_24 : i32 to index
      %get3A_119 = arith.constant 80 : index
      %get3A_120 = tpu.vector_load %arg10[%get3A_118, %get3A_119] {strides = array<i32>} : memref<32x1024xf32, #tpu.memory_space<vmem>>, vector<1x16xf32>,
      %get3A_121 = vector.shape_cast %get3A_120 : vector<1x16xf32> to vector<16xf32>
      %mul3A_122 = arith.mulf %get3A_117, %get3A_30 : vector<16xf32>
      %mul3A_123 = arith.mulf %get3A_121, %get3A_34 : vector<16xf32>
      %add3A_124 = arith.addf %mul3A_122, %mul3A_123 : vector<16xf32>
      %swap3A_125 = arith.index_cast %scan3A_24 : i32 to index
      %swap3A_126 = arith.constant 80 : index
      %swap3A_127 = tpu.vector_load %arg9[%swap3A_125, %swap3A_126] {strides = array<i32>} : memref<32x1024xf32, #tpu.memory_space<vmem>>, vector<1x16xf32>,
      %swap3A_128 = vector.shape_cast %swap3A_127 : vector<1x16xf32> to vector<16xf32>
      %swap3A_129 = vector.shape_cast %add3A_124 : vector<16xf32> to vector<1x16xf32>
      tpu.vector_store %arg9[%swap3A_125, %swap3A_126], %swap3A_129 {strides = array<i32>} : memref<32x1024xf32, #tpu.memory_space<vmem>>, vector<1x16xf32>,
      %get3A_130 = arith.index_cast %scan3A_24 : i32 to index
      %get3A_131 = arith.constant 96 : index
      %get3A_132 = tpu.vector_load %arg9[%get3A_130, %get3A_131] {strides = array<i32>} : memref<32x1024xf32, #tpu.memory_space<vmem>>, vector<1x16xf32>,
      %get3A_133 = vector.shape_cast %get3A_132 : vector<1x16xf32> to vector<16xf32>
      %get3A_134 = arith.index_cast %scan3A_24 : i32 to index
      %get3A_135 = arith.constant 96 : index
      %get3A_136 = tpu.vector_load %arg10[%get3A_134, %get3A_135] {strides = array<i32>} : memref<32x1024xf32, #tpu.memory_space<vmem>>, vector<1x16xf32>,
      %get3A_137 = vector.shape_cast %get3A_136 : vector<1x16xf32> to vector<16xf32>
      %mul3A_138 = arith.mulf %get3A_133, %get3A_30 : vector<16xf32>
      %mul3A_139 = arith.mulf %get3A_137, %get3A_34 : vector<16xf32>
      %add3A_140 = arith.addf %mul3A_138, %mul3A_139 : vector<16xf32>
      %swap3A_141 = arith.index_cast %scan3A_24 : i32 to index
      %swap3A_142 = arith.constant 96 : index
      %swap3A_143 = tpu.vector_load %arg9[%swap3A_141, %swap3A_142] {strides = array<i32>} : memref<32x1024xf32, #tpu.memory_space<vmem>>, vector<1x16xf32>,
      %swap3A_144 = vector.shape_cast %swap3A_143 : vector<1x16xf32> to vector<16xf32>
      %swap3A_145 = vector.shape_cast %add3A_140 : vector<16xf32> to vector<1x16xf32>
      tpu.vector_store %arg9[%swap3A_141, %swap3A_142], %swap3A_145 {strides = array<i32>} : memref<32x1024xf32, #tpu.memory_space<vmem>>, vector<1x16xf32>,
      %get3A_146 = arith.index_cast %scan3A_24 : i32 to index
      %get3A_147 = arith.constant 112 : index
      %get3A_148 = tpu.vector_load %arg9[%get3A_146, %get3A_147] {strides = array<i32>} : memref<32x1024xf32, #tpu.memory_space<vmem>>, vector<1x16xf32>,
      %get3A_149 = vector.shape_cast %get3A_148 : vector<1x16xf32> to vector<16xf32>
      %get3A_150 = arith.index_cast %scan3A_24 : i32 to index
      %get3A_151 = arith.constant 112 : index
      %get3A_152 = tpu.vector_load %arg10[%get3A_150, %get3A_151] {strides = array<i32>} : memref<32x1024xf32, #tpu.memory_space<vmem>>, vector<1x16xf32>,
      %get3A_153 = vector.shape_cast %get3A_152 : vector<1x16xf32> to vector<16xf32>
      %mul3A_154 = arith.mulf %get3A_149, %get3A_30 : vector<16xf32>
      %mul3A_155 = arith.mulf %get3A_153, %get3A_34 : vector<16xf32>
      %add3A_156 = arith.addf %mul3A_154, %mul3A_155 : vector<16xf32>
      %swap3A_157 = arith.index_cast %scan3A_24 : i32 to index
      %swap3A_158 = arith.constant 112 : index
      %swap3A_159 = tpu.vector_load %arg9[%swap3A_157, %swap3A_158] {strides = array<i32>} : memref<32x1024xf32, #tpu.memory_space<vmem>>, vector<1x16xf32>,
      %swap3A_160 = vector.shape_cast %swap3A_159 : vector<1x16xf32> to vector<16xf32>
      %swap3A_161 = vector.shape_cast %add3A_156 : vector<16xf32> to vector<1x16xf32>
      tpu.vector_store %arg9[%swap3A_157, %swap3A_158], %swap3A_161 {strides = array<i32>} : memref<32x1024xf32, #tpu.memory_space<vmem>>, vector<1x16xf32>,
      %get3A_162 = arith.index_cast %scan3A_24 : i32 to index
      %get3A_163 = arith.constant 128 : index
      %get3A_164 = tpu.vector_load %arg9[%get3A_162, %get3A_163] {strides = array<i32>} : memref<32x1024xf32, #tpu.memory_space<vmem>>, vector<1x16xf32>,
      %get3A_165 = vector.shape_cast %get3A_164 : vector<1x16xf32> to vector<16xf32>
      %get3A_166 = arith.index_cast %scan3A_24 : i32 to index
      %get3A_167 = arith.constant 128 : index
      %get3A_168 = tpu.vector_load %arg10[%get3A_166, %get3A_167] {strides = array<i32>} : memref<32x1024xf32, #tpu.memory_space<vmem>>, vector<1x16xf32>,
      %get3A_169 = vector.shape_cast %get3A_168 : vector<1x16xf32> to vector<16xf32>
      %mul3A_170 = arith.mulf %get3A_165, %get3A_30 : vector<16xf32>
      %mul3A_171 = arith.mulf %get3A_169, %get3A_34 : vector<16xf32>
      %add3A_172 = arith.addf %mul3A_170, %mul3A_171 : vector<16xf32>
      %swap3A_173 = arith.index_cast %scan3A_24 : i32 to index
      %swap3A_174 = arith.constant 128 : index
      %swap3A_175 = tpu.vector_load %arg9[%swap3A_173, %swap3A_174] {strides = array<i32>} : memref<32x1024xf32, #tpu.memory_space<vmem>>, vector<1x16xf32>,
      %swap3A_176 = vector.shape_cast %swap3A_175 : vector<1x16xf32> to vector<16xf32>
      %swap3A_177 = vector.shape_cast %add3A_172 : vector<16xf32> to vector<1x16xf32>
      tpu.vector_store %arg9[%swap3A_173, %swap3A_174], %swap3A_177 {strides = array<i32>} : memref<32x1024xf32, #tpu.memory_space<vmem>>, vector<1x16xf32>,
      %get3A_178 = arith.index_cast %scan3A_24 : i32 to index
      %get3A_179 = arith.constant 144 : index
      %get3A_180 = tpu.vector_load %arg9[%get3A_178, %get3A_179] {strides = array<i32>} : memref<32x1024xf32, #tpu.memory_space<vmem>>, vector<1x16xf32>,
      %get3A_181 = vector.shape_cast %get3A_180 : vector<1x16xf32> to vector<16xf32>
      %get3A_182 = arith.index_cast %scan3A_24 : i32 to index
      %get3A_183 = arith.constant 144 : index
      %get3A_184 = tpu.vector_load %arg10[%get3A_182, %get3A_183] {strides = array<i32>} : memref<32x1024xf32, #tpu.memory_space<vmem>>, vector<1x16xf32>,
      %get3A_185 = vector.shape_cast %get3A_184 : vector<1x16xf32> to vector<16xf32>
      %mul3A_186 = arith.mulf %get3A_181, %get3A_30 : vector<16xf32>
      %mul3A_187 = arith.mulf %get3A_185, %get3A_34 : vector<16xf32>
      %add3A_188 = arith.addf %mul3A_186, %mul3A_187 : vector<16xf32>
      %swap3A_189 = arith.index_cast %scan3A_24 : i32 to index
      %swap3A_190 = arith.constant 144 : index
      %swap3A_191 = tpu.vector_load %arg9[%swap3A_189, %swap3A_190] {strides = array<i32>} : memref<32x1024xf32, #tpu.memory_space<vmem>>, vector<1x16xf32>,
      %swap3A_192 = vector.shape_cast %swap3A_191 : vector<1x16xf32> to vector<16xf32>
      %swap3A_193 = vector.shape_cast %add3A_188 : vector<16xf32> to vector<1x16xf32>
      tpu.vector_store %arg9[%swap3A_189, %swap3A_190], %swap3A_193 {strides = array<i32>} : memref<32x1024xf32, #tpu.memory_space<vmem>>, vector<1x16xf32>,
      %get3A_194 = arith.index_cast %scan3A_24 : i32 to index
      %get3A_195 = arith.constant 160 : index
      %get3A_196 = tpu.vector_load %arg9[%get3A_194, %get3A_195] {strides = array<i32>} : memref<32x1024xf32, #tpu.memory_space<vmem>>, vector<1x16xf32>,
      %get3A_197 = vector.shape_cast %get3A_196 : vector<1x16xf32> to vector<16xf32>
      %get3A_198 = arith.index_cast %scan3A_24 : i32 to index
      %get3A_199 = arith.constant 160 : index
      %get3A_200 = tpu.vector_load %arg10[%get3A_198, %get3A_199] {strides = array<i32>} : memref<32x1024xf32, #tpu.memory_space<vmem>>, vector<1x16xf32>,
      %get3A_201 = vector.shape_cast %get3A_200 : vector<1x16xf32> to vector<16xf32>
      %mul3A_202 = arith.mulf %get3A_197, %get3A_30 : vector<16xf32>
      %mul3A_203 = arith.mulf %get3A_201, %get3A_34 : vector<16xf32>
      %add3A_204 = arith.addf %mul3A_202, %mul3A_203 : vector<16xf32>
      %swap3A_205 = arith.index_cast %scan3A_24 : i32 to index
      %swap3A_206 = arith.constant 160 : index
      %swap3A_207 = tpu.vector_load %arg9[%swap3A_205, %swap3A_206] {strides = array<i32>} : memref<32x1024xf32, #tpu.memory_space<vmem>>, vector<1x16xf32>,
      %swap3A_208 = vector.shape_cast %swap3A_207 : vector<1x16xf32> to vector<16xf32>
      %swap3A_209 = vector.shape_cast %add3A_204 : vector<16xf32> to vector<1x16xf32>
      tpu.vector_store %arg9[%swap3A_205, %swap3A_206], %swap3A_209 {strides = array<i32>} : memref<32x1024xf32, #tpu.memory_space<vmem>>, vector<1x16xf32>,
      %get3A_210 = arith.index_cast %scan3A_24 : i32 to index
      %get3A_211 = arith.constant 176 : index
      %get3A_212 = tpu.vector_load %arg9[%get3A_210, %get3A_211] {strides = array<i32>} : memref<32x1024xf32, #tpu.memory_space<vmem>>, vector<1x16xf32>,
      %get3A_213 = vector.shape_cast %get3A_212 : vector<1x16xf32> to vector<16xf32>
      %get3A_214 = arith.index_cast %scan3A_24 : i32 to index
      %get3A_215 = arith.constant 176 : index
      %get3A_216 = tpu.vector_load %arg10[%get3A_214, %get3A_215] {strides = array<i32>} : memref<32x1024xf32, #tpu.memory_space<vmem>>, vector<1x16xf32>,
      %get3A_217 = vector.shape_cast %get3A_216 : vector<1x16xf32> to vector<16xf32>
      %mul3A_218 = arith.mulf %get3A_213, %get3A_30 : vector<16xf32>
      %mul3A_219 = arith.mulf %get3A_217, %get3A_34 : vector<16xf32>
      %add3A_220 = arith.addf %mul3A_218, %mul3A_219 : vector<16xf32>
      %swap3A_221 = arith.index_cast %scan3A_24 : i32 to index
      %swap3A_222 = arith.constant 176 : index
      %swap3A_223 = tpu.vector_load %arg9[%swap3A_221, %swap3A_222] {strides = array<i32>} : memref<32x1024xf32, #tpu.memory_space<vmem>>, vector<1x16xf32>,
      %swap3A_224 = vector.shape_cast %swap3A_223 : vector<1x16xf32> to vector<16xf32>
      %swap3A_225 = vector.shape_cast %add3A_220 : vector<16xf32> to vector<1x16xf32>
      tpu.vector_store %arg9[%swap3A_221, %swap3A_222], %swap3A_225 {strides = array<i32>} : memref<32x1024xf32, #tpu.memory_space<vmem>>, vector<1x16xf32>,
      %get3A_226 = arith.index_cast %scan3A_24 : i32 to index
      %get3A_227 = arith.constant 192 : index
      %get3A_228 = tpu.vector_load %arg9[%get3A_226, %get3A_227] {strides = array<i32>} : memref<32x1024xf32, #tpu.memory_space<vmem>>, vector<1x16xf32>,
      %get3A_229 = vector.shape_cast %get3A_228 : vector<1x16xf32> to vector<16xf32>
      %get3A_230 = arith.index_cast %scan3A_24 : i32 to index
      %get3A_231 = arith.constant 192 : index
      %get3A_232 = tpu.vector_load %arg10[%get3A_230, %get3A_231] {strides = array<i32>} : memref<32x1024xf32, #tpu.memory_space<vmem>>, vector<1x16xf32>,
      %get3A_233 = vector.shape_cast %get3A_232 : vector<1x16xf32> to vector<16xf32>
      %mul3A_234 = arith.mulf %get3A_229, %get3A_30 : vector<16xf32>
      %mul3A_235 = arith.mulf %get3A_233, %get3A_34 : vector<16xf32>
      %add3A_236 = arith.addf %mul3A_234, %mul3A_235 : vector<16xf32>
      %swap3A_237 = arith.index_cast %scan3A_24 : i32 to index
      %swap3A_238 = arith.constant 192 : index
      %swap3A_239 = tpu.vector_load %arg9[%swap3A_237, %swap3A_238] {strides = array<i32>} : memref<32x1024xf32, #tpu.memory_space<vmem>>, vector<1x16xf32>,
      %swap3A_240 = vector.shape_cast %swap3A_239 : vector<1x16xf32> to vector<16xf32>
      %swap3A_241 = vector.shape_cast %add3A_236 : vector<16xf32> to vector<1x16xf32>
      tpu.vector_store %arg9[%swap3A_237, %swap3A_238], %swap3A_241 {strides = array<i32>} : memref<32x1024xf32, #tpu.memory_space<vmem>>, vector<1x16xf32>,
      %get3A_242 = arith.index_cast %scan3A_24 : i32 to index
      %get3A_243 = arith.constant 208 : index
      %get3A_244 = tpu.vector_load %arg9[%get3A_242, %get3A_243] {strides = array<i32>} : memref<32x1024xf32, #tpu.memory_space<vmem>>, vector<1x16xf32>,
      %get3A_245 = vector.shape_cast %get3A_244 : vector<1x16xf32> to vector<16xf32>
      %get3A_246 = arith.index_cast %scan3A_24 : i32 to index
      %get3A_247 = arith.constant 208 : index
      %get3A_248 = tpu.vector_load %arg10[%get3A_246, %get3A_247] {strides = array<i32>} : memref<32x1024xf32, #tpu.memory_space<vmem>>, vector<1x16xf32>,
      %get3A_249 = vector.shape_cast %get3A_248 : vector<1x16xf32> to vector<16xf32>
      %mul3A_250 = arith.mulf %get3A_245, %get3A_30 : vector<16xf32>
      %mul3A_251 = arith.mulf %get3A_249, %get3A_34 : vector<16xf32>
      %add3A_252 = arith.addf %mul3A_250, %mul3A_251 : vector<16xf32>
      %swap3A_253 = arith.index_cast %scan3A_24 : i32 to index
      %swap3A_254 = arith.constant 208 : index
      %swap3A_255 = tpu.vector_load %arg9[%swap3A_253, %swap3A_254] {strides = array<i32>} : memref<32x1024xf32, #tpu.memory_space<vmem>>, vector<1x16xf32>,
      %swap3A_256 = vector.shape_cast %swap3A_255 : vector<1x16xf32> to vector<16xf32>
      %swap3A_257 = vector.shape_cast %add3A_252 : vector<16xf32> to vector<1x16xf32>
      tpu.vector_store %arg9[%swap3A_253, %swap3A_254], %swap3A_257 {strides = array<i32>} : memref<32x1024xf32, #tpu.memory_space<vmem>>, vector<1x16xf32>,
      %get3A_258 = arith.index_cast %scan3A_24 : i32 to index
      %get3A_259 = arith.constant 224 : index
      %get3A_260 = tpu.vector_load %arg9[%get3A_258, %get3A_259] {strides = array<i32>} : memref<32x1024xf32, #tpu.memory_space<vmem>>, vector<1x16xf32>,
      %get3A_261 = vector.shape_cast %get3A_260 : vector<1x16xf32> to vector<16xf32>
      %get3A_262 = arith.index_cast %scan3A_24 : i32 to index
      %get3A_263 = arith.constant 224 : index
      %get3A_264 = tpu.vector_load %arg10[%get3A_262, %get3A_263] {strides = array<i32>} : memref<32x1024xf32, #tpu.memory_space<vmem>>, vector<1x16xf32>,
      %get3A_265 = vector.shape_cast %get3A_264 : vector<1x16xf32> to vector<16xf32>
      %mul3A_266 = arith.mulf %get3A_261, %get3A_30 : vector<16xf32>
      %mul3A_267 = arith.mulf %get3A_265, %get3A_34 : vector<16xf32>
      %add3A_268 = arith.addf %mul3A_266, %mul3A_267 : vector<16xf32>
      %swap3A_269 = arith.index_cast %scan3A_24 : i32 to index
      %swap3A_270 = arith.constant 224 : index
      %swap3A_271 = tpu.vector_load %arg9[%swap3A_269, %swap3A_270] {strides = array<i32>} : memref<32x1024xf32, #tpu.memory_space<vmem>>, vector<1x16xf32>,
      %swap3A_272 = vector.shape_cast %swap3A_271 : vector<1x16xf32> to vector<16xf32>
      %swap3A_273 = vector.shape_cast %add3A_268 : vector<16xf32> to vector<1x16xf32>
      tpu.vector_store %arg9[%swap3A_269, %swap3A_270], %swap3A_273 {strides = array<i32>} : memref<32x1024xf32, #tpu.memory_space<vmem>>, vector<1x16xf32>,
      %get3A_274 = arith.index_cast %scan3A_24 : i32 to index
      %get3A_275 = arith.constant 240 : index
      %get3A_276 = tpu.vector_load %arg9[%get3A_274, %get3A_275] {strides = array<i32>} : memref<32x1024xf32, #tpu.memory_space<vmem>>, vector<1x16xf32>,
      %get3A_277 = vector.shape_cast %get3A_276 : vector<1x16xf32> to vector<16xf32>
      %get3A_278 = arith.index_cast %scan3A_24 : i32 to index
      %get3A_279 = arith.constant 240 : index
      %get3A_280 = tpu.vector_load %arg10[%get3A_278, %get3A_279] {strides = array<i32>} : memref<32x1024xf32, #tpu.memory_space<vmem>>, vector<1x16xf32>,
      %get3A_281 = vector.shape_cast %get3A_280 : vector<1x16xf32> to vector<16xf32>
      %mul3A_282 = arith.mulf %get3A_277, %get3A_30 : vector<16xf32>
      %mul3A_283 = arith.mulf %get3A_281, %get3A_34 : vector<16xf32>
      %add3A_284 = arith.addf %mul3A_282, %mul3A_283 : vector<16xf32>
      %swap3A_285 = arith.index_cast %scan3A_24 : i32 to index
      %swap3A_286 = arith.constant 240 : index
      %swap3A_287 = tpu.vector_load %arg9[%swap3A_285, %swap3A_286] {strides = array<i32>} : memref<32x1024xf32, #tpu.memory_space<vmem>>, vector<1x16xf32>,
      %swap3A_288 = vector.shape_cast %swap3A_287 : vector<1x16xf32> to vector<16xf32>
      %swap3A_289 = vector.shape_cast %add3A_284 : vector<16xf32> to vector<1x16xf32>
      tpu.vector_store %arg9[%swap3A_285, %swap3A_286], %swap3A_289 {strides = array<i32>} : memref<32x1024xf32, #tpu.memory_space<vmem>>, vector<1x16xf32>,
      %get3A_290 = arith.index_cast %scan3A_24 : i32 to index
      %get3A_291 = arith.constant 256 : index
      %get3A_292 = tpu.vector_load %arg9[%get3A_290, %get3A_291] {strides = array<i32>} : memref<32x1024xf32, #tpu.memory_space<vmem>>, vector<1x16xf32>,
      %get3A_293 = vector.shape_cast %get3A_292 : vector<1x16xf32> to vector<16xf32>
      %get3A_294 = arith.index_cast %scan3A_24 : i32 to index
      %get3A_295 = arith.constant 256 : index
      %get3A_296 = tpu.vector_load %arg10[%get3A_294, %get3A_295] {strides = array<i32>} : memref<32x1024xf32, #tpu.memory_space<vmem>>, vector<1x16xf32>,
      %get3A_297 = vector.shape_cast %get3A_296 : vector<1x16xf32> to vector<16xf32>
      %mul3A_298 = arith.mulf %get3A_293, %get3A_30 : vector<16xf32>
      %mul3A_299 = arith.mulf %get3A_297, %get3A_34 : vector<16xf32>
      %add3A_300 = arith.addf %mul3A_298, %mul3A_299 : vector<16xf32>
      %swap3A_301 = arith.index_cast %scan3A_24 : i32 to index
      %swap3A_302 = arith.constant 256 : index
      %swap3A_303 = tpu.vector_load %arg9[%swap3A_301, %swap3A_302] {strides = array<i32>} : memref<32x1024xf32, #tpu.memory_space<vmem>>, vector<1x16xf32>,
      %swap3A_304 = vector.shape_cast %swap3A_303 : vector<1x16xf32> to vector<16xf32>
      %swap3A_305 = vector.shape_cast %add3A_300 : vector<16xf32> to vector<1x16xf32>
      tpu.vector_store %arg9[%swap3A_301, %swap3A_302], %swap3A_305 {strides = array<i32>} : memref<32x1024xf32, #tpu.memory_space<vmem>>, vector<1x16xf32>,
      %get3A_306 = arith.index_cast %scan3A_24 : i32 to index
      %get3A_307 = arith.constant 272 : index
      %get3A_308 = tpu.vector_load %arg9[%get3A_306, %get3A_307] {strides = array<i32>} : memref<32x1024xf32, #tpu.memory_space<vmem>>, vector<1x16xf32>,
      %get3A_309 = vector.shape_cast %get3A_308 : vector<1x16xf32> to vector<16xf32>
      %get3A_310 = arith.index_cast %scan3A_24 : i32 to index
      %get3A_311 = arith.constant 272 : index
      %get3A_312 = tpu.vector_load %arg10[%get3A_310, %get3A_311] {strides = array<i32>} : memref<32x1024xf32, #tpu.memory_space<vmem>>, vector<1x16xf32>,
      %get3A_313 = vector.shape_cast %get3A_312 : vector<1x16xf32> to vector<16xf32>
      %mul3A_314 = arith.mulf %get3A_309, %get3A_30 : vector<16xf32>
      %mul3A_315 = arith.mulf %get3A_313, %get3A_34 : vector<16xf32>
      %add3A_316 = arith.addf %mul3A_314, %mul3A_315 : vector<16xf32>
      %swap3A_317 = arith.index_cast %scan3A_24 : i32 to index
      %swap3A_318 = arith.constant 272 : index
      %swap3A_319 = tpu.vector_load %arg9[%swap3A_317, %swap3A_318] {strides = array<i32>} : memref<32x1024xf32, #tpu.memory_space<vmem>>, vector<1x16xf32>,
      %swap3A_320 = vector.shape_cast %swap3A_319 : vector<1x16xf32> to vector<16xf32>
      %swap3A_321 = vector.shape_cast %add3A_316 : vector<16xf32> to vector<1x16xf32>
      tpu.vector_store %arg9[%swap3A_317, %swap3A_318], %swap3A_321 {strides = array<i32>} : memref<32x1024xf32, #tpu.memory_space<vmem>>, vector<1x16xf32>,
      %get3A_322 = arith.index_cast %scan3A_24 : i32 to index
      %get3A_323 = arith.constant 288 : index
      %get3A_324 = tpu.vector_load %arg9[%get3A_322, %get3A_323] {strides = array<i32>} : memref<32x1024xf32, #tpu.memory_space<vmem>>, vector<1x16xf32>,
      %get3A_325 = vector.shape_cast %get3A_324 : vector<1x16xf32> to vector<16xf32>
      %get3A_326 = arith.index_cast %scan3A_24 : i32 to index
      %get3A_327 = arith.constant 288 : index
      %get3A_328 = tpu.vector_load %arg10[%get3A_326, %get3A_327] {strides = array<i32>} : memref<32x1024xf32, #tpu.memory_space<vmem>>, vector<1x16xf32>,
      %get3A_329 = vector.shape_cast %get3A_328 : vector<1x16xf32> to vector<16xf32>
      %mul3A_330 = arith.mulf %get3A_325, %get3A_30 : vector<16xf32>
      %mul3A_331 = arith.mulf %get3A_329, %get3A_34 : vector<16xf32>
      %add3A_332 = arith.addf %mul3A_330, %mul3A_331 : vector<16xf32>
      %swap3A_333 = arith.index_cast %scan3A_24 : i32 to index
      %swap3A_334 = arith.constant 288 : index
      %swap3A_335 = tpu.vector_load %arg9[%swap3A_333, %swap3A_334] {strides = array<i32>} : memref<32x1024xf32, #tpu.memory_space<vmem>>, vector<1x16xf32>,
      %swap3A_336 = vector.shape_cast %swap3A_335 : vector<1x16xf32> to vector<16xf32>
      %swap3A_337 = vector.shape_cast %add3A_332 : vector<16xf32> to vector<1x16xf32>
      tpu.vector_store %arg9[%swap3A_333, %swap3A_334], %swap3A_337 {strides = array<i32>} : memref<32x1024xf32, #tpu.memory_space<vmem>>, vector<1x16xf32>,
      %get3A_338 = arith.index_cast %scan3A_24 : i32 to index
      %get3A_339 = arith.constant 304 : index
      %get3A_340 = tpu.vector_load %arg9[%get3A_338, %get3A_339] {strides = array<i32>} : memref<32x1024xf32, #tpu.memory_space<vmem>>, vector<1x16xf32>,
      %get3A_341 = vector.shape_cast %get3A_340 : vector<1x16xf32> to vector<16xf32>
      %get3A_342 = arith.index_cast %scan3A_24 : i32 to index
      %get3A_343 = arith.constant 304 : index
      %get3A_344 = tpu.vector_load %arg10[%get3A_342, %get3A_343] {strides = array<i32>} : memref<32x1024xf32, #tpu.memory_space<vmem>>, vector<1x16xf32>,
      %get3A_345 = vector.shape_cast %get3A_344 : vector<1x16xf32> to vector<16xf32>
      %mul3A_346 = arith.mulf %get3A_341, %get3A_30 : vector<16xf32>
      %mul3A_347 = arith.mulf %get3A_345, %get3A_34 : vector<16xf32>
      %add3A_348 = arith.addf %mul3A_346, %mul3A_347 : vector<16xf32>
      %swap3A_349 = arith.index_cast %scan3A_24 : i32 to index
      %swap3A_350 = arith.constant 304 : index
      %swap3A_351 = tpu.vector_load %arg9[%swap3A_349, %swap3A_350] {strides = array<i32>} : memref<32x1024xf32, #tpu.memory_space<vmem>>, vector<1x16xf32>,
      %swap3A_352 = vector.shape_cast %swap3A_351 : vector<1x16xf32> to vector<16xf32>
      %swap3A_353 = vector.shape_cast %add3A_348 : vector<16xf32> to vector<1x16xf32>
      tpu.vector_store %arg9[%swap3A_349, %swap3A_350], %swap3A_353 {strides = array<i32>} : memref<32x1024xf32, #tpu.memory_space<vmem>>, vector<1x16xf32>,
      %get3A_354 = arith.index_cast %scan3A_24 : i32 to index
      %get3A_355 = arith.constant 320 : index
      %get3A_356 = tpu.vector_load %arg9[%get3A_354, %get3A_355] {strides = array<i32>} : memref<32x1024xf32, #tpu.memory_space<vmem>>, vector<1x16xf32>,
      %get3A_357 = vector.shape_cast %get3A_356 : vector<1x16xf32> to vector<16xf32>
      %get3A_358 = arith.index_cast %scan3A_24 : i32 to index
      %get3A_359 = arith.constant 320 : index
      %get3A_360 = tpu.vector_load %arg10[%get3A_358, %get3A_359] {strides = array<i32>} : memref<32x1024xf32, #tpu.memory_space<vmem>>, vector<1x16xf32>,
      %get3A_361 = vector.shape_cast %get3A_360 : vector<1x16xf32> to vector<16xf32>
      %mul3A_362 = arith.mulf %get3A_357, %get3A_30 : vector<16xf32>
      %mul3A_363 = arith.mulf %get3A_361, %get3A_34 : vector<16xf32>
      %add3A_364 = arith.addf %mul3A_362, %mul3A_363 : vector<16xf32>
      %swap3A_365 = arith.index_cast %scan3A_24 : i32 to index
      %swap3A_366 = arith.constant 320 : index
      %swap3A_367 = tpu.vector_load %arg9[%swap3A_365, %swap3A_366] {strides = array<i32>} : memref<32x1024xf32, #tpu.memory_space<vmem>>, vector<1x16xf32>,
      %swap3A_368 = vector.shape_cast %swap3A_367 : vector<1x16xf32> to vector<16xf32>
      %swap3A_369 = vector.shape_cast %add3A_364 : vector<16xf32> to vector<1x16xf32>
      tpu.vector_store %arg9[%swap3A_365, %swap3A_366], %swap3A_369 {strides = array<i32>} : memref<32x1024xf32, #tpu.memory_space<vmem>>, vector<1x16xf32>,
      %get3A_370 = arith.index_cast %scan3A_24 : i32 to index
      %get3A_371 = arith.constant 336 : index
      %get3A_372 = tpu.vector_load %arg9[%get3A_370, %get3A_371] {strides = array<i32>} : memref<32x1024xf32, #tpu.memory_space<vmem>>, vector<1x16xf32>,
      %get3A_373 = vector.shape_cast %get3A_372 : vector<1x16xf32> to vector<16xf32>
      %get3A_374 = arith.index_cast %scan3A_24 : i32 to index
      %get3A_375 = arith.constant 336 : index
      %get3A_376 = tpu.vector_load %arg10[%get3A_374, %get3A_375] {strides = array<i32>} : memref<32x1024xf32, #tpu.memory_space<vmem>>, vector<1x16xf32>,
      %get3A_377 = vector.shape_cast %get3A_376 : vector<1x16xf32> to vector<16xf32>
      %mul3A_378 = arith.mulf %get3A_373, %get3A_30 : vector<16xf32>
      %mul3A_379 = arith.mulf %get3A_377, %get3A_34 : vector<16xf32>
      %add3A_380 = arith.addf %mul3A_378, %mul3A_379 : vector<16xf32>
      %swap3A_381 = arith.index_cast %scan3A_24 : i32 to index
      %swap3A_382 = arith.constant 336 : index
      %swap3A_383 = tpu.vector_load %arg9[%swap3A_381, %swap3A_382] {strides = array<i32>} : memref<32x1024xf32, #tpu.memory_space<vmem>>, vector<1x16xf32>,
      %swap3A_384 = vector.shape_cast %swap3A_383 : vector<1x16xf32> to vector<16xf32>
      %swap3A_385 = vector.shape_cast %add3A_380 : vector<16xf32> to vector<1x16xf32>
      tpu.vector_store %arg9[%swap3A_381, %swap3A_382], %swap3A_385 {strides = array<i32>} : memref<32x1024xf32, #tpu.memory_space<vmem>>, vector<1x16xf32>,
      %get3A_386 = arith.index_cast %scan3A_24 : i32 to index
      %get3A_387 = arith.constant 352 : index
      %get3A_388 = tpu.vector_load %arg9[%get3A_386, %get3A_387] {strides = array<i32>} : memref<32x1024xf32, #tpu.memory_space<vmem>>, vector<1x16xf32>,
      %get3A_389 = vector.shape_cast %get3A_388 : vector<1x16xf32> to vector<16xf32>
      %get3A_390 = arith.index_cast %scan3A_24 : i32 to index
      %get3A_391 = arith.constant 352 : index
      %get3A_392 = tpu.vector_load %arg10[%get3A_390, %get3A_391] {strides = array<i32>} : memref<32x1024xf32, #tpu.memory_space<vmem>>, vector<1x16xf32>,
      %get3A_393 = vector.shape_cast %get3A_392 : vector<1x16xf32> to vector<16xf32>
      %mul3A_394 = arith.mulf %get3A_389, %get3A_30 : vector<16xf32>
      %mul3A_395 = arith.mulf %get3A_393, %get3A_34 : vector<16xf32>
      %add3A_396 = arith.addf %mul3A_394, %mul3A_395 : vector<16xf32>
      %swap3A_397 = arith.index_cast %scan3A_24 : i32 to index
      %swap3A_398 = arith.constant 352 : index
      %swap3A_399 = tpu.vector_load %arg9[%swap3A_397, %swap3A_398] {strides = array<i32>} : memref<32x1024xf32, #tpu.memory_space<vmem>>, vector<1x16xf32>,
      %swap3A_400 = vector.shape_cast %swap3A_399 : vector<1x16xf32> to vector<16xf32>
      %swap3A_401 = vector.shape_cast %add3A_396 : vector<16xf32> to vector<1x16xf32>
      tpu.vector_store %arg9[%swap3A_397, %swap3A_398], %swap3A_401 {strides = array<i32>} : memref<32x1024xf32, #tpu.memory_space<vmem>>, vector<1x16xf32>,
      %get3A_402 = arith.index_cast %scan3A_24 : i32 to index
      %get3A_403 = arith.constant 368 : index
      %get3A_404 = tpu.vector_load %arg9[%get3A_402, %get3A_403] {strides = array<i32>} : memref<32x1024xf32, #tpu.memory_space<vmem>>, vector<1x16xf32>,
      %get3A_405 = vector.shape_cast %get3A_404 : vector<1x16xf32> to vector<16xf32>
      %get3A_406 = arith.index_cast %scan3A_24 : i32 to index
      %get3A_407 = arith.constant 368 : index
      %get3A_408 = tpu.vector_load %arg10[%get3A_406, %get3A_407] {strides = array<i32>} : memref<32x1024xf32, #tpu.memory_space<vmem>>, vector<1x16xf32>,
      %get3A_409 = vector.shape_cast %get3A_408 : vector<1x16xf32> to vector<16xf32>
      %mul3A_410 = arith.mulf %get3A_405, %get3A_30 : vector<16xf32>
      %mul3A_411 = arith.mulf %get3A_409, %get3A_34 : vector<16xf32>
      %add3A_412 = arith.addf %mul3A_410, %mul3A_411 : vector<16xf32>
      %swap3A_413 = arith.index_cast %scan3A_24 : i32 to index
      %swap3A_414 = arith.constant 368 : index
      %swap3A_415 = tpu.vector_load %arg9[%swap3A_413, %swap3A_414] {strides = array<i32>} : memref<32x1024xf32, #tpu.memory_space<vmem>>, vector<1x16xf32>,
      %swap3A_416 = vector.shape_cast %swap3A_415 : vector<1x16xf32> to vector<16xf32>
      %swap3A_417 = vector.shape_cast %add3A_412 : vector<16xf32> to vector<1x16xf32>
      tpu.vector_store %arg9[%swap3A_413, %swap3A_414], %swap3A_417 {strides = array<i32>} : memref<32x1024xf32, #tpu.memory_space<vmem>>, vector<1x16xf32>,
      %get3A_418 = arith.index_cast %scan3A_24 : i32 to index
      %get3A_419 = arith.constant 384 : index
      %get3A_420 = tpu.vector_load %arg9[%get3A_418, %get3A_419] {strides = array<i32>} : memref<32x1024xf32, #tpu.memory_space<vmem>>, vector<1x16xf32>,
      %get3A_421 = vector.shape_cast %get3A_420 : vector<1x16xf32> to vector<16xf32>
      %get3A_422 = arith.index_cast %scan3A_24 : i32 to index
      %get3A_423 = arith.constant 384 : index
      %get3A_424 = tpu.vector_load %arg10[%get3A_422, %get3A_423] {strides = array<i32>} : memref<32x1024xf32, #tpu.memory_space<vmem>>, vector<1x16xf32>,
      %get3A_425 = vector.shape_cast %get3A_424 : vector<1x16xf32> to vector<16xf32>
      %mul3A_426 = arith.mulf %get3A_421, %get3A_30 : vector<16xf32>
      %mul3A_427 = arith.mulf %get3A_425, %get3A_34 : vector<16xf32>
      %add3A_428 = arith.addf %mul3A_426, %mul3A_427 : vector<16xf32>
      %swap3A_429 = arith.index_cast %scan3A_24 : i32 to index
      %swap3A_430 = arith.constant 384 : index
      %swap3A_431 = tpu.vector_load %arg9[%swap3A_429, %swap3A_430] {strides = array<i32>} : memref<32x1024xf32, #tpu.memory_space<vmem>>, vector<1x16xf32>,
      %swap3A_432 = vector.shape_cast %swap3A_431 : vector<1x16xf32> to vector<16xf32>
      %swap3A_433 = vector.shape_cast %add3A_428 : vector<16xf32> to vector<1x16xf32>
      tpu.vector_store %arg9[%swap3A_429, %swap3A_430], %swap3A_433 {strides = array<i32>} : memref<32x1024xf32, #tpu.memory_space<vmem>>, vector<1x16xf32>,
      %get3A_434 = arith.index_cast %scan3A_24 : i32 to index
      %get3A_435 = arith.constant 400 : index
      %get3A_436 = tpu.vector_load %arg9[%get3A_434, %get3A_435] {strides = array<i32>} : memref<32x1024xf32, #tpu.memory_space<vmem>>, vector<1x16xf32>,
      %get3A_437 = vector.shape_cast %get3A_436 : vector<1x16xf32> to vector<16xf32>
      %get3A_438 = arith.index_cast %scan3A_24 : i32 to index
      %get3A_439 = arith.constant 400 : index
      %get3A_440 = tpu.vector_load %arg10[%get3A_438, %get3A_439] {strides = array<i32>} : memref<32x1024xf32, #tpu.memory_space<vmem>>, vector<1x16xf32>,
      %get3A_441 = vector.shape_cast %get3A_440 : vector<1x16xf32> to vector<16xf32>
      %mul3A_442 = arith.mulf %get3A_437, %get3A_30 : vector<16xf32>
      %mul3A_443 = arith.mulf %get3A_441, %get3A_34 : vector<16xf32>
      %add3A_444 = arith.addf %mul3A_442, %mul3A_443 : vector<16xf32>
      %swap3A_445 = arith.index_cast %scan3A_24 : i32 to index
      %swap3A_446 = arith.constant 400 : index
      %swap3A_447 = tpu.vector_load %arg9[%swap3A_445, %swap3A_446] {strides = array<i32>} : memref<32x1024xf32, #tpu.memory_space<vmem>>, vector<1x16xf32>,
      %swap3A_448 = vector.shape_cast %swap3A_447 : vector<1x16xf32> to vector<16xf32>
      %swap3A_449 = vector.shape_cast %add3A_444 : vector<16xf32> to vector<1x16xf32>
      tpu.vector_store %arg9[%swap3A_445, %swap3A_446], %swap3A_449 {strides = array<i32>} : memref<32x1024xf32, #tpu.memory_space<vmem>>, vector<1x16xf32>,
      %get3A_450 = arith.index_cast %scan3A_24 : i32 to index
      %get3A_451 = arith.constant 416 : index
      %get3A_452 = tpu.vector_load %arg9[%get3A_450, %get3A_451] {strides = array<i32>} : memref<32x1024xf32, #tpu.memory_space<vmem>>, vector<1x16xf32>,
      %get3A_453 = vector.shape_cast %get3A_452 : vector<1x16xf32> to vector<16xf32>
      %get3A_454 = arith.index_cast %scan3A_24 : i32 to index
      %get3A_455 = arith.constant 416 : index
      %get3A_456 = tpu.vector_load %arg10[%get3A_454, %get3A_455] {strides = array<i32>} : memref<32x1024xf32, #tpu.memory_space<vmem>>, vector<1x16xf32>,
      %get3A_457 = vector.shape_cast %get3A_456 : vector<1x16xf32> to vector<16xf32>
      %mul3A_458 = arith.mulf %get3A_453, %get3A_30 : vector<16xf32>
      %mul3A_459 = arith.mulf %get3A_457, %get3A_34 : vector<16xf32>
      %add3A_460 = arith.addf %mul3A_458, %mul3A_459 : vector<16xf32>
      %swap3A_461 = arith.index_cast %scan3A_24 : i32 to index
      %swap3A_462 = arith.constant 416 : index
      %swap3A_463 = tpu.vector_load %arg9[%swap3A_461, %swap3A_462] {strides = array<i32>} : memref<32x1024xf32, #tpu.memory_space<vmem>>, vector<1x16xf32>,
      %swap3A_464 = vector.shape_cast %swap3A_463 : vector<1x16xf32> to vector<16xf32>
      %swap3A_465 = vector.shape_cast %add3A_460 : vector<16xf32> to vector<1x16xf32>
      tpu.vector_store %arg9[%swap3A_461, %swap3A_462], %swap3A_465 {strides = array<i32>} : memref<32x1024xf32, #tpu.memory_space<vmem>>, vector<1x16xf32>,
      %get3A_466 = arith.index_cast %scan3A_24 : i32 to index
      %get3A_467 = arith.constant 432 : index
      %get3A_468 = tpu.vector_load %arg9[%get3A_466, %get3A_467] {strides = array<i32>} : memref<32x1024xf32, #tpu.memory_space<vmem>>, vector<1x16xf32>,
      %get3A_469 = vector.shape_cast %get3A_468 : vector<1x16xf32> to vector<16xf32>
      %get3A_470 = arith.index_cast %scan3A_24 : i32 to index
      %get3A_471 = arith.constant 432 : index
      %get3A_472 = tpu.vector_load %arg10[%get3A_470, %get3A_471] {strides = array<i32>} : memref<32x1024xf32, #tpu.memory_space<vmem>>, vector<1x16xf32>,
      %get3A_473 = vector.shape_cast %get3A_472 : vector<1x16xf32> to vector<16xf32>
      %mul3A_474 = arith.mulf %get3A_469, %get3A_30 : vector<16xf32>
      %mul3A_475 = arith.mulf %get3A_473, %get3A_34 : vector<16xf32>
      %add3A_476 = arith.addf %mul3A_474, %mul3A_475 : vector<16xf32>
      %swap3A_477 = arith.index_cast %scan3A_24 : i32 to index
      %swap3A_478 = arith.constant 432 : index
      %swap3A_479 = tpu.vector_load %arg9[%swap3A_477, %swap3A_478] {strides = array<i32>} : memref<32x1024xf32, #tpu.memory_space<vmem>>, vector<1x16xf32>,
      %swap3A_480 = vector.shape_cast %swap3A_479 : vector<1x16xf32> to vector<16xf32>
      %swap3A_481 = vector.shape_cast %add3A_476 : vector<16xf32> to vector<1x16xf32>
      tpu.vector_store %arg9[%swap3A_477, %swap3A_478], %swap3A_481 {strides = array<i32>} : memref<32x1024xf32, #tpu.memory_space<vmem>>, vector<1x16xf32>,
      %get3A_482 = arith.index_cast %scan3A_24 : i32 to index
      %get3A_483 = arith.constant 448 : index
      %get3A_484 = tpu.vector_load %arg9[%get3A_482, %get3A_483] {strides = array<i32>} : memref<32x1024xf32, #tpu.memory_space<vmem>>, vector<1x16xf32>,
      %get3A_485 = vector.shape_cast %get3A_484 : vector<1x16xf32> to vector<16xf32>
      %get3A_486 = arith.index_cast %scan3A_24 : i32 to index
      %get3A_487 = arith.constant 448 : index
      %get3A_488 = tpu.vector_load %arg10[%get3A_486, %get3A_487] {strides = array<i32>} : memref<32x1024xf32, #tpu.memory_space<vmem>>, vector<1x16xf32>,
      %get3A_489 = vector.shape_cast %get3A_488 : vector<1x16xf32> to vector<16xf32>
      %mul3A_490 = arith.mulf %get3A_485, %get3A_30 : vector<16xf32>
      %mul3A_491 = arith.mulf %get3A_489, %get3A_34 : vector<16xf32>
      %add3A_492 = arith.addf %mul3A_490, %mul3A_491 : vector<16xf32>
      %swap3A_493 = arith.index_cast %scan3A_24 : i32 to index
      %swap3A_494 = arith.constant 448 : index
      %swap3A_495 = tpu.vector_load %arg9[%swap3A_493, %swap3A_494] {strides = array<i32>} : memref<32x1024xf32, #tpu.memory_space<vmem>>, vector<1x16xf32>,
      %swap3A_496 = vector.shape_cast %swap3A_495 : vector<1x16xf32> to vector<16xf32>
      %swap3A_497 = vector.shape_cast %add3A_492 : vector<16xf32> to vector<1x16xf32>
      tpu.vector_store %arg9[%swap3A_493, %swap3A_494], %swap3A_497 {strides = array<i32>} : memref<32x1024xf32, #tpu.memory_space<vmem>>, vector<1x16xf32>,
      %get3A_498 = arith.index_cast %scan3A_24 : i32 to index
      %get3A_499 = arith.constant 464 : index
      %get3A_500 = tpu.vector_load %arg9[%get3A_498, %get3A_499] {strides = array<i32>} : memref<32x1024xf32, #tpu.memory_space<vmem>>, vector<1x16xf32>,
      %get3A_501 = vector.shape_cast %get3A_500 : vector<1x16xf32> to vector<16xf32>
      %get3A_502 = arith.index_cast %scan3A_24 : i32 to index
      %get3A_503 = arith.constant 464 : index
      %get3A_504 = tpu.vector_load %arg10[%get3A_502, %get3A_503] {strides = array<i32>} : memref<32x1024xf32, #tpu.memory_space<vmem>>, vector<1x16xf32>,
      %get3A_505 = vector.shape_cast %get3A_504 : vector<1x16xf32> to vector<16xf32>
      %mul3A_506 = arith.mulf %get3A_501, %get3A_30 : vector<16xf32>
      %mul3A_507 = arith.mulf %get3A_505, %get3A_34 : vector<16xf32>
      %add3A_508 = arith.addf %mul3A_506, %mul3A_507 : vector<16xf32>
      %swap3A_509 = arith.index_cast %scan3A_24 : i32 to index
      %swap3A_510 = arith.constant 464 : index
      %swap3A_511 = tpu.vector_load %arg9[%swap3A_509, %swap3A_510] {strides = array<i32>} : memref<32x1024xf32, #tpu.memory_space<vmem>>, vector<1x16xf32>,
      %swap3A_512 = vector.shape_cast %swap3A_511 : vector<1x16xf32> to vector<16xf32>
      %swap3A_513 = vector.shape_cast %add3A_508 : vector<16xf32> to vector<1x16xf32>
      tpu.vector_store %arg9[%swap3A_509, %swap3A_510], %swap3A_513 {strides = array<i32>} : memref<32x1024xf32, #tpu.memory_space<vmem>>, vector<1x16xf32>,
      %get3A_514 = arith.index_cast %scan3A_24 : i32 to index
      %get3A_515 = arith.constant 480 : index
      %get3A_516 = tpu.vector_load %arg9[%get3A_514, %get3A_515] {strides = array<i32>} : memref<32x1024xf32, #tpu.memory_space<vmem>>, vector<1x16xf32>,
      %get3A_517 = vector.shape_cast %get3A_516 : vector<1x16xf32> to vector<16xf32>
      %get3A_518 = arith.index_cast %scan3A_24 : i32 to index
      %get3A_519 = arith.constant 480 : index
      %get3A_520 = tpu.vector_load %arg10[%get3A_518, %get3A_519] {strides = array<i32>} : memref<32x1024xf32, #tpu.memory_space<vmem>>, vector<1x16xf32>,
      %get3A_521 = vector.shape_cast %get3A_520 : vector<1x16xf32> to vector<16xf32>
      %mul3A_522 = arith.mulf %get3A_517, %get3A_30 : vector<16xf32>
      %mul3A_523 = arith.mulf %get3A_521, %get3A_34 : vector<16xf32>
      %add3A_524 = arith.addf %mul3A_522, %mul3A_523 : vector<16xf32>
      %swap3A_525 = arith.index_cast %scan3A_24 : i32 to index
      %swap3A_526 = arith.constant 480 : index
      %swap3A_527 = tpu.vector_load %arg9[%swap3A_525, %swap3A_526] {strides = array<i32>} : memref<32x1024xf32, #tpu.memory_space<vmem>>, vector<1x16xf32>,
      %swap3A_528 = vector.shape_cast %swap3A_527 : vector<1x16xf32> to vector<16xf32>
      %swap3A_529 = vector.shape_cast %add3A_524 : vector<16xf32> to vector<1x16xf32>
      tpu.vector_store %arg9[%swap3A_525, %swap3A_526], %swap3A_529 {strides = array<i32>} : memref<32x1024xf32, #tpu.memory_space<vmem>>, vector<1x16xf32>,
      %get3A_530 = arith.index_cast %scan3A_24 : i32 to index
      %get3A_531 = arith.constant 496 : index
      %get3A_532 = tpu.vector_load %arg9[%get3A_530, %get3A_531] {strides = array<i32>} : memref<32x1024xf32, #tpu.memory_space<vmem>>, vector<1x16xf32>,
      %get3A_533 = vector.shape_cast %get3A_532 : vector<1x16xf32> to vector<16xf32>
      %get3A_534 = arith.index_cast %scan3A_24 : i32 to index
      %get3A_535 = arith.constant 496 : index
      %get3A_536 = tpu.vector_load %arg10[%get3A_534, %get3A_535] {strides = array<i32>} : memref<32x1024xf32, #tpu.memory_space<vmem>>, vector<1x16xf32>,
      %get3A_537 = vector.shape_cast %get3A_536 : vector<1x16xf32> to vector<16xf32>
      %mul3A_538 = arith.mulf %get3A_533, %get3A_30 : vector<16xf32>
      %mul3A_539 = arith.mulf %get3A_537, %get3A_34 : vector<16xf32>
      %add3A_540 = arith.addf %mul3A_538, %mul3A_539 : vector<16xf32>
      %swap3A_541 = arith.index_cast %scan3A_24 : i32 to index
      %swap3A_542 = arith.constant 496 : index
      %swap3A_543 = tpu.vector_load %arg9[%swap3A_541, %swap3A_542] {strides = array<i32>} : memref<32x1024xf32, #tpu.memory_space<vmem>>, vector<1x16xf32>,
      %swap3A_544 = vector.shape_cast %swap3A_543 : vector<1x16xf32> to vector<16xf32>
      %swap3A_545 = vector.shape_cast %add3A_540 : vector<16xf32> to vector<1x16xf32>
      tpu.vector_store %arg9[%swap3A_541, %swap3A_542], %swap3A_545 {strides = array<i32>} : memref<32x1024xf32, #tpu.memory_space<vmem>>, vector<1x16xf32>,
      %get3A_546 = arith.index_cast %scan3A_24 : i32 to index
      %get3A_547 = arith.constant 512 : index
      %get3A_548 = tpu.vector_load %arg9[%get3A_546, %get3A_547] {strides = array<i32>} : memref<32x1024xf32, #tpu.memory_space<vmem>>, vector<1x16xf32>,
      %get3A_549 = vector.shape_cast %get3A_548 : vector<1x16xf32> to vector<16xf32>
      %get3A_550 = arith.index_cast %scan3A_24 : i32 to index
      %get3A_551 = arith.constant 512 : index
      %get3A_552 = tpu.vector_load %arg10[%get3A_550, %get3A_551] {strides = array<i32>} : memref<32x1024xf32, #tpu.memory_space<vmem>>, vector<1x16xf32>,
      %get3A_553 = vector.shape_cast %get3A_552 : vector<1x16xf32> to vector<16xf32>
      %mul3A_554 = arith.mulf %get3A_549, %get3A_30 : vector<16xf32>
      %mul3A_555 = arith.mulf %get3A_553, %get3A_34 : vector<16xf32>
      %add3A_556 = arith.addf %mul3A_554, %mul3A_555 : vector<16xf32>
      %swap3A_557 = arith.index_cast %scan3A_24 : i32 to index
      %swap3A_558 = arith.constant 512 : index
      %swap3A_559 = tpu.vector_load %arg9[%swap3A_557, %swap3A_558] {strides = array<i32>} : memref<32x1024xf32, #tpu.memory_space<vmem>>, vector<1x16xf32>,
      %swap3A_560 = vector.shape_cast %swap3A_559 : vector<1x16xf32> to vector<16xf32>
      %swap3A_561 = vector.shape_cast %add3A_556 : vector<16xf32> to vector<1x16xf32>
      tpu.vector_store %arg9[%swap3A_557, %swap3A_558], %swap3A_561 {strides = array<i32>} : memref<32x1024xf32, #tpu.memory_space<vmem>>, vector<1x16xf32>,
      %get3A_562 = arith.index_cast %scan3A_24 : i32 to index
      %get3A_563 = arith.constant 528 : index
      %get3A_564 = tpu.vector_load %arg9[%get3A_562, %get3A_563] {strides = array<i32>} : memref<32x1024xf32, #tpu.memory_space<vmem>>, vector<1x16xf32>,
      %get3A_565 = vector.shape_cast %get3A_564 : vector<1x16xf32> to vector<16xf32>
      %get3A_566 = arith.index_cast %scan3A_24 : i32 to index
      %get3A_567 = arith.constant 528 : index
      %get3A_568 = tpu.vector_load %arg10[%get3A_566, %get3A_567] {strides = array<i32>} : memref<32x1024xf32, #tpu.memory_space<vmem>>, vector<1x16xf32>,
      %get3A_569 = vector.shape_cast %get3A_568 : vector<1x16xf32> to vector<16xf32>
      %mul3A_570 = arith.mulf %get3A_565, %get3A_30 : vector<16xf32>
      %mul3A_571 = arith.mulf %get3A_569, %get3A_34 : vector<16xf32>
      %add3A_572 = arith.addf %mul3A_570, %mul3A_571 : vector<16xf32>
      %swap3A_573 = arith.index_cast %scan3A_24 : i32 to index
      %swap3A_574 = arith.constant 528 : index
      %swap3A_575 = tpu.vector_load %arg9[%swap3A_573, %swap3A_574] {strides = array<i32>} : memref<32x1024xf32, #tpu.memory_space<vmem>>, vector<1x16xf32>,
      %swap3A_576 = vector.shape_cast %swap3A_575 : vector<1x16xf32> to vector<16xf32>
      %swap3A_577 = vector.shape_cast %add3A_572 : vector<16xf32> to vector<1x16xf32>
      tpu.vector_store %arg9[%swap3A_573, %swap3A_574], %swap3A_577 {strides = array<i32>} : memref<32x1024xf32, #tpu.memory_space<vmem>>, vector<1x16xf32>,
      %get3A_578 = arith.index_cast %scan3A_24 : i32 to index
      %get3A_579 = arith.constant 544 : index
      %get3A_580 = tpu.vector_load %arg9[%get3A_578, %get3A_579] {strides = array<i32>} : memref<32x1024xf32, #tpu.memory_space<vmem>>, vector<1x16xf32>,
      %get3A_581 = vector.shape_cast %get3A_580 : vector<1x16xf32> to vector<16xf32>
      %get3A_582 = arith.index_cast %scan3A_24 : i32 to index
      %get3A_583 = arith.constant 544 : index
      %get3A_584 = tpu.vector_load %arg10[%get3A_582, %get3A_583] {strides = array<i32>} : memref<32x1024xf32, #tpu.memory_space<vmem>>, vector<1x16xf32>,
      %get3A_585 = vector.shape_cast %get3A_584 : vector<1x16xf32> to vector<16xf32>
      %mul3A_586 = arith.mulf %get3A_581, %get3A_30 : vector<16xf32>
      %mul3A_587 = arith.mulf %get3A_585, %get3A_34 : vector<16xf32>
      %add3A_588 = arith.addf %mul3A_586, %mul3A_587 : vector<16xf32>
      %swap3A_589 = arith.index_cast %scan3A_24 : i32 to index
      %swap3A_590 = arith.constant 544 : index
      %swap3A_591 = tpu.vector_load %arg9[%swap3A_589, %swap3A_590] {strides = array<i32>} : memref<32x1024xf32, #tpu.memory_space<vmem>>, vector<1x16xf32>,
      %swap3A_592 = vector.shape_cast %swap3A_591 : vector<1x16xf32> to vector<16xf32>
      %swap3A_593 = vector.shape_cast %add3A_588 : vector<16xf32> to vector<1x16xf32>
      tpu.vector_store %arg9[%swap3A_589, %swap3A_590], %swap3A_593 {strides = array<i32>} : memref<32x1024xf32, #tpu.memory_space<vmem>>, vector<1x16xf32>,
      %get3A_594 = arith.index_cast %scan3A_24 : i32 to index
      %get3A_595 = arith.constant 560 : index
      %get3A_596 = tpu.vector_load %arg9[%get3A_594, %get3A_595] {strides = array<i32>} : memref<32x1024xf32, #tpu.memory_space<vmem>>, vector<1x16xf32>,
      %get3A_597 = vector.shape_cast %get3A_596 : vector<1x16xf32> to vector<16xf32>
      %get3A_598 = arith.index_cast %scan3A_24 : i32 to index
      %get3A_599 = arith.constant 560 : index
      %get3A_600 = tpu.vector_load %arg10[%get3A_598, %get3A_599] {strides = array<i32>} : memref<32x1024xf32, #tpu.memory_space<vmem>>, vector<1x16xf32>,
      %get3A_601 = vector.shape_cast %get3A_600 : vector<1x16xf32> to vector<16xf32>
      %mul3A_602 = arith.mulf %get3A_597, %get3A_30 : vector<16xf32>
      %mul3A_603 = arith.mulf %get3A_601, %get3A_34 : vector<16xf32>
      %add3A_604 = arith.addf %mul3A_602, %mul3A_603 : vector<16xf32>
      %swap3A_605 = arith.index_cast %scan3A_24 : i32 to index
      %swap3A_606 = arith.constant 560 : index
      %swap3A_607 = tpu.vector_load %arg9[%swap3A_605, %swap3A_606] {strides = array<i32>} : memref<32x1024xf32, #tpu.memory_space<vmem>>, vector<1x16xf32>,
      %swap3A_608 = vector.shape_cast %swap3A_607 : vector<1x16xf32> to vector<16xf32>
      %swap3A_609 = vector.shape_cast %add3A_604 : vector<16xf32> to vector<1x16xf32>
      tpu.vector_store %arg9[%swap3A_605, %swap3A_606], %swap3A_609 {strides = array<i32>} : memref<32x1024xf32, #tpu.memory_space<vmem>>, vector<1x16xf32>,
      %get3A_610 = arith.index_cast %scan3A_24 : i32 to index
      %get3A_611 = arith.constant 576 : index
      %get3A_612 = tpu.vector_load %arg9[%get3A_610, %get3A_611] {strides = array<i32>} : memref<32x1024xf32, #tpu.memory_space<vmem>>, vector<1x16xf32>,
      %get3A_613 = vector.shape_cast %get3A_612 : vector<1x16xf32> to vector<16xf32>
      %get3A_614 = arith.index_cast %scan3A_24 : i32 to index
      %get3A_615 = arith.constant 576 : index
      %get3A_616 = tpu.vector_load %arg10[%get3A_614, %get3A_615] {strides = array<i32>} : memref<32x1024xf32, #tpu.memory_space<vmem>>, vector<1x16xf32>,
      %get3A_617 = vector.shape_cast %get3A_616 : vector<1x16xf32> to vector<16xf32>
      %mul3A_618 = arith.mulf %get3A_613, %get3A_30 : vector<16xf32>
      %mul3A_619 = arith.mulf %get3A_617, %get3A_34 : vector<16xf32>
      %add3A_620 = arith.addf %mul3A_618, %mul3A_619 : vector<16xf32>
      %swap3A_621 = arith.index_cast %scan3A_24 : i32 to index
      %swap3A_622 = arith.constant 576 : index
      %swap3A_623 = tpu.vector_load %arg9[%swap3A_621, %swap3A_622] {strides = array<i32>} : memref<32x1024xf32, #tpu.memory_space<vmem>>, vector<1x16xf32>,
      %swap3A_624 = vector.shape_cast %swap3A_623 : vector<1x16xf32> to vector<16xf32>
      %swap3A_625 = vector.shape_cast %add3A_620 : vector<16xf32> to vector<1x16xf32>
      tpu.vector_store %arg9[%swap3A_621, %swap3A_622], %swap3A_625 {strides = array<i32>} : memref<32x1024xf32, #tpu.memory_space<vmem>>, vector<1x16xf32>,
      %get3A_626 = arith.index_cast %scan3A_24 : i32 to index
      %get3A_627 = arith.constant 592 : index
      %get3A_628 = tpu.vector_load %arg9[%get3A_626, %get3A_627] {strides = array<i32>} : memref<32x1024xf32, #tpu.memory_space<vmem>>, vector<1x16xf32>,
      %get3A_629 = vector.shape_cast %get3A_628 : vector<1x16xf32> to vector<16xf32>
      %get3A_630 = arith.index_cast %scan3A_24 : i32 to index
      %get3A_631 = arith.constant 592 : index
      %get3A_632 = tpu.vector_load %arg10[%get3A_630, %get3A_631] {strides = array<i32>} : memref<32x1024xf32, #tpu.memory_space<vmem>>, vector<1x16xf32>,
      %get3A_633 = vector.shape_cast %get3A_632 : vector<1x16xf32> to vector<16xf32>
      %mul3A_634 = arith.mulf %get3A_629, %get3A_30 : vector<16xf32>
      %mul3A_635 = arith.mulf %get3A_633, %get3A_34 : vector<16xf32>
      %add3A_636 = arith.addf %mul3A_634, %mul3A_635 : vector<16xf32>
      %swap3A_637 = arith.index_cast %scan3A_24 : i32 to index
      %swap3A_638 = arith.constant 592 : index
      %swap3A_639 = tpu.vector_load %arg9[%swap3A_637, %swap3A_638] {strides = array<i32>} : memref<32x1024xf32, #tpu.memory_space<vmem>>, vector<1x16xf32>,
      %swap3A_640 = vector.shape_cast %swap3A_639 : vector<1x16xf32> to vector<16xf32>
      %swap3A_641 = vector.shape_cast %add3A_636 : vector<16xf32> to vector<1x16xf32>
      tpu.vector_store %arg9[%swap3A_637, %swap3A_638], %swap3A_641 {strides = array<i32>} : memref<32x1024xf32, #tpu.memory_space<vmem>>, vector<1x16xf32>,
      %get3A_642 = arith.index_cast %scan3A_24 : i32 to index
      %get3A_643 = arith.constant 608 : index
      %get3A_644 = tpu.vector_load %arg9[%get3A_642, %get3A_643] {strides = array<i32>} : memref<32x1024xf32, #tpu.memory_space<vmem>>, vector<1x16xf32>,
      %get3A_645 = vector.shape_cast %get3A_644 : vector<1x16xf32> to vector<16xf32>
      %get3A_646 = arith.index_cast %scan3A_24 : i32 to index
      %get3A_647 = arith.constant 608 : index
      %get3A_648 = tpu.vector_load %arg10[%get3A_646, %get3A_647] {strides = array<i32>} : memref<32x1024xf32, #tpu.memory_space<vmem>>, vector<1x16xf32>,
      %get3A_649 = vector.shape_cast %get3A_648 : vector<1x16xf32> to vector<16xf32>
      %mul3A_650 = arith.mulf %get3A_645, %get3A_30 : vector<16xf32>
      %mul3A_651 = arith.mulf %get3A_649, %get3A_34 : vector<16xf32>
      %add3A_652 = arith.addf %mul3A_650, %mul3A_651 : vector<16xf32>
      %swap3A_653 = arith.index_cast %scan3A_24 : i32 to index
      %swap3A_654 = arith.constant 608 : index
      %swap3A_655 = tpu.vector_load %arg9[%swap3A_653, %swap3A_654] {strides = array<i32>} : memref<32x1024xf32, #tpu.memory_space<vmem>>, vector<1x16xf32>,
      %swap3A_656 = vector.shape_cast %swap3A_655 : vector<1x16xf32> to vector<16xf32>
      %swap3A_657 = vector.shape_cast %add3A_652 : vector<16xf32> to vector<1x16xf32>
      tpu.vector_store %arg9[%swap3A_653, %swap3A_654], %swap3A_657 {strides = array<i32>} : memref<32x1024xf32, #tpu.memory_space<vmem>>, vector<1x16xf32>,
      %get3A_658 = arith.index_cast %scan3A_24 : i32 to index
      %get3A_659 = arith.constant 624 : index
      %get3A_660 = tpu.vector_load %arg9[%get3A_658, %get3A_659] {strides = array<i32>} : memref<32x1024xf32, #tpu.memory_space<vmem>>, vector<1x16xf32>,
      %get3A_661 = vector.shape_cast %get3A_660 : vector<1x16xf32> to vector<16xf32>
      %get3A_662 = arith.index_cast %scan3A_24 : i32 to index
      %get3A_663 = arith.constant 624 : index
      %get3A_664 = tpu.vector_load %arg10[%get3A_662, %get3A_663] {strides = array<i32>} : memref<32x1024xf32, #tpu.memory_space<vmem>>, vector<1x16xf32>,
      %get3A_665 = vector.shape_cast %get3A_664 : vector<1x16xf32> to vector<16xf32>
      %mul3A_666 = arith.mulf %get3A_661, %get3A_30 : vector<16xf32>
      %mul3A_667 = arith.mulf %get3A_665, %get3A_34 : vector<16xf32>
      %add3A_668 = arith.addf %mul3A_666, %mul3A_667 : vector<16xf32>
      %swap3A_669 = arith.index_cast %scan3A_24 : i32 to index
      %swap3A_670 = arith.constant 624 : index
      %swap3A_671 = tpu.vector_load %arg9[%swap3A_669, %swap3A_670] {strides = array<i32>} : memref<32x1024xf32, #tpu.memory_space<vmem>>, vector<1x16xf32>,
      %swap3A_672 = vector.shape_cast %swap3A_671 : vector<1x16xf32> to vector<16xf32>
      %swap3A_673 = vector.shape_cast %add3A_668 : vector<16xf32> to vector<1x16xf32>
      tpu.vector_store %arg9[%swap3A_669, %swap3A_670], %swap3A_673 {strides = array<i32>} : memref<32x1024xf32, #tpu.memory_space<vmem>>, vector<1x16xf32>,
      %get3A_674 = arith.index_cast %scan3A_24 : i32 to index
      %get3A_675 = arith.constant 640 : index
      %get3A_676 = tpu.vector_load %arg9[%get3A_674, %get3A_675] {strides = array<i32>} : memref<32x1024xf32, #tpu.memory_space<vmem>>, vector<1x16xf32>,
      %get3A_677 = vector.shape_cast %get3A_676 : vector<1x16xf32> to vector<16xf32>
      %get3A_678 = arith.index_cast %scan3A_24 : i32 to index
      %get3A_679 = arith.constant 640 : index
      %get3A_680 = tpu.vector_load %arg10[%get3A_678, %get3A_679] {strides = array<i32>} : memref<32x1024xf32, #tpu.memory_space<vmem>>, vector<1x16xf32>,
      %get3A_681 = vector.shape_cast %get3A_680 : vector<1x16xf32> to vector<16xf32>
      %mul3A_682 = arith.mulf %get3A_677, %get3A_30 : vector<16xf32>
      %mul3A_683 = arith.mulf %get3A_681, %get3A_34 : vector<16xf32>
      %add3A_684 = arith.addf %mul3A_682, %mul3A_683 : vector<16xf32>
      %swap3A_685 = arith.index_cast %scan3A_24 : i32 to index
      %swap3A_686 = arith.constant 640 : index
      %swap3A_687 = tpu.vector_load %arg9[%swap3A_685, %swap3A_686] {strides = array<i32>} : memref<32x1024xf32, #tpu.memory_space<vmem>>, vector<1x16xf32>,
      %swap3A_688 = vector.shape_cast %swap3A_687 : vector<1x16xf32> to vector<16xf32>
      %swap3A_689 = vector.shape_cast %add3A_684 : vector<16xf32> to vector<1x16xf32>
      tpu.vector_store %arg9[%swap3A_685, %swap3A_686], %swap3A_689 {strides = array<i32>} : memref<32x1024xf32, #tpu.memory_space<vmem>>, vector<1x16xf32>,
      %get3A_690 = arith.index_cast %scan3A_24 : i32 to index
      %get3A_691 = arith.constant 656 : index
      %get3A_692 = tpu.vector_load %arg9[%get3A_690, %get3A_691] {strides = array<i32>} : memref<32x1024xf32, #tpu.memory_space<vmem>>, vector<1x16xf32>,
      %get3A_693 = vector.shape_cast %get3A_692 : vector<1x16xf32> to vector<16xf32>
      %get3A_694 = arith.index_cast %scan3A_24 : i32 to index
      %get3A_695 = arith.constant 656 : index
      %get3A_696 = tpu.vector_load %arg10[%get3A_694, %get3A_695] {strides = array<i32>} : memref<32x1024xf32, #tpu.memory_space<vmem>>, vector<1x16xf32>,
      %get3A_697 = vector.shape_cast %get3A_696 : vector<1x16xf32> to vector<16xf32>
      %mul3A_698 = arith.mulf %get3A_693, %get3A_30 : vector<16xf32>
      %mul3A_699 = arith.mulf %get3A_697, %get3A_34 : vector<16xf32>
      %add3A_700 = arith.addf %mul3A_698, %mul3A_699 : vector<16xf32>
      %swap3A_701 = arith.index_cast %scan3A_24 : i32 to index
      %swap3A_702 = arith.constant 656 : index
      %swap3A_703 = tpu.vector_load %arg9[%swap3A_701, %swap3A_702] {strides = array<i32>} : memref<32x1024xf32, #tpu.memory_space<vmem>>, vector<1x16xf32>,
      %swap3A_704 = vector.shape_cast %swap3A_703 : vector<1x16xf32> to vector<16xf32>
      %swap3A_705 = vector.shape_cast %add3A_700 : vector<16xf32> to vector<1x16xf32>
      tpu.vector_store %arg9[%swap3A_701, %swap3A_702], %swap3A_705 {strides = array<i32>} : memref<32x1024xf32, #tpu.memory_space<vmem>>, vector<1x16xf32>,
      %get3A_706 = arith.index_cast %scan3A_24 : i32 to index
      %get3A_707 = arith.constant 672 : index
      %get3A_708 = tpu.vector_load %arg9[%get3A_706, %get3A_707] {strides = array<i32>} : memref<32x1024xf32, #tpu.memory_space<vmem>>, vector<1x16xf32>,
      %get3A_709 = vector.shape_cast %get3A_708 : vector<1x16xf32> to vector<16xf32>
      %get3A_710 = arith.index_cast %scan3A_24 : i32 to index
      %get3A_711 = arith.constant 672 : index
      %get3A_712 = tpu.vector_load %arg10[%get3A_710, %get3A_711] {strides = array<i32>} : memref<32x1024xf32, #tpu.memory_space<vmem>>, vector<1x16xf32>,
      %get3A_713 = vector.shape_cast %get3A_712 : vector<1x16xf32> to vector<16xf32>
      %mul3A_714 = arith.mulf %get3A_709, %get3A_30 : vector<16xf32>
      %mul3A_715 = arith.mulf %get3A_713, %get3A_34 : vector<16xf32>
      %add3A_716 = arith.addf %mul3A_714, %mul3A_715 : vector<16xf32>
      %swap3A_717 = arith.index_cast %scan3A_24 : i32 to index
      %swap3A_718 = arith.constant 672 : index
      %swap3A_719 = tpu.vector_load %arg9[%swap3A_717, %swap3A_718] {strides = array<i32>} : memref<32x1024xf32, #tpu.memory_space<vmem>>, vector<1x16xf32>,
      %swap3A_720 = vector.shape_cast %swap3A_719 : vector<1x16xf32> to vector<16xf32>
      %swap3A_721 = vector.shape_cast %add3A_716 : vector<16xf32> to vector<1x16xf32>
      tpu.vector_store %arg9[%swap3A_717, %swap3A_718], %swap3A_721 {strides = array<i32>} : memref<32x1024xf32, #tpu.memory_space<vmem>>, vector<1x16xf32>,
      %get3A_722 = arith.index_cast %scan3A_24 : i32 to index
      %get3A_723 = arith.constant 688 : index
      %get3A_724 = tpu.vector_load %arg9[%get3A_722, %get3A_723] {strides = array<i32>} : memref<32x1024xf32, #tpu.memory_space<vmem>>, vector<1x16xf32>,
      %get3A_725 = vector.shape_cast %get3A_724 : vector<1x16xf32> to vector<16xf32>
      %get3A_726 = arith.index_cast %scan3A_24 : i32 to index
      %get3A_727 = arith.constant 688 : index
      %get3A_728 = tpu.vector_load %arg10[%get3A_726, %get3A_727] {strides = array<i32>} : memref<32x1024xf32, #tpu.memory_space<vmem>>, vector<1x16xf32>,
      %get3A_729 = vector.shape_cast %get3A_728 : vector<1x16xf32> to vector<16xf32>
      %mul3A_730 = arith.mulf %get3A_725, %get3A_30 : vector<16xf32>
      %mul3A_731 = arith.mulf %get3A_729, %get3A_34 : vector<16xf32>
      %add3A_732 = arith.addf %mul3A_730, %mul3A_731 : vector<16xf32>
      %swap3A_733 = arith.index_cast %scan3A_24 : i32 to index
      %swap3A_734 = arith.constant 688 : index
      %swap3A_735 = tpu.vector_load %arg9[%swap3A_733, %swap3A_734] {strides = array<i32>} : memref<32x1024xf32, #tpu.memory_space<vmem>>, vector<1x16xf32>,
      %swap3A_736 = vector.shape_cast %swap3A_735 : vector<1x16xf32> to vector<16xf32>
      %swap3A_737 = vector.shape_cast %add3A_732 : vector<16xf32> to vector<1x16xf32>
      tpu.vector_store %arg9[%swap3A_733, %swap3A_734], %swap3A_737 {strides = array<i32>} : memref<32x1024xf32, #tpu.memory_space<vmem>>, vector<1x16xf32>,
      %get3A_738 = arith.index_cast %scan3A_24 : i32 to index
      %get3A_739 = arith.constant 704 : index
      %get3A_740 = tpu.vector_load %arg9[%get3A_738, %get3A_739] {strides = array<i32>} : memref<32x1024xf32, #tpu.memory_space<vmem>>, vector<1x16xf32>,
      %get3A_741 = vector.shape_cast %get3A_740 : vector<1x16xf32> to vector<16xf32>
      %get3A_742 = arith.index_cast %scan3A_24 : i32 to index
      %get3A_743 = arith.constant 704 : index
      %get3A_744 = tpu.vector_load %arg10[%get3A_742, %get3A_743] {strides = array<i32>} : memref<32x1024xf32, #tpu.memory_space<vmem>>, vector<1x16xf32>,
      %get3A_745 = vector.shape_cast %get3A_744 : vector<1x16xf32> to vector<16xf32>
      %mul3A_746 = arith.mulf %get3A_741, %get3A_30 : vector<16xf32>
      %mul3A_747 = arith.mulf %get3A_745, %get3A_34 : vector<16xf32>
      %add3A_748 = arith.addf %mul3A_746, %mul3A_747 : vector<16xf32>
      %swap3A_749 = arith.index_cast %scan3A_24 : i32 to index
      %swap3A_750 = arith.constant 704 : index
      %swap3A_751 = tpu.vector_load %arg9[%swap3A_749, %swap3A_750] {strides = array<i32>} : memref<32x1024xf32, #tpu.memory_space<vmem>>, vector<1x16xf32>,
      %swap3A_752 = vector.shape_cast %swap3A_751 : vector<1x16xf32> to vector<16xf32>
      %swap3A_753 = vector.shape_cast %add3A_748 : vector<16xf32> to vector<1x16xf32>
      tpu.vector_store %arg9[%swap3A_749, %swap3A_750], %swap3A_753 {strides = array<i32>} : memref<32x1024xf32, #tpu.memory_space<vmem>>, vector<1x16xf32>,
      %get3A_754 = arith.index_cast %scan3A_24 : i32 to index
      %get3A_755 = arith.constant 720 : index
      %get3A_756 = tpu.vector_load %arg9[%get3A_754, %get3A_755] {strides = array<i32>} : memref<32x1024xf32, #tpu.memory_space<vmem>>, vector<1x16xf32>,
      %get3A_757 = vector.shape_cast %get3A_756 : vector<1x16xf32> to vector<16xf32>
      %get3A_758 = arith.index_cast %scan3A_24 : i32 to index
      %get3A_759 = arith.constant 720 : index
      %get3A_760 = tpu.vector_load %arg10[%get3A_758, %get3A_759] {strides = array<i32>} : memref<32x1024xf32, #tpu.memory_space<vmem>>, vector<1x16xf32>,
      %get3A_761 = vector.shape_cast %get3A_760 : vector<1x16xf32> to vector<16xf32>
      %mul3A_762 = arith.mulf %get3A_757, %get3A_30 : vector<16xf32>
      %mul3A_763 = arith.mulf %get3A_761, %get3A_34 : vector<16xf32>
      %add3A_764 = arith.addf %mul3A_762, %mul3A_763 : vector<16xf32>
      %swap3A_765 = arith.index_cast %scan3A_24 : i32 to index
      %swap3A_766 = arith.constant 720 : index
      %swap3A_767 = tpu.vector_load %arg9[%swap3A_765, %swap3A_766] {strides = array<i32>} : memref<32x1024xf32, #tpu.memory_space<vmem>>, vector<1x16xf32>,
      %swap3A_768 = vector.shape_cast %swap3A_767 : vector<1x16xf32> to vector<16xf32>
      %swap3A_769 = vector.shape_cast %add3A_764 : vector<16xf32> to vector<1x16xf32>
      tpu.vector_store %arg9[%swap3A_765, %swap3A_766], %swap3A_769 {strides = array<i32>} : memref<32x1024xf32, #tpu.memory_space<vmem>>, vector<1x16xf32>,
      %get3A_770 = arith.index_cast %scan3A_24 : i32 to index
      %get3A_771 = arith.constant 736 : index
      %get3A_772 = tpu.vector_load %arg9[%get3A_770, %get3A_771] {strides = array<i32>} : memref<32x1024xf32, #tpu.memory_space<vmem>>, vector<1x16xf32>,
      %get3A_773 = vector.shape_cast %get3A_772 : vector<1x16xf32> to vector<16xf32>
      %get3A_774 = arith.index_cast %scan3A_24 : i32 to index
      %get3A_775 = arith.constant 736 : index
      %get3A_776 = tpu.vector_load %arg10[%get3A_774, %get3A_775] {strides = array<i32>} : memref<32x1024xf32, #tpu.memory_space<vmem>>, vector<1x16xf32>,
      %get3A_777 = vector.shape_cast %get3A_776 : vector<1x16xf32> to vector<16xf32>
      %mul3A_778 = arith.mulf %get3A_773, %get3A_30 : vector<16xf32>
      %mul3A_779 = arith.mulf %get3A_777, %get3A_34 : vector<16xf32>
      %add3A_780 = arith.addf %mul3A_778, %mul3A_779 : vector<16xf32>
      %swap3A_781 = arith.index_cast %scan3A_24 : i32 to index
      %swap3A_782 = arith.constant 736 : index
      %swap3A_783 = tpu.vector_load %arg9[%swap3A_781, %swap3A_782] {strides = array<i32>} : memref<32x1024xf32, #tpu.memory_space<vmem>>, vector<1x16xf32>,
      %swap3A_784 = vector.shape_cast %swap3A_783 : vector<1x16xf32> to vector<16xf32>
      %swap3A_785 = vector.shape_cast %add3A_780 : vector<16xf32> to vector<1x16xf32>
      tpu.vector_store %arg9[%swap3A_781, %swap3A_782], %swap3A_785 {strides = array<i32>} : memref<32x1024xf32, #tpu.memory_space<vmem>>, vector<1x16xf32>,
      %get3A_786 = arith.index_cast %scan3A_24 : i32 to index
      %get3A_787 = arith.constant 752 : index
      %get3A_788 = tpu.vector_load %arg9[%get3A_786, %get3A_787] {strides = array<i32>} : memref<32x1024xf32, #tpu.memory_space<vmem>>, vector<1x16xf32>,
      %get3A_789 = vector.shape_cast %get3A_788 : vector<1x16xf32> to vector<16xf32>
      %get3A_790 = arith.index_cast %scan3A_24 : i32 to index
      %get3A_791 = arith.constant 752 : index
      %get3A_792 = tpu.vector_load %arg10[%get3A_790, %get3A_791] {strides = array<i32>} : memref<32x1024xf32, #tpu.memory_space<vmem>>, vector<1x16xf32>,
      %get3A_793 = vector.shape_cast %get3A_792 : vector<1x16xf32> to vector<16xf32>
      %mul3A_794 = arith.mulf %get3A_789, %get3A_30 : vector<16xf32>
      %mul3A_795 = arith.mulf %get3A_793, %get3A_34 : vector<16xf32>
      %add3A_796 = arith.addf %mul3A_794, %mul3A_795 : vector<16xf32>
      %swap3A_797 = arith.index_cast %scan3A_24 : i32 to index
      %swap3A_798 = arith.constant 752 : index
      %swap3A_799 = tpu.vector_load %arg9[%swap3A_797, %swap3A_798] {strides = array<i32>} : memref<32x1024xf32, #tpu.memory_space<vmem>>, vector<1x16xf32>,
      %swap3A_800 = vector.shape_cast %swap3A_799 : vector<1x16xf32> to vector<16xf32>
      %swap3A_801 = vector.shape_cast %add3A_796 : vector<16xf32> to vector<1x16xf32>
      tpu.vector_store %arg9[%swap3A_797, %swap3A_798], %swap3A_801 {strides = array<i32>} : memref<32x1024xf32, #tpu.memory_space<vmem>>, vector<1x16xf32>,
      %get3A_802 = arith.index_cast %scan3A_24 : i32 to index
      %get3A_803 = arith.constant 768 : index
      %get3A_804 = tpu.vector_load %arg9[%get3A_802, %get3A_803] {strides = array<i32>} : memref<32x1024xf32, #tpu.memory_space<vmem>>, vector<1x16xf32>,
      %get3A_805 = vector.shape_cast %get3A_804 : vector<1x16xf32> to vector<16xf32>
      %get3A_806 = arith.index_cast %scan3A_24 : i32 to index
      %get3A_807 = arith.constant 768 : index
      %get3A_808 = tpu.vector_load %arg10[%get3A_806, %get3A_807] {strides = array<i32>} : memref<32x1024xf32, #tpu.memory_space<vmem>>, vector<1x16xf32>,
      %get3A_809 = vector.shape_cast %get3A_808 : vector<1x16xf32> to vector<16xf32>
      %mul3A_810 = arith.mulf %get3A_805, %get3A_30 : vector<16xf32>
      %mul3A_811 = arith.mulf %get3A_809, %get3A_34 : vector<16xf32>
      %add3A_812 = arith.addf %mul3A_810, %mul3A_811 : vector<16xf32>
      %swap3A_813 = arith.index_cast %scan3A_24 : i32 to index
      %swap3A_814 = arith.constant 768 : index
      %swap3A_815 = tpu.vector_load %arg9[%swap3A_813, %swap3A_814] {strides = array<i32>} : memref<32x1024xf32, #tpu.memory_space<vmem>>, vector<1x16xf32>,
      %swap3A_816 = vector.shape_cast %swap3A_815 : vector<1x16xf32> to vector<16xf32>
      %swap3A_817 = vector.shape_cast %add3A_812 : vector<16xf32> to vector<1x16xf32>
      tpu.vector_store %arg9[%swap3A_813, %swap3A_814], %swap3A_817 {strides = array<i32>} : memref<32x1024xf32, #tpu.memory_space<vmem>>, vector<1x16xf32>,
      %get3A_818 = arith.index_cast %scan3A_24 : i32 to index
      %get3A_819 = arith.constant 784 : index
      %get3A_820 = tpu.vector_load %arg9[%get3A_818, %get3A_819] {strides = array<i32>} : memref<32x1024xf32, #tpu.memory_space<vmem>>, vector<1x16xf32>,
      %get3A_821 = vector.shape_cast %get3A_820 : vector<1x16xf32> to vector<16xf32>
      %get3A_822 = arith.index_cast %scan3A_24 : i32 to index
      %get3A_823 = arith.constant 784 : index
      %get3A_824 = tpu.vector_load %arg10[%get3A_822, %get3A_823] {strides = array<i32>} : memref<32x1024xf32, #tpu.memory_space<vmem>>, vector<1x16xf32>,
      %get3A_825 = vector.shape_cast %get3A_824 : vector<1x16xf32> to vector<16xf32>
      %mul3A_826 = arith.mulf %get3A_821, %get3A_30 : vector<16xf32>
      %mul3A_827 = arith.mulf %get3A_825, %get3A_34 : vector<16xf32>
      %add3A_828 = arith.addf %mul3A_826, %mul3A_827 : vector<16xf32>
      %swap3A_829 = arith.index_cast %scan3A_24 : i32 to index
      %swap3A_830 = arith.constant 784 : index
      %swap3A_831 = tpu.vector_load %arg9[%swap3A_829, %swap3A_830] {strides = array<i32>} : memref<32x1024xf32, #tpu.memory_space<vmem>>, vector<1x16xf32>,
      %swap3A_832 = vector.shape_cast %swap3A_831 : vector<1x16xf32> to vector<16xf32>
      %swap3A_833 = vector.shape_cast %add3A_828 : vector<16xf32> to vector<1x16xf32>
      tpu.vector_store %arg9[%swap3A_829, %swap3A_830], %swap3A_833 {strides = array<i32>} : memref<32x1024xf32, #tpu.memory_space<vmem>>, vector<1x16xf32>,
      %get3A_834 = arith.index_cast %scan3A_24 : i32 to index
      %get3A_835 = arith.constant 800 : index
      %get3A_836 = tpu.vector_load %arg9[%get3A_834, %get3A_835] {strides = array<i32>} : memref<32x1024xf32, #tpu.memory_space<vmem>>, vector<1x16xf32>,
      %get3A_837 = vector.shape_cast %get3A_836 : vector<1x16xf32> to vector<16xf32>
      %get3A_838 = arith.index_cast %scan3A_24 : i32 to index
      %get3A_839 = arith.constant 800 : index
      %get3A_840 = tpu.vector_load %arg10[%get3A_838, %get3A_839] {strides = array<i32>} : memref<32x1024xf32, #tpu.memory_space<vmem>>, vector<1x16xf32>,
      %get3A_841 = vector.shape_cast %get3A_840 : vector<1x16xf32> to vector<16xf32>
      %mul3A_842 = arith.mulf %get3A_837, %get3A_30 : vector<16xf32>
      %mul3A_843 = arith.mulf %get3A_841, %get3A_34 : vector<16xf32>
      %add3A_844 = arith.addf %mul3A_842, %mul3A_843 : vector<16xf32>
      %swap3A_845 = arith.index_cast %scan3A_24 : i32 to index
      %swap3A_846 = arith.constant 800 : index
      %swap3A_847 = tpu.vector_load %arg9[%swap3A_845, %swap3A_846] {strides = array<i32>} : memref<32x1024xf32, #tpu.memory_space<vmem>>, vector<1x16xf32>,
      %swap3A_848 = vector.shape_cast %swap3A_847 : vector<1x16xf32> to vector<16xf32>
      %swap3A_849 = vector.shape_cast %add3A_844 : vector<16xf32> to vector<1x16xf32>
      tpu.vector_store %arg9[%swap3A_845, %swap3A_846], %swap3A_849 {strides = array<i32>} : memref<32x1024xf32, #tpu.memory_space<vmem>>, vector<1x16xf32>,
      %get3A_850 = arith.index_cast %scan3A_24 : i32 to index
      %get3A_851 = arith.constant 816 : index
      %get3A_852 = tpu.vector_load %arg9[%get3A_850, %get3A_851] {strides = array<i32>} : memref<32x1024xf32, #tpu.memory_space<vmem>>, vector<1x16xf32>,
      %get3A_853 = vector.shape_cast %get3A_852 : vector<1x16xf32> to vector<16xf32>
      %get3A_854 = arith.index_cast %scan3A_24 : i32 to index
      %get3A_855 = arith.constant 816 : index
      %get3A_856 = tpu.vector_load %arg10[%get3A_854, %get3A_855] {strides = array<i32>} : memref<32x1024xf32, #tpu.memory_space<vmem>>, vector<1x16xf32>,
      %get3A_857 = vector.shape_cast %get3A_856 : vector<1x16xf32> to vector<16xf32>
      %mul3A_858 = arith.mulf %get3A_853, %get3A_30 : vector<16xf32>
      %mul3A_859 = arith.mulf %get3A_857, %get3A_34 : vector<16xf32>
      %add3A_860 = arith.addf %mul3A_858, %mul3A_859 : vector<16xf32>
      %swap3A_861 = arith.index_cast %scan3A_24 : i32 to index
      %swap3A_862 = arith.constant 816 : index
      %swap3A_863 = tpu.vector_load %arg9[%swap3A_861, %swap3A_862] {strides = array<i32>} : memref<32x1024xf32, #tpu.memory_space<vmem>>, vector<1x16xf32>,
      %swap3A_864 = vector.shape_cast %swap3A_863 : vector<1x16xf32> to vector<16xf32>
      %swap3A_865 = vector.shape_cast %add3A_860 : vector<16xf32> to vector<1x16xf32>
      tpu.vector_store %arg9[%swap3A_861, %swap3A_862], %swap3A_865 {strides = array<i32>} : memref<32x1024xf32, #tpu.memory_space<vmem>>, vector<1x16xf32>,
      %get3A_866 = arith.index_cast %scan3A_24 : i32 to index
      %get3A_867 = arith.constant 832 : index
      %get3A_868 = tpu.vector_load %arg9[%get3A_866, %get3A_867] {strides = array<i32>} : memref<32x1024xf32, #tpu.memory_space<vmem>>, vector<1x16xf32>,
      %get3A_869 = vector.shape_cast %get3A_868 : vector<1x16xf32> to vector<16xf32>
      %get3A_870 = arith.index_cast %scan3A_24 : i32 to index
      %get3A_871 = arith.constant 832 : index
      %get3A_872 = tpu.vector_load %arg10[%get3A_870, %get3A_871] {strides = array<i32>} : memref<32x1024xf32, #tpu.memory_space<vmem>>, vector<1x16xf32>,
      %get3A_873 = vector.shape_cast %get3A_872 : vector<1x16xf32> to vector<16xf32>
      %mul3A_874 = arith.mulf %get3A_869, %get3A_30 : vector<16xf32>
      %mul3A_875 = arith.mulf %get3A_873, %get3A_34 : vector<16xf32>
      %add3A_876 = arith.addf %mul3A_874, %mul3A_875 : vector<16xf32>
      %swap3A_877 = arith.index_cast %scan3A_24 : i32 to index
      %swap3A_878 = arith.constant 832 : index
      %swap3A_879 = tpu.vector_load %arg9[%swap3A_877, %swap3A_878] {strides = array<i32>} : memref<32x1024xf32, #tpu.memory_space<vmem>>, vector<1x16xf32>,
      %swap3A_880 = vector.shape_cast %swap3A_879 : vector<1x16xf32> to vector<16xf32>
      %swap3A_881 = vector.shape_cast %add3A_876 : vector<16xf32> to vector<1x16xf32>
      tpu.vector_store %arg9[%swap3A_877, %swap3A_878], %swap3A_881 {strides = array<i32>} : memref<32x1024xf32, #tpu.memory_space<vmem>>, vector<1x16xf32>,
      %get3A_882 = arith.index_cast %scan3A_24 : i32 to index
      %get3A_883 = arith.constant 848 : index
      %get3A_884 = tpu.vector_load %arg9[%get3A_882, %get3A_883] {strides = array<i32>} : memref<32x1024xf32, #tpu.memory_space<vmem>>, vector<1x16xf32>,
      %get3A_885 = vector.shape_cast %get3A_884 : vector<1x16xf32> to vector<16xf32>
      %get3A_886 = arith.index_cast %scan3A_24 : i32 to index
      %get3A_887 = arith.constant 848 : index
      %get3A_888 = tpu.vector_load %arg10[%get3A_886, %get3A_887] {strides = array<i32>} : memref<32x1024xf32, #tpu.memory_space<vmem>>, vector<1x16xf32>,
      %get3A_889 = vector.shape_cast %get3A_888 : vector<1x16xf32> to vector<16xf32>
      %mul3A_890 = arith.mulf %get3A_885, %get3A_30 : vector<16xf32>
      %mul3A_891 = arith.mulf %get3A_889, %get3A_34 : vector<16xf32>
      %add3A_892 = arith.addf %mul3A_890, %mul3A_891 : vector<16xf32>
      %swap3A_893 = arith.index_cast %scan3A_24 : i32 to index
      %swap3A_894 = arith.constant 848 : index
      %swap3A_895 = tpu.vector_load %arg9[%swap3A_893, %swap3A_894] {strides = array<i32>} : memref<32x1024xf32, #tpu.memory_space<vmem>>, vector<1x16xf32>,
      %swap3A_896 = vector.shape_cast %swap3A_895 : vector<1x16xf32> to vector<16xf32>
      %swap3A_897 = vector.shape_cast %add3A_892 : vector<16xf32> to vector<1x16xf32>
      tpu.vector_store %arg9[%swap3A_893, %swap3A_894], %swap3A_897 {strides = array<i32>} : memref<32x1024xf32, #tpu.memory_space<vmem>>, vector<1x16xf32>,
      %get3A_898 = arith.index_cast %scan3A_24 : i32 to index
      %get3A_899 = arith.constant 864 : index
      %get3A_900 = tpu.vector_load %arg9[%get3A_898, %get3A_899] {strides = array<i32>} : memref<32x1024xf32, #tpu.memory_space<vmem>>, vector<1x16xf32>,
      %get3A_901 = vector.shape_cast %get3A_900 : vector<1x16xf32> to vector<16xf32>
      %get3A_902 = arith.index_cast %scan3A_24 : i32 to index
      %get3A_903 = arith.constant 864 : index
      %get3A_904 = tpu.vector_load %arg10[%get3A_902, %get3A_903] {strides = array<i32>} : memref<32x1024xf32, #tpu.memory_space<vmem>>, vector<1x16xf32>,
      %get3A_905 = vector.shape_cast %get3A_904 : vector<1x16xf32> to vector<16xf32>
      %mul3A_906 = arith.mulf %get3A_901, %get3A_30 : vector<16xf32>
      %mul3A_907 = arith.mulf %get3A_905, %get3A_34 : vector<16xf32>
      %add3A_908 = arith.addf %mul3A_906, %mul3A_907 : vector<16xf32>
      %swap3A_909 = arith.index_cast %scan3A_24 : i32 to index
      %swap3A_910 = arith.constant 864 : index
      %swap3A_911 = tpu.vector_load %arg9[%swap3A_909, %swap3A_910] {strides = array<i32>} : memref<32x1024xf32, #tpu.memory_space<vmem>>, vector<1x16xf32>,
      %swap3A_912 = vector.shape_cast %swap3A_911 : vector<1x16xf32> to vector<16xf32>
      %swap3A_913 = vector.shape_cast %add3A_908 : vector<16xf32> to vector<1x16xf32>
      tpu.vector_store %arg9[%swap3A_909, %swap3A_910], %swap3A_913 {strides = array<i32>} : memref<32x1024xf32, #tpu.memory_space<vmem>>, vector<1x16xf32>,
      %get3A_914 = arith.index_cast %scan3A_24 : i32 to index
      %get3A_915 = arith.constant 880 : index
      %get3A_916 = tpu.vector_load %arg9[%get3A_914, %get3A_915] {strides = array<i32>} : memref<32x1024xf32, #tpu.memory_space<vmem>>, vector<1x16xf32>,
      %get3A_917 = vector.shape_cast %get3A_916 : vector<1x16xf32> to vector<16xf32>
      %get3A_918 = arith.index_cast %scan3A_24 : i32 to index
      %get3A_919 = arith.constant 880 : index
      %get3A_920 = tpu.vector_load %arg10[%get3A_918, %get3A_919] {strides = array<i32>} : memref<32x1024xf32, #tpu.memory_space<vmem>>, vector<1x16xf32>,
      %get3A_921 = vector.shape_cast %get3A_920 : vector<1x16xf32> to vector<16xf32>
      %mul3A_922 = arith.mulf %get3A_917, %get3A_30 : vector<16xf32>
      %mul3A_923 = arith.mulf %get3A_921, %get3A_34 : vector<16xf32>
      %add3A_924 = arith.addf %mul3A_922, %mul3A_923 : vector<16xf32>
      %swap3A_925 = arith.index_cast %scan3A_24 : i32 to index
      %swap3A_926 = arith.constant 880 : index
      %swap3A_927 = tpu.vector_load %arg9[%swap3A_925, %swap3A_926] {strides = array<i32>} : memref<32x1024xf32, #tpu.memory_space<vmem>>, vector<1x16xf32>,
      %swap3A_928 = vector.shape_cast %swap3A_927 : vector<1x16xf32> to vector<16xf32>
      %swap3A_929 = vector.shape_cast %add3A_924 : vector<16xf32> to vector<1x16xf32>
      tpu.vector_store %arg9[%swap3A_925, %swap3A_926], %swap3A_929 {strides = array<i32>} : memref<32x1024xf32, #tpu.memory_space<vmem>>, vector<1x16xf32>,
      %get3A_930 = arith.index_cast %scan3A_24 : i32 to index
      %get3A_931 = arith.constant 896 : index
      %get3A_932 = tpu.vector_load %arg9[%get3A_930, %get3A_931] {strides = array<i32>} : memref<32x1024xf32, #tpu.memory_space<vmem>>, vector<1x16xf32>,
      %get3A_933 = vector.shape_cast %get3A_932 : vector<1x16xf32> to vector<16xf32>
      %get3A_934 = arith.index_cast %scan3A_24 : i32 to index
      %get3A_935 = arith.constant 896 : index
      %get3A_936 = tpu.vector_load %arg10[%get3A_934, %get3A_935] {strides = array<i32>} : memref<32x1024xf32, #tpu.memory_space<vmem>>, vector<1x16xf32>,
      %get3A_937 = vector.shape_cast %get3A_936 : vector<1x16xf32> to vector<16xf32>
      %mul3A_938 = arith.mulf %get3A_933, %get3A_30 : vector<16xf32>
      %mul3A_939 = arith.mulf %get3A_937, %get3A_34 : vector<16xf32>
      %add3A_940 = arith.addf %mul3A_938, %mul3A_939 : vector<16xf32>
      %swap3A_941 = arith.index_cast %scan3A_24 : i32 to index
      %swap3A_942 = arith.constant 896 : index
      %swap3A_943 = tpu.vector_load %arg9[%swap3A_941, %swap3A_942] {strides = array<i32>} : memref<32x1024xf32, #tpu.memory_space<vmem>>, vector<1x16xf32>,
      %swap3A_944 = vector.shape_cast %swap3A_943 : vector<1x16xf32> to vector<16xf32>
      %swap3A_945 = vector.shape_cast %add3A_940 : vector<16xf32> to vector<1x16xf32>
      tpu.vector_store %arg9[%swap3A_941, %swap3A_942], %swap3A_945 {strides = array<i32>} : memref<32x1024xf32, #tpu.memory_space<vmem>>, vector<1x16xf32>,
      %get3A_946 = arith.index_cast %scan3A_24 : i32 to index
      %get3A_947 = arith.constant 912 : index
      %get3A_948 = tpu.vector_load %arg9[%get3A_946, %get3A_947] {strides = array<i32>} : memref<32x1024xf32, #tpu.memory_space<vmem>>, vector<1x16xf32>,
      %get3A_949 = vector.shape_cast %get3A_948 : vector<1x16xf32> to vector<16xf32>
      %get3A_950 = arith.index_cast %scan3A_24 : i32 to index
      %get3A_951 = arith.constant 912 : index
      %get3A_952 = tpu.vector_load %arg10[%get3A_950, %get3A_951] {strides = array<i32>} : memref<32x1024xf32, #tpu.memory_space<vmem>>, vector<1x16xf32>,
      %get3A_953 = vector.shape_cast %get3A_952 : vector<1x16xf32> to vector<16xf32>
      %mul3A_954 = arith.mulf %get3A_949, %get3A_30 : vector<16xf32>
      %mul3A_955 = arith.mulf %get3A_953, %get3A_34 : vector<16xf32>
      %add3A_956 = arith.addf %mul3A_954, %mul3A_955 : vector<16xf32>
      %swap3A_957 = arith.index_cast %scan3A_24 : i32 to index
      %swap3A_958 = arith.constant 912 : index
      %swap3A_959 = tpu.vector_load %arg9[%swap3A_957, %swap3A_958] {strides = array<i32>} : memref<32x1024xf32, #tpu.memory_space<vmem>>, vector<1x16xf32>,
      %swap3A_960 = vector.shape_cast %swap3A_959 : vector<1x16xf32> to vector<16xf32>
      %swap3A_961 = vector.shape_cast %add3A_956 : vector<16xf32> to vector<1x16xf32>
      tpu.vector_store %arg9[%swap3A_957, %swap3A_958], %swap3A_961 {strides = array<i32>} : memref<32x1024xf32, #tpu.memory_space<vmem>>, vector<1x16xf32>,
      %get3A_962 = arith.index_cast %scan3A_24 : i32 to index
      %get3A_963 = arith.constant 928 : index
      %get3A_964 = tpu.vector_load %arg9[%get3A_962, %get3A_963] {strides = array<i32>} : memref<32x1024xf32, #tpu.memory_space<vmem>>, vector<1x16xf32>,
      %get3A_965 = vector.shape_cast %get3A_964 : vector<1x16xf32> to vector<16xf32>
      %get3A_966 = arith.index_cast %scan3A_24 : i32 to index
      %get3A_967 = arith.constant 928 : index
      %get3A_968 = tpu.vector_load %arg10[%get3A_966, %get3A_967] {strides = array<i32>} : memref<32x1024xf32, #tpu.memory_space<vmem>>, vector<1x16xf32>,
      %get3A_969 = vector.shape_cast %get3A_968 : vector<1x16xf32> to vector<16xf32>
      %mul3A_970 = arith.mulf %get3A_965, %get3A_30 : vector<16xf32>
      %mul3A_971 = arith.mulf %get3A_969, %get3A_34 : vector<16xf32>
      %add3A_972 = arith.addf %mul3A_970, %mul3A_971 : vector<16xf32>
      %swap3A_973 = arith.index_cast %scan3A_24 : i32 to index
      %swap3A_974 = arith.constant 928 : index
      %swap3A_975 = tpu.vector_load %arg9[%swap3A_973, %swap3A_974] {strides = array<i32>} : memref<32x1024xf32, #tpu.memory_space<vmem>>, vector<1x16xf32>,
      %swap3A_976 = vector.shape_cast %swap3A_975 : vector<1x16xf32> to vector<16xf32>
      %swap3A_977 = vector.shape_cast %add3A_972 : vector<16xf32> to vector<1x16xf32>
      tpu.vector_store %arg9[%swap3A_973, %swap3A_974], %swap3A_977 {strides = array<i32>} : memref<32x1024xf32, #tpu.memory_space<vmem>>, vector<1x16xf32>,
      %get3A_978 = arith.index_cast %scan3A_24 : i32 to index
      %get3A_979 = arith.constant 944 : index
      %get3A_980 = tpu.vector_load %arg9[%get3A_978, %get3A_979] {strides = array<i32>} : memref<32x1024xf32, #tpu.memory_space<vmem>>, vector<1x16xf32>,
      %get3A_981 = vector.shape_cast %get3A_980 : vector<1x16xf32> to vector<16xf32>
      %get3A_982 = arith.index_cast %scan3A_24 : i32 to index
      %get3A_983 = arith.constant 944 : index
      %get3A_984 = tpu.vector_load %arg10[%get3A_982, %get3A_983] {strides = array<i32>} : memref<32x1024xf32, #tpu.memory_space<vmem>>, vector<1x16xf32>,
      %get3A_985 = vector.shape_cast %get3A_984 : vector<1x16xf32> to vector<16xf32>
      %mul3A_986 = arith.mulf %get3A_981, %get3A_30 : vector<16xf32>
      %mul3A_987 = arith.mulf %get3A_985, %get3A_34 : vector<16xf32>
      %add3A_988 = arith.addf %mul3A_986, %mul3A_987 : vector<16xf32>
      %swap3A_989 = arith.index_cast %scan3A_24 : i32 to index
      %swap3A_990 = arith.constant 944 : index
      %swap3A_991 = tpu.vector_load %arg9[%swap3A_989, %swap3A_990] {strides = array<i32>} : memref<32x1024xf32, #tpu.memory_space<vmem>>, vector<1x16xf32>,
      %swap3A_992 = vector.shape_cast %swap3A_991 : vector<1x16xf32> to vector<16xf32>
      %swap3A_993 = vector.shape_cast %add3A_988 : vector<16xf32> to vector<1x16xf32>
      tpu.vector_store %arg9[%swap3A_989, %swap3A_990], %swap3A_993 {strides = array<i32>} : memref<32x1024xf32, #tpu.memory_space<vmem>>, vector<1x16xf32>,
      %get3A_994 = arith.index_cast %scan3A_24 : i32 to index
      %get3A_995 = arith.constant 960 : index
      %get3A_996 = tpu.vector_load %arg9[%get3A_994, %get3A_995] {strides = array<i32>} : memref<32x1024xf32, #tpu.memory_space<vmem>>, vector<1x16xf32>,
      %get3A_997 = vector.shape_cast %get3A_996 : vector<1x16xf32> to vector<16xf32>
      %get3A_998 = arith.index_cast %scan3A_24 : i32 to index
      %get3A_999 = arith.constant 960 : index
      %get3A_1000 = tpu.vector_load %arg10[%get3A_998, %get3A_999] {strides = array<i32>} : memref<32x1024xf32, #tpu.memory_space<vmem>>, vector<1x16xf32>,
      %get3A_1001 = vector.shape_cast %get3A_1000 : vector<1x16xf32> to vector<16xf32>
      %mul3A_1002 = arith.mulf %get3A_997, %get3A_30 : vector<16xf32>
      %mul3A_1003 = arith.mulf %get3A_1001, %get3A_34 : vector<16xf32>
      %add3A_1004 = arith.addf %mul3A_1002, %mul3A_1003 : vector<16xf32>
      %swap3A_1005 = arith.index_cast %scan3A_24 : i32 to index
      %swap3A_1006 = arith.constant 960 : index
      %swap3A_1007 = tpu.vector_load %arg9[%swap3A_1005, %swap3A_1006] {strides = array<i32>} : memref<32x1024xf32, #tpu.memory_space<vmem>>, vector<1x16xf32>,
      %swap3A_1008 = vector.shape_cast %swap3A_1007 : vector<1x16xf32> to vector<16xf32>
      %swap3A_1009 = vector.shape_cast %add3A_1004 : vector<16xf32> to vector<1x16xf32>
      tpu.vector_store %arg9[%swap3A_1005, %swap3A_1006], %swap3A_1009 {strides = array<i32>} : memref<32x1024xf32, #tpu.memory_space<vmem>>, vector<1x16xf32>,
      %get3A_1010 = arith.index_cast %scan3A_24 : i32 to index
      %get3A_1011 = arith.constant 976 : index
      %get3A_1012 = tpu.vector_load %arg9[%get3A_1010, %get3A_1011] {strides = array<i32>} : memref<32x1024xf32, #tpu.memory_space<vmem>>, vector<1x16xf32>,
      %get3A_1013 = vector.shape_cast %get3A_1012 : vector<1x16xf32> to vector<16xf32>
      %get3A_1014 = arith.index_cast %scan3A_24 : i32 to index
      %get3A_1015 = arith.constant 976 : index
      %get3A_1016 = tpu.vector_load %arg10[%get3A_1014, %get3A_1015] {strides = array<i32>} : memref<32x1024xf32, #tpu.memory_space<vmem>>, vector<1x16xf32>,
      %get3A_1017 = vector.shape_cast %get3A_1016 : vector<1x16xf32> to vector<16xf32>
      %mul3A_1018 = arith.mulf %get3A_1013, %get3A_30 : vector<16xf32>
      %mul3A_1019 = arith.mulf %get3A_1017, %get3A_34 : vector<16xf32>
      %add3A_1020 = arith.addf %mul3A_1018, %mul3A_1019 : vector<16xf32>
      %swap3A_1021 = arith.index_cast %scan3A_24 : i32 to index
      %swap3A_1022 = arith.constant 976 : index
      %swap3A_1023 = tpu.vector_load %arg9[%swap3A_1021, %swap3A_1022] {strides = array<i32>} : memref<32x1024xf32, #tpu.memory_space<vmem>>, vector<1x16xf32>,
      %swap3A_1024 = vector.shape_cast %swap3A_1023 : vector<1x16xf32> to vector<16xf32>
      %swap3A_1025 = vector.shape_cast %add3A_1020 : vector<16xf32> to vector<1x16xf32>
      tpu.vector_store %arg9[%swap3A_1021, %swap3A_1022], %swap3A_1025 {strides = array<i32>} : memref<32x1024xf32, #tpu.memory_space<vmem>>, vector<1x16xf32>,
      %get3A_1026 = arith.index_cast %scan3A_24 : i32 to index
      %get3A_1027 = arith.constant 992 : index
      %get3A_1028 = tpu.vector_load %arg9[%get3A_1026, %get3A_1027] {strides = array<i32>} : memref<32x1024xf32, #tpu.memory_space<vmem>>, vector<1x16xf32>,
      %get3A_1029 = vector.shape_cast %get3A_1028 : vector<1x16xf32> to vector<16xf32>
      %get3A_1030 = arith.index_cast %scan3A_24 : i32 to index
      %get3A_1031 = arith.constant 992 : index
      %get3A_1032 = tpu.vector_load %arg10[%get3A_1030, %get3A_1031] {strides = array<i32>} : memref<32x1024xf32, #tpu.memory_space<vmem>>, vector<1x16xf32>,
      %get3A_1033 = vector.shape_cast %get3A_1032 : vector<1x16xf32> to vector<16xf32>
      %mul3A_1034 = arith.mulf %get3A_1029, %get3A_30 : vector<16xf32>
      %mul3A_1035 = arith.mulf %get3A_1033, %get3A_34 : vector<16xf32>
      %add3A_1036 = arith.addf %mul3A_1034, %mul3A_1035 : vector<16xf32>
      %swap3A_1037 = arith.index_cast %scan3A_24 : i32 to index
      %swap3A_1038 = arith.constant 992 : index
      %swap3A_1039 = tpu.vector_load %arg9[%swap3A_1037, %swap3A_1038] {strides = array<i32>} : memref<32x1024xf32, #tpu.memory_space<vmem>>, vector<1x16xf32>,
      %swap3A_1040 = vector.shape_cast %swap3A_1039 : vector<1x16xf32> to vector<16xf32>
      %swap3A_1041 = vector.shape_cast %add3A_1036 : vector<16xf32> to vector<1x16xf32>
      tpu.vector_store %arg9[%swap3A_1037, %swap3A_1038], %swap3A_1041 {strides = array<i32>} : memref<32x1024xf32, #tpu.memory_space<vmem>>, vector<1x16xf32>,
      %get3A_1042 = arith.index_cast %scan3A_24 : i32 to index
      %get3A_1043 = arith.constant 1008 : index
      %get3A_1044 = tpu.vector_load %arg9[%get3A_1042, %get3A_1043] {strides = array<i32>} : memref<32x1024xf32, #tpu.memory_space<vmem>>, vector<1x16xf32>,
      %get3A_1045 = vector.shape_cast %get3A_1044 : vector<1x16xf32> to vector<16xf32>
      %get3A_1046 = arith.index_cast %scan3A_24 : i32 to index
      %get3A_1047 = arith.constant 1008 : index
      %get3A_1048 = tpu.vector_load %arg10[%get3A_1046, %get3A_1047] {strides = array<i32>} : memref<32x1024xf32, #tpu.memory_space<vmem>>, vector<1x16xf32>,
      %get3A_1049 = vector.shape_cast %get3A_1048 : vector<1x16xf32> to vector<16xf32>
      %mul3A_1050 = arith.mulf %get3A_1045, %get3A_30 : vector<16xf32>
      %mul3A_1051 = arith.mulf %get3A_1049, %get3A_34 : vector<16xf32>
      %add3A_1052 = arith.addf %mul3A_1050, %mul3A_1051 : vector<16xf32>
      %swap3A_1053 = arith.index_cast %scan3A_24 : i32 to index
      %swap3A_1054 = arith.constant 1008 : index
      %swap3A_1055 = tpu.vector_load %arg9[%swap3A_1053, %swap3A_1054] {strides = array<i32>} : memref<32x1024xf32, #tpu.memory_space<vmem>>, vector<1x16xf32>,
      %swap3A_1056 = vector.shape_cast %swap3A_1055 : vector<1x16xf32> to vector<16xf32>
      %swap3A_1057 = vector.shape_cast %add3A_1052 : vector<16xf32> to vector<1x16xf32>
      tpu.vector_store %arg9[%swap3A_1053, %swap3A_1054], %swap3A_1057 {strides = array<i32>} : memref<32x1024xf32, #tpu.memory_space<vmem>>, vector<1x16xf32>,
      %scan3A_1058 = arith.constant 0 : i32
      scf.yield %scan3A_1058 : i32
    }
    %scan3A_12 = arith.constant 32 : i32
    "tpu.region"() ({
      %run_scoped3A = tpu.sem_alloc : memref<!tpu.dma_semaphore, #tpu.memory_space<semaphore_mem>>
      %dma_start3A = arith.constant 0 : i32
      %dma_start3A_24 = tpu.memref_slice %arg5[%add3A_4, %dma_start3A] : memref<2048x1024xf32, #tpu.memory_space<hbm>> -> memref<32x1024xf32, #tpu.memory_space<hbm>>
      %dma_start3A_25 = arith.constant 0 : i32
      %dma_start3A_26 = tpu.memref_slice %arg5[%add3A_4, %dma_start3A_25] : memref<2048x1024xf32, #tpu.memory_space<hbm>> -> memref<32x1024xf32, #tpu.memory_space<hbm>>
      tpu.enqueue_dma source(%arg9 : memref<32x1024xf32, #tpu.memory_space<vmem>>) target(%dma_start3A_26 : memref<32x1024xf32, #tpu.memory_space<hbm>>) target_semaphore(%run_scoped3A : memref<!tpu.dma_semaphore, #tpu.memory_space<semaphore_mem>>)
      %dma_wait3A = arith.constant 0 : i32
      %dma_wait3A_27 = tpu.memref_slice %arg5[%add3A_4, %dma_wait3A] : memref<2048x1024xf32, #tpu.memory_space<hbm>> -> memref<32x1024xf32, #tpu.memory_space<hbm>>
      %dma_wait3A_28 = arith.constant 0 : i32
      %dma_wait3A_29 = tpu.memref_slice %arg5[%add3A_4, %dma_wait3A_28] : memref<2048x1024xf32, #tpu.memory_space<hbm>> -> memref<32x1024xf32, #tpu.memory_space<hbm>>
      tpu.wait_dma2 semaphore(%run_scoped3A : memref<!tpu.dma_semaphore, #tpu.memory_space<semaphore_mem>>) src(%arg9 : memref<32x1024xf32, #tpu.memory_space<vmem>>) dst(%dma_wait3A_29 : memref<32x1024xf32, #tpu.memory_space<hbm>>)
      tpu.yield
    }) : () -> ()
    %add3A_13 = arith.constant 32 : i32
    %add3A_14 = arith.addi %mul3A_2, %add3A_13 : i32
    "tpu.region"() ({
      %run_scoped3A = tpu.sem_alloc : memref<!tpu.dma_semaphore, #tpu.memory_space<semaphore_mem>>
      %dma_start3A = tpu.memref_slice %arg3[%add3A_14] : memref<4096xi32, #tpu.memory_space<hbm>> -> memref<32xi32, #tpu.memory_space<hbm>>
      %dma_start3A_24 = tpu.memref_slice %arg3[%add3A_14] : memref<4096xi32, #tpu.memory_space<hbm>> -> memref<32xi32, #tpu.memory_space<hbm>>
      tpu.enqueue_dma source(%dma_start3A_24 : memref<32xi32, #tpu.memory_space<hbm>>) target(%arg6 : memref<32xi32, #tpu.memory_space<vmem>>) target_semaphore(%run_scoped3A : memref<!tpu.dma_semaphore, #tpu.memory_space<semaphore_mem>>)
      %dma_wait3A = tpu.memref_slice %arg3[%add3A_14] : memref<4096xi32, #tpu.memory_space<hbm>> -> memref<32xi32, #tpu.memory_space<hbm>>
      %dma_wait3A_25 = tpu.memref_slice %arg3[%add3A_14] : memref<4096xi32, #tpu.memory_space<hbm>> -> memref<32xi32, #tpu.memory_space<hbm>>
      tpu.wait_dma2 semaphore(%run_scoped3A : memref<!tpu.dma_semaphore, #tpu.memory_space<semaphore_mem>>) src(%dma_wait3A_25 : memref<32xi32, #tpu.memory_space<hbm>>) dst(%arg6 : memref<32xi32, #tpu.memory_space<vmem>>)
      tpu.yield
    }) : () -> ()
    %add3A_15 = arith.constant 2048 : i32
    %add3A_16 = arith.addi %add3A_15, %add3A_14 : i32
    "tpu.region"() ({
      %run_scoped3A = tpu.sem_alloc : memref<!tpu.dma_semaphore, #tpu.memory_space<semaphore_mem>>
      %dma_start3A = tpu.memref_slice %arg3[%add3A_16] : memref<4096xi32, #tpu.memory_space<hbm>> -> memref<32xi32, #tpu.memory_space<hbm>>
      %dma_start3A_24 = tpu.memref_slice %arg3[%add3A_16] : memref<4096xi32, #tpu.memory_space<hbm>> -> memref<32xi32, #tpu.memory_space<hbm>>
      tpu.enqueue_dma source(%dma_start3A_24 : memref<32xi32, #tpu.memory_space<hbm>>) target(%arg7 : memref<32xi32, #tpu.memory_space<vmem>>) target_semaphore(%run_scoped3A : memref<!tpu.dma_semaphore, #tpu.memory_space<semaphore_mem>>)
      %dma_wait3A = tpu.memref_slice %arg3[%add3A_16] : memref<4096xi32, #tpu.memory_space<hbm>> -> memref<32xi32, #tpu.memory_space<hbm>>
      %dma_wait3A_25 = tpu.memref_slice %arg3[%add3A_16] : memref<4096xi32, #tpu.memory_space<hbm>> -> memref<32xi32, #tpu.memory_space<hbm>>
      tpu.wait_dma2 semaphore(%run_scoped3A : memref<!tpu.dma_semaphore, #tpu.memory_space<semaphore_mem>>) src(%dma_wait3A_25 : memref<32xi32, #tpu.memory_space<hbm>>) dst(%arg7 : memref<32xi32, #tpu.memory_space<vmem>>)
      tpu.yield
    }) : () -> ()
    "tpu.region"() ({
      %run_scoped3A = tpu.sem_alloc : memref<!tpu.dma_semaphore, #tpu.memory_space<semaphore_mem>>
      %dma_start3A = arith.constant 0 : i32
      %dma_start3A_24 = arith.constant 0 : i32
      %dma_start3A_25 = tpu.memref_slice %arg2[%dma_start3A, %dma_start3A_24] : memref<6144x1024xf32, #tpu.memory_space<hbm>> -> memref<6144x1024xf32, #tpu.memory_space<hbm>>
      tpu.enqueue_indirect_dma source(%dma_start3A_25 : memref<6144x1024xf32, #tpu.memory_space<hbm>>) target(%arg9 : memref<32x1024xf32, #tpu.memory_space<vmem>>) offsets(%arg6 : memref<32xi32, #tpu.memory_space<vmem>>) semaphore(%run_scoped3A : memref<!tpu.dma_semaphore, #tpu.memory_space<semaphore_mem>>)
      %dma_wait3A = arith.constant 0 : i32
      %dma_wait3A_26 = arith.constant 0 : i32
      %dma_wait3A_27 = tpu.memref_slice %arg2[%dma_wait3A, %dma_wait3A_26] : memref<6144x1024xf32, #tpu.memory_space<hbm>> -> memref<6144x1024xf32, #tpu.memory_space<hbm>>
      tpu.wait_indirect_dma semaphore(%run_scoped3A : memref<!tpu.dma_semaphore, #tpu.memory_space<semaphore_mem>>) src(%dma_wait3A_27 : memref<6144x1024xf32, #tpu.memory_space<hbm>>) dst(%arg9 : memref<32x1024xf32, #tpu.memory_space<vmem>>)
      tpu.yield
    }) : () -> ()
    "tpu.region"() ({
      %run_scoped3A = tpu.sem_alloc : memref<!tpu.dma_semaphore, #tpu.memory_space<semaphore_mem>>
      %dma_start3A = arith.constant 0 : i32
      %dma_start3A_24 = arith.constant 0 : i32
      %dma_start3A_25 = tpu.memref_slice %arg2[%dma_start3A, %dma_start3A_24] : memref<6144x1024xf32, #tpu.memory_space<hbm>> -> memref<6144x1024xf32, #tpu.memory_space<hbm>>
      tpu.enqueue_indirect_dma source(%dma_start3A_25 : memref<6144x1024xf32, #tpu.memory_space<hbm>>) target(%arg10 : memref<32x1024xf32, #tpu.memory_space<vmem>>) offsets(%arg7 : memref<32xi32, #tpu.memory_space<vmem>>) semaphore(%run_scoped3A : memref<!tpu.dma_semaphore, #tpu.memory_space<semaphore_mem>>)
      %dma_wait3A = arith.constant 0 : i32
      %dma_wait3A_26 = arith.constant 0 : i32
      %dma_wait3A_27 = tpu.memref_slice %arg2[%dma_wait3A, %dma_wait3A_26] : memref<6144x1024xf32, #tpu.memory_space<hbm>> -> memref<6144x1024xf32, #tpu.memory_space<hbm>>
      tpu.wait_indirect_dma semaphore(%run_scoped3A : memref<!tpu.dma_semaphore, #tpu.memory_space<semaphore_mem>>) src(%dma_wait3A_27 : memref<6144x1024xf32, #tpu.memory_space<hbm>>) dst(%arg10 : memref<32x1024xf32, #tpu.memory_space<vmem>>)
      tpu.yield
    }) : () -> ()
    %scan3A_17 = arith.constant 0 : i32
    %scan3A_18 = arith.constant 0 : i32
    %scan3A_19 = arith.constant 32 : i32
    %scan3A_20 = arith.addi %scan3A_18, %scan3A_19 : i32
    %scan3A_21 = arith.constant 1 : i32
    %scan3A_22 = scf.for %scan3A_24 = %scan3A_18 to %scan3A_20 step %scan3A_21 iter_args(%scan3A_25 = %scan3A_17) -> (i32)  : i32 {
      %add3A_26 = arith.constant 32 : i32
      %add3A_27 = arith.addi %add3A_26, %scan3A_24 : i32
      %get3A = arith.index_cast %add3A_27 : i32 to index
      %get3A_28 = arith.constant 0 : index
      %get3A_29 = tpu.vector_load %arg8[%get3A, %get3A_28] {strides = array<i32>} : memref<64x32xf32, #tpu.memory_space<vmem>>, vector<1x16xf32>,
      %get3A_30 = vector.shape_cast %get3A_29 : vector<1x16xf32> to vector<16xf32>
      %get3A_31 = arith.index_cast %add3A_27 : i32 to index
      %get3A_32 = arith.constant 16 : index
      %get3A_33 = tpu.vector_load %arg8[%get3A_31, %get3A_32] {strides = array<i32>} : memref<64x32xf32, #tpu.memory_space<vmem>>, vector<1x16xf32>,
      %get3A_34 = vector.shape_cast %get3A_33 : vector<1x16xf32> to vector<16xf32>
      %get3A_35 = arith.index_cast %scan3A_24 : i32 to index
      %get3A_36 = arith.constant 0 : index
      %get3A_37 = tpu.vector_load %arg9[%get3A_35, %get3A_36] {strides = array<i32>} : memref<32x1024xf32, #tpu.memory_space<vmem>>, vector<1x16xf32>,
      %get3A_38 = vector.shape_cast %get3A_37 : vector<1x16xf32> to vector<16xf32>
      %get3A_39 = arith.index_cast %scan3A_24 : i32 to index
      %get3A_40 = arith.constant 0 : index
      %get3A_41 = tpu.vector_load %arg10[%get3A_39, %get3A_40] {strides = array<i32>} : memref<32x1024xf32, #tpu.memory_space<vmem>>, vector<1x16xf32>,
      %get3A_42 = vector.shape_cast %get3A_41 : vector<1x16xf32> to vector<16xf32>
      %mul3A_43 = arith.mulf %get3A_38, %get3A_30 : vector<16xf32>
      %mul3A_44 = arith.mulf %get3A_42, %get3A_34 : vector<16xf32>
      %add3A_45 = arith.addf %mul3A_43, %mul3A_44 : vector<16xf32>
      %swap3A = arith.index_cast %scan3A_24 : i32 to index
      %swap3A_46 = arith.constant 0 : index
      %swap3A_47 = tpu.vector_load %arg9[%swap3A, %swap3A_46] {strides = array<i32>} : memref<32x1024xf32, #tpu.memory_space<vmem>>, vector<1x16xf32>,
      %swap3A_48 = vector.shape_cast %swap3A_47 : vector<1x16xf32> to vector<16xf32>
      %swap3A_49 = vector.shape_cast %add3A_45 : vector<16xf32> to vector<1x16xf32>
      tpu.vector_store %arg9[%swap3A, %swap3A_46], %swap3A_49 {strides = array<i32>} : memref<32x1024xf32, #tpu.memory_space<vmem>>, vector<1x16xf32>,
      %get3A_50 = arith.index_cast %scan3A_24 : i32 to index
      %get3A_51 = arith.constant 16 : index
      %get3A_52 = tpu.vector_load %arg9[%get3A_50, %get3A_51] {strides = array<i32>} : memref<32x1024xf32, #tpu.memory_space<vmem>>, vector<1x16xf32>,
      %get3A_53 = vector.shape_cast %get3A_52 : vector<1x16xf32> to vector<16xf32>
      %get3A_54 = arith.index_cast %scan3A_24 : i32 to index
      %get3A_55 = arith.constant 16 : index
      %get3A_56 = tpu.vector_load %arg10[%get3A_54, %get3A_55] {strides = array<i32>} : memref<32x1024xf32, #tpu.memory_space<vmem>>, vector<1x16xf32>,
      %get3A_57 = vector.shape_cast %get3A_56 : vector<1x16xf32> to vector<16xf32>
      %mul3A_58 = arith.mulf %get3A_53, %get3A_30 : vector<16xf32>
      %mul3A_59 = arith.mulf %get3A_57, %get3A_34 : vector<16xf32>
      %add3A_60 = arith.addf %mul3A_58, %mul3A_59 : vector<16xf32>
      %swap3A_61 = arith.index_cast %scan3A_24 : i32 to index
      %swap3A_62 = arith.constant 16 : index
      %swap3A_63 = tpu.vector_load %arg9[%swap3A_61, %swap3A_62] {strides = array<i32>} : memref<32x1024xf32, #tpu.memory_space<vmem>>, vector<1x16xf32>,
      %swap3A_64 = vector.shape_cast %swap3A_63 : vector<1x16xf32> to vector<16xf32>
      %swap3A_65 = vector.shape_cast %add3A_60 : vector<16xf32> to vector<1x16xf32>
      tpu.vector_store %arg9[%swap3A_61, %swap3A_62], %swap3A_65 {strides = array<i32>} : memref<32x1024xf32, #tpu.memory_space<vmem>>, vector<1x16xf32>,
      %get3A_66 = arith.index_cast %scan3A_24 : i32 to index
      %get3A_67 = arith.constant 32 : index
      %get3A_68 = tpu.vector_load %arg9[%get3A_66, %get3A_67] {strides = array<i32>} : memref<32x1024xf32, #tpu.memory_space<vmem>>, vector<1x16xf32>,
      %get3A_69 = vector.shape_cast %get3A_68 : vector<1x16xf32> to vector<16xf32>
      %get3A_70 = arith.index_cast %scan3A_24 : i32 to index
      %get3A_71 = arith.constant 32 : index
      %get3A_72 = tpu.vector_load %arg10[%get3A_70, %get3A_71] {strides = array<i32>} : memref<32x1024xf32, #tpu.memory_space<vmem>>, vector<1x16xf32>,
      %get3A_73 = vector.shape_cast %get3A_72 : vector<1x16xf32> to vector<16xf32>
      %mul3A_74 = arith.mulf %get3A_69, %get3A_30 : vector<16xf32>
      %mul3A_75 = arith.mulf %get3A_73, %get3A_34 : vector<16xf32>
      %add3A_76 = arith.addf %mul3A_74, %mul3A_75 : vector<16xf32>
      %swap3A_77 = arith.index_cast %scan3A_24 : i32 to index
      %swap3A_78 = arith.constant 32 : index
      %swap3A_79 = tpu.vector_load %arg9[%swap3A_77, %swap3A_78] {strides = array<i32>} : memref<32x1024xf32, #tpu.memory_space<vmem>>, vector<1x16xf32>,
      %swap3A_80 = vector.shape_cast %swap3A_79 : vector<1x16xf32> to vector<16xf32>
      %swap3A_81 = vector.shape_cast %add3A_76 : vector<16xf32> to vector<1x16xf32>
      tpu.vector_store %arg9[%swap3A_77, %swap3A_78], %swap3A_81 {strides = array<i32>} : memref<32x1024xf32, #tpu.memory_space<vmem>>, vector<1x16xf32>,
      %get3A_82 = arith.index_cast %scan3A_24 : i32 to index
      %get3A_83 = arith.constant 48 : index
      %get3A_84 = tpu.vector_load %arg9[%get3A_82, %get3A_83] {strides = array<i32>} : memref<32x1024xf32, #tpu.memory_space<vmem>>, vector<1x16xf32>,
      %get3A_85 = vector.shape_cast %get3A_84 : vector<1x16xf32> to vector<16xf32>
      %get3A_86 = arith.index_cast %scan3A_24 : i32 to index
      %get3A_87 = arith.constant 48 : index
      %get3A_88 = tpu.vector_load %arg10[%get3A_86, %get3A_87] {strides = array<i32>} : memref<32x1024xf32, #tpu.memory_space<vmem>>, vector<1x16xf32>,
      %get3A_89 = vector.shape_cast %get3A_88 : vector<1x16xf32> to vector<16xf32>
      %mul3A_90 = arith.mulf %get3A_85, %get3A_30 : vector<16xf32>
      %mul3A_91 = arith.mulf %get3A_89, %get3A_34 : vector<16xf32>
      %add3A_92 = arith.addf %mul3A_90, %mul3A_91 : vector<16xf32>
      %swap3A_93 = arith.index_cast %scan3A_24 : i32 to index
      %swap3A_94 = arith.constant 48 : index
      %swap3A_95 = tpu.vector_load %arg9[%swap3A_93, %swap3A_94] {strides = array<i32>} : memref<32x1024xf32, #tpu.memory_space<vmem>>, vector<1x16xf32>,
      %swap3A_96 = vector.shape_cast %swap3A_95 : vector<1x16xf32> to vector<16xf32>
      %swap3A_97 = vector.shape_cast %add3A_92 : vector<16xf32> to vector<1x16xf32>
      tpu.vector_store %arg9[%swap3A_93, %swap3A_94], %swap3A_97 {strides = array<i32>} : memref<32x1024xf32, #tpu.memory_space<vmem>>, vector<1x16xf32>,
      %get3A_98 = arith.index_cast %scan3A_24 : i32 to index
      %get3A_99 = arith.constant 64 : index
      %get3A_100 = tpu.vector_load %arg9[%get3A_98, %get3A_99] {strides = array<i32>} : memref<32x1024xf32, #tpu.memory_space<vmem>>, vector<1x16xf32>,
      %get3A_101 = vector.shape_cast %get3A_100 : vector<1x16xf32> to vector<16xf32>
      %get3A_102 = arith.index_cast %scan3A_24 : i32 to index
      %get3A_103 = arith.constant 64 : index
      %get3A_104 = tpu.vector_load %arg10[%get3A_102, %get3A_103] {strides = array<i32>} : memref<32x1024xf32, #tpu.memory_space<vmem>>, vector<1x16xf32>,
      %get3A_105 = vector.shape_cast %get3A_104 : vector<1x16xf32> to vector<16xf32>
      %mul3A_106 = arith.mulf %get3A_101, %get3A_30 : vector<16xf32>
      %mul3A_107 = arith.mulf %get3A_105, %get3A_34 : vector<16xf32>
      %add3A_108 = arith.addf %mul3A_106, %mul3A_107 : vector<16xf32>
      %swap3A_109 = arith.index_cast %scan3A_24 : i32 to index
      %swap3A_110 = arith.constant 64 : index
      %swap3A_111 = tpu.vector_load %arg9[%swap3A_109, %swap3A_110] {strides = array<i32>} : memref<32x1024xf32, #tpu.memory_space<vmem>>, vector<1x16xf32>,
      %swap3A_112 = vector.shape_cast %swap3A_111 : vector<1x16xf32> to vector<16xf32>
      %swap3A_113 = vector.shape_cast %add3A_108 : vector<16xf32> to vector<1x16xf32>
      tpu.vector_store %arg9[%swap3A_109, %swap3A_110], %swap3A_113 {strides = array<i32>} : memref<32x1024xf32, #tpu.memory_space<vmem>>, vector<1x16xf32>,
      %get3A_114 = arith.index_cast %scan3A_24 : i32 to index
      %get3A_115 = arith.constant 80 : index
      %get3A_116 = tpu.vector_load %arg9[%get3A_114, %get3A_115] {strides = array<i32>} : memref<32x1024xf32, #tpu.memory_space<vmem>>, vector<1x16xf32>,
      %get3A_117 = vector.shape_cast %get3A_116 : vector<1x16xf32> to vector<16xf32>
      %get3A_118 = arith.index_cast %scan3A_24 : i32 to index
      %get3A_119 = arith.constant 80 : index
      %get3A_120 = tpu.vector_load %arg10[%get3A_118, %get3A_119] {strides = array<i32>} : memref<32x1024xf32, #tpu.memory_space<vmem>>, vector<1x16xf32>,
      %get3A_121 = vector.shape_cast %get3A_120 : vector<1x16xf32> to vector<16xf32>
      %mul3A_122 = arith.mulf %get3A_117, %get3A_30 : vector<16xf32>
      %mul3A_123 = arith.mulf %get3A_121, %get3A_34 : vector<16xf32>
      %add3A_124 = arith.addf %mul3A_122, %mul3A_123 : vector<16xf32>
      %swap3A_125 = arith.index_cast %scan3A_24 : i32 to index
      %swap3A_126 = arith.constant 80 : index
      %swap3A_127 = tpu.vector_load %arg9[%swap3A_125, %swap3A_126] {strides = array<i32>} : memref<32x1024xf32, #tpu.memory_space<vmem>>, vector<1x16xf32>,
      %swap3A_128 = vector.shape_cast %swap3A_127 : vector<1x16xf32> to vector<16xf32>
      %swap3A_129 = vector.shape_cast %add3A_124 : vector<16xf32> to vector<1x16xf32>
      tpu.vector_store %arg9[%swap3A_125, %swap3A_126], %swap3A_129 {strides = array<i32>} : memref<32x1024xf32, #tpu.memory_space<vmem>>, vector<1x16xf32>,
      %get3A_130 = arith.index_cast %scan3A_24 : i32 to index
      %get3A_131 = arith.constant 96 : index
      %get3A_132 = tpu.vector_load %arg9[%get3A_130, %get3A_131] {strides = array<i32>} : memref<32x1024xf32, #tpu.memory_space<vmem>>, vector<1x16xf32>,
      %get3A_133 = vector.shape_cast %get3A_132 : vector<1x16xf32> to vector<16xf32>
      %get3A_134 = arith.index_cast %scan3A_24 : i32 to index
      %get3A_135 = arith.constant 96 : index
      %get3A_136 = tpu.vector_load %arg10[%get3A_134, %get3A_135] {strides = array<i32>} : memref<32x1024xf32, #tpu.memory_space<vmem>>, vector<1x16xf32>,
      %get3A_137 = vector.shape_cast %get3A_136 : vector<1x16xf32> to vector<16xf32>
      %mul3A_138 = arith.mulf %get3A_133, %get3A_30 : vector<16xf32>
      %mul3A_139 = arith.mulf %get3A_137, %get3A_34 : vector<16xf32>
      %add3A_140 = arith.addf %mul3A_138, %mul3A_139 : vector<16xf32>
      %swap3A_141 = arith.index_cast %scan3A_24 : i32 to index
      %swap3A_142 = arith.constant 96 : index
      %swap3A_143 = tpu.vector_load %arg9[%swap3A_141, %swap3A_142] {strides = array<i32>} : memref<32x1024xf32, #tpu.memory_space<vmem>>, vector<1x16xf32>,
      %swap3A_144 = vector.shape_cast %swap3A_143 : vector<1x16xf32> to vector<16xf32>
      %swap3A_145 = vector.shape_cast %add3A_140 : vector<16xf32> to vector<1x16xf32>
      tpu.vector_store %arg9[%swap3A_141, %swap3A_142], %swap3A_145 {strides = array<i32>} : memref<32x1024xf32, #tpu.memory_space<vmem>>, vector<1x16xf32>,
      %get3A_146 = arith.index_cast %scan3A_24 : i32 to index
      %get3A_147 = arith.constant 112 : index
      %get3A_148 = tpu.vector_load %arg9[%get3A_146, %get3A_147] {strides = array<i32>} : memref<32x1024xf32, #tpu.memory_space<vmem>>, vector<1x16xf32>,
      %get3A_149 = vector.shape_cast %get3A_148 : vector<1x16xf32> to vector<16xf32>
      %get3A_150 = arith.index_cast %scan3A_24 : i32 to index
      %get3A_151 = arith.constant 112 : index
      %get3A_152 = tpu.vector_load %arg10[%get3A_150, %get3A_151] {strides = array<i32>} : memref<32x1024xf32, #tpu.memory_space<vmem>>, vector<1x16xf32>,
      %get3A_153 = vector.shape_cast %get3A_152 : vector<1x16xf32> to vector<16xf32>
      %mul3A_154 = arith.mulf %get3A_149, %get3A_30 : vector<16xf32>
      %mul3A_155 = arith.mulf %get3A_153, %get3A_34 : vector<16xf32>
      %add3A_156 = arith.addf %mul3A_154, %mul3A_155 : vector<16xf32>
      %swap3A_157 = arith.index_cast %scan3A_24 : i32 to index
      %swap3A_158 = arith.constant 112 : index
      %swap3A_159 = tpu.vector_load %arg9[%swap3A_157, %swap3A_158] {strides = array<i32>} : memref<32x1024xf32, #tpu.memory_space<vmem>>, vector<1x16xf32>,
      %swap3A_160 = vector.shape_cast %swap3A_159 : vector<1x16xf32> to vector<16xf32>
      %swap3A_161 = vector.shape_cast %add3A_156 : vector<16xf32> to vector<1x16xf32>
      tpu.vector_store %arg9[%swap3A_157, %swap3A_158], %swap3A_161 {strides = array<i32>} : memref<32x1024xf32, #tpu.memory_space<vmem>>, vector<1x16xf32>,
      %get3A_162 = arith.index_cast %scan3A_24 : i32 to index
      %get3A_163 = arith.constant 128 : index
      %get3A_164 = tpu.vector_load %arg9[%get3A_162, %get3A_163] {strides = array<i32>} : memref<32x1024xf32, #tpu.memory_space<vmem>>, vector<1x16xf32>,
      %get3A_165 = vector.shape_cast %get3A_164 : vector<1x16xf32> to vector<16xf32>
      %get3A_166 = arith.index_cast %scan3A_24 : i32 to index
      %get3A_167 = arith.constant 128 : index
      %get3A_168 = tpu.vector_load %arg10[%get3A_166, %get3A_167] {strides = array<i32>} : memref<32x1024xf32, #tpu.memory_space<vmem>>, vector<1x16xf32>,
      %get3A_169 = vector.shape_cast %get3A_168 : vector<1x16xf32> to vector<16xf32>
      %mul3A_170 = arith.mulf %get3A_165, %get3A_30 : vector<16xf32>
      %mul3A_171 = arith.mulf %get3A_169, %get3A_34 : vector<16xf32>
      %add3A_172 = arith.addf %mul3A_170, %mul3A_171 : vector<16xf32>
      %swap3A_173 = arith.index_cast %scan3A_24 : i32 to index
      %swap3A_174 = arith.constant 128 : index
      %swap3A_175 = tpu.vector_load %arg9[%swap3A_173, %swap3A_174] {strides = array<i32>} : memref<32x1024xf32, #tpu.memory_space<vmem>>, vector<1x16xf32>,
      %swap3A_176 = vector.shape_cast %swap3A_175 : vector<1x16xf32> to vector<16xf32>
      %swap3A_177 = vector.shape_cast %add3A_172 : vector<16xf32> to vector<1x16xf32>
      tpu.vector_store %arg9[%swap3A_173, %swap3A_174], %swap3A_177 {strides = array<i32>} : memref<32x1024xf32, #tpu.memory_space<vmem>>, vector<1x16xf32>,
      %get3A_178 = arith.index_cast %scan3A_24 : i32 to index
      %get3A_179 = arith.constant 144 : index
      %get3A_180 = tpu.vector_load %arg9[%get3A_178, %get3A_179] {strides = array<i32>} : memref<32x1024xf32, #tpu.memory_space<vmem>>, vector<1x16xf32>,
      %get3A_181 = vector.shape_cast %get3A_180 : vector<1x16xf32> to vector<16xf32>
      %get3A_182 = arith.index_cast %scan3A_24 : i32 to index
      %get3A_183 = arith.constant 144 : index
      %get3A_184 = tpu.vector_load %arg10[%get3A_182, %get3A_183] {strides = array<i32>} : memref<32x1024xf32, #tpu.memory_space<vmem>>, vector<1x16xf32>,
      %get3A_185 = vector.shape_cast %get3A_184 : vector<1x16xf32> to vector<16xf32>
      %mul3A_186 = arith.mulf %get3A_181, %get3A_30 : vector<16xf32>
      %mul3A_187 = arith.mulf %get3A_185, %get3A_34 : vector<16xf32>
      %add3A_188 = arith.addf %mul3A_186, %mul3A_187 : vector<16xf32>
      %swap3A_189 = arith.index_cast %scan3A_24 : i32 to index
      %swap3A_190 = arith.constant 144 : index
      %swap3A_191 = tpu.vector_load %arg9[%swap3A_189, %swap3A_190] {strides = array<i32>} : memref<32x1024xf32, #tpu.memory_space<vmem>>, vector<1x16xf32>,
      %swap3A_192 = vector.shape_cast %swap3A_191 : vector<1x16xf32> to vector<16xf32>
      %swap3A_193 = vector.shape_cast %add3A_188 : vector<16xf32> to vector<1x16xf32>
      tpu.vector_store %arg9[%swap3A_189, %swap3A_190], %swap3A_193 {strides = array<i32>} : memref<32x1024xf32, #tpu.memory_space<vmem>>, vector<1x16xf32>,
      %get3A_194 = arith.index_cast %scan3A_24 : i32 to index
      %get3A_195 = arith.constant 160 : index
      %get3A_196 = tpu.vector_load %arg9[%get3A_194, %get3A_195] {strides = array<i32>} : memref<32x1024xf32, #tpu.memory_space<vmem>>, vector<1x16xf32>,
      %get3A_197 = vector.shape_cast %get3A_196 : vector<1x16xf32> to vector<16xf32>
      %get3A_198 = arith.index_cast %scan3A_24 : i32 to index
      %get3A_199 = arith.constant 160 : index
      %get3A_200 = tpu.vector_load %arg10[%get3A_198, %get3A_199] {strides = array<i32>} : memref<32x1024xf32, #tpu.memory_space<vmem>>, vector<1x16xf32>,
      %get3A_201 = vector.shape_cast %get3A_200 : vector<1x16xf32> to vector<16xf32>
      %mul3A_202 = arith.mulf %get3A_197, %get3A_30 : vector<16xf32>
      %mul3A_203 = arith.mulf %get3A_201, %get3A_34 : vector<16xf32>
      %add3A_204 = arith.addf %mul3A_202, %mul3A_203 : vector<16xf32>
      %swap3A_205 = arith.index_cast %scan3A_24 : i32 to index
      %swap3A_206 = arith.constant 160 : index
      %swap3A_207 = tpu.vector_load %arg9[%swap3A_205, %swap3A_206] {strides = array<i32>} : memref<32x1024xf32, #tpu.memory_space<vmem>>, vector<1x16xf32>,
      %swap3A_208 = vector.shape_cast %swap3A_207 : vector<1x16xf32> to vector<16xf32>
      %swap3A_209 = vector.shape_cast %add3A_204 : vector<16xf32> to vector<1x16xf32>
      tpu.vector_store %arg9[%swap3A_205, %swap3A_206], %swap3A_209 {strides = array<i32>} : memref<32x1024xf32, #tpu.memory_space<vmem>>, vector<1x16xf32>,
      %get3A_210 = arith.index_cast %scan3A_24 : i32 to index
      %get3A_211 = arith.constant 176 : index
      %get3A_212 = tpu.vector_load %arg9[%get3A_210, %get3A_211] {strides = array<i32>} : memref<32x1024xf32, #tpu.memory_space<vmem>>, vector<1x16xf32>,
      %get3A_213 = vector.shape_cast %get3A_212 : vector<1x16xf32> to vector<16xf32>
      %get3A_214 = arith.index_cast %scan3A_24 : i32 to index
      %get3A_215 = arith.constant 176 : index
      %get3A_216 = tpu.vector_load %arg10[%get3A_214, %get3A_215] {strides = array<i32>} : memref<32x1024xf32, #tpu.memory_space<vmem>>, vector<1x16xf32>,
      %get3A_217 = vector.shape_cast %get3A_216 : vector<1x16xf32> to vector<16xf32>
      %mul3A_218 = arith.mulf %get3A_213, %get3A_30 : vector<16xf32>
      %mul3A_219 = arith.mulf %get3A_217, %get3A_34 : vector<16xf32>
      %add3A_220 = arith.addf %mul3A_218, %mul3A_219 : vector<16xf32>
      %swap3A_221 = arith.index_cast %scan3A_24 : i32 to index
      %swap3A_222 = arith.constant 176 : index
      %swap3A_223 = tpu.vector_load %arg9[%swap3A_221, %swap3A_222] {strides = array<i32>} : memref<32x1024xf32, #tpu.memory_space<vmem>>, vector<1x16xf32>,
      %swap3A_224 = vector.shape_cast %swap3A_223 : vector<1x16xf32> to vector<16xf32>
      %swap3A_225 = vector.shape_cast %add3A_220 : vector<16xf32> to vector<1x16xf32>
      tpu.vector_store %arg9[%swap3A_221, %swap3A_222], %swap3A_225 {strides = array<i32>} : memref<32x1024xf32, #tpu.memory_space<vmem>>, vector<1x16xf32>,
      %get3A_226 = arith.index_cast %scan3A_24 : i32 to index
      %get3A_227 = arith.constant 192 : index
      %get3A_228 = tpu.vector_load %arg9[%get3A_226, %get3A_227] {strides = array<i32>} : memref<32x1024xf32, #tpu.memory_space<vmem>>, vector<1x16xf32>,
      %get3A_229 = vector.shape_cast %get3A_228 : vector<1x16xf32> to vector<16xf32>
      %get3A_230 = arith.index_cast %scan3A_24 : i32 to index
      %get3A_231 = arith.constant 192 : index
      %get3A_232 = tpu.vector_load %arg10[%get3A_230, %get3A_231] {strides = array<i32>} : memref<32x1024xf32, #tpu.memory_space<vmem>>, vector<1x16xf32>,
      %get3A_233 = vector.shape_cast %get3A_232 : vector<1x16xf32> to vector<16xf32>
      %mul3A_234 = arith.mulf %get3A_229, %get3A_30 : vector<16xf32>
      %mul3A_235 = arith.mulf %get3A_233, %get3A_34 : vector<16xf32>
      %add3A_236 = arith.addf %mul3A_234, %mul3A_235 : vector<16xf32>
      %swap3A_237 = arith.index_cast %scan3A_24 : i32 to index
      %swap3A_238 = arith.constant 192 : index
      %swap3A_239 = tpu.vector_load %arg9[%swap3A_237, %swap3A_238] {strides = array<i32>} : memref<32x1024xf32, #tpu.memory_space<vmem>>, vector<1x16xf32>,
      %swap3A_240 = vector.shape_cast %swap3A_239 : vector<1x16xf32> to vector<16xf32>
      %swap3A_241 = vector.shape_cast %add3A_236 : vector<16xf32> to vector<1x16xf32>
      tpu.vector_store %arg9[%swap3A_237, %swap3A_238], %swap3A_241 {strides = array<i32>} : memref<32x1024xf32, #tpu.memory_space<vmem>>, vector<1x16xf32>,
      %get3A_242 = arith.index_cast %scan3A_24 : i32 to index
      %get3A_243 = arith.constant 208 : index
      %get3A_244 = tpu.vector_load %arg9[%get3A_242, %get3A_243] {strides = array<i32>} : memref<32x1024xf32, #tpu.memory_space<vmem>>, vector<1x16xf32>,
      %get3A_245 = vector.shape_cast %get3A_244 : vector<1x16xf32> to vector<16xf32>
      %get3A_246 = arith.index_cast %scan3A_24 : i32 to index
      %get3A_247 = arith.constant 208 : index
      %get3A_248 = tpu.vector_load %arg10[%get3A_246, %get3A_247] {strides = array<i32>} : memref<32x1024xf32, #tpu.memory_space<vmem>>, vector<1x16xf32>,
      %get3A_249 = vector.shape_cast %get3A_248 : vector<1x16xf32> to vector<16xf32>
      %mul3A_250 = arith.mulf %get3A_245, %get3A_30 : vector<16xf32>
      %mul3A_251 = arith.mulf %get3A_249, %get3A_34 : vector<16xf32>
      %add3A_252 = arith.addf %mul3A_250, %mul3A_251 : vector<16xf32>
      %swap3A_253 = arith.index_cast %scan3A_24 : i32 to index
      %swap3A_254 = arith.constant 208 : index
      %swap3A_255 = tpu.vector_load %arg9[%swap3A_253, %swap3A_254] {strides = array<i32>} : memref<32x1024xf32, #tpu.memory_space<vmem>>, vector<1x16xf32>,
      %swap3A_256 = vector.shape_cast %swap3A_255 : vector<1x16xf32> to vector<16xf32>
      %swap3A_257 = vector.shape_cast %add3A_252 : vector<16xf32> to vector<1x16xf32>
      tpu.vector_store %arg9[%swap3A_253, %swap3A_254], %swap3A_257 {strides = array<i32>} : memref<32x1024xf32, #tpu.memory_space<vmem>>, vector<1x16xf32>,
      %get3A_258 = arith.index_cast %scan3A_24 : i32 to index
      %get3A_259 = arith.constant 224 : index
      %get3A_260 = tpu.vector_load %arg9[%get3A_258, %get3A_259] {strides = array<i32>} : memref<32x1024xf32, #tpu.memory_space<vmem>>, vector<1x16xf32>,
      %get3A_261 = vector.shape_cast %get3A_260 : vector<1x16xf32> to vector<16xf32>
      %get3A_262 = arith.index_cast %scan3A_24 : i32 to index
      %get3A_263 = arith.constant 224 : index
      %get3A_264 = tpu.vector_load %arg10[%get3A_262, %get3A_263] {strides = array<i32>} : memref<32x1024xf32, #tpu.memory_space<vmem>>, vector<1x16xf32>,
      %get3A_265 = vector.shape_cast %get3A_264 : vector<1x16xf32> to vector<16xf32>
      %mul3A_266 = arith.mulf %get3A_261, %get3A_30 : vector<16xf32>
      %mul3A_267 = arith.mulf %get3A_265, %get3A_34 : vector<16xf32>
      %add3A_268 = arith.addf %mul3A_266, %mul3A_267 : vector<16xf32>
      %swap3A_269 = arith.index_cast %scan3A_24 : i32 to index
      %swap3A_270 = arith.constant 224 : index
      %swap3A_271 = tpu.vector_load %arg9[%swap3A_269, %swap3A_270] {strides = array<i32>} : memref<32x1024xf32, #tpu.memory_space<vmem>>, vector<1x16xf32>,
      %swap3A_272 = vector.shape_cast %swap3A_271 : vector<1x16xf32> to vector<16xf32>
      %swap3A_273 = vector.shape_cast %add3A_268 : vector<16xf32> to vector<1x16xf32>
      tpu.vector_store %arg9[%swap3A_269, %swap3A_270], %swap3A_273 {strides = array<i32>} : memref<32x1024xf32, #tpu.memory_space<vmem>>, vector<1x16xf32>,
      %get3A_274 = arith.index_cast %scan3A_24 : i32 to index
      %get3A_275 = arith.constant 240 : index
      %get3A_276 = tpu.vector_load %arg9[%get3A_274, %get3A_275] {strides = array<i32>} : memref<32x1024xf32, #tpu.memory_space<vmem>>, vector<1x16xf32>,
      %get3A_277 = vector.shape_cast %get3A_276 : vector<1x16xf32> to vector<16xf32>
      %get3A_278 = arith.index_cast %scan3A_24 : i32 to index
      %get3A_279 = arith.constant 240 : index
      %get3A_280 = tpu.vector_load %arg10[%get3A_278, %get3A_279] {strides = array<i32>} : memref<32x1024xf32, #tpu.memory_space<vmem>>, vector<1x16xf32>,
      %get3A_281 = vector.shape_cast %get3A_280 : vector<1x16xf32> to vector<16xf32>
      %mul3A_282 = arith.mulf %get3A_277, %get3A_30 : vector<16xf32>
      %mul3A_283 = arith.mulf %get3A_281, %get3A_34 : vector<16xf32>
      %add3A_284 = arith.addf %mul3A_282, %mul3A_283 : vector<16xf32>
      %swap3A_285 = arith.index_cast %scan3A_24 : i32 to index
      %swap3A_286 = arith.constant 240 : index
      %swap3A_287 = tpu.vector_load %arg9[%swap3A_285, %swap3A_286] {strides = array<i32>} : memref<32x1024xf32, #tpu.memory_space<vmem>>, vector<1x16xf32>,
      %swap3A_288 = vector.shape_cast %swap3A_287 : vector<1x16xf32> to vector<16xf32>
      %swap3A_289 = vector.shape_cast %add3A_284 : vector<16xf32> to vector<1x16xf32>
      tpu.vector_store %arg9[%swap3A_285, %swap3A_286], %swap3A_289 {strides = array<i32>} : memref<32x1024xf32, #tpu.memory_space<vmem>>, vector<1x16xf32>,
      %get3A_290 = arith.index_cast %scan3A_24 : i32 to index
      %get3A_291 = arith.constant 256 : index
      %get3A_292 = tpu.vector_load %arg9[%get3A_290, %get3A_291] {strides = array<i32>} : memref<32x1024xf32, #tpu.memory_space<vmem>>, vector<1x16xf32>,
      %get3A_293 = vector.shape_cast %get3A_292 : vector<1x16xf32> to vector<16xf32>
      %get3A_294 = arith.index_cast %scan3A_24 : i32 to index
      %get3A_295 = arith.constant 256 : index
      %get3A_296 = tpu.vector_load %arg10[%get3A_294, %get3A_295] {strides = array<i32>} : memref<32x1024xf32, #tpu.memory_space<vmem>>, vector<1x16xf32>,
      %get3A_297 = vector.shape_cast %get3A_296 : vector<1x16xf32> to vector<16xf32>
      %mul3A_298 = arith.mulf %get3A_293, %get3A_30 : vector<16xf32>
      %mul3A_299 = arith.mulf %get3A_297, %get3A_34 : vector<16xf32>
      %add3A_300 = arith.addf %mul3A_298, %mul3A_299 : vector<16xf32>
      %swap3A_301 = arith.index_cast %scan3A_24 : i32 to index
      %swap3A_302 = arith.constant 256 : index
      %swap3A_303 = tpu.vector_load %arg9[%swap3A_301, %swap3A_302] {strides = array<i32>} : memref<32x1024xf32, #tpu.memory_space<vmem>>, vector<1x16xf32>,
      %swap3A_304 = vector.shape_cast %swap3A_303 : vector<1x16xf32> to vector<16xf32>
      %swap3A_305 = vector.shape_cast %add3A_300 : vector<16xf32> to vector<1x16xf32>
      tpu.vector_store %arg9[%swap3A_301, %swap3A_302], %swap3A_305 {strides = array<i32>} : memref<32x1024xf32, #tpu.memory_space<vmem>>, vector<1x16xf32>,
      %get3A_306 = arith.index_cast %scan3A_24 : i32 to index
      %get3A_307 = arith.constant 272 : index
      %get3A_308 = tpu.vector_load %arg9[%get3A_306, %get3A_307] {strides = array<i32>} : memref<32x1024xf32, #tpu.memory_space<vmem>>, vector<1x16xf32>,
      %get3A_309 = vector.shape_cast %get3A_308 : vector<1x16xf32> to vector<16xf32>
      %get3A_310 = arith.index_cast %scan3A_24 : i32 to index
      %get3A_311 = arith.constant 272 : index
      %get3A_312 = tpu.vector_load %arg10[%get3A_310, %get3A_311] {strides = array<i32>} : memref<32x1024xf32, #tpu.memory_space<vmem>>, vector<1x16xf32>,
      %get3A_313 = vector.shape_cast %get3A_312 : vector<1x16xf32> to vector<16xf32>
      %mul3A_314 = arith.mulf %get3A_309, %get3A_30 : vector<16xf32>
      %mul3A_315 = arith.mulf %get3A_313, %get3A_34 : vector<16xf32>
      %add3A_316 = arith.addf %mul3A_314, %mul3A_315 : vector<16xf32>
      %swap3A_317 = arith.index_cast %scan3A_24 : i32 to index
      %swap3A_318 = arith.constant 272 : index
      %swap3A_319 = tpu.vector_load %arg9[%swap3A_317, %swap3A_318] {strides = array<i32>} : memref<32x1024xf32, #tpu.memory_space<vmem>>, vector<1x16xf32>,
      %swap3A_320 = vector.shape_cast %swap3A_319 : vector<1x16xf32> to vector<16xf32>
      %swap3A_321 = vector.shape_cast %add3A_316 : vector<16xf32> to vector<1x16xf32>
      tpu.vector_store %arg9[%swap3A_317, %swap3A_318], %swap3A_321 {strides = array<i32>} : memref<32x1024xf32, #tpu.memory_space<vmem>>, vector<1x16xf32>,
      %get3A_322 = arith.index_cast %scan3A_24 : i32 to index
      %get3A_323 = arith.constant 288 : index
      %get3A_324 = tpu.vector_load %arg9[%get3A_322, %get3A_323] {strides = array<i32>} : memref<32x1024xf32, #tpu.memory_space<vmem>>, vector<1x16xf32>,
      %get3A_325 = vector.shape_cast %get3A_324 : vector<1x16xf32> to vector<16xf32>
      %get3A_326 = arith.index_cast %scan3A_24 : i32 to index
      %get3A_327 = arith.constant 288 : index
      %get3A_328 = tpu.vector_load %arg10[%get3A_326, %get3A_327] {strides = array<i32>} : memref<32x1024xf32, #tpu.memory_space<vmem>>, vector<1x16xf32>,
      %get3A_329 = vector.shape_cast %get3A_328 : vector<1x16xf32> to vector<16xf32>
      %mul3A_330 = arith.mulf %get3A_325, %get3A_30 : vector<16xf32>
      %mul3A_331 = arith.mulf %get3A_329, %get3A_34 : vector<16xf32>
      %add3A_332 = arith.addf %mul3A_330, %mul3A_331 : vector<16xf32>
      %swap3A_333 = arith.index_cast %scan3A_24 : i32 to index
      %swap3A_334 = arith.constant 288 : index
      %swap3A_335 = tpu.vector_load %arg9[%swap3A_333, %swap3A_334] {strides = array<i32>} : memref<32x1024xf32, #tpu.memory_space<vmem>>, vector<1x16xf32>,
      %swap3A_336 = vector.shape_cast %swap3A_335 : vector<1x16xf32> to vector<16xf32>
      %swap3A_337 = vector.shape_cast %add3A_332 : vector<16xf32> to vector<1x16xf32>
      tpu.vector_store %arg9[%swap3A_333, %swap3A_334], %swap3A_337 {strides = array<i32>} : memref<32x1024xf32, #tpu.memory_space<vmem>>, vector<1x16xf32>,
      %get3A_338 = arith.index_cast %scan3A_24 : i32 to index
      %get3A_339 = arith.constant 304 : index
      %get3A_340 = tpu.vector_load %arg9[%get3A_338, %get3A_339] {strides = array<i32>} : memref<32x1024xf32, #tpu.memory_space<vmem>>, vector<1x16xf32>,
      %get3A_341 = vector.shape_cast %get3A_340 : vector<1x16xf32> to vector<16xf32>
      %get3A_342 = arith.index_cast %scan3A_24 : i32 to index
      %get3A_343 = arith.constant 304 : index
      %get3A_344 = tpu.vector_load %arg10[%get3A_342, %get3A_343] {strides = array<i32>} : memref<32x1024xf32, #tpu.memory_space<vmem>>, vector<1x16xf32>,
      %get3A_345 = vector.shape_cast %get3A_344 : vector<1x16xf32> to vector<16xf32>
      %mul3A_346 = arith.mulf %get3A_341, %get3A_30 : vector<16xf32>
      %mul3A_347 = arith.mulf %get3A_345, %get3A_34 : vector<16xf32>
      %add3A_348 = arith.addf %mul3A_346, %mul3A_347 : vector<16xf32>
      %swap3A_349 = arith.index_cast %scan3A_24 : i32 to index
      %swap3A_350 = arith.constant 304 : index
      %swap3A_351 = tpu.vector_load %arg9[%swap3A_349, %swap3A_350] {strides = array<i32>} : memref<32x1024xf32, #tpu.memory_space<vmem>>, vector<1x16xf32>,
      %swap3A_352 = vector.shape_cast %swap3A_351 : vector<1x16xf32> to vector<16xf32>
      %swap3A_353 = vector.shape_cast %add3A_348 : vector<16xf32> to vector<1x16xf32>
      tpu.vector_store %arg9[%swap3A_349, %swap3A_350], %swap3A_353 {strides = array<i32>} : memref<32x1024xf32, #tpu.memory_space<vmem>>, vector<1x16xf32>,
      %get3A_354 = arith.index_cast %scan3A_24 : i32 to index
      %get3A_355 = arith.constant 320 : index
      %get3A_356 = tpu.vector_load %arg9[%get3A_354, %get3A_355] {strides = array<i32>} : memref<32x1024xf32, #tpu.memory_space<vmem>>, vector<1x16xf32>,
      %get3A_357 = vector.shape_cast %get3A_356 : vector<1x16xf32> to vector<16xf32>
      %get3A_358 = arith.index_cast %scan3A_24 : i32 to index
      %get3A_359 = arith.constant 320 : index
      %get3A_360 = tpu.vector_load %arg10[%get3A_358, %get3A_359] {strides = array<i32>} : memref<32x1024xf32, #tpu.memory_space<vmem>>, vector<1x16xf32>,
      %get3A_361 = vector.shape_cast %get3A_360 : vector<1x16xf32> to vector<16xf32>
      %mul3A_362 = arith.mulf %get3A_357, %get3A_30 : vector<16xf32>
      %mul3A_363 = arith.mulf %get3A_361, %get3A_34 : vector<16xf32>
      %add3A_364 = arith.addf %mul3A_362, %mul3A_363 : vector<16xf32>
      %swap3A_365 = arith.index_cast %scan3A_24 : i32 to index
      %swap3A_366 = arith.constant 320 : index
      %swap3A_367 = tpu.vector_load %arg9[%swap3A_365, %swap3A_366] {strides = array<i32>} : memref<32x1024xf32, #tpu.memory_space<vmem>>, vector<1x16xf32>,
      %swap3A_368 = vector.shape_cast %swap3A_367 : vector<1x16xf32> to vector<16xf32>
      %swap3A_369 = vector.shape_cast %add3A_364 : vector<16xf32> to vector<1x16xf32>
      tpu.vector_store %arg9[%swap3A_365, %swap3A_366], %swap3A_369 {strides = array<i32>} : memref<32x1024xf32, #tpu.memory_space<vmem>>, vector<1x16xf32>,
      %get3A_370 = arith.index_cast %scan3A_24 : i32 to index
      %get3A_371 = arith.constant 336 : index
      %get3A_372 = tpu.vector_load %arg9[%get3A_370, %get3A_371] {strides = array<i32>} : memref<32x1024xf32, #tpu.memory_space<vmem>>, vector<1x16xf32>,
      %get3A_373 = vector.shape_cast %get3A_372 : vector<1x16xf32> to vector<16xf32>
      %get3A_374 = arith.index_cast %scan3A_24 : i32 to index
      %get3A_375 = arith.constant 336 : index
      %get3A_376 = tpu.vector_load %arg10[%get3A_374, %get3A_375] {strides = array<i32>} : memref<32x1024xf32, #tpu.memory_space<vmem>>, vector<1x16xf32>,
      %get3A_377 = vector.shape_cast %get3A_376 : vector<1x16xf32> to vector<16xf32>
      %mul3A_378 = arith.mulf %get3A_373, %get3A_30 : vector<16xf32>
      %mul3A_379 = arith.mulf %get3A_377, %get3A_34 : vector<16xf32>
      %add3A_380 = arith.addf %mul3A_378, %mul3A_379 : vector<16xf32>
      %swap3A_381 = arith.index_cast %scan3A_24 : i32 to index
      %swap3A_382 = arith.constant 336 : index
      %swap3A_383 = tpu.vector_load %arg9[%swap3A_381, %swap3A_382] {strides = array<i32>} : memref<32x1024xf32, #tpu.memory_space<vmem>>, vector<1x16xf32>,
      %swap3A_384 = vector.shape_cast %swap3A_383 : vector<1x16xf32> to vector<16xf32>
      %swap3A_385 = vector.shape_cast %add3A_380 : vector<16xf32> to vector<1x16xf32>
      tpu.vector_store %arg9[%swap3A_381, %swap3A_382], %swap3A_385 {strides = array<i32>} : memref<32x1024xf32, #tpu.memory_space<vmem>>, vector<1x16xf32>,
      %get3A_386 = arith.index_cast %scan3A_24 : i32 to index
      %get3A_387 = arith.constant 352 : index
      %get3A_388 = tpu.vector_load %arg9[%get3A_386, %get3A_387] {strides = array<i32>} : memref<32x1024xf32, #tpu.memory_space<vmem>>, vector<1x16xf32>,
      %get3A_389 = vector.shape_cast %get3A_388 : vector<1x16xf32> to vector<16xf32>
      %get3A_390 = arith.index_cast %scan3A_24 : i32 to index
      %get3A_391 = arith.constant 352 : index
      %get3A_392 = tpu.vector_load %arg10[%get3A_390, %get3A_391] {strides = array<i32>} : memref<32x1024xf32, #tpu.memory_space<vmem>>, vector<1x16xf32>,
      %get3A_393 = vector.shape_cast %get3A_392 : vector<1x16xf32> to vector<16xf32>
      %mul3A_394 = arith.mulf %get3A_389, %get3A_30 : vector<16xf32>
      %mul3A_395 = arith.mulf %get3A_393, %get3A_34 : vector<16xf32>
      %add3A_396 = arith.addf %mul3A_394, %mul3A_395 : vector<16xf32>
      %swap3A_397 = arith.index_cast %scan3A_24 : i32 to index
      %swap3A_398 = arith.constant 352 : index
      %swap3A_399 = tpu.vector_load %arg9[%swap3A_397, %swap3A_398] {strides = array<i32>} : memref<32x1024xf32, #tpu.memory_space<vmem>>, vector<1x16xf32>,
      %swap3A_400 = vector.shape_cast %swap3A_399 : vector<1x16xf32> to vector<16xf32>
      %swap3A_401 = vector.shape_cast %add3A_396 : vector<16xf32> to vector<1x16xf32>
      tpu.vector_store %arg9[%swap3A_397, %swap3A_398], %swap3A_401 {strides = array<i32>} : memref<32x1024xf32, #tpu.memory_space<vmem>>, vector<1x16xf32>,
      %get3A_402 = arith.index_cast %scan3A_24 : i32 to index
      %get3A_403 = arith.constant 368 : index
      %get3A_404 = tpu.vector_load %arg9[%get3A_402, %get3A_403] {strides = array<i32>} : memref<32x1024xf32, #tpu.memory_space<vmem>>, vector<1x16xf32>,
      %get3A_405 = vector.shape_cast %get3A_404 : vector<1x16xf32> to vector<16xf32>
      %get3A_406 = arith.index_cast %scan3A_24 : i32 to index
      %get3A_407 = arith.constant 368 : index
      %get3A_408 = tpu.vector_load %arg10[%get3A_406, %get3A_407] {strides = array<i32>} : memref<32x1024xf32, #tpu.memory_space<vmem>>, vector<1x16xf32>,
      %get3A_409 = vector.shape_cast %get3A_408 : vector<1x16xf32> to vector<16xf32>
      %mul3A_410 = arith.mulf %get3A_405, %get3A_30 : vector<16xf32>
      %mul3A_411 = arith.mulf %get3A_409, %get3A_34 : vector<16xf32>
      %add3A_412 = arith.addf %mul3A_410, %mul3A_411 : vector<16xf32>
      %swap3A_413 = arith.index_cast %scan3A_24 : i32 to index
      %swap3A_414 = arith.constant 368 : index
      %swap3A_415 = tpu.vector_load %arg9[%swap3A_413, %swap3A_414] {strides = array<i32>} : memref<32x1024xf32, #tpu.memory_space<vmem>>, vector<1x16xf32>,
      %swap3A_416 = vector.shape_cast %swap3A_415 : vector<1x16xf32> to vector<16xf32>
      %swap3A_417 = vector.shape_cast %add3A_412 : vector<16xf32> to vector<1x16xf32>
      tpu.vector_store %arg9[%swap3A_413, %swap3A_414], %swap3A_417 {strides = array<i32>} : memref<32x1024xf32, #tpu.memory_space<vmem>>, vector<1x16xf32>,
      %get3A_418 = arith.index_cast %scan3A_24 : i32 to index
      %get3A_419 = arith.constant 384 : index
      %get3A_420 = tpu.vector_load %arg9[%get3A_418, %get3A_419] {strides = array<i32>} : memref<32x1024xf32, #tpu.memory_space<vmem>>, vector<1x16xf32>,
      %get3A_421 = vector.shape_cast %get3A_420 : vector<1x16xf32> to vector<16xf32>
      %get3A_422 = arith.index_cast %scan3A_24 : i32 to index
      %get3A_423 = arith.constant 384 : index
      %get3A_424 = tpu.vector_load %arg10[%get3A_422, %get3A_423] {strides = array<i32>} : memref<32x1024xf32, #tpu.memory_space<vmem>>, vector<1x16xf32>,
      %get3A_425 = vector.shape_cast %get3A_424 : vector<1x16xf32> to vector<16xf32>
      %mul3A_426 = arith.mulf %get3A_421, %get3A_30 : vector<16xf32>
      %mul3A_427 = arith.mulf %get3A_425, %get3A_34 : vector<16xf32>
      %add3A_428 = arith.addf %mul3A_426, %mul3A_427 : vector<16xf32>
      %swap3A_429 = arith.index_cast %scan3A_24 : i32 to index
      %swap3A_430 = arith.constant 384 : index
      %swap3A_431 = tpu.vector_load %arg9[%swap3A_429, %swap3A_430] {strides = array<i32>} : memref<32x1024xf32, #tpu.memory_space<vmem>>, vector<1x16xf32>,
      %swap3A_432 = vector.shape_cast %swap3A_431 : vector<1x16xf32> to vector<16xf32>
      %swap3A_433 = vector.shape_cast %add3A_428 : vector<16xf32> to vector<1x16xf32>
      tpu.vector_store %arg9[%swap3A_429, %swap3A_430], %swap3A_433 {strides = array<i32>} : memref<32x1024xf32, #tpu.memory_space<vmem>>, vector<1x16xf32>,
      %get3A_434 = arith.index_cast %scan3A_24 : i32 to index
      %get3A_435 = arith.constant 400 : index
      %get3A_436 = tpu.vector_load %arg9[%get3A_434, %get3A_435] {strides = array<i32>} : memref<32x1024xf32, #tpu.memory_space<vmem>>, vector<1x16xf32>,
      %get3A_437 = vector.shape_cast %get3A_436 : vector<1x16xf32> to vector<16xf32>
      %get3A_438 = arith.index_cast %scan3A_24 : i32 to index
      %get3A_439 = arith.constant 400 : index
      %get3A_440 = tpu.vector_load %arg10[%get3A_438, %get3A_439] {strides = array<i32>} : memref<32x1024xf32, #tpu.memory_space<vmem>>, vector<1x16xf32>,
      %get3A_441 = vector.shape_cast %get3A_440 : vector<1x16xf32> to vector<16xf32>
      %mul3A_442 = arith.mulf %get3A_437, %get3A_30 : vector<16xf32>
      %mul3A_443 = arith.mulf %get3A_441, %get3A_34 : vector<16xf32>
      %add3A_444 = arith.addf %mul3A_442, %mul3A_443 : vector<16xf32>
      %swap3A_445 = arith.index_cast %scan3A_24 : i32 to index
      %swap3A_446 = arith.constant 400 : index
      %swap3A_447 = tpu.vector_load %arg9[%swap3A_445, %swap3A_446] {strides = array<i32>} : memref<32x1024xf32, #tpu.memory_space<vmem>>, vector<1x16xf32>,
      %swap3A_448 = vector.shape_cast %swap3A_447 : vector<1x16xf32> to vector<16xf32>
      %swap3A_449 = vector.shape_cast %add3A_444 : vector<16xf32> to vector<1x16xf32>
      tpu.vector_store %arg9[%swap3A_445, %swap3A_446], %swap3A_449 {strides = array<i32>} : memref<32x1024xf32, #tpu.memory_space<vmem>>, vector<1x16xf32>,
      %get3A_450 = arith.index_cast %scan3A_24 : i32 to index
      %get3A_451 = arith.constant 416 : index
      %get3A_452 = tpu.vector_load %arg9[%get3A_450, %get3A_451] {strides = array<i32>} : memref<32x1024xf32, #tpu.memory_space<vmem>>, vector<1x16xf32>,
      %get3A_453 = vector.shape_cast %get3A_452 : vector<1x16xf32> to vector<16xf32>
      %get3A_454 = arith.index_cast %scan3A_24 : i32 to index
      %get3A_455 = arith.constant 416 : index
      %get3A_456 = tpu.vector_load %arg10[%get3A_454, %get3A_455] {strides = array<i32>} : memref<32x1024xf32, #tpu.memory_space<vmem>>, vector<1x16xf32>,
      %get3A_457 = vector.shape_cast %get3A_456 : vector<1x16xf32> to vector<16xf32>
      %mul3A_458 = arith.mulf %get3A_453, %get3A_30 : vector<16xf32>
      %mul3A_459 = arith.mulf %get3A_457, %get3A_34 : vector<16xf32>
      %add3A_460 = arith.addf %mul3A_458, %mul3A_459 : vector<16xf32>
      %swap3A_461 = arith.index_cast %scan3A_24 : i32 to index
      %swap3A_462 = arith.constant 416 : index
      %swap3A_463 = tpu.vector_load %arg9[%swap3A_461, %swap3A_462] {strides = array<i32>} : memref<32x1024xf32, #tpu.memory_space<vmem>>, vector<1x16xf32>,
      %swap3A_464 = vector.shape_cast %swap3A_463 : vector<1x16xf32> to vector<16xf32>
      %swap3A_465 = vector.shape_cast %add3A_460 : vector<16xf32> to vector<1x16xf32>
      tpu.vector_store %arg9[%swap3A_461, %swap3A_462], %swap3A_465 {strides = array<i32>} : memref<32x1024xf32, #tpu.memory_space<vmem>>, vector<1x16xf32>,
      %get3A_466 = arith.index_cast %scan3A_24 : i32 to index
      %get3A_467 = arith.constant 432 : index
      %get3A_468 = tpu.vector_load %arg9[%get3A_466, %get3A_467] {strides = array<i32>} : memref<32x1024xf32, #tpu.memory_space<vmem>>, vector<1x16xf32>,
      %get3A_469 = vector.shape_cast %get3A_468 : vector<1x16xf32> to vector<16xf32>
      %get3A_470 = arith.index_cast %scan3A_24 : i32 to index
      %get3A_471 = arith.constant 432 : index
      %get3A_472 = tpu.vector_load %arg10[%get3A_470, %get3A_471] {strides = array<i32>} : memref<32x1024xf32, #tpu.memory_space<vmem>>, vector<1x16xf32>,
      %get3A_473 = vector.shape_cast %get3A_472 : vector<1x16xf32> to vector<16xf32>
      %mul3A_474 = arith.mulf %get3A_469, %get3A_30 : vector<16xf32>
      %mul3A_475 = arith.mulf %get3A_473, %get3A_34 : vector<16xf32>
      %add3A_476 = arith.addf %mul3A_474, %mul3A_475 : vector<16xf32>
      %swap3A_477 = arith.index_cast %scan3A_24 : i32 to index
      %swap3A_478 = arith.constant 432 : index
      %swap3A_479 = tpu.vector_load %arg9[%swap3A_477, %swap3A_478] {strides = array<i32>} : memref<32x1024xf32, #tpu.memory_space<vmem>>, vector<1x16xf32>,
      %swap3A_480 = vector.shape_cast %swap3A_479 : vector<1x16xf32> to vector<16xf32>
      %swap3A_481 = vector.shape_cast %add3A_476 : vector<16xf32> to vector<1x16xf32>
      tpu.vector_store %arg9[%swap3A_477, %swap3A_478], %swap3A_481 {strides = array<i32>} : memref<32x1024xf32, #tpu.memory_space<vmem>>, vector<1x16xf32>,
      %get3A_482 = arith.index_cast %scan3A_24 : i32 to index
      %get3A_483 = arith.constant 448 : index
      %get3A_484 = tpu.vector_load %arg9[%get3A_482, %get3A_483] {strides = array<i32>} : memref<32x1024xf32, #tpu.memory_space<vmem>>, vector<1x16xf32>,
      %get3A_485 = vector.shape_cast %get3A_484 : vector<1x16xf32> to vector<16xf32>
      %get3A_486 = arith.index_cast %scan3A_24 : i32 to index
      %get3A_487 = arith.constant 448 : index
      %get3A_488 = tpu.vector_load %arg10[%get3A_486, %get3A_487] {strides = array<i32>} : memref<32x1024xf32, #tpu.memory_space<vmem>>, vector<1x16xf32>,
      %get3A_489 = vector.shape_cast %get3A_488 : vector<1x16xf32> to vector<16xf32>
      %mul3A_490 = arith.mulf %get3A_485, %get3A_30 : vector<16xf32>
      %mul3A_491 = arith.mulf %get3A_489, %get3A_34 : vector<16xf32>
      %add3A_492 = arith.addf %mul3A_490, %mul3A_491 : vector<16xf32>
      %swap3A_493 = arith.index_cast %scan3A_24 : i32 to index
      %swap3A_494 = arith.constant 448 : index
      %swap3A_495 = tpu.vector_load %arg9[%swap3A_493, %swap3A_494] {strides = array<i32>} : memref<32x1024xf32, #tpu.memory_space<vmem>>, vector<1x16xf32>,
      %swap3A_496 = vector.shape_cast %swap3A_495 : vector<1x16xf32> to vector<16xf32>
      %swap3A_497 = vector.shape_cast %add3A_492 : vector<16xf32> to vector<1x16xf32>
      tpu.vector_store %arg9[%swap3A_493, %swap3A_494], %swap3A_497 {strides = array<i32>} : memref<32x1024xf32, #tpu.memory_space<vmem>>, vector<1x16xf32>,
      %get3A_498 = arith.index_cast %scan3A_24 : i32 to index
      %get3A_499 = arith.constant 464 : index
      %get3A_500 = tpu.vector_load %arg9[%get3A_498, %get3A_499] {strides = array<i32>} : memref<32x1024xf32, #tpu.memory_space<vmem>>, vector<1x16xf32>,
      %get3A_501 = vector.shape_cast %get3A_500 : vector<1x16xf32> to vector<16xf32>
      %get3A_502 = arith.index_cast %scan3A_24 : i32 to index
      %get3A_503 = arith.constant 464 : index
      %get3A_504 = tpu.vector_load %arg10[%get3A_502, %get3A_503] {strides = array<i32>} : memref<32x1024xf32, #tpu.memory_space<vmem>>, vector<1x16xf32>,
      %get3A_505 = vector.shape_cast %get3A_504 : vector<1x16xf32> to vector<16xf32>
      %mul3A_506 = arith.mulf %get3A_501, %get3A_30 : vector<16xf32>
      %mul3A_507 = arith.mulf %get3A_505, %get3A_34 : vector<16xf32>
      %add3A_508 = arith.addf %mul3A_506, %mul3A_507 : vector<16xf32>
      %swap3A_509 = arith.index_cast %scan3A_24 : i32 to index
      %swap3A_510 = arith.constant 464 : index
      %swap3A_511 = tpu.vector_load %arg9[%swap3A_509, %swap3A_510] {strides = array<i32>} : memref<32x1024xf32, #tpu.memory_space<vmem>>, vector<1x16xf32>,
      %swap3A_512 = vector.shape_cast %swap3A_511 : vector<1x16xf32> to vector<16xf32>
      %swap3A_513 = vector.shape_cast %add3A_508 : vector<16xf32> to vector<1x16xf32>
      tpu.vector_store %arg9[%swap3A_509, %swap3A_510], %swap3A_513 {strides = array<i32>} : memref<32x1024xf32, #tpu.memory_space<vmem>>, vector<1x16xf32>,
      %get3A_514 = arith.index_cast %scan3A_24 : i32 to index
      %get3A_515 = arith.constant 480 : index
      %get3A_516 = tpu.vector_load %arg9[%get3A_514, %get3A_515] {strides = array<i32>} : memref<32x1024xf32, #tpu.memory_space<vmem>>, vector<1x16xf32>,
      %get3A_517 = vector.shape_cast %get3A_516 : vector<1x16xf32> to vector<16xf32>
      %get3A_518 = arith.index_cast %scan3A_24 : i32 to index
      %get3A_519 = arith.constant 480 : index
      %get3A_520 = tpu.vector_load %arg10[%get3A_518, %get3A_519] {strides = array<i32>} : memref<32x1024xf32, #tpu.memory_space<vmem>>, vector<1x16xf32>,
      %get3A_521 = vector.shape_cast %get3A_520 : vector<1x16xf32> to vector<16xf32>
      %mul3A_522 = arith.mulf %get3A_517, %get3A_30 : vector<16xf32>
      %mul3A_523 = arith.mulf %get3A_521, %get3A_34 : vector<16xf32>
      %add3A_524 = arith.addf %mul3A_522, %mul3A_523 : vector<16xf32>
      %swap3A_525 = arith.index_cast %scan3A_24 : i32 to index
      %swap3A_526 = arith.constant 480 : index
      %swap3A_527 = tpu.vector_load %arg9[%swap3A_525, %swap3A_526] {strides = array<i32>} : memref<32x1024xf32, #tpu.memory_space<vmem>>, vector<1x16xf32>,
      %swap3A_528 = vector.shape_cast %swap3A_527 : vector<1x16xf32> to vector<16xf32>
      %swap3A_529 = vector.shape_cast %add3A_524 : vector<16xf32> to vector<1x16xf32>
      tpu.vector_store %arg9[%swap3A_525, %swap3A_526], %swap3A_529 {strides = array<i32>} : memref<32x1024xf32, #tpu.memory_space<vmem>>, vector<1x16xf32>,
      %get3A_530 = arith.index_cast %scan3A_24 : i32 to index
      %get3A_531 = arith.constant 496 : index
      %get3A_532 = tpu.vector_load %arg9[%get3A_530, %get3A_531] {strides = array<i32>} : memref<32x1024xf32, #tpu.memory_space<vmem>>, vector<1x16xf32>,
      %get3A_533 = vector.shape_cast %get3A_532 : vector<1x16xf32> to vector<16xf32>
      %get3A_534 = arith.index_cast %scan3A_24 : i32 to index
      %get3A_535 = arith.constant 496 : index
      %get3A_536 = tpu.vector_load %arg10[%get3A_534, %get3A_535] {strides = array<i32>} : memref<32x1024xf32, #tpu.memory_space<vmem>>, vector<1x16xf32>,
      %get3A_537 = vector.shape_cast %get3A_536 : vector<1x16xf32> to vector<16xf32>
      %mul3A_538 = arith.mulf %get3A_533, %get3A_30 : vector<16xf32>
      %mul3A_539 = arith.mulf %get3A_537, %get3A_34 : vector<16xf32>
      %add3A_540 = arith.addf %mul3A_538, %mul3A_539 : vector<16xf32>
      %swap3A_541 = arith.index_cast %scan3A_24 : i32 to index
      %swap3A_542 = arith.constant 496 : index
      %swap3A_543 = tpu.vector_load %arg9[%swap3A_541, %swap3A_542] {strides = array<i32>} : memref<32x1024xf32, #tpu.memory_space<vmem>>, vector<1x16xf32>,
      %swap3A_544 = vector.shape_cast %swap3A_543 : vector<1x16xf32> to vector<16xf32>
      %swap3A_545 = vector.shape_cast %add3A_540 : vector<16xf32> to vector<1x16xf32>
      tpu.vector_store %arg9[%swap3A_541, %swap3A_542], %swap3A_545 {strides = array<i32>} : memref<32x1024xf32, #tpu.memory_space<vmem>>, vector<1x16xf32>,
      %get3A_546 = arith.index_cast %scan3A_24 : i32 to index
      %get3A_547 = arith.constant 512 : index
      %get3A_548 = tpu.vector_load %arg9[%get3A_546, %get3A_547] {strides = array<i32>} : memref<32x1024xf32, #tpu.memory_space<vmem>>, vector<1x16xf32>,
      %get3A_549 = vector.shape_cast %get3A_548 : vector<1x16xf32> to vector<16xf32>
      %get3A_550 = arith.index_cast %scan3A_24 : i32 to index
      %get3A_551 = arith.constant 512 : index
      %get3A_552 = tpu.vector_load %arg10[%get3A_550, %get3A_551] {strides = array<i32>} : memref<32x1024xf32, #tpu.memory_space<vmem>>, vector<1x16xf32>,
      %get3A_553 = vector.shape_cast %get3A_552 : vector<1x16xf32> to vector<16xf32>
      %mul3A_554 = arith.mulf %get3A_549, %get3A_30 : vector<16xf32>
      %mul3A_555 = arith.mulf %get3A_553, %get3A_34 : vector<16xf32>
      %add3A_556 = arith.addf %mul3A_554, %mul3A_555 : vector<16xf32>
      %swap3A_557 = arith.index_cast %scan3A_24 : i32 to index
      %swap3A_558 = arith.constant 512 : index
      %swap3A_559 = tpu.vector_load %arg9[%swap3A_557, %swap3A_558] {strides = array<i32>} : memref<32x1024xf32, #tpu.memory_space<vmem>>, vector<1x16xf32>,
      %swap3A_560 = vector.shape_cast %swap3A_559 : vector<1x16xf32> to vector<16xf32>
      %swap3A_561 = vector.shape_cast %add3A_556 : vector<16xf32> to vector<1x16xf32>
      tpu.vector_store %arg9[%swap3A_557, %swap3A_558], %swap3A_561 {strides = array<i32>} : memref<32x1024xf32, #tpu.memory_space<vmem>>, vector<1x16xf32>,
      %get3A_562 = arith.index_cast %scan3A_24 : i32 to index
      %get3A_563 = arith.constant 528 : index
      %get3A_564 = tpu.vector_load %arg9[%get3A_562, %get3A_563] {strides = array<i32>} : memref<32x1024xf32, #tpu.memory_space<vmem>>, vector<1x16xf32>,
      %get3A_565 = vector.shape_cast %get3A_564 : vector<1x16xf32> to vector<16xf32>
      %get3A_566 = arith.index_cast %scan3A_24 : i32 to index
      %get3A_567 = arith.constant 528 : index
      %get3A_568 = tpu.vector_load %arg10[%get3A_566, %get3A_567] {strides = array<i32>} : memref<32x1024xf32, #tpu.memory_space<vmem>>, vector<1x16xf32>,
      %get3A_569 = vector.shape_cast %get3A_568 : vector<1x16xf32> to vector<16xf32>
      %mul3A_570 = arith.mulf %get3A_565, %get3A_30 : vector<16xf32>
      %mul3A_571 = arith.mulf %get3A_569, %get3A_34 : vector<16xf32>
      %add3A_572 = arith.addf %mul3A_570, %mul3A_571 : vector<16xf32>
      %swap3A_573 = arith.index_cast %scan3A_24 : i32 to index
      %swap3A_574 = arith.constant 528 : index
      %swap3A_575 = tpu.vector_load %arg9[%swap3A_573, %swap3A_574] {strides = array<i32>} : memref<32x1024xf32, #tpu.memory_space<vmem>>, vector<1x16xf32>,
      %swap3A_576 = vector.shape_cast %swap3A_575 : vector<1x16xf32> to vector<16xf32>
      %swap3A_577 = vector.shape_cast %add3A_572 : vector<16xf32> to vector<1x16xf32>
      tpu.vector_store %arg9[%swap3A_573, %swap3A_574], %swap3A_577 {strides = array<i32>} : memref<32x1024xf32, #tpu.memory_space<vmem>>, vector<1x16xf32>,
      %get3A_578 = arith.index_cast %scan3A_24 : i32 to index
      %get3A_579 = arith.constant 544 : index
      %get3A_580 = tpu.vector_load %arg9[%get3A_578, %get3A_579] {strides = array<i32>} : memref<32x1024xf32, #tpu.memory_space<vmem>>, vector<1x16xf32>,
      %get3A_581 = vector.shape_cast %get3A_580 : vector<1x16xf32> to vector<16xf32>
      %get3A_582 = arith.index_cast %scan3A_24 : i32 to index
      %get3A_583 = arith.constant 544 : index
      %get3A_584 = tpu.vector_load %arg10[%get3A_582, %get3A_583] {strides = array<i32>} : memref<32x1024xf32, #tpu.memory_space<vmem>>, vector<1x16xf32>,
      %get3A_585 = vector.shape_cast %get3A_584 : vector<1x16xf32> to vector<16xf32>
      %mul3A_586 = arith.mulf %get3A_581, %get3A_30 : vector<16xf32>
      %mul3A_587 = arith.mulf %get3A_585, %get3A_34 : vector<16xf32>
      %add3A_588 = arith.addf %mul3A_586, %mul3A_587 : vector<16xf32>
      %swap3A_589 = arith.index_cast %scan3A_24 : i32 to index
      %swap3A_590 = arith.constant 544 : index
      %swap3A_591 = tpu.vector_load %arg9[%swap3A_589, %swap3A_590] {strides = array<i32>} : memref<32x1024xf32, #tpu.memory_space<vmem>>, vector<1x16xf32>,
      %swap3A_592 = vector.shape_cast %swap3A_591 : vector<1x16xf32> to vector<16xf32>
      %swap3A_593 = vector.shape_cast %add3A_588 : vector<16xf32> to vector<1x16xf32>
      tpu.vector_store %arg9[%swap3A_589, %swap3A_590], %swap3A_593 {strides = array<i32>} : memref<32x1024xf32, #tpu.memory_space<vmem>>, vector<1x16xf32>,
      %get3A_594 = arith.index_cast %scan3A_24 : i32 to index
      %get3A_595 = arith.constant 560 : index
      %get3A_596 = tpu.vector_load %arg9[%get3A_594, %get3A_595] {strides = array<i32>} : memref<32x1024xf32, #tpu.memory_space<vmem>>, vector<1x16xf32>,
      %get3A_597 = vector.shape_cast %get3A_596 : vector<1x16xf32> to vector<16xf32>
      %get3A_598 = arith.index_cast %scan3A_24 : i32 to index
      %get3A_599 = arith.constant 560 : index
      %get3A_600 = tpu.vector_load %arg10[%get3A_598, %get3A_599] {strides = array<i32>} : memref<32x1024xf32, #tpu.memory_space<vmem>>, vector<1x16xf32>,
      %get3A_601 = vector.shape_cast %get3A_600 : vector<1x16xf32> to vector<16xf32>
      %mul3A_602 = arith.mulf %get3A_597, %get3A_30 : vector<16xf32>
      %mul3A_603 = arith.mulf %get3A_601, %get3A_34 : vector<16xf32>
      %add3A_604 = arith.addf %mul3A_602, %mul3A_603 : vector<16xf32>
      %swap3A_605 = arith.index_cast %scan3A_24 : i32 to index
      %swap3A_606 = arith.constant 560 : index
      %swap3A_607 = tpu.vector_load %arg9[%swap3A_605, %swap3A_606] {strides = array<i32>} : memref<32x1024xf32, #tpu.memory_space<vmem>>, vector<1x16xf32>,
      %swap3A_608 = vector.shape_cast %swap3A_607 : vector<1x16xf32> to vector<16xf32>
      %swap3A_609 = vector.shape_cast %add3A_604 : vector<16xf32> to vector<1x16xf32>
      tpu.vector_store %arg9[%swap3A_605, %swap3A_606], %swap3A_609 {strides = array<i32>} : memref<32x1024xf32, #tpu.memory_space<vmem>>, vector<1x16xf32>,
      %get3A_610 = arith.index_cast %scan3A_24 : i32 to index
      %get3A_611 = arith.constant 576 : index
      %get3A_612 = tpu.vector_load %arg9[%get3A_610, %get3A_611] {strides = array<i32>} : memref<32x1024xf32, #tpu.memory_space<vmem>>, vector<1x16xf32>,
      %get3A_613 = vector.shape_cast %get3A_612 : vector<1x16xf32> to vector<16xf32>
      %get3A_614 = arith.index_cast %scan3A_24 : i32 to index
      %get3A_615 = arith.constant 576 : index
      %get3A_616 = tpu.vector_load %arg10[%get3A_614, %get3A_615] {strides = array<i32>} : memref<32x1024xf32, #tpu.memory_space<vmem>>, vector<1x16xf32>,
      %get3A_617 = vector.shape_cast %get3A_616 : vector<1x16xf32> to vector<16xf32>
      %mul3A_618 = arith.mulf %get3A_613, %get3A_30 : vector<16xf32>
      %mul3A_619 = arith.mulf %get3A_617, %get3A_34 : vector<16xf32>
      %add3A_620 = arith.addf %mul3A_618, %mul3A_619 : vector<16xf32>
      %swap3A_621 = arith.index_cast %scan3A_24 : i32 to index
      %swap3A_622 = arith.constant 576 : index
      %swap3A_623 = tpu.vector_load %arg9[%swap3A_621, %swap3A_622] {strides = array<i32>} : memref<32x1024xf32, #tpu.memory_space<vmem>>, vector<1x16xf32>,
      %swap3A_624 = vector.shape_cast %swap3A_623 : vector<1x16xf32> to vector<16xf32>
      %swap3A_625 = vector.shape_cast %add3A_620 : vector<16xf32> to vector<1x16xf32>
      tpu.vector_store %arg9[%swap3A_621, %swap3A_622], %swap3A_625 {strides = array<i32>} : memref<32x1024xf32, #tpu.memory_space<vmem>>, vector<1x16xf32>,
      %get3A_626 = arith.index_cast %scan3A_24 : i32 to index
      %get3A_627 = arith.constant 592 : index
      %get3A_628 = tpu.vector_load %arg9[%get3A_626, %get3A_627] {strides = array<i32>} : memref<32x1024xf32, #tpu.memory_space<vmem>>, vector<1x16xf32>,
      %get3A_629 = vector.shape_cast %get3A_628 : vector<1x16xf32> to vector<16xf32>
      %get3A_630 = arith.index_cast %scan3A_24 : i32 to index
      %get3A_631 = arith.constant 592 : index
      %get3A_632 = tpu.vector_load %arg10[%get3A_630, %get3A_631] {strides = array<i32>} : memref<32x1024xf32, #tpu.memory_space<vmem>>, vector<1x16xf32>,
      %get3A_633 = vector.shape_cast %get3A_632 : vector<1x16xf32> to vector<16xf32>
      %mul3A_634 = arith.mulf %get3A_629, %get3A_30 : vector<16xf32>
      %mul3A_635 = arith.mulf %get3A_633, %get3A_34 : vector<16xf32>
      %add3A_636 = arith.addf %mul3A_634, %mul3A_635 : vector<16xf32>
      %swap3A_637 = arith.index_cast %scan3A_24 : i32 to index
      %swap3A_638 = arith.constant 592 : index
      %swap3A_639 = tpu.vector_load %arg9[%swap3A_637, %swap3A_638] {strides = array<i32>} : memref<32x1024xf32, #tpu.memory_space<vmem>>, vector<1x16xf32>,
      %swap3A_640 = vector.shape_cast %swap3A_639 : vector<1x16xf32> to vector<16xf32>
      %swap3A_641 = vector.shape_cast %add3A_636 : vector<16xf32> to vector<1x16xf32>
      tpu.vector_store %arg9[%swap3A_637, %swap3A_638], %swap3A_641 {strides = array<i32>} : memref<32x1024xf32, #tpu.memory_space<vmem>>, vector<1x16xf32>,
      %get3A_642 = arith.index_cast %scan3A_24 : i32 to index
      %get3A_643 = arith.constant 608 : index
      %get3A_644 = tpu.vector_load %arg9[%get3A_642, %get3A_643] {strides = array<i32>} : memref<32x1024xf32, #tpu.memory_space<vmem>>, vector<1x16xf32>,
      %get3A_645 = vector.shape_cast %get3A_644 : vector<1x16xf32> to vector<16xf32>
      %get3A_646 = arith.index_cast %scan3A_24 : i32 to index
      %get3A_647 = arith.constant 608 : index
      %get3A_648 = tpu.vector_load %arg10[%get3A_646, %get3A_647] {strides = array<i32>} : memref<32x1024xf32, #tpu.memory_space<vmem>>, vector<1x16xf32>,
      %get3A_649 = vector.shape_cast %get3A_648 : vector<1x16xf32> to vector<16xf32>
      %mul3A_650 = arith.mulf %get3A_645, %get3A_30 : vector<16xf32>
      %mul3A_651 = arith.mulf %get3A_649, %get3A_34 : vector<16xf32>
      %add3A_652 = arith.addf %mul3A_650, %mul3A_651 : vector<16xf32>
      %swap3A_653 = arith.index_cast %scan3A_24 : i32 to index
      %swap3A_654 = arith.constant 608 : index
      %swap3A_655 = tpu.vector_load %arg9[%swap3A_653, %swap3A_654] {strides = array<i32>} : memref<32x1024xf32, #tpu.memory_space<vmem>>, vector<1x16xf32>,
      %swap3A_656 = vector.shape_cast %swap3A_655 : vector<1x16xf32> to vector<16xf32>
      %swap3A_657 = vector.shape_cast %add3A_652 : vector<16xf32> to vector<1x16xf32>
      tpu.vector_store %arg9[%swap3A_653, %swap3A_654], %swap3A_657 {strides = array<i32>} : memref<32x1024xf32, #tpu.memory_space<vmem>>, vector<1x16xf32>,
      %get3A_658 = arith.index_cast %scan3A_24 : i32 to index
      %get3A_659 = arith.constant 624 : index
      %get3A_660 = tpu.vector_load %arg9[%get3A_658, %get3A_659] {strides = array<i32>} : memref<32x1024xf32, #tpu.memory_space<vmem>>, vector<1x16xf32>,
      %get3A_661 = vector.shape_cast %get3A_660 : vector<1x16xf32> to vector<16xf32>
      %get3A_662 = arith.index_cast %scan3A_24 : i32 to index
      %get3A_663 = arith.constant 624 : index
      %get3A_664 = tpu.vector_load %arg10[%get3A_662, %get3A_663] {strides = array<i32>} : memref<32x1024xf32, #tpu.memory_space<vmem>>, vector<1x16xf32>,
      %get3A_665 = vector.shape_cast %get3A_664 : vector<1x16xf32> to vector<16xf32>
      %mul3A_666 = arith.mulf %get3A_661, %get3A_30 : vector<16xf32>
      %mul3A_667 = arith.mulf %get3A_665, %get3A_34 : vector<16xf32>
      %add3A_668 = arith.addf %mul3A_666, %mul3A_667 : vector<16xf32>
      %swap3A_669 = arith.index_cast %scan3A_24 : i32 to index
      %swap3A_670 = arith.constant 624 : index
      %swap3A_671 = tpu.vector_load %arg9[%swap3A_669, %swap3A_670] {strides = array<i32>} : memref<32x1024xf32, #tpu.memory_space<vmem>>, vector<1x16xf32>,
      %swap3A_672 = vector.shape_cast %swap3A_671 : vector<1x16xf32> to vector<16xf32>
      %swap3A_673 = vector.shape_cast %add3A_668 : vector<16xf32> to vector<1x16xf32>
      tpu.vector_store %arg9[%swap3A_669, %swap3A_670], %swap3A_673 {strides = array<i32>} : memref<32x1024xf32, #tpu.memory_space<vmem>>, vector<1x16xf32>,
      %get3A_674 = arith.index_cast %scan3A_24 : i32 to index
      %get3A_675 = arith.constant 640 : index
      %get3A_676 = tpu.vector_load %arg9[%get3A_674, %get3A_675] {strides = array<i32>} : memref<32x1024xf32, #tpu.memory_space<vmem>>, vector<1x16xf32>,
      %get3A_677 = vector.shape_cast %get3A_676 : vector<1x16xf32> to vector<16xf32>
      %get3A_678 = arith.index_cast %scan3A_24 : i32 to index
      %get3A_679 = arith.constant 640 : index
      %get3A_680 = tpu.vector_load %arg10[%get3A_678, %get3A_679] {strides = array<i32>} : memref<32x1024xf32, #tpu.memory_space<vmem>>, vector<1x16xf32>,
      %get3A_681 = vector.shape_cast %get3A_680 : vector<1x16xf32> to vector<16xf32>
      %mul3A_682 = arith.mulf %get3A_677, %get3A_30 : vector<16xf32>
      %mul3A_683 = arith.mulf %get3A_681, %get3A_34 : vector<16xf32>
      %add3A_684 = arith.addf %mul3A_682, %mul3A_683 : vector<16xf32>
      %swap3A_685 = arith.index_cast %scan3A_24 : i32 to index
      %swap3A_686 = arith.constant 640 : index
      %swap3A_687 = tpu.vector_load %arg9[%swap3A_685, %swap3A_686] {strides = array<i32>} : memref<32x1024xf32, #tpu.memory_space<vmem>>, vector<1x16xf32>,
      %swap3A_688 = vector.shape_cast %swap3A_687 : vector<1x16xf32> to vector<16xf32>
      %swap3A_689 = vector.shape_cast %add3A_684 : vector<16xf32> to vector<1x16xf32>
      tpu.vector_store %arg9[%swap3A_685, %swap3A_686], %swap3A_689 {strides = array<i32>} : memref<32x1024xf32, #tpu.memory_space<vmem>>, vector<1x16xf32>,
      %get3A_690 = arith.index_cast %scan3A_24 : i32 to index
      %get3A_691 = arith.constant 656 : index
      %get3A_692 = tpu.vector_load %arg9[%get3A_690, %get3A_691] {strides = array<i32>} : memref<32x1024xf32, #tpu.memory_space<vmem>>, vector<1x16xf32>,
      %get3A_693 = vector.shape_cast %get3A_692 : vector<1x16xf32> to vector<16xf32>
      %get3A_694 = arith.index_cast %scan3A_24 : i32 to index
      %get3A_695 = arith.constant 656 : index
      %get3A_696 = tpu.vector_load %arg10[%get3A_694, %get3A_695] {strides = array<i32>} : memref<32x1024xf32, #tpu.memory_space<vmem>>, vector<1x16xf32>,
      %get3A_697 = vector.shape_cast %get3A_696 : vector<1x16xf32> to vector<16xf32>
      %mul3A_698 = arith.mulf %get3A_693, %get3A_30 : vector<16xf32>
      %mul3A_699 = arith.mulf %get3A_697, %get3A_34 : vector<16xf32>
      %add3A_700 = arith.addf %mul3A_698, %mul3A_699 : vector<16xf32>
      %swap3A_701 = arith.index_cast %scan3A_24 : i32 to index
      %swap3A_702 = arith.constant 656 : index
      %swap3A_703 = tpu.vector_load %arg9[%swap3A_701, %swap3A_702] {strides = array<i32>} : memref<32x1024xf32, #tpu.memory_space<vmem>>, vector<1x16xf32>,
      %swap3A_704 = vector.shape_cast %swap3A_703 : vector<1x16xf32> to vector<16xf32>
      %swap3A_705 = vector.shape_cast %add3A_700 : vector<16xf32> to vector<1x16xf32>
      tpu.vector_store %arg9[%swap3A_701, %swap3A_702], %swap3A_705 {strides = array<i32>} : memref<32x1024xf32, #tpu.memory_space<vmem>>, vector<1x16xf32>,
      %get3A_706 = arith.index_cast %scan3A_24 : i32 to index
      %get3A_707 = arith.constant 672 : index
      %get3A_708 = tpu.vector_load %arg9[%get3A_706, %get3A_707] {strides = array<i32>} : memref<32x1024xf32, #tpu.memory_space<vmem>>, vector<1x16xf32>,
      %get3A_709 = vector.shape_cast %get3A_708 : vector<1x16xf32> to vector<16xf32>
      %get3A_710 = arith.index_cast %scan3A_24 : i32 to index
      %get3A_711 = arith.constant 672 : index
      %get3A_712 = tpu.vector_load %arg10[%get3A_710, %get3A_711] {strides = array<i32>} : memref<32x1024xf32, #tpu.memory_space<vmem>>, vector<1x16xf32>,
      %get3A_713 = vector.shape_cast %get3A_712 : vector<1x16xf32> to vector<16xf32>
      %mul3A_714 = arith.mulf %get3A_709, %get3A_30 : vector<16xf32>
      %mul3A_715 = arith.mulf %get3A_713, %get3A_34 : vector<16xf32>
      %add3A_716 = arith.addf %mul3A_714, %mul3A_715 : vector<16xf32>
      %swap3A_717 = arith.index_cast %scan3A_24 : i32 to index
      %swap3A_718 = arith.constant 672 : index
      %swap3A_719 = tpu.vector_load %arg9[%swap3A_717, %swap3A_718] {strides = array<i32>} : memref<32x1024xf32, #tpu.memory_space<vmem>>, vector<1x16xf32>,
      %swap3A_720 = vector.shape_cast %swap3A_719 : vector<1x16xf32> to vector<16xf32>
      %swap3A_721 = vector.shape_cast %add3A_716 : vector<16xf32> to vector<1x16xf32>
      tpu.vector_store %arg9[%swap3A_717, %swap3A_718], %swap3A_721 {strides = array<i32>} : memref<32x1024xf32, #tpu.memory_space<vmem>>, vector<1x16xf32>,
      %get3A_722 = arith.index_cast %scan3A_24 : i32 to index
      %get3A_723 = arith.constant 688 : index
      %get3A_724 = tpu.vector_load %arg9[%get3A_722, %get3A_723] {strides = array<i32>} : memref<32x1024xf32, #tpu.memory_space<vmem>>, vector<1x16xf32>,
      %get3A_725 = vector.shape_cast %get3A_724 : vector<1x16xf32> to vector<16xf32>
      %get3A_726 = arith.index_cast %scan3A_24 : i32 to index
      %get3A_727 = arith.constant 688 : index
      %get3A_728 = tpu.vector_load %arg10[%get3A_726, %get3A_727] {strides = array<i32>} : memref<32x1024xf32, #tpu.memory_space<vmem>>, vector<1x16xf32>,
      %get3A_729 = vector.shape_cast %get3A_728 : vector<1x16xf32> to vector<16xf32>
      %mul3A_730 = arith.mulf %get3A_725, %get3A_30 : vector<16xf32>
      %mul3A_731 = arith.mulf %get3A_729, %get3A_34 : vector<16xf32>
      %add3A_732 = arith.addf %mul3A_730, %mul3A_731 : vector<16xf32>
      %swap3A_733 = arith.index_cast %scan3A_24 : i32 to index
      %swap3A_734 = arith.constant 688 : index
      %swap3A_735 = tpu.vector_load %arg9[%swap3A_733, %swap3A_734] {strides = array<i32>} : memref<32x1024xf32, #tpu.memory_space<vmem>>, vector<1x16xf32>,
      %swap3A_736 = vector.shape_cast %swap3A_735 : vector<1x16xf32> to vector<16xf32>
      %swap3A_737 = vector.shape_cast %add3A_732 : vector<16xf32> to vector<1x16xf32>
      tpu.vector_store %arg9[%swap3A_733, %swap3A_734], %swap3A_737 {strides = array<i32>} : memref<32x1024xf32, #tpu.memory_space<vmem>>, vector<1x16xf32>,
      %get3A_738 = arith.index_cast %scan3A_24 : i32 to index
      %get3A_739 = arith.constant 704 : index
      %get3A_740 = tpu.vector_load %arg9[%get3A_738, %get3A_739] {strides = array<i32>} : memref<32x1024xf32, #tpu.memory_space<vmem>>, vector<1x16xf32>,
      %get3A_741 = vector.shape_cast %get3A_740 : vector<1x16xf32> to vector<16xf32>
      %get3A_742 = arith.index_cast %scan3A_24 : i32 to index
      %get3A_743 = arith.constant 704 : index
      %get3A_744 = tpu.vector_load %arg10[%get3A_742, %get3A_743] {strides = array<i32>} : memref<32x1024xf32, #tpu.memory_space<vmem>>, vector<1x16xf32>,
      %get3A_745 = vector.shape_cast %get3A_744 : vector<1x16xf32> to vector<16xf32>
      %mul3A_746 = arith.mulf %get3A_741, %get3A_30 : vector<16xf32>
      %mul3A_747 = arith.mulf %get3A_745, %get3A_34 : vector<16xf32>
      %add3A_748 = arith.addf %mul3A_746, %mul3A_747 : vector<16xf32>
      %swap3A_749 = arith.index_cast %scan3A_24 : i32 to index
      %swap3A_750 = arith.constant 704 : index
      %swap3A_751 = tpu.vector_load %arg9[%swap3A_749, %swap3A_750] {strides = array<i32>} : memref<32x1024xf32, #tpu.memory_space<vmem>>, vector<1x16xf32>,
      %swap3A_752 = vector.shape_cast %swap3A_751 : vector<1x16xf32> to vector<16xf32>
      %swap3A_753 = vector.shape_cast %add3A_748 : vector<16xf32> to vector<1x16xf32>
      tpu.vector_store %arg9[%swap3A_749, %swap3A_750], %swap3A_753 {strides = array<i32>} : memref<32x1024xf32, #tpu.memory_space<vmem>>, vector<1x16xf32>,
      %get3A_754 = arith.index_cast %scan3A_24 : i32 to index
      %get3A_755 = arith.constant 720 : index
      %get3A_756 = tpu.vector_load %arg9[%get3A_754, %get3A_755] {strides = array<i32>} : memref<32x1024xf32, #tpu.memory_space<vmem>>, vector<1x16xf32>,
      %get3A_757 = vector.shape_cast %get3A_756 : vector<1x16xf32> to vector<16xf32>
      %get3A_758 = arith.index_cast %scan3A_24 : i32 to index
      %get3A_759 = arith.constant 720 : index
      %get3A_760 = tpu.vector_load %arg10[%get3A_758, %get3A_759] {strides = array<i32>} : memref<32x1024xf32, #tpu.memory_space<vmem>>, vector<1x16xf32>,
      %get3A_761 = vector.shape_cast %get3A_760 : vector<1x16xf32> to vector<16xf32>
      %mul3A_762 = arith.mulf %get3A_757, %get3A_30 : vector<16xf32>
      %mul3A_763 = arith.mulf %get3A_761, %get3A_34 : vector<16xf32>
      %add3A_764 = arith.addf %mul3A_762, %mul3A_763 : vector<16xf32>
      %swap3A_765 = arith.index_cast %scan3A_24 : i32 to index
      %swap3A_766 = arith.constant 720 : index
      %swap3A_767 = tpu.vector_load %arg9[%swap3A_765, %swap3A_766] {strides = array<i32>} : memref<32x1024xf32, #tpu.memory_space<vmem>>, vector<1x16xf32>,
      %swap3A_768 = vector.shape_cast %swap3A_767 : vector<1x16xf32> to vector<16xf32>
      %swap3A_769 = vector.shape_cast %add3A_764 : vector<16xf32> to vector<1x16xf32>
      tpu.vector_store %arg9[%swap3A_765, %swap3A_766], %swap3A_769 {strides = array<i32>} : memref<32x1024xf32, #tpu.memory_space<vmem>>, vector<1x16xf32>,
      %get3A_770 = arith.index_cast %scan3A_24 : i32 to index
      %get3A_771 = arith.constant 736 : index
      %get3A_772 = tpu.vector_load %arg9[%get3A_770, %get3A_771] {strides = array<i32>} : memref<32x1024xf32, #tpu.memory_space<vmem>>, vector<1x16xf32>,
      %get3A_773 = vector.shape_cast %get3A_772 : vector<1x16xf32> to vector<16xf32>
      %get3A_774 = arith.index_cast %scan3A_24 : i32 to index
      %get3A_775 = arith.constant 736 : index
      %get3A_776 = tpu.vector_load %arg10[%get3A_774, %get3A_775] {strides = array<i32>} : memref<32x1024xf32, #tpu.memory_space<vmem>>, vector<1x16xf32>,
      %get3A_777 = vector.shape_cast %get3A_776 : vector<1x16xf32> to vector<16xf32>
      %mul3A_778 = arith.mulf %get3A_773, %get3A_30 : vector<16xf32>
      %mul3A_779 = arith.mulf %get3A_777, %get3A_34 : vector<16xf32>
      %add3A_780 = arith.addf %mul3A_778, %mul3A_779 : vector<16xf32>
      %swap3A_781 = arith.index_cast %scan3A_24 : i32 to index
      %swap3A_782 = arith.constant 736 : index
      %swap3A_783 = tpu.vector_load %arg9[%swap3A_781, %swap3A_782] {strides = array<i32>} : memref<32x1024xf32, #tpu.memory_space<vmem>>, vector<1x16xf32>,
      %swap3A_784 = vector.shape_cast %swap3A_783 : vector<1x16xf32> to vector<16xf32>
      %swap3A_785 = vector.shape_cast %add3A_780 : vector<16xf32> to vector<1x16xf32>
      tpu.vector_store %arg9[%swap3A_781, %swap3A_782], %swap3A_785 {strides = array<i32>} : memref<32x1024xf32, #tpu.memory_space<vmem>>, vector<1x16xf32>,
      %get3A_786 = arith.index_cast %scan3A_24 : i32 to index
      %get3A_787 = arith.constant 752 : index
      %get3A_788 = tpu.vector_load %arg9[%get3A_786, %get3A_787] {strides = array<i32>} : memref<32x1024xf32, #tpu.memory_space<vmem>>, vector<1x16xf32>,
      %get3A_789 = vector.shape_cast %get3A_788 : vector<1x16xf32> to vector<16xf32>
      %get3A_790 = arith.index_cast %scan3A_24 : i32 to index
      %get3A_791 = arith.constant 752 : index
      %get3A_792 = tpu.vector_load %arg10[%get3A_790, %get3A_791] {strides = array<i32>} : memref<32x1024xf32, #tpu.memory_space<vmem>>, vector<1x16xf32>,
      %get3A_793 = vector.shape_cast %get3A_792 : vector<1x16xf32> to vector<16xf32>
      %mul3A_794 = arith.mulf %get3A_789, %get3A_30 : vector<16xf32>
      %mul3A_795 = arith.mulf %get3A_793, %get3A_34 : vector<16xf32>
      %add3A_796 = arith.addf %mul3A_794, %mul3A_795 : vector<16xf32>
      %swap3A_797 = arith.index_cast %scan3A_24 : i32 to index
      %swap3A_798 = arith.constant 752 : index
      %swap3A_799 = tpu.vector_load %arg9[%swap3A_797, %swap3A_798] {strides = array<i32>} : memref<32x1024xf32, #tpu.memory_space<vmem>>, vector<1x16xf32>,
      %swap3A_800 = vector.shape_cast %swap3A_799 : vector<1x16xf32> to vector<16xf32>
      %swap3A_801 = vector.shape_cast %add3A_796 : vector<16xf32> to vector<1x16xf32>
      tpu.vector_store %arg9[%swap3A_797, %swap3A_798], %swap3A_801 {strides = array<i32>} : memref<32x1024xf32, #tpu.memory_space<vmem>>, vector<1x16xf32>,
      %get3A_802 = arith.index_cast %scan3A_24 : i32 to index
      %get3A_803 = arith.constant 768 : index
      %get3A_804 = tpu.vector_load %arg9[%get3A_802, %get3A_803] {strides = array<i32>} : memref<32x1024xf32, #tpu.memory_space<vmem>>, vector<1x16xf32>,
      %get3A_805 = vector.shape_cast %get3A_804 : vector<1x16xf32> to vector<16xf32>
      %get3A_806 = arith.index_cast %scan3A_24 : i32 to index
      %get3A_807 = arith.constant 768 : index
      %get3A_808 = tpu.vector_load %arg10[%get3A_806, %get3A_807] {strides = array<i32>} : memref<32x1024xf32, #tpu.memory_space<vmem>>, vector<1x16xf32>,
      %get3A_809 = vector.shape_cast %get3A_808 : vector<1x16xf32> to vector<16xf32>
      %mul3A_810 = arith.mulf %get3A_805, %get3A_30 : vector<16xf32>
      %mul3A_811 = arith.mulf %get3A_809, %get3A_34 : vector<16xf32>
      %add3A_812 = arith.addf %mul3A_810, %mul3A_811 : vector<16xf32>
      %swap3A_813 = arith.index_cast %scan3A_24 : i32 to index
      %swap3A_814 = arith.constant 768 : index
      %swap3A_815 = tpu.vector_load %arg9[%swap3A_813, %swap3A_814] {strides = array<i32>} : memref<32x1024xf32, #tpu.memory_space<vmem>>, vector<1x16xf32>,
      %swap3A_816 = vector.shape_cast %swap3A_815 : vector<1x16xf32> to vector<16xf32>
      %swap3A_817 = vector.shape_cast %add3A_812 : vector<16xf32> to vector<1x16xf32>
      tpu.vector_store %arg9[%swap3A_813, %swap3A_814], %swap3A_817 {strides = array<i32>} : memref<32x1024xf32, #tpu.memory_space<vmem>>, vector<1x16xf32>,
      %get3A_818 = arith.index_cast %scan3A_24 : i32 to index
      %get3A_819 = arith.constant 784 : index
      %get3A_820 = tpu.vector_load %arg9[%get3A_818, %get3A_819] {strides = array<i32>} : memref<32x1024xf32, #tpu.memory_space<vmem>>, vector<1x16xf32>,
      %get3A_821 = vector.shape_cast %get3A_820 : vector<1x16xf32> to vector<16xf32>
      %get3A_822 = arith.index_cast %scan3A_24 : i32 to index
      %get3A_823 = arith.constant 784 : index
      %get3A_824 = tpu.vector_load %arg10[%get3A_822, %get3A_823] {strides = array<i32>} : memref<32x1024xf32, #tpu.memory_space<vmem>>, vector<1x16xf32>,
      %get3A_825 = vector.shape_cast %get3A_824 : vector<1x16xf32> to vector<16xf32>
      %mul3A_826 = arith.mulf %get3A_821, %get3A_30 : vector<16xf32>
      %mul3A_827 = arith.mulf %get3A_825, %get3A_34 : vector<16xf32>
      %add3A_828 = arith.addf %mul3A_826, %mul3A_827 : vector<16xf32>
      %swap3A_829 = arith.index_cast %scan3A_24 : i32 to index
      %swap3A_830 = arith.constant 784 : index
      %swap3A_831 = tpu.vector_load %arg9[%swap3A_829, %swap3A_830] {strides = array<i32>} : memref<32x1024xf32, #tpu.memory_space<vmem>>, vector<1x16xf32>,
      %swap3A_832 = vector.shape_cast %swap3A_831 : vector<1x16xf32> to vector<16xf32>
      %swap3A_833 = vector.shape_cast %add3A_828 : vector<16xf32> to vector<1x16xf32>
      tpu.vector_store %arg9[%swap3A_829, %swap3A_830], %swap3A_833 {strides = array<i32>} : memref<32x1024xf32, #tpu.memory_space<vmem>>, vector<1x16xf32>,
      %get3A_834 = arith.index_cast %scan3A_24 : i32 to index
      %get3A_835 = arith.constant 800 : index
      %get3A_836 = tpu.vector_load %arg9[%get3A_834, %get3A_835] {strides = array<i32>} : memref<32x1024xf32, #tpu.memory_space<vmem>>, vector<1x16xf32>,
      %get3A_837 = vector.shape_cast %get3A_836 : vector<1x16xf32> to vector<16xf32>
      %get3A_838 = arith.index_cast %scan3A_24 : i32 to index
      %get3A_839 = arith.constant 800 : index
      %get3A_840 = tpu.vector_load %arg10[%get3A_838, %get3A_839] {strides = array<i32>} : memref<32x1024xf32, #tpu.memory_space<vmem>>, vector<1x16xf32>,
      %get3A_841 = vector.shape_cast %get3A_840 : vector<1x16xf32> to vector<16xf32>
      %mul3A_842 = arith.mulf %get3A_837, %get3A_30 : vector<16xf32>
      %mul3A_843 = arith.mulf %get3A_841, %get3A_34 : vector<16xf32>
      %add3A_844 = arith.addf %mul3A_842, %mul3A_843 : vector<16xf32>
      %swap3A_845 = arith.index_cast %scan3A_24 : i32 to index
      %swap3A_846 = arith.constant 800 : index
      %swap3A_847 = tpu.vector_load %arg9[%swap3A_845, %swap3A_846] {strides = array<i32>} : memref<32x1024xf32, #tpu.memory_space<vmem>>, vector<1x16xf32>,
      %swap3A_848 = vector.shape_cast %swap3A_847 : vector<1x16xf32> to vector<16xf32>
      %swap3A_849 = vector.shape_cast %add3A_844 : vector<16xf32> to vector<1x16xf32>
      tpu.vector_store %arg9[%swap3A_845, %swap3A_846], %swap3A_849 {strides = array<i32>} : memref<32x1024xf32, #tpu.memory_space<vmem>>, vector<1x16xf32>,
      %get3A_850 = arith.index_cast %scan3A_24 : i32 to index
      %get3A_851 = arith.constant 816 : index
      %get3A_852 = tpu.vector_load %arg9[%get3A_850, %get3A_851] {strides = array<i32>} : memref<32x1024xf32, #tpu.memory_space<vmem>>, vector<1x16xf32>,
      %get3A_853 = vector.shape_cast %get3A_852 : vector<1x16xf32> to vector<16xf32>
      %get3A_854 = arith.index_cast %scan3A_24 : i32 to index
      %get3A_855 = arith.constant 816 : index
      %get3A_856 = tpu.vector_load %arg10[%get3A_854, %get3A_855] {strides = array<i32>} : memref<32x1024xf32, #tpu.memory_space<vmem>>, vector<1x16xf32>,
      %get3A_857 = vector.shape_cast %get3A_856 : vector<1x16xf32> to vector<16xf32>
      %mul3A_858 = arith.mulf %get3A_853, %get3A_30 : vector<16xf32>
      %mul3A_859 = arith.mulf %get3A_857, %get3A_34 : vector<16xf32>
      %add3A_860 = arith.addf %mul3A_858, %mul3A_859 : vector<16xf32>
      %swap3A_861 = arith.index_cast %scan3A_24 : i32 to index
      %swap3A_862 = arith.constant 816 : index
      %swap3A_863 = tpu.vector_load %arg9[%swap3A_861, %swap3A_862] {strides = array<i32>} : memref<32x1024xf32, #tpu.memory_space<vmem>>, vector<1x16xf32>,
      %swap3A_864 = vector.shape_cast %swap3A_863 : vector<1x16xf32> to vector<16xf32>
      %swap3A_865 = vector.shape_cast %add3A_860 : vector<16xf32> to vector<1x16xf32>
      tpu.vector_store %arg9[%swap3A_861, %swap3A_862], %swap3A_865 {strides = array<i32>} : memref<32x1024xf32, #tpu.memory_space<vmem>>, vector<1x16xf32>,
      %get3A_866 = arith.index_cast %scan3A_24 : i32 to index
      %get3A_867 = arith.constant 832 : index
      %get3A_868 = tpu.vector_load %arg9[%get3A_866, %get3A_867] {strides = array<i32>} : memref<32x1024xf32, #tpu.memory_space<vmem>>, vector<1x16xf32>,
      %get3A_869 = vector.shape_cast %get3A_868 : vector<1x16xf32> to vector<16xf32>
      %get3A_870 = arith.index_cast %scan3A_24 : i32 to index
      %get3A_871 = arith.constant 832 : index
      %get3A_872 = tpu.vector_load %arg10[%get3A_870, %get3A_871] {strides = array<i32>} : memref<32x1024xf32, #tpu.memory_space<vmem>>, vector<1x16xf32>,
      %get3A_873 = vector.shape_cast %get3A_872 : vector<1x16xf32> to vector<16xf32>
      %mul3A_874 = arith.mulf %get3A_869, %get3A_30 : vector<16xf32>
      %mul3A_875 = arith.mulf %get3A_873, %get3A_34 : vector<16xf32>
      %add3A_876 = arith.addf %mul3A_874, %mul3A_875 : vector<16xf32>
      %swap3A_877 = arith.index_cast %scan3A_24 : i32 to index
      %swap3A_878 = arith.constant 832 : index
      %swap3A_879 = tpu.vector_load %arg9[%swap3A_877, %swap3A_878] {strides = array<i32>} : memref<32x1024xf32, #tpu.memory_space<vmem>>, vector<1x16xf32>,
      %swap3A_880 = vector.shape_cast %swap3A_879 : vector<1x16xf32> to vector<16xf32>
      %swap3A_881 = vector.shape_cast %add3A_876 : vector<16xf32> to vector<1x16xf32>
      tpu.vector_store %arg9[%swap3A_877, %swap3A_878], %swap3A_881 {strides = array<i32>} : memref<32x1024xf32, #tpu.memory_space<vmem>>, vector<1x16xf32>,
      %get3A_882 = arith.index_cast %scan3A_24 : i32 to index
      %get3A_883 = arith.constant 848 : index
      %get3A_884 = tpu.vector_load %arg9[%get3A_882, %get3A_883] {strides = array<i32>} : memref<32x1024xf32, #tpu.memory_space<vmem>>, vector<1x16xf32>,
      %get3A_885 = vector.shape_cast %get3A_884 : vector<1x16xf32> to vector<16xf32>
      %get3A_886 = arith.index_cast %scan3A_24 : i32 to index
      %get3A_887 = arith.constant 848 : index
      %get3A_888 = tpu.vector_load %arg10[%get3A_886, %get3A_887] {strides = array<i32>} : memref<32x1024xf32, #tpu.memory_space<vmem>>, vector<1x16xf32>,
      %get3A_889 = vector.shape_cast %get3A_888 : vector<1x16xf32> to vector<16xf32>
      %mul3A_890 = arith.mulf %get3A_885, %get3A_30 : vector<16xf32>
      %mul3A_891 = arith.mulf %get3A_889, %get3A_34 : vector<16xf32>
      %add3A_892 = arith.addf %mul3A_890, %mul3A_891 : vector<16xf32>
      %swap3A_893 = arith.index_cast %scan3A_24 : i32 to index
      %swap3A_894 = arith.constant 848 : index
      %swap3A_895 = tpu.vector_load %arg9[%swap3A_893, %swap3A_894] {strides = array<i32>} : memref<32x1024xf32, #tpu.memory_space<vmem>>, vector<1x16xf32>,
      %swap3A_896 = vector.shape_cast %swap3A_895 : vector<1x16xf32> to vector<16xf32>
      %swap3A_897 = vector.shape_cast %add3A_892 : vector<16xf32> to vector<1x16xf32>
      tpu.vector_store %arg9[%swap3A_893, %swap3A_894], %swap3A_897 {strides = array<i32>} : memref<32x1024xf32, #tpu.memory_space<vmem>>, vector<1x16xf32>,
      %get3A_898 = arith.index_cast %scan3A_24 : i32 to index
      %get3A_899 = arith.constant 864 : index
      %get3A_900 = tpu.vector_load %arg9[%get3A_898, %get3A_899] {strides = array<i32>} : memref<32x1024xf32, #tpu.memory_space<vmem>>, vector<1x16xf32>,
      %get3A_901 = vector.shape_cast %get3A_900 : vector<1x16xf32> to vector<16xf32>
      %get3A_902 = arith.index_cast %scan3A_24 : i32 to index
      %get3A_903 = arith.constant 864 : index
      %get3A_904 = tpu.vector_load %arg10[%get3A_902, %get3A_903] {strides = array<i32>} : memref<32x1024xf32, #tpu.memory_space<vmem>>, vector<1x16xf32>,
      %get3A_905 = vector.shape_cast %get3A_904 : vector<1x16xf32> to vector<16xf32>
      %mul3A_906 = arith.mulf %get3A_901, %get3A_30 : vector<16xf32>
      %mul3A_907 = arith.mulf %get3A_905, %get3A_34 : vector<16xf32>
      %add3A_908 = arith.addf %mul3A_906, %mul3A_907 : vector<16xf32>
      %swap3A_909 = arith.index_cast %scan3A_24 : i32 to index
      %swap3A_910 = arith.constant 864 : index
      %swap3A_911 = tpu.vector_load %arg9[%swap3A_909, %swap3A_910] {strides = array<i32>} : memref<32x1024xf32, #tpu.memory_space<vmem>>, vector<1x16xf32>,
      %swap3A_912 = vector.shape_cast %swap3A_911 : vector<1x16xf32> to vector<16xf32>
      %swap3A_913 = vector.shape_cast %add3A_908 : vector<16xf32> to vector<1x16xf32>
      tpu.vector_store %arg9[%swap3A_909, %swap3A_910], %swap3A_913 {strides = array<i32>} : memref<32x1024xf32, #tpu.memory_space<vmem>>, vector<1x16xf32>,
      %get3A_914 = arith.index_cast %scan3A_24 : i32 to index
      %get3A_915 = arith.constant 880 : index
      %get3A_916 = tpu.vector_load %arg9[%get3A_914, %get3A_915] {strides = array<i32>} : memref<32x1024xf32, #tpu.memory_space<vmem>>, vector<1x16xf32>,
      %get3A_917 = vector.shape_cast %get3A_916 : vector<1x16xf32> to vector<16xf32>
      %get3A_918 = arith.index_cast %scan3A_24 : i32 to index
      %get3A_919 = arith.constant 880 : index
      %get3A_920 = tpu.vector_load %arg10[%get3A_918, %get3A_919] {strides = array<i32>} : memref<32x1024xf32, #tpu.memory_space<vmem>>, vector<1x16xf32>,
      %get3A_921 = vector.shape_cast %get3A_920 : vector<1x16xf32> to vector<16xf32>
      %mul3A_922 = arith.mulf %get3A_917, %get3A_30 : vector<16xf32>
      %mul3A_923 = arith.mulf %get3A_921, %get3A_34 : vector<16xf32>
      %add3A_924 = arith.addf %mul3A_922, %mul3A_923 : vector<16xf32>
      %swap3A_925 = arith.index_cast %scan3A_24 : i32 to index
      %swap3A_926 = arith.constant 880 : index
      %swap3A_927 = tpu.vector_load %arg9[%swap3A_925, %swap3A_926] {strides = array<i32>} : memref<32x1024xf32, #tpu.memory_space<vmem>>, vector<1x16xf32>,
      %swap3A_928 = vector.shape_cast %swap3A_927 : vector<1x16xf32> to vector<16xf32>
      %swap3A_929 = vector.shape_cast %add3A_924 : vector<16xf32> to vector<1x16xf32>
      tpu.vector_store %arg9[%swap3A_925, %swap3A_926], %swap3A_929 {strides = array<i32>} : memref<32x1024xf32, #tpu.memory_space<vmem>>, vector<1x16xf32>,
      %get3A_930 = arith.index_cast %scan3A_24 : i32 to index
      %get3A_931 = arith.constant 896 : index
      %get3A_932 = tpu.vector_load %arg9[%get3A_930, %get3A_931] {strides = array<i32>} : memref<32x1024xf32, #tpu.memory_space<vmem>>, vector<1x16xf32>,
      %get3A_933 = vector.shape_cast %get3A_932 : vector<1x16xf32> to vector<16xf32>
      %get3A_934 = arith.index_cast %scan3A_24 : i32 to index
      %get3A_935 = arith.constant 896 : index
      %get3A_936 = tpu.vector_load %arg10[%get3A_934, %get3A_935] {strides = array<i32>} : memref<32x1024xf32, #tpu.memory_space<vmem>>, vector<1x16xf32>,
      %get3A_937 = vector.shape_cast %get3A_936 : vector<1x16xf32> to vector<16xf32>
      %mul3A_938 = arith.mulf %get3A_933, %get3A_30 : vector<16xf32>
      %mul3A_939 = arith.mulf %get3A_937, %get3A_34 : vector<16xf32>
      %add3A_940 = arith.addf %mul3A_938, %mul3A_939 : vector<16xf32>
      %swap3A_941 = arith.index_cast %scan3A_24 : i32 to index
      %swap3A_942 = arith.constant 896 : index
      %swap3A_943 = tpu.vector_load %arg9[%swap3A_941, %swap3A_942] {strides = array<i32>} : memref<32x1024xf32, #tpu.memory_space<vmem>>, vector<1x16xf32>,
      %swap3A_944 = vector.shape_cast %swap3A_943 : vector<1x16xf32> to vector<16xf32>
      %swap3A_945 = vector.shape_cast %add3A_940 : vector<16xf32> to vector<1x16xf32>
      tpu.vector_store %arg9[%swap3A_941, %swap3A_942], %swap3A_945 {strides = array<i32>} : memref<32x1024xf32, #tpu.memory_space<vmem>>, vector<1x16xf32>,
      %get3A_946 = arith.index_cast %scan3A_24 : i32 to index
      %get3A_947 = arith.constant 912 : index
      %get3A_948 = tpu.vector_load %arg9[%get3A_946, %get3A_947] {strides = array<i32>} : memref<32x1024xf32, #tpu.memory_space<vmem>>, vector<1x16xf32>,
      %get3A_949 = vector.shape_cast %get3A_948 : vector<1x16xf32> to vector<16xf32>
      %get3A_950 = arith.index_cast %scan3A_24 : i32 to index
      %get3A_951 = arith.constant 912 : index
      %get3A_952 = tpu.vector_load %arg10[%get3A_950, %get3A_951] {strides = array<i32>} : memref<32x1024xf32, #tpu.memory_space<vmem>>, vector<1x16xf32>,
      %get3A_953 = vector.shape_cast %get3A_952 : vector<1x16xf32> to vector<16xf32>
      %mul3A_954 = arith.mulf %get3A_949, %get3A_30 : vector<16xf32>
      %mul3A_955 = arith.mulf %get3A_953, %get3A_34 : vector<16xf32>
      %add3A_956 = arith.addf %mul3A_954, %mul3A_955 : vector<16xf32>
      %swap3A_957 = arith.index_cast %scan3A_24 : i32 to index
      %swap3A_958 = arith.constant 912 : index
      %swap3A_959 = tpu.vector_load %arg9[%swap3A_957, %swap3A_958] {strides = array<i32>} : memref<32x1024xf32, #tpu.memory_space<vmem>>, vector<1x16xf32>,
      %swap3A_960 = vector.shape_cast %swap3A_959 : vector<1x16xf32> to vector<16xf32>
      %swap3A_961 = vector.shape_cast %add3A_956 : vector<16xf32> to vector<1x16xf32>
      tpu.vector_store %arg9[%swap3A_957, %swap3A_958], %swap3A_961 {strides = array<i32>} : memref<32x1024xf32, #tpu.memory_space<vmem>>, vector<1x16xf32>,
      %get3A_962 = arith.index_cast %scan3A_24 : i32 to index
      %get3A_963 = arith.constant 928 : index
      %get3A_964 = tpu.vector_load %arg9[%get3A_962, %get3A_963] {strides = array<i32>} : memref<32x1024xf32, #tpu.memory_space<vmem>>, vector<1x16xf32>,
      %get3A_965 = vector.shape_cast %get3A_964 : vector<1x16xf32> to vector<16xf32>
      %get3A_966 = arith.index_cast %scan3A_24 : i32 to index
      %get3A_967 = arith.constant 928 : index
      %get3A_968 = tpu.vector_load %arg10[%get3A_966, %get3A_967] {strides = array<i32>} : memref<32x1024xf32, #tpu.memory_space<vmem>>, vector<1x16xf32>,
      %get3A_969 = vector.shape_cast %get3A_968 : vector<1x16xf32> to vector<16xf32>
      %mul3A_970 = arith.mulf %get3A_965, %get3A_30 : vector<16xf32>
      %mul3A_971 = arith.mulf %get3A_969, %get3A_34 : vector<16xf32>
      %add3A_972 = arith.addf %mul3A_970, %mul3A_971 : vector<16xf32>
      %swap3A_973 = arith.index_cast %scan3A_24 : i32 to index
      %swap3A_974 = arith.constant 928 : index
      %swap3A_975 = tpu.vector_load %arg9[%swap3A_973, %swap3A_974] {strides = array<i32>} : memref<32x1024xf32, #tpu.memory_space<vmem>>, vector<1x16xf32>,
      %swap3A_976 = vector.shape_cast %swap3A_975 : vector<1x16xf32> to vector<16xf32>
      %swap3A_977 = vector.shape_cast %add3A_972 : vector<16xf32> to vector<1x16xf32>
      tpu.vector_store %arg9[%swap3A_973, %swap3A_974], %swap3A_977 {strides = array<i32>} : memref<32x1024xf32, #tpu.memory_space<vmem>>, vector<1x16xf32>,
      %get3A_978 = arith.index_cast %scan3A_24 : i32 to index
      %get3A_979 = arith.constant 944 : index
      %get3A_980 = tpu.vector_load %arg9[%get3A_978, %get3A_979] {strides = array<i32>} : memref<32x1024xf32, #tpu.memory_space<vmem>>, vector<1x16xf32>,
      %get3A_981 = vector.shape_cast %get3A_980 : vector<1x16xf32> to vector<16xf32>
      %get3A_982 = arith.index_cast %scan3A_24 : i32 to index
      %get3A_983 = arith.constant 944 : index
      %get3A_984 = tpu.vector_load %arg10[%get3A_982, %get3A_983] {strides = array<i32>} : memref<32x1024xf32, #tpu.memory_space<vmem>>, vector<1x16xf32>,
      %get3A_985 = vector.shape_cast %get3A_984 : vector<1x16xf32> to vector<16xf32>
      %mul3A_986 = arith.mulf %get3A_981, %get3A_30 : vector<16xf32>
      %mul3A_987 = arith.mulf %get3A_985, %get3A_34 : vector<16xf32>
      %add3A_988 = arith.addf %mul3A_986, %mul3A_987 : vector<16xf32>
      %swap3A_989 = arith.index_cast %scan3A_24 : i32 to index
      %swap3A_990 = arith.constant 944 : index
      %swap3A_991 = tpu.vector_load %arg9[%swap3A_989, %swap3A_990] {strides = array<i32>} : memref<32x1024xf32, #tpu.memory_space<vmem>>, vector<1x16xf32>,
      %swap3A_992 = vector.shape_cast %swap3A_991 : vector<1x16xf32> to vector<16xf32>
      %swap3A_993 = vector.shape_cast %add3A_988 : vector<16xf32> to vector<1x16xf32>
      tpu.vector_store %arg9[%swap3A_989, %swap3A_990], %swap3A_993 {strides = array<i32>} : memref<32x1024xf32, #tpu.memory_space<vmem>>, vector<1x16xf32>,
      %get3A_994 = arith.index_cast %scan3A_24 : i32 to index
      %get3A_995 = arith.constant 960 : index
      %get3A_996 = tpu.vector_load %arg9[%get3A_994, %get3A_995] {strides = array<i32>} : memref<32x1024xf32, #tpu.memory_space<vmem>>, vector<1x16xf32>,
      %get3A_997 = vector.shape_cast %get3A_996 : vector<1x16xf32> to vector<16xf32>
      %get3A_998 = arith.index_cast %scan3A_24 : i32 to index
      %get3A_999 = arith.constant 960 : index
      %get3A_1000 = tpu.vector_load %arg10[%get3A_998, %get3A_999] {strides = array<i32>} : memref<32x1024xf32, #tpu.memory_space<vmem>>, vector<1x16xf32>,
      %get3A_1001 = vector.shape_cast %get3A_1000 : vector<1x16xf32> to vector<16xf32>
      %mul3A_1002 = arith.mulf %get3A_997, %get3A_30 : vector<16xf32>
      %mul3A_1003 = arith.mulf %get3A_1001, %get3A_34 : vector<16xf32>
      %add3A_1004 = arith.addf %mul3A_1002, %mul3A_1003 : vector<16xf32>
      %swap3A_1005 = arith.index_cast %scan3A_24 : i32 to index
      %swap3A_1006 = arith.constant 960 : index
      %swap3A_1007 = tpu.vector_load %arg9[%swap3A_1005, %swap3A_1006] {strides = array<i32>} : memref<32x1024xf32, #tpu.memory_space<vmem>>, vector<1x16xf32>,
      %swap3A_1008 = vector.shape_cast %swap3A_1007 : vector<1x16xf32> to vector<16xf32>
      %swap3A_1009 = vector.shape_cast %add3A_1004 : vector<16xf32> to vector<1x16xf32>
      tpu.vector_store %arg9[%swap3A_1005, %swap3A_1006], %swap3A_1009 {strides = array<i32>} : memref<32x1024xf32, #tpu.memory_space<vmem>>, vector<1x16xf32>,
      %get3A_1010 = arith.index_cast %scan3A_24 : i32 to index
      %get3A_1011 = arith.constant 976 : index
      %get3A_1012 = tpu.vector_load %arg9[%get3A_1010, %get3A_1011] {strides = array<i32>} : memref<32x1024xf32, #tpu.memory_space<vmem>>, vector<1x16xf32>,
      %get3A_1013 = vector.shape_cast %get3A_1012 : vector<1x16xf32> to vector<16xf32>
      %get3A_1014 = arith.index_cast %scan3A_24 : i32 to index
      %get3A_1015 = arith.constant 976 : index
      %get3A_1016 = tpu.vector_load %arg10[%get3A_1014, %get3A_1015] {strides = array<i32>} : memref<32x1024xf32, #tpu.memory_space<vmem>>, vector<1x16xf32>,
      %get3A_1017 = vector.shape_cast %get3A_1016 : vector<1x16xf32> to vector<16xf32>
      %mul3A_1018 = arith.mulf %get3A_1013, %get3A_30 : vector<16xf32>
      %mul3A_1019 = arith.mulf %get3A_1017, %get3A_34 : vector<16xf32>
      %add3A_1020 = arith.addf %mul3A_1018, %mul3A_1019 : vector<16xf32>
      %swap3A_1021 = arith.index_cast %scan3A_24 : i32 to index
      %swap3A_1022 = arith.constant 976 : index
      %swap3A_1023 = tpu.vector_load %arg9[%swap3A_1021, %swap3A_1022] {strides = array<i32>} : memref<32x1024xf32, #tpu.memory_space<vmem>>, vector<1x16xf32>,
      %swap3A_1024 = vector.shape_cast %swap3A_1023 : vector<1x16xf32> to vector<16xf32>
      %swap3A_1025 = vector.shape_cast %add3A_1020 : vector<16xf32> to vector<1x16xf32>
      tpu.vector_store %arg9[%swap3A_1021, %swap3A_1022], %swap3A_1025 {strides = array<i32>} : memref<32x1024xf32, #tpu.memory_space<vmem>>, vector<1x16xf32>,
      %get3A_1026 = arith.index_cast %scan3A_24 : i32 to index
      %get3A_1027 = arith.constant 992 : index
      %get3A_1028 = tpu.vector_load %arg9[%get3A_1026, %get3A_1027] {strides = array<i32>} : memref<32x1024xf32, #tpu.memory_space<vmem>>, vector<1x16xf32>,
      %get3A_1029 = vector.shape_cast %get3A_1028 : vector<1x16xf32> to vector<16xf32>
      %get3A_1030 = arith.index_cast %scan3A_24 : i32 to index
      %get3A_1031 = arith.constant 992 : index
      %get3A_1032 = tpu.vector_load %arg10[%get3A_1030, %get3A_1031] {strides = array<i32>} : memref<32x1024xf32, #tpu.memory_space<vmem>>, vector<1x16xf32>,
      %get3A_1033 = vector.shape_cast %get3A_1032 : vector<1x16xf32> to vector<16xf32>
      %mul3A_1034 = arith.mulf %get3A_1029, %get3A_30 : vector<16xf32>
      %mul3A_1035 = arith.mulf %get3A_1033, %get3A_34 : vector<16xf32>
      %add3A_1036 = arith.addf %mul3A_1034, %mul3A_1035 : vector<16xf32>
      %swap3A_1037 = arith.index_cast %scan3A_24 : i32 to index
      %swap3A_1038 = arith.constant 992 : index
      %swap3A_1039 = tpu.vector_load %arg9[%swap3A_1037, %swap3A_1038] {strides = array<i32>} : memref<32x1024xf32, #tpu.memory_space<vmem>>, vector<1x16xf32>,
      %swap3A_1040 = vector.shape_cast %swap3A_1039 : vector<1x16xf32> to vector<16xf32>
      %swap3A_1041 = vector.shape_cast %add3A_1036 : vector<16xf32> to vector<1x16xf32>
      tpu.vector_store %arg9[%swap3A_1037, %swap3A_1038], %swap3A_1041 {strides = array<i32>} : memref<32x1024xf32, #tpu.memory_space<vmem>>, vector<1x16xf32>,
      %get3A_1042 = arith.index_cast %scan3A_24 : i32 to index
      %get3A_1043 = arith.constant 1008 : index
      %get3A_1044 = tpu.vector_load %arg9[%get3A_1042, %get3A_1043] {strides = array<i32>} : memref<32x1024xf32, #tpu.memory_space<vmem>>, vector<1x16xf32>,
      %get3A_1045 = vector.shape_cast %get3A_1044 : vector<1x16xf32> to vector<16xf32>
      %get3A_1046 = arith.index_cast %scan3A_24 : i32 to index
      %get3A_1047 = arith.constant 1008 : index
      %get3A_1048 = tpu.vector_load %arg10[%get3A_1046, %get3A_1047] {strides = array<i32>} : memref<32x1024xf32, #tpu.memory_space<vmem>>, vector<1x16xf32>,
      %get3A_1049 = vector.shape_cast %get3A_1048 : vector<1x16xf32> to vector<16xf32>
      %mul3A_1050 = arith.mulf %get3A_1045, %get3A_30 : vector<16xf32>
      %mul3A_1051 = arith.mulf %get3A_1049, %get3A_34 : vector<16xf32>
      %add3A_1052 = arith.addf %mul3A_1050, %mul3A_1051 : vector<16xf32>
      %swap3A_1053 = arith.index_cast %scan3A_24 : i32 to index
      %swap3A_1054 = arith.constant 1008 : index
      %swap3A_1055 = tpu.vector_load %arg9[%swap3A_1053, %swap3A_1054] {strides = array<i32>} : memref<32x1024xf32, #tpu.memory_space<vmem>>, vector<1x16xf32>,
      %swap3A_1056 = vector.shape_cast %swap3A_1055 : vector<1x16xf32> to vector<16xf32>
      %swap3A_1057 = vector.shape_cast %add3A_1052 : vector<16xf32> to vector<1x16xf32>
      tpu.vector_store %arg9[%swap3A_1053, %swap3A_1054], %swap3A_1057 {strides = array<i32>} : memref<32x1024xf32, #tpu.memory_space<vmem>>, vector<1x16xf32>,
      %scan3A_1058 = arith.constant 0 : i32
      scf.yield %scan3A_1058 : i32
    }
    %scan3A_23 = arith.constant 32 : i32
    "tpu.region"() ({
      %run_scoped3A = tpu.sem_alloc : memref<!tpu.dma_semaphore, #tpu.memory_space<semaphore_mem>>
      %dma_start3A = arith.constant 0 : i32
      %dma_start3A_24 = tpu.memref_slice %arg5[%add3A_14, %dma_start3A] : memref<2048x1024xf32, #tpu.memory_space<hbm>> -> memref<32x1024xf32, #tpu.memory_space<hbm>>
      %dma_start3A_25 = arith.constant 0 : i32
      %dma_start3A_26 = tpu.memref_slice %arg5[%add3A_14, %dma_start3A_25] : memref<2048x1024xf32, #tpu.memory_space<hbm>> -> memref<32x1024xf32, #tpu.memory_space<hbm>>
      tpu.enqueue_dma source(%arg9 : memref<32x1024xf32, #tpu.memory_space<vmem>>) target(%dma_start3A_26 : memref<32x1024xf32, #tpu.memory_space<hbm>>) target_semaphore(%run_scoped3A : memref<!tpu.dma_semaphore, #tpu.memory_space<semaphore_mem>>)
      %dma_wait3A = arith.constant 0 : i32
      %dma_wait3A_27 = tpu.memref_slice %arg5[%add3A_14, %dma_wait3A] : memref<2048x1024xf32, #tpu.memory_space<hbm>> -> memref<32x1024xf32, #tpu.memory_space<hbm>>
      %dma_wait3A_28 = arith.constant 0 : i32
      %dma_wait3A_29 = tpu.memref_slice %arg5[%add3A_14, %dma_wait3A_28] : memref<2048x1024xf32, #tpu.memory_space<hbm>> -> memref<32x1024xf32, #tpu.memory_space<hbm>>
      tpu.wait_dma2 semaphore(%run_scoped3A : memref<!tpu.dma_semaphore, #tpu.memory_space<semaphore_mem>>) src(%arg9 : memref<32x1024xf32, #tpu.memory_space<vmem>>) dst(%dma_wait3A_29 : memref<32x1024xf32, #tpu.memory_space<hbm>>)
      tpu.yield
    }) : () -> ()
    return
  }
}

#map = affine_map<(d0, d1) -> (0, 0)>
#map1 = affine_map<(d0, d1) -> (0)>
module attributes {stable_mosaic.version = 14 : i64} {
  func.func @_scatter_body(%arg0: i32, %arg1: i32, %arg2: memref<2048x1024xf32, #tpu.memory_space<hbm>>, %arg3: memref<4096xi32, #tpu.memory_space<hbm>>, %arg4: memref<6144x1024xf32, #tpu.memory_space<hbm>>, %arg5: memref<64xi32, #tpu.memory_space<vmem>>, %arg6: memref<64x1024xf32, #tpu.memory_space<vmem>>) attributes {dimension_semantics = [#tpu.dimension_semantics<core_parallel>, #tpu.dimension_semantics<subcore_parallel>], iteration_bounds = array<i64: 2, 16>, scalar_prefetch = 0 : i64, scratch_operands = 2 : i64, tpu.core_type = #tpu.core_type<sc_vector_subcore>, window_params = [{transform_indices = #map}, {transform_indices = #map1}, {transform_indices = #map}]} {
    %mul3A = arith.constant 2 : i32
    %mul3A_0 = arith.muli %arg1, %mul3A : i32
    %add3A = arith.addi %mul3A_0, %arg0 : i32
    %mul3A_1 = arith.constant 128 : i32
    %mul3A_2 = arith.muli %add3A, %mul3A_1 : i32
    %add3A_3 = arith.constant 0 : i32
    %add3A_4 = arith.addi %mul3A_2, %add3A_3 : i32
    "tpu.region"() ({
      %run_scoped3A = tpu.sem_alloc : memref<!tpu.dma_semaphore, #tpu.memory_space<semaphore_mem>>
      %dma_start3A = tpu.memref_slice %arg3[%add3A_4] : memref<4096xi32, #tpu.memory_space<hbm>> -> memref<64xi32, #tpu.memory_space<hbm>>
      %dma_start3A_34 = tpu.memref_slice %arg3[%add3A_4] : memref<4096xi32, #tpu.memory_space<hbm>> -> memref<64xi32, #tpu.memory_space<hbm>>
      tpu.enqueue_dma source(%dma_start3A_34 : memref<64xi32, #tpu.memory_space<hbm>>) target(%arg5 : memref<64xi32, #tpu.memory_space<vmem>>) target_semaphore(%run_scoped3A : memref<!tpu.dma_semaphore, #tpu.memory_space<semaphore_mem>>)
      %dma_wait3A = tpu.memref_slice %arg3[%add3A_4] : memref<4096xi32, #tpu.memory_space<hbm>> -> memref<64xi32, #tpu.memory_space<hbm>>
      %dma_wait3A_35 = tpu.memref_slice %arg3[%add3A_4] : memref<4096xi32, #tpu.memory_space<hbm>> -> memref<64xi32, #tpu.memory_space<hbm>>
      tpu.wait_dma2 semaphore(%run_scoped3A : memref<!tpu.dma_semaphore, #tpu.memory_space<semaphore_mem>>) src(%dma_wait3A_35 : memref<64xi32, #tpu.memory_space<hbm>>) dst(%arg5 : memref<64xi32, #tpu.memory_space<vmem>>)
      tpu.yield
    }) : () -> ()
    %jit3A = arith.constant 2048 : i32
    %eq3A = arith.constant 0 : i32
    %eq3A_5 = arith.cmpi eq, %jit3A, %eq3A : i32
    %jit3A_6 = arith.constant 1 : i32
    %select_n3A = arith.select %eq3A_5, %jit3A_6, %jit3A : i32
    %rem3A = arith.remsi %add3A_4, %select_n3A : i32
    %ne3A = arith.constant 0 : i32
    %ne3A_7 = arith.cmpi ne, %rem3A, %ne3A : i32
    %lt3A = arith.constant 0 : i32
    %lt3A_8 = arith.cmpi slt, %rem3A, %lt3A : i32
    %lt3A_9 = arith.constant 0 : i32
    %lt3A_10 = arith.cmpi slt, %select_n3A, %lt3A_9 : i32
    %ne3A_11 = arith.xori %lt3A_8, %lt3A_10 : i1
    %and3A = arith.andi %ne3A_11, %ne3A_7 : i1
    %add3A_12 = arith.addi %rem3A, %select_n3A : i32
    %select_n3A_13 = arith.select %and3A, %add3A_12, %rem3A : i32
    "tpu.region"() ({
      %run_scoped3A = tpu.sem_alloc : memref<!tpu.dma_semaphore, #tpu.memory_space<semaphore_mem>>
      %dma_start3A = arith.constant 0 : i32
      %dma_start3A_34 = tpu.memref_slice %arg2[%select_n3A_13, %dma_start3A] : memref<2048x1024xf32, #tpu.memory_space<hbm>> -> memref<64x1024xf32, #tpu.memory_space<hbm>>
      %dma_start3A_35 = arith.constant 0 : i32
      %dma_start3A_36 = tpu.memref_slice %arg2[%select_n3A_13, %dma_start3A_35] : memref<2048x1024xf32, #tpu.memory_space<hbm>> -> memref<64x1024xf32, #tpu.memory_space<hbm>>
      tpu.enqueue_dma source(%dma_start3A_36 : memref<64x1024xf32, #tpu.memory_space<hbm>>) target(%arg6 : memref<64x1024xf32, #tpu.memory_space<vmem>>) target_semaphore(%run_scoped3A : memref<!tpu.dma_semaphore, #tpu.memory_space<semaphore_mem>>)
      %dma_wait3A = arith.constant 0 : i32
      %dma_wait3A_37 = tpu.memref_slice %arg2[%select_n3A_13, %dma_wait3A] : memref<2048x1024xf32, #tpu.memory_space<hbm>> -> memref<64x1024xf32, #tpu.memory_space<hbm>>
      %dma_wait3A_38 = arith.constant 0 : i32
      %dma_wait3A_39 = tpu.memref_slice %arg2[%select_n3A_13, %dma_wait3A_38] : memref<2048x1024xf32, #tpu.memory_space<hbm>> -> memref<64x1024xf32, #tpu.memory_space<hbm>>
      tpu.wait_dma2 semaphore(%run_scoped3A : memref<!tpu.dma_semaphore, #tpu.memory_space<semaphore_mem>>) src(%dma_wait3A_39 : memref<64x1024xf32, #tpu.memory_space<hbm>>) dst(%arg6 : memref<64x1024xf32, #tpu.memory_space<vmem>>)
      tpu.yield
    }) : () -> ()
    "tpu.region"() ({
      %run_scoped3A = tpu.sem_alloc : memref<!tpu.dma_semaphore, #tpu.memory_space<semaphore_mem>>
      %dma_start3A = arith.constant 0 : i32
      %dma_start3A_34 = arith.constant 0 : i32
      %dma_start3A_35 = tpu.memref_slice %arg4[%dma_start3A, %dma_start3A_34] : memref<6144x1024xf32, #tpu.memory_space<hbm>> -> memref<6144x1024xf32, #tpu.memory_space<hbm>>
      tpu.enqueue_indirect_dma source(%arg6 : memref<64x1024xf32, #tpu.memory_space<vmem>>) target(%dma_start3A_35 : memref<6144x1024xf32, #tpu.memory_space<hbm>>) offsets(%arg5 : memref<64xi32, #tpu.memory_space<vmem>>) semaphore(%run_scoped3A : memref<!tpu.dma_semaphore, #tpu.memory_space<semaphore_mem>>)
      %dma_wait3A = arith.constant 0 : i32
      %dma_wait3A_36 = arith.constant 0 : i32
      %dma_wait3A_37 = tpu.memref_slice %arg4[%dma_wait3A, %dma_wait3A_36] : memref<6144x1024xf32, #tpu.memory_space<hbm>> -> memref<6144x1024xf32, #tpu.memory_space<hbm>>
      tpu.wait_indirect_dma semaphore(%run_scoped3A : memref<!tpu.dma_semaphore, #tpu.memory_space<semaphore_mem>>) src(%arg6 : memref<64x1024xf32, #tpu.memory_space<vmem>>) dst(%dma_wait3A_37 : memref<6144x1024xf32, #tpu.memory_space<hbm>>)
      tpu.yield
    }) : () -> ()
    %mul3A_14 = arith.constant 128 : i32
    %mul3A_15 = arith.muli %add3A, %mul3A_14 : i32
    %add3A_16 = arith.constant 64 : i32
    %add3A_17 = arith.addi %mul3A_15, %add3A_16 : i32
    "tpu.region"() ({
      %run_scoped3A = tpu.sem_alloc : memref<!tpu.dma_semaphore, #tpu.memory_space<semaphore_mem>>
      %dma_start3A = tpu.memref_slice %arg3[%add3A_17] : memref<4096xi32, #tpu.memory_space<hbm>> -> memref<64xi32, #tpu.memory_space<hbm>>
      %dma_start3A_34 = tpu.memref_slice %arg3[%add3A_17] : memref<4096xi32, #tpu.memory_space<hbm>> -> memref<64xi32, #tpu.memory_space<hbm>>
      tpu.enqueue_dma source(%dma_start3A_34 : memref<64xi32, #tpu.memory_space<hbm>>) target(%arg5 : memref<64xi32, #tpu.memory_space<vmem>>) target_semaphore(%run_scoped3A : memref<!tpu.dma_semaphore, #tpu.memory_space<semaphore_mem>>)
      %dma_wait3A = tpu.memref_slice %arg3[%add3A_17] : memref<4096xi32, #tpu.memory_space<hbm>> -> memref<64xi32, #tpu.memory_space<hbm>>
      %dma_wait3A_35 = tpu.memref_slice %arg3[%add3A_17] : memref<4096xi32, #tpu.memory_space<hbm>> -> memref<64xi32, #tpu.memory_space<hbm>>
      tpu.wait_dma2 semaphore(%run_scoped3A : memref<!tpu.dma_semaphore, #tpu.memory_space<semaphore_mem>>) src(%dma_wait3A_35 : memref<64xi32, #tpu.memory_space<hbm>>) dst(%arg5 : memref<64xi32, #tpu.memory_space<vmem>>)
      tpu.yield
    }) : () -> ()
    %jit3A_18 = arith.constant 2048 : i32
    %eq3A_19 = arith.constant 0 : i32
    %eq3A_20 = arith.cmpi eq, %jit3A_18, %eq3A_19 : i32
    %jit3A_21 = arith.constant 1 : i32
    %select_n3A_22 = arith.select %eq3A_20, %jit3A_21, %jit3A_18 : i32
    %rem3A_23 = arith.remsi %add3A_17, %select_n3A_22 : i32
    %ne3A_24 = arith.constant 0 : i32
    %ne3A_25 = arith.cmpi ne, %rem3A_23, %ne3A_24 : i32
    %lt3A_26 = arith.constant 0 : i32
    %lt3A_27 = arith.cmpi slt, %rem3A_23, %lt3A_26 : i32
    %lt3A_28 = arith.constant 0 : i32
    %lt3A_29 = arith.cmpi slt, %select_n3A_22, %lt3A_28 : i32
    %ne3A_30 = arith.xori %lt3A_27, %lt3A_29 : i1
    %and3A_31 = arith.andi %ne3A_30, %ne3A_25 : i1
    %add3A_32 = arith.addi %rem3A_23, %select_n3A_22 : i32
    %select_n3A_33 = arith.select %and3A_31, %add3A_32, %rem3A_23 : i32
    "tpu.region"() ({
      %run_scoped3A = tpu.sem_alloc : memref<!tpu.dma_semaphore, #tpu.memory_space<semaphore_mem>>
      %dma_start3A = arith.constant 0 : i32
      %dma_start3A_34 = tpu.memref_slice %arg2[%select_n3A_33, %dma_start3A] : memref<2048x1024xf32, #tpu.memory_space<hbm>> -> memref<64x1024xf32, #tpu.memory_space<hbm>>
      %dma_start3A_35 = arith.constant 0 : i32
      %dma_start3A_36 = tpu.memref_slice %arg2[%select_n3A_33, %dma_start3A_35] : memref<2048x1024xf32, #tpu.memory_space<hbm>> -> memref<64x1024xf32, #tpu.memory_space<hbm>>
      tpu.enqueue_dma source(%dma_start3A_36 : memref<64x1024xf32, #tpu.memory_space<hbm>>) target(%arg6 : memref<64x1024xf32, #tpu.memory_space<vmem>>) target_semaphore(%run_scoped3A : memref<!tpu.dma_semaphore, #tpu.memory_space<semaphore_mem>>)
      %dma_wait3A = arith.constant 0 : i32
      %dma_wait3A_37 = tpu.memref_slice %arg2[%select_n3A_33, %dma_wait3A] : memref<2048x1024xf32, #tpu.memory_space<hbm>> -> memref<64x1024xf32, #tpu.memory_space<hbm>>
      %dma_wait3A_38 = arith.constant 0 : i32
      %dma_wait3A_39 = tpu.memref_slice %arg2[%select_n3A_33, %dma_wait3A_38] : memref<2048x1024xf32, #tpu.memory_space<hbm>> -> memref<64x1024xf32, #tpu.memory_space<hbm>>
      tpu.wait_dma2 semaphore(%run_scoped3A : memref<!tpu.dma_semaphore, #tpu.memory_space<semaphore_mem>>) src(%dma_wait3A_39 : memref<64x1024xf32, #tpu.memory_space<hbm>>) dst(%arg6 : memref<64x1024xf32, #tpu.memory_space<vmem>>)
      tpu.yield
    }) : () -> ()
    "tpu.region"() ({
      %run_scoped3A = tpu.sem_alloc : memref<!tpu.dma_semaphore, #tpu.memory_space<semaphore_mem>>
      %dma_start3A = arith.constant 0 : i32
      %dma_start3A_34 = arith.constant 0 : i32
      %dma_start3A_35 = tpu.memref_slice %arg4[%dma_start3A, %dma_start3A_34] : memref<6144x1024xf32, #tpu.memory_space<hbm>> -> memref<6144x1024xf32, #tpu.memory_space<hbm>>
      tpu.enqueue_indirect_dma source(%arg6 : memref<64x1024xf32, #tpu.memory_space<vmem>>) target(%dma_start3A_35 : memref<6144x1024xf32, #tpu.memory_space<hbm>>) offsets(%arg5 : memref<64xi32, #tpu.memory_space<vmem>>) semaphore(%run_scoped3A : memref<!tpu.dma_semaphore, #tpu.memory_space<semaphore_mem>>)
      %dma_wait3A = arith.constant 0 : i32
      %dma_wait3A_36 = arith.constant 0 : i32
      %dma_wait3A_37 = tpu.memref_slice %arg4[%dma_wait3A, %dma_wait3A_36] : memref<6144x1024xf32, #tpu.memory_space<hbm>> -> memref<6144x1024xf32, #tpu.memory_space<hbm>>
      tpu.wait_indirect_dma semaphore(%run_scoped3A : memref<!tpu.dma_semaphore, #tpu.memory_space<semaphore_mem>>) src(%arg6 : memref<64x1024xf32, #tpu.memory_space<vmem>>) dst(%dma_wait3A_37 : memref<6144x1024xf32, #tpu.memory_space<hbm>>)
      tpu.yield
    }) : () -> ()
    return
  }
}

module attributes {stable_mosaic.version = 14 : i64} {
  func.func @_router_body(%arg0: memref<2048x1024xf32, #tpu.memory_space<vmem>>, %arg1: memref<8x1024xf32, #tpu.memory_space<vmem>>, %arg2: memref<4096x1xi32, #tpu.memory_space<vmem>>, %arg3: memref<2048x32xf32, #tpu.memory_space<vmem>>, %arg4: memref<24x2xi32, #tpu.memory_space<vmem>>) attributes {dimension_semantics = [], scalar_prefetch = 0 : i64, scratch_operands = 0 : i64, tpu.core_type = #tpu.core_type<tc>} {
    %get3A = arith.constant 0 : index
    %get3A_0 = arith.constant 0 : index
    %get3A_1 = vector.load %arg0[%get3A, %get3A_0] : memref<2048x1024xf32, #tpu.memory_space<vmem>>, vector<2048x1024xf32>
    %get3A_2 = arith.constant 0 : index
    %get3A_3 = arith.constant 0 : index
    %get3A_4 = vector.load %arg1[%get3A_2, %get3A_3] : memref<8x1024xf32, #tpu.memory_space<vmem>>, vector<8x1024xf32>
    %transpose3A = tpu.transpose %get3A_4, [1, 0] : vector<8x1024xf32> -> vector<1024x8xf32>
    %dot_general3A = arith.constant dense<0.000000e+00> : vector<2048x8xf32>
    %dot_general3A_5 = tpu.matmul %get3A_1, %transpose3A, %dot_general3A {dimension_numbers = #tpu.dot_dimension_numbers<[1], [0], [0], [1], [0, 0, 1, 1], [], []>, transpose_lhs_hint = false} : vector<2048x1024xf32>, vector<1024x8xf32>, vector<2048x8xf32> -> vector<2048x8xf32>
    %reduce_max3A = arith.constant dense<0xFF800000> : vector<2048xf32>
    %reduce_max3A_6 = vector.multi_reduction <maximumf>, %dot_general3A_5, %reduce_max3A [1] : vector<2048x8xf32> to vector<2048xf32>
    %broadcast_in_dim3A = vector.shape_cast %reduce_max3A_6 : vector<2048xf32> to vector<2048x1xf32>
    %eq3A = vector.broadcast %broadcast_in_dim3A : vector<2048x1xf32> to vector<2048x8xf32>
    %eq3A_7 = arith.cmpf oeq, %dot_general3A_5, %eq3A : vector<2048x8xf32>
    %convert_element_type3A = arith.extui %eq3A_7 : vector<2048x8xi1> to vector<2048x8xi32>
    %broadcast_in_dim3A_8 = arith.constant 0 : i32
    %broadcast_in_dim3A_9 = vector.broadcast %broadcast_in_dim3A_8 : i32 to vector<2048x1xi32>
    %slice3A = vector.extract_strided_slice %convert_element_type3A {offsets = [0, 0], sizes = [2048, 7], strides = [1, 1]} : vector<2048x8xi32> to vector<2048x7xi32>
    %concatenate3A = tpu.concatenate %broadcast_in_dim3A_9, %slice3A in 1 : vector<2048x1xi32>, vector<2048x7xi32> -> vector<2048x8xi32>
    %add3A = arith.addi %convert_element_type3A, %concatenate3A : vector<2048x8xi32>
    %broadcast_in_dim3A_10 = arith.constant 0 : i32
    %broadcast_in_dim3A_11 = vector.broadcast %broadcast_in_dim3A_10 : i32 to vector<2048x2xi32>
    %slice3A_12 = vector.extract_strided_slice %add3A {offsets = [0, 0], sizes = [2048, 6], strides = [1, 1]} : vector<2048x8xi32> to vector<2048x6xi32>
    %concatenate3A_13 = tpu.concatenate %broadcast_in_dim3A_11, %slice3A_12 in 1 : vector<2048x2xi32>, vector<2048x6xi32> -> vector<2048x8xi32>
    %add3A_14 = arith.addi %add3A, %concatenate3A_13 : vector<2048x8xi32>
    %broadcast_in_dim3A_15 = arith.constant 0 : i32
    %broadcast_in_dim3A_16 = vector.broadcast %broadcast_in_dim3A_15 : i32 to vector<2048x4xi32>
    %slice3A_17 = vector.extract_strided_slice %add3A_14 {offsets = [0, 0], sizes = [2048, 4], strides = [1, 1]} : vector<2048x8xi32> to vector<2048x4xi32>
    %concatenate3A_18 = tpu.concatenate %broadcast_in_dim3A_16, %slice3A_17 in 1 : vector<2048x4xi32>, vector<2048x4xi32> -> vector<2048x8xi32>
    %add3A_19 = arith.addi %add3A_14, %concatenate3A_18 : vector<2048x8xi32>
    %eq3A_20 = arith.constant 1 : i32
    %eq3A_21 = vector.broadcast %eq3A_20 : i32 to vector<2048x8xi32>
    %eq3A_22 = arith.cmpi eq, %add3A_19, %eq3A_21 : vector<2048x8xi32>
    %convert_element_type3A_23 = arith.extui %eq3A_22 : vector<2048x8xi1> to vector<2048x8xi32>
    %mul3A = arith.muli %convert_element_type3A, %convert_element_type3A_23 : vector<2048x8xi32>
    %eq3A_24 = arith.constant 1 : i32
    %eq3A_25 = vector.broadcast %eq3A_24 : i32 to vector<2048x8xi32>
    %eq3A_26 = arith.cmpi eq, %mul3A, %eq3A_25 : vector<2048x8xi32>
    %jit3A = arith.constant -3.000000e+38 : f32
    %broadcast_in_dim3A_27 = vector.broadcast %jit3A : f32 to vector<2048x8xf32>
    %select_n3A = arith.select %eq3A_26, %broadcast_in_dim3A_27, %dot_general3A_5 : vector<2048x8xi1>, vector<2048x8xf32>
    %reduce_max3A_28 = arith.constant dense<0xFF800000> : vector<2048xf32>
    %reduce_max3A_29 = vector.multi_reduction <maximumf>, %select_n3A, %reduce_max3A_28 [1] : vector<2048x8xf32> to vector<2048xf32>
    %broadcast_in_dim3A_30 = vector.shape_cast %reduce_max3A_29 : vector<2048xf32> to vector<2048x1xf32>
    %eq3A_31 = vector.broadcast %broadcast_in_dim3A_30 : vector<2048x1xf32> to vector<2048x8xf32>
    %eq3A_32 = arith.cmpf oeq, %select_n3A, %eq3A_31 : vector<2048x8xf32>
    %convert_element_type3A_33 = arith.extui %eq3A_32 : vector<2048x8xi1> to vector<2048x8xi32>
    %broadcast_in_dim3A_34 = arith.constant 0 : i32
    %broadcast_in_dim3A_35 = vector.broadcast %broadcast_in_dim3A_34 : i32 to vector<2048x1xi32>
    %slice3A_36 = vector.extract_strided_slice %convert_element_type3A_33 {offsets = [0, 0], sizes = [2048, 7], strides = [1, 1]} : vector<2048x8xi32> to vector<2048x7xi32>
    %concatenate3A_37 = tpu.concatenate %broadcast_in_dim3A_35, %slice3A_36 in 1 : vector<2048x1xi32>, vector<2048x7xi32> -> vector<2048x8xi32>
    %add3A_38 = arith.addi %convert_element_type3A_33, %concatenate3A_37 : vector<2048x8xi32>
    %broadcast_in_dim3A_39 = arith.constant 0 : i32
    %broadcast_in_dim3A_40 = vector.broadcast %broadcast_in_dim3A_39 : i32 to vector<2048x2xi32>
    %slice3A_41 = vector.extract_strided_slice %add3A_38 {offsets = [0, 0], sizes = [2048, 6], strides = [1, 1]} : vector<2048x8xi32> to vector<2048x6xi32>
    %concatenate3A_42 = tpu.concatenate %broadcast_in_dim3A_40, %slice3A_41 in 1 : vector<2048x2xi32>, vector<2048x6xi32> -> vector<2048x8xi32>
    %add3A_43 = arith.addi %add3A_38, %concatenate3A_42 : vector<2048x8xi32>
    %broadcast_in_dim3A_44 = arith.constant 0 : i32
    %broadcast_in_dim3A_45 = vector.broadcast %broadcast_in_dim3A_44 : i32 to vector<2048x4xi32>
    %slice3A_46 = vector.extract_strided_slice %add3A_43 {offsets = [0, 0], sizes = [2048, 4], strides = [1, 1]} : vector<2048x8xi32> to vector<2048x4xi32>
    %concatenate3A_47 = tpu.concatenate %broadcast_in_dim3A_45, %slice3A_46 in 1 : vector<2048x4xi32>, vector<2048x4xi32> -> vector<2048x8xi32>
    %add3A_48 = arith.addi %add3A_43, %concatenate3A_47 : vector<2048x8xi32>
    %eq3A_49 = arith.constant 1 : i32
    %eq3A_50 = vector.broadcast %eq3A_49 : i32 to vector<2048x8xi32>
    %eq3A_51 = arith.cmpi eq, %add3A_48, %eq3A_50 : vector<2048x8xi32>
    %convert_element_type3A_52 = arith.extui %eq3A_51 : vector<2048x8xi1> to vector<2048x8xi32>
    %mul3A_53 = arith.muli %convert_element_type3A_33, %convert_element_type3A_52 : vector<2048x8xi32>
    %sub3A = arith.subf %broadcast_in_dim3A_30, %broadcast_in_dim3A : vector<2048x1xf32>
    %exp3A = math.exp %sub3A : vector<2048x1xf32>
    %add3A_54 = arith.constant 1.000000e+00 : f32
    %add3A_55 = vector.broadcast %add3A_54 : f32 to vector<2048x1xf32>
    %add3A_56 = arith.addf %add3A_55, %exp3A : vector<2048x1xf32>
    %div3A = arith.constant 1.000000e+00 : f32
    %div3A_57 = vector.broadcast %div3A : f32 to vector<2048x1xf32>
    %div3A_58 = arith.divf %div3A_57, %add3A_56 : vector<2048x1xf32>
    %add3A_59 = arith.constant 1.000000e+00 : f32
    %add3A_60 = vector.broadcast %add3A_59 : f32 to vector<2048x1xf32>
    %add3A_61 = arith.addf %add3A_60, %exp3A : vector<2048x1xf32>
    %div3A_62 = arith.divf %exp3A, %add3A_61 : vector<2048x1xf32>
    %broadcast_in_dim3A_63 = vector.shape_cast %div3A_58 : vector<2048x1xf32> to vector<2048x1xf32>
    %broadcast_in_dim3A_64 = vector.broadcast %broadcast_in_dim3A_63 : vector<2048x1xf32> to vector<2048x16xf32>
    %broadcast_in_dim3A_65 = vector.shape_cast %div3A_62 : vector<2048x1xf32> to vector<2048x1xf32>
    %broadcast_in_dim3A_66 = vector.broadcast %broadcast_in_dim3A_65 : vector<2048x1xf32> to vector<2048x16xf32>
    %concatenate3A_67 = tpu.concatenate %broadcast_in_dim3A_64, %broadcast_in_dim3A_66 in 1 : vector<2048x16xf32>, vector<2048x16xf32> -> vector<2048x32xf32>
    %swap3A = arith.constant 0 : index
    %swap3A_68 = arith.constant 0 : index
    %swap3A_69 = vector.load %arg3[%swap3A, %swap3A_68] : memref<2048x32xf32, #tpu.memory_space<vmem>>, vector<2048x32xf32>
    tpu.vector_store %arg3[%swap3A, %swap3A_68], %concatenate3A_67 {strides = array<i32>} : memref<2048x32xf32, #tpu.memory_space<vmem>>, vector<2048x32xf32>,
    %concatenate3A_70 = tpu.concatenate %mul3A, %mul3A_53 in 0 : vector<2048x8xi32>, vector<2048x8xi32> -> vector<4096x8xi32>
    %broadcast_in_dim3A_71 = arith.constant 0 : i32
    %broadcast_in_dim3A_72 = vector.broadcast %broadcast_in_dim3A_71 : i32 to vector<1x8xi32>
    %slice3A_73 = vector.extract_strided_slice %concatenate3A_70 {offsets = [0, 0], sizes = [4095, 8], strides = [1, 1]} : vector<4096x8xi32> to vector<4095x8xi32>
    %concatenate3A_74 = tpu.concatenate %broadcast_in_dim3A_72, %slice3A_73 in 0 : vector<1x8xi32>, vector<4095x8xi32> -> vector<4096x8xi32>
    %add3A_75 = arith.addi %concatenate3A_70, %concatenate3A_74 : vector<4096x8xi32>
    %broadcast_in_dim3A_76 = arith.constant 0 : i32
    %broadcast_in_dim3A_77 = vector.broadcast %broadcast_in_dim3A_76 : i32 to vector<2x8xi32>
    %slice3A_78 = vector.extract_strided_slice %add3A_75 {offsets = [0, 0], sizes = [4094, 8], strides = [1, 1]} : vector<4096x8xi32> to vector<4094x8xi32>
    %concatenate3A_79 = tpu.concatenate %broadcast_in_dim3A_77, %slice3A_78 in 0 : vector<2x8xi32>, vector<4094x8xi32> -> vector<4096x8xi32>
    %add3A_80 = arith.addi %add3A_75, %concatenate3A_79 : vector<4096x8xi32>
    %broadcast_in_dim3A_81 = arith.constant 0 : i32
    %broadcast_in_dim3A_82 = vector.broadcast %broadcast_in_dim3A_81 : i32 to vector<4x8xi32>
    %slice3A_83 = vector.extract_strided_slice %add3A_80 {offsets = [0, 0], sizes = [4092, 8], strides = [1, 1]} : vector<4096x8xi32> to vector<4092x8xi32>
    %concatenate3A_84 = tpu.concatenate %broadcast_in_dim3A_82, %slice3A_83 in 0 : vector<4x8xi32>, vector<4092x8xi32> -> vector<4096x8xi32>
    %add3A_85 = arith.addi %add3A_80, %concatenate3A_84 : vector<4096x8xi32>
    %broadcast_in_dim3A_86 = arith.constant 0 : i32
    %broadcast_in_dim3A_87 = vector.broadcast %broadcast_in_dim3A_86 : i32 to vector<8x8xi32>
    %slice3A_88 = vector.extract_strided_slice %add3A_85 {offsets = [0, 0], sizes = [4088, 8], strides = [1, 1]} : vector<4096x8xi32> to vector<4088x8xi32>
    %concatenate3A_89 = tpu.concatenate %broadcast_in_dim3A_87, %slice3A_88 in 0 : vector<8x8xi32>, vector<4088x8xi32> -> vector<4096x8xi32>
    %add3A_90 = arith.addi %add3A_85, %concatenate3A_89 : vector<4096x8xi32>
    %broadcast_in_dim3A_91 = arith.constant 0 : i32
    %broadcast_in_dim3A_92 = vector.broadcast %broadcast_in_dim3A_91 : i32 to vector<16x8xi32>
    %slice3A_93 = vector.extract_strided_slice %add3A_90 {offsets = [0, 0], sizes = [4080, 8], strides = [1, 1]} : vector<4096x8xi32> to vector<4080x8xi32>
    %concatenate3A_94 = tpu.concatenate %broadcast_in_dim3A_92, %slice3A_93 in 0 : vector<16x8xi32>, vector<4080x8xi32> -> vector<4096x8xi32>
    %add3A_95 = arith.addi %add3A_90, %concatenate3A_94 : vector<4096x8xi32>
    %broadcast_in_dim3A_96 = arith.constant 0 : i32
    %broadcast_in_dim3A_97 = vector.broadcast %broadcast_in_dim3A_96 : i32 to vector<32x8xi32>
    %slice3A_98 = vector.extract_strided_slice %add3A_95 {offsets = [0, 0], sizes = [4064, 8], strides = [1, 1]} : vector<4096x8xi32> to vector<4064x8xi32>
    %concatenate3A_99 = tpu.concatenate %broadcast_in_dim3A_97, %slice3A_98 in 0 : vector<32x8xi32>, vector<4064x8xi32> -> vector<4096x8xi32>
    %add3A_100 = arith.addi %add3A_95, %concatenate3A_99 : vector<4096x8xi32>
    %broadcast_in_dim3A_101 = arith.constant 0 : i32
    %broadcast_in_dim3A_102 = vector.broadcast %broadcast_in_dim3A_101 : i32 to vector<64x8xi32>
    %slice3A_103 = vector.extract_strided_slice %add3A_100 {offsets = [0, 0], sizes = [4032, 8], strides = [1, 1]} : vector<4096x8xi32> to vector<4032x8xi32>
    %concatenate3A_104 = tpu.concatenate %broadcast_in_dim3A_102, %slice3A_103 in 0 : vector<64x8xi32>, vector<4032x8xi32> -> vector<4096x8xi32>
    %add3A_105 = arith.addi %add3A_100, %concatenate3A_104 : vector<4096x8xi32>
    %broadcast_in_dim3A_106 = arith.constant 0 : i32
    %broadcast_in_dim3A_107 = vector.broadcast %broadcast_in_dim3A_106 : i32 to vector<128x8xi32>
    %slice3A_108 = vector.extract_strided_slice %add3A_105 {offsets = [0, 0], sizes = [3968, 8], strides = [1, 1]} : vector<4096x8xi32> to vector<3968x8xi32>
    %concatenate3A_109 = tpu.concatenate %broadcast_in_dim3A_107, %slice3A_108 in 0 : vector<128x8xi32>, vector<3968x8xi32> -> vector<4096x8xi32>
    %add3A_110 = arith.addi %add3A_105, %concatenate3A_109 : vector<4096x8xi32>
    %broadcast_in_dim3A_111 = arith.constant 0 : i32
    %broadcast_in_dim3A_112 = vector.broadcast %broadcast_in_dim3A_111 : i32 to vector<256x8xi32>
    %slice3A_113 = vector.extract_strided_slice %add3A_110 {offsets = [0, 0], sizes = [3840, 8], strides = [1, 1]} : vector<4096x8xi32> to vector<3840x8xi32>
    %concatenate3A_114 = tpu.concatenate %broadcast_in_dim3A_112, %slice3A_113 in 0 : vector<256x8xi32>, vector<3840x8xi32> -> vector<4096x8xi32>
    %add3A_115 = arith.addi %add3A_110, %concatenate3A_114 : vector<4096x8xi32>
    %broadcast_in_dim3A_116 = arith.constant 0 : i32
    %broadcast_in_dim3A_117 = vector.broadcast %broadcast_in_dim3A_116 : i32 to vector<512x8xi32>
    %slice3A_118 = vector.extract_strided_slice %add3A_115 {offsets = [0, 0], sizes = [3584, 8], strides = [1, 1]} : vector<4096x8xi32> to vector<3584x8xi32>
    %concatenate3A_119 = tpu.concatenate %broadcast_in_dim3A_117, %slice3A_118 in 0 : vector<512x8xi32>, vector<3584x8xi32> -> vector<4096x8xi32>
    %add3A_120 = arith.addi %add3A_115, %concatenate3A_119 : vector<4096x8xi32>
    %broadcast_in_dim3A_121 = arith.constant 0 : i32
    %broadcast_in_dim3A_122 = vector.broadcast %broadcast_in_dim3A_121 : i32 to vector<1024x8xi32>
    %slice3A_123 = vector.extract_strided_slice %add3A_120 {offsets = [0, 0], sizes = [3072, 8], strides = [1, 1]} : vector<4096x8xi32> to vector<3072x8xi32>
    %concatenate3A_124 = tpu.concatenate %broadcast_in_dim3A_122, %slice3A_123 in 0 : vector<1024x8xi32>, vector<3072x8xi32> -> vector<4096x8xi32>
    %add3A_125 = arith.addi %add3A_120, %concatenate3A_124 : vector<4096x8xi32>
    %broadcast_in_dim3A_126 = arith.constant 0 : i32
    %broadcast_in_dim3A_127 = vector.broadcast %broadcast_in_dim3A_126 : i32 to vector<2048x8xi32>
    %slice3A_128 = vector.extract_strided_slice %add3A_125 {offsets = [0, 0], sizes = [2048, 8], strides = [1, 1]} : vector<4096x8xi32> to vector<2048x8xi32>
    %concatenate3A_129 = tpu.concatenate %broadcast_in_dim3A_127, %slice3A_128 in 0 : vector<2048x8xi32>, vector<2048x8xi32> -> vector<4096x8xi32>
    %add3A_130 = arith.addi %add3A_125, %concatenate3A_129 : vector<4096x8xi32>
    %sub3A_131 = arith.constant 1 : i32
    %sub3A_132 = vector.broadcast %sub3A_131 : i32 to vector<4096x8xi32>
    %sub3A_133 = arith.subi %add3A_130, %sub3A_132 : vector<4096x8xi32>
    %mul3A_134 = arith.muli %concatenate3A_70, %sub3A_133 : vector<4096x8xi32>
    %reduce_sum3A = arith.constant dense<0> : vector<4096xi32>
    %reduce_sum3A_135 = vector.multi_reduction <add>, %mul3A_134, %reduce_sum3A [1] : vector<4096x8xi32> to vector<4096xi32>
    %broadcast_in_dim3A_136 = vector.shape_cast %reduce_sum3A_135 : vector<4096xi32> to vector<4096x1xi32>
    %slice3A_137 = vector.extract_strided_slice %add3A_130 {offsets = [4095, 0], sizes = [1, 8], strides = [1, 1]} : vector<4096x8xi32> to vector<1x8xi32>
    %add3A_138 = arith.constant 255 : i32
    %add3A_139 = vector.broadcast %add3A_138 : i32 to vector<1x8xi32>
    %add3A_140 = arith.addi %slice3A_137, %add3A_139 : vector<1x8xi32>
    %jit3A_141 = arith.constant 256 : i32
    %div3A_142 = vector.broadcast %jit3A_141 : i32 to vector<1x8xi32>
    %div3A_143 = arith.divsi %add3A_140, %div3A_142 : vector<1x8xi32>
    %sign3A = arith.constant 0 : i32
    %sign3A_144 = vector.broadcast %sign3A : i32 to vector<1x8xi32>
    %sign3A_145 = arith.cmpi sgt, %add3A_140, %sign3A_144 : vector<1x8xi32>
    %sign3A_146 = arith.extui %sign3A_145 : vector<1x8xi1> to vector<1x8xi32>
    %sign3A_147 = arith.constant 0 : i32
    %sign3A_148 = vector.broadcast %sign3A_147 : i32 to vector<1x8xi32>
    %sign3A_149 = arith.cmpi slt, %add3A_140, %sign3A_148 : vector<1x8xi32>
    %sign3A_150 = arith.extui %sign3A_149 : vector<1x8xi1> to vector<1x8xi32>
    %sign3A_151 = arith.subi %sign3A_146, %sign3A_150 : vector<1x8xi32>
    %sign3A_152 = arith.constant 0 : i32
    %sign3A_153 = arith.cmpi sgt, %jit3A_141, %sign3A_152 : i32
    %sign3A_154 = arith.extui %sign3A_153 : i1 to i32
    %sign3A_155 = arith.constant 0 : i32
    %sign3A_156 = arith.cmpi slt, %jit3A_141, %sign3A_155 : i32
    %sign3A_157 = arith.extui %sign3A_156 : i1 to i32
    %sign3A_158 = arith.subi %sign3A_154, %sign3A_157 : i32
    %ne3A = vector.broadcast %sign3A_158 : i32 to vector<1x8xi32>
    %ne3A_159 = arith.cmpi ne, %sign3A_151, %ne3A : vector<1x8xi32>
    %rem3A = vector.broadcast %jit3A_141 : i32 to vector<1x8xi32>
    %rem3A_160 = arith.remsi %add3A_140, %rem3A : vector<1x8xi32>
    %ne3A_161 = arith.constant 0 : i32
    %ne3A_162 = vector.broadcast %ne3A_161 : i32 to vector<1x8xi32>
    %ne3A_163 = arith.cmpi ne, %rem3A_160, %ne3A_162 : vector<1x8xi32>
    %and3A = arith.andi %ne3A_159, %ne3A_163 : vector<1x8xi1>
    %sub3A_164 = arith.constant 1 : i32
    %sub3A_165 = vector.broadcast %sub3A_164 : i32 to vector<1x8xi32>
    %sub3A_166 = arith.subi %div3A_143, %sub3A_165 : vector<1x8xi32>
    %select_n3A_167 = arith.select %and3A, %sub3A_166, %div3A_143 : vector<1x8xi1>, vector<1x8xi32>
    %broadcast_in_dim3A_168 = arith.constant 0 : i32
    %broadcast_in_dim3A_169 = vector.broadcast %broadcast_in_dim3A_168 : i32 to vector<1x1xi32>
    %slice3A_170 = vector.extract_strided_slice %select_n3A_167 {offsets = [0, 0], sizes = [1, 7], strides = [1, 1]} : vector<1x8xi32> to vector<1x7xi32>
    %concatenate3A_171 = tpu.concatenate %broadcast_in_dim3A_169, %slice3A_170 in 1 : vector<1x1xi32>, vector<1x7xi32> -> vector<1x8xi32>
    %add3A_172 = arith.addi %select_n3A_167, %concatenate3A_171 : vector<1x8xi32>
    %broadcast_in_dim3A_173 = arith.constant 0 : i32
    %broadcast_in_dim3A_174 = vector.broadcast %broadcast_in_dim3A_173 : i32 to vector<1x2xi32>
    %slice3A_175 = vector.extract_strided_slice %add3A_172 {offsets = [0, 0], sizes = [1, 6], strides = [1, 1]} : vector<1x8xi32> to vector<1x6xi32>
    %concatenate3A_176 = tpu.concatenate %broadcast_in_dim3A_174, %slice3A_175 in 1 : vector<1x2xi32>, vector<1x6xi32> -> vector<1x8xi32>
    %add3A_177 = arith.addi %add3A_172, %concatenate3A_176 : vector<1x8xi32>
    %broadcast_in_dim3A_178 = arith.constant 0 : i32
    %broadcast_in_dim3A_179 = vector.broadcast %broadcast_in_dim3A_178 : i32 to vector<1x4xi32>
    %slice3A_180 = vector.extract_strided_slice %add3A_177 {offsets = [0, 0], sizes = [1, 4], strides = [1, 1]} : vector<1x8xi32> to vector<1x4xi32>
    %concatenate3A_181 = tpu.concatenate %broadcast_in_dim3A_179, %slice3A_180 in 1 : vector<1x4xi32>, vector<1x4xi32> -> vector<1x8xi32>
    %add3A_182 = arith.addi %add3A_177, %concatenate3A_181 : vector<1x8xi32>
    %sub3A_183 = arith.subi %add3A_182, %select_n3A_167 : vector<1x8xi32>
    %mul3A_184 = arith.constant 256 : i32
    %mul3A_185 = vector.broadcast %mul3A_184 : i32 to vector<1x8xi32>
    %mul3A_186 = arith.muli %sub3A_183, %mul3A_185 : vector<1x8xi32>
    %mul3A_187 = vector.broadcast %mul3A_186 : vector<1x8xi32> to vector<4096x8xi32>
    %mul3A_188 = arith.muli %concatenate3A_70, %mul3A_187 : vector<4096x8xi32>
    %reduce_sum3A_189 = arith.constant dense<0> : vector<4096xi32>
    %reduce_sum3A_190 = vector.multi_reduction <add>, %mul3A_188, %reduce_sum3A_189 [1] : vector<4096x8xi32> to vector<4096xi32>
    %broadcast_in_dim3A_191 = vector.shape_cast %reduce_sum3A_190 : vector<4096xi32> to vector<4096x1xi32>
    %add3A_192 = arith.addi %broadcast_in_dim3A_136, %broadcast_in_dim3A_191 : vector<4096x1xi32>
    %swap3A_193 = arith.constant 0 : index
    %swap3A_194 = arith.constant 0 : index
    %swap3A_195 = vector.load %arg2[%swap3A_193, %swap3A_194] : memref<4096x1xi32, #tpu.memory_space<vmem>>, vector<4096x1xi32>
    tpu.vector_store %arg2[%swap3A_193, %swap3A_194], %add3A_192 {strides = array<i32>} : memref<4096x1xi32, #tpu.memory_space<vmem>>, vector<4096x1xi32>,
    %iota3A = tpu.iota {dimensions = array<i32: 1>} : vector<128x8xi32>
    %iota3A_196 = tpu.iota {dimensions = array<i32: 0>} : vector<128x8xi32>
    %ge3A = vector.broadcast %sub3A_183 : vector<1x8xi32> to vector<128x8xi32>
    %ge3A_197 = arith.cmpi sge, %iota3A_196, %ge3A : vector<128x8xi32>
    %lt3A = vector.broadcast %add3A_182 : vector<1x8xi32> to vector<128x8xi32>
    %lt3A_198 = arith.cmpi slt, %iota3A_196, %lt3A : vector<128x8xi32>
    %and3A_199 = arith.andi %ge3A_197, %lt3A_198 : vector<128x8xi1>
    %convert_element_type3A_200 = arith.extui %and3A_199 : vector<128x8xi1> to vector<128x8xi32>
    %mul3A_201 = arith.muli %iota3A, %convert_element_type3A_200 : vector<128x8xi32>
    %reduce_sum3A_202 = arith.constant dense<0> : vector<128xi32>
    %reduce_sum3A_203 = vector.multi_reduction <add>, %mul3A_201, %reduce_sum3A_202 [1] : vector<128x8xi32> to vector<128xi32>
    %broadcast_in_dim3A_204 = vector.shape_cast %reduce_sum3A_203 : vector<128xi32> to vector<128x1xi32>
    %reduce_sum3A_205 = arith.constant dense<0> : vector<128xi32>
    %reduce_sum3A_206 = vector.multi_reduction <add>, %convert_element_type3A_200, %reduce_sum3A_205 [1] : vector<128x8xi32> to vector<128xi32>
    %broadcast_in_dim3A_207 = vector.shape_cast %reduce_sum3A_206 : vector<128xi32> to vector<128x1xi32>
    %slice3A_208 = vector.extract_strided_slice %iota3A {offsets = [0, 0], sizes = [1, 8], strides = [1, 1]} : vector<128x8xi32> to vector<1x8xi32>
    %gt3A = arith.constant 0 : i32
    %gt3A_209 = vector.broadcast %gt3A : i32 to vector<1x8xi32>
    %gt3A_210 = arith.cmpi sgt, %slice3A_137, %gt3A_209 : vector<1x8xi32>
    %convert_element_type3A_211 = arith.extui %gt3A_210 : vector<1x8xi1> to vector<1x8xi32>
    %mul3A_212 = arith.muli %slice3A_208, %convert_element_type3A_211 : vector<1x8xi32>
    %reduce_max3A_213 = arith.constant dense<-2147483648> : vector<1xi32>
    %reduce_max3A_214 = vector.multi_reduction <maxsi>, %mul3A_212, %reduce_max3A_213 [1] : vector<1x8xi32> to vector<1xi32>
    %broadcast_in_dim3A_215 = vector.shape_cast %reduce_max3A_214 : vector<1xi32> to vector<1x1xi32>
    %gt3A_216 = arith.constant 0 : i32
    %gt3A_217 = vector.broadcast %gt3A_216 : i32 to vector<128x1xi32>
    %gt3A_218 = arith.cmpi sgt, %broadcast_in_dim3A_207, %gt3A_217 : vector<128x1xi32>
    %broadcast_in_dim3A_219 = vector.shape_cast %broadcast_in_dim3A_215 : vector<1x1xi32> to vector<1x1xi32>
    %broadcast_in_dim3A_220 = vector.broadcast %broadcast_in_dim3A_219 : vector<1x1xi32> to vector<128x1xi32>
    %select_n3A_221 = arith.select %gt3A_218, %broadcast_in_dim3A_204, %broadcast_in_dim3A_220 : vector<128x1xi1>, vector<128x1xi32>
    %concatenate3A_222 = tpu.concatenate %select_n3A_221, %broadcast_in_dim3A_207 in 1 : vector<128x1xi32>, vector<128x1xi32> -> vector<128x2xi32>
    %slice3A_223 = vector.extract_strided_slice %concatenate3A_222 {offsets = [0, 0], sizes = [24, 2], strides = [1, 1]} : vector<128x2xi32> to vector<24x2xi32>
    %swap3A_224 = arith.constant 0 : index
    %swap3A_225 = arith.constant 0 : index
    %swap3A_226 = vector.load %arg4[%swap3A_224, %swap3A_225] : memref<24x2xi32, #tpu.memory_space<vmem>>, vector<24x2xi32>
    tpu.vector_store %arg4[%swap3A_224, %swap3A_225], %slice3A_223 {strides = array<i32>} : memref<24x2xi32, #tpu.memory_space<vmem>>, vector<24x2xi32>,
    return
  }
}

module attributes {stable_mosaic.version = 14 : i64} {
  func.func @_ffn_body(%arg0: i32, %arg1: memref<24x2xi32, #tpu.memory_space<smem>>, %arg2: memref<256x1024xf32, #tpu.memory_space<vmem>>, %arg3: memref<1x2048x1024xf32, #tpu.memory_space<vmem>>, %arg4: memref<1x2048x1024xf32, #tpu.memory_space<vmem>>, %arg5: memref<1x1024x2048xf32, #tpu.memory_space<vmem>>, %arg6: memref<256x1024xf32, #tpu.memory_space<vmem>>) attributes {dimension_semantics = [#tpu.dimension_semantics<arbitrary>], iteration_bounds = array<i64: 24>, scalar_prefetch = 1 : i64, scratch_operands = 0 : i64, tpu.core_type = #tpu.core_type<tc>, window_params = [{transform_indices = @transform_0, window_bounds = array<i64: 256, 1024>}, {transform_indices = @transform_1, window_bounds = array<i64: 1, 2048, 1024>}, {transform_indices = @transform_2, window_bounds = array<i64: 1, 2048, 1024>}, {transform_indices = @transform_3, window_bounds = array<i64: 1, 1024, 2048>}, {transform_indices = @transform_4, window_bounds = array<i64: 256, 1024>}]} {
    %get3A = arith.index_cast %arg0 : i32 to index
    %get3A_0 = arith.constant 1 : index
    %get3A_1 = memref.load %arg1[%get3A, %get3A_0] : memref<24x2xi32, #tpu.memory_space<smem>>
    %eq3A = arith.constant 1 : i32
    %eq3A_2 = arith.cmpi eq, %get3A_1, %eq3A : i32
    %convert_element_type3A = arith.extui %eq3A_2 : i1 to i32
    %cond3A = arith.constant 0 : i32
    %cond3A_3 = arith.cmpi ne, %convert_element_type3A, %cond3A : i32
    scf.if %cond3A_3 {
      %get3A_4 = arith.constant 0 : index
      %get3A_5 = arith.constant 0 : index
      %get3A_6 = vector.load %arg2[%get3A_4, %get3A_5] : memref<256x1024xf32, #tpu.memory_space<vmem>>, vector<256x1024xf32>
      %get3A_7 = arith.constant 0 : index
      %get3A_8 = arith.constant 0 : index
      %get3A_9 = arith.constant 0 : index
      %get3A_10 = vector.load %arg3[%get3A_7, %get3A_8, %get3A_9] : memref<1x2048x1024xf32, #tpu.memory_space<vmem>>, vector<1x2048x1024xf32>
      %get3A_11 = vector.shape_cast %get3A_10 : vector<1x2048x1024xf32> to vector<2048x1024xf32>
      %transpose3A = tpu.transpose %get3A_11, [1, 0] : vector<2048x1024xf32> -> vector<1024x2048xf32>
      %dot_general3A = arith.constant dense<0.000000e+00> : vector<256x2048xf32>
      %dot_general3A_12 = tpu.matmul %get3A_6, %transpose3A, %dot_general3A {dimension_numbers = #tpu.dot_dimension_numbers<[1], [0], [0], [1], [0, 0, 1, 1], [], []>, transpose_lhs_hint = false} : vector<256x1024xf32>, vector<1024x2048xf32>, vector<256x2048xf32> -> vector<256x2048xf32>
      %get3A_13 = arith.constant 0 : index
      %get3A_14 = arith.constant 0 : index
      %get3A_15 = arith.constant 0 : index
      %get3A_16 = vector.load %arg4[%get3A_13, %get3A_14, %get3A_15] : memref<1x2048x1024xf32, #tpu.memory_space<vmem>>, vector<1x2048x1024xf32>
      %get3A_17 = vector.shape_cast %get3A_16 : vector<1x2048x1024xf32> to vector<2048x1024xf32>
      %transpose3A_18 = tpu.transpose %get3A_17, [1, 0] : vector<2048x1024xf32> -> vector<1024x2048xf32>
      %dot_general3A_19 = arith.constant dense<0.000000e+00> : vector<256x2048xf32>
      %dot_general3A_20 = tpu.matmul %get3A_6, %transpose3A_18, %dot_general3A_19 {dimension_numbers = #tpu.dot_dimension_numbers<[1], [0], [0], [1], [0, 0, 1, 1], [], []>, transpose_lhs_hint = false} : vector<256x1024xf32>, vector<1024x2048xf32>, vector<256x2048xf32> -> vector<256x2048xf32>
      %logistic3A = arith.negf %dot_general3A_12 : vector<256x2048xf32>
      %logistic3A_21 = math.exp %logistic3A : vector<256x2048xf32>
      %logistic3A_22 = arith.constant 1.000000e+00 : f32
      %logistic3A_23 = vector.broadcast %logistic3A_22 : f32 to vector<256x2048xf32>
      %logistic3A_24 = arith.addf %logistic3A_23, %logistic3A_21 : vector<256x2048xf32>
      %logistic3A_25 = arith.divf %logistic3A_23, %logistic3A_24 : vector<256x2048xf32>
      %mul3A = arith.mulf %dot_general3A_12, %logistic3A_25 : vector<256x2048xf32>
      %mul3A_26 = arith.mulf %mul3A, %dot_general3A_20 : vector<256x2048xf32>
      %get3A_27 = arith.constant 0 : index
      %get3A_28 = arith.constant 0 : index
      %get3A_29 = arith.constant 0 : index
      %get3A_30 = vector.load %arg5[%get3A_27, %get3A_28, %get3A_29] : memref<1x1024x2048xf32, #tpu.memory_space<vmem>>, vector<1x1024x2048xf32>
      %get3A_31 = vector.shape_cast %get3A_30 : vector<1x1024x2048xf32> to vector<1024x2048xf32>
      %transpose3A_32 = tpu.transpose %get3A_31, [1, 0] : vector<1024x2048xf32> -> vector<2048x1024xf32>
      %dot_general3A_33 = arith.constant dense<0.000000e+00> : vector<256x1024xf32>
      %dot_general3A_34 = tpu.matmul %mul3A_26, %transpose3A_32, %dot_general3A_33 {dimension_numbers = #tpu.dot_dimension_numbers<[1], [0], [0], [1], [0, 0, 1, 1], [], []>, transpose_lhs_hint = false} : vector<256x2048xf32>, vector<2048x1024xf32>, vector<256x1024xf32> -> vector<256x1024xf32>
      %swap3A = arith.constant 0 : index
      %swap3A_35 = arith.constant 0 : index
      %swap3A_36 = vector.load %arg6[%swap3A, %swap3A_35] : memref<256x1024xf32, #tpu.memory_space<vmem>>, vector<256x1024xf32>
      tpu.vector_store %arg6[%swap3A, %swap3A_35], %dot_general3A_34 {strides = array<i32>} : memref<256x1024xf32, #tpu.memory_space<vmem>>, vector<256x1024xf32>,
    } else {
    }
    return
  }
  func.func @transform_0(%arg0: i32, %arg1: memref<24x2xi32, #tpu.memory_space<smem>>) -> (i32, i32) {
    %c0_i32 = arith.constant 0 : i32
    %c0_i32_0 = arith.constant 0 : i32
    return %arg0, %c0_i32 : i32, i32
  }
  func.func @transform_1(%arg0: i32, %arg1: memref<24x2xi32, #tpu.memory_space<smem>>) -> (i32, i32, i32) {
    %get3A = arith.index_cast %arg0 : i32 to index
    %get3A_0 = arith.constant 0 : index
    %get3A_1 = memref.load %arg1[%get3A, %get3A_0] : memref<24x2xi32, #tpu.memory_space<smem>>
    %c0_i32 = arith.constant 0 : i32
    %c0_i32_2 = arith.constant 0 : i32
    %c0_i32_3 = arith.constant 0 : i32
    return %get3A_1, %c0_i32, %c0_i32_2 : i32, i32, i32
  }
  func.func @transform_2(%arg0: i32, %arg1: memref<24x2xi32, #tpu.memory_space<smem>>) -> (i32, i32, i32) {
    %get3A = arith.index_cast %arg0 : i32 to index
    %get3A_0 = arith.constant 0 : index
    %get3A_1 = memref.load %arg1[%get3A, %get3A_0] : memref<24x2xi32, #tpu.memory_space<smem>>
    %c0_i32 = arith.constant 0 : i32
    %c0_i32_2 = arith.constant 0 : i32
    %c0_i32_3 = arith.constant 0 : i32
    return %get3A_1, %c0_i32, %c0_i32_2 : i32, i32, i32
  }
  func.func @transform_3(%arg0: i32, %arg1: memref<24x2xi32, #tpu.memory_space<smem>>) -> (i32, i32, i32) {
    %get3A = arith.index_cast %arg0 : i32 to index
    %get3A_0 = arith.constant 0 : index
    %get3A_1 = memref.load %arg1[%get3A, %get3A_0] : memref<24x2xi32, #tpu.memory_space<smem>>
    %c0_i32 = arith.constant 0 : i32
    %c0_i32_2 = arith.constant 0 : i32
    %c0_i32_3 = arith.constant 0 : i32
    return %get3A_1, %c0_i32, %c0_i32_2 : i32, i32, i32
  }
  func.func @transform_4(%arg0: i32, %arg1: memref<24x2xi32, #tpu.memory_space<smem>>) -> (i32, i32) {
    %c0_i32 = arith.constant 0 : i32
    %c0_i32_0 = arith.constant 0 : i32
    return %arg0, %c0_i32 : i32, i32
  }
}

</mosaic_0001>

<sc_bundles>
// kernel: kernel.6.cloned.1.call-start
scs
__scs_entry_jumppad:
0x0: {  	(pc) =	sbr.rel $0x88, $3  }
0x1: {  	(tag) =	ssettag $0x0;
	lr =	simm.s32 $0x1  }
0x2: {  	[smem:$0x3F9C] =	sst lr;
	_ =	strace $0xD0000000  }
0x3: {  	_ = 	snop  }
0x4: {  	_ = 	snop  }
0x5: {  	_ = 	snop  }
0x6: {  	_ = 	snop  }
0x7: {  	_ = 	snop  }
__scs_overlays_trampoline_lowered:
0x8: {  	[smem:$0x3FAB] =	sst s0  }
0x9: {  	[smem:$0x3FAC] =	sst s1  }
0xa: {  	[smem:$0x3FAD] =	sst s2  }
0xb: {  	[smem:$0x3FAE] =	sst s3  }
0xc: {  	[smem:$0x3FAF] =	sst s4  }
0xd: {  	[smem:$0x3FB0] =	sst s5  }
0xe: {  	[smem:$0x3FB1] =	sst s6  }
0xf: {  	[smem:$0x3FB2] =	sst s7  }
0x10: {  	[smem:$0x3FB3] =	sst s8  }
0x11: {  	[smem:$0x3FB4] =	sst s9;
	s0 =	simm.s32 @!p0 $0x0  }
0x12: {  	s1 =	sld [smem:$0x3F9A];
	s0 =	simm.s32 @p0 $0x1  }
0x13: {  	[smem:$0x3FB5] =	sst s0;
	s0 =	simm.s32 @!p1 $0x0  }
0x14: {  	s2 =	sld [smem:$0x3F99];
	s0 =	simm.s32 @p1 $0x1  }
0x15: {  	[smem:$0x3FB6] =	sst s0;
	s0 =	simm.s32 @!p2 $0x0  }
0x16: {  	s3 =	sld [smem:$0x3FDB];
	s0 =	simm.s32 @p2 $0x1  }
0x17: {  	s4 =	simm.s32 $0x1BF5;
	[smem:$0x3FB8] =	sst s0  }
0x18: {  	s0 =	sld [smem:$0x3F9B];
	_ =	swait.ge [sflag:s4], $0x0  }
0x19: {  	s7 =	sld [smem:$0x3F9C]  }
0x1a: {  	s8 =	sadd.s32 $0xFFFFE003, lr  }
0x1b: {  	s9 =	sadd.s32 $0xFFFFFEF7, lr;
	s5 =	simm.s32 $0xFFFFFFFF;
	p2 =	slt.u32 s8, $0xFFFFF086  }
0x1c: {  	p1 =	slt.u32 s9, $0xF7A;
	s5 =	simm.s32 @!p2 $0x0  }
0x1d: {  	s5 =	simm.s32 @p1 $0x1;
	p0 =	seq.s32 s7, s2  }
0x1e: {  	s7 =	smul.u32 @!p0 $0xF7A, s2;
	p2 =	seq.s32 @!p0 s5, $0x0  }
0x1f: {  	s9 =	smul.u32 $0xF7A, s1;
	s8 =	simm.s32 @!p0 $0x1BF5;
	p2 =	por !p2, p0  }
0x20: {  	[sflag:s8] =	ssyncset.s32 @!p0 $0xFFFFF086;
	s6 =	sadd.s32 @!p0 s3, s7;
	s7 =	simm.s32 @!p0 $0x108  }
0x21: {  	s3 =	sadd.s32 s3, s9;
	s6 =	sadd.s32 @!p0 $0x88, s6;
	s7 =	simm.s32 @p2 $0x1082  }
0x22: {  	[simem:s7], [sflag:s8] =	dma.local @!p0 [hbm:s6], $0xF7A  }
0x23: {  	s9 =	sor.u32 $0xD0000000, s2;
	s6 =	simm.s32 $0x108;
	_ =	swait.ge @!p0 [sflag:s8], $0x0  }
0x24: {  	s3 =	sadd.s32 $0x88, s3;
	s6 =	simm.s32 @!p1 $0x1082;
	[sflag:s4] =	ssyncset.s32 $0xFFFFF086  }
0x25: {  	[simem:s6], [sflag:s4] =	dma.local [hbm:s3], $0xF7A  }
0x26: {  	[smem:$0x3F9C] =	sst s1;
	(tag) =	ssettag s2;
	_ =	strace s9  }
0x27: {  	s1 =	sld [smem:$0x3FAC]  }
0x28: {  	s2 =	sld [smem:$0x3FAD]  }
0x29: {  	s4 =	sld [smem:$0x3FAF]  }
0x2a: {  	p0 =	seq.s32 s5, $0x0;
	s5 =	sld [smem:$0x3FB0]  }
0x2b: {  	s6 =	sld [smem:$0x3FB1]  }
0x2c: {  	s7 =	sld [smem:$0x3FB2]  }
0x2d: {  	s3 =	simm.s32 $0x108;
	s8 =	sld [smem:$0x3FB3]  }
0x2e: {  	s3 =	simm.s32 @!p0 $0x1082;
	s9 =	sld [smem:$0x3FB4]  }
0x2f: {  	lr =	sadd.s32 s0, s3;
	s0 =	sld [smem:$0x3FAB]  }
0x30: {  	s3 =	sld [smem:$0x3FAE]  }
0x31: {  	[smem:$0x3FB7] =	sst s10  }
0x32: {  	s10 =	sld [smem:$0x3FB5];
	_ =	sdelay $0x3  }
0x33: {  	p0 =	seq.s32 s10, $0x1;
	s10 =	sld [smem:$0x3FB7];
	_ =	sdelay $0x3  }
0x34: {  	[smem:$0x3FB7] =	sst s10  }
0x35: {  	s10 =	sld [smem:$0x3FB6];
	_ =	sdelay $0x3  }
0x36: {  	p1 =	seq.s32 s10, $0x1;
	s10 =	sld [smem:$0x3FB7];
	_ =	sdelay $0x3  }
0x37: {  	[smem:$0x3FB7] =	sst s10  }
0x38: {  	s10 =	sld [smem:$0x3FB8]  }
0x39: {  	_ = 	snop;
	(pc) =	sbr.ind lr, $3  }
0x3a: {  	_ = 	snop  }
0x3b: {  	_ = 	snop  }
0x3c: {  	p2 =	seq.s32 s10, $0x1;
	s10 =	sld [smem:$0x3FB7]  }
0x3d: {  	_ =	shalt  }
0x3e: {  	_ =	shalt  }
0x3f: {  	_ =	shalt  }
0x40: {  	_ =	shalt  }
0x41: {  	_ =	shalt  }
0x42: {  	_ =	shalt  }
0x43: {  	_ =	shalt  }
0x44: {  	_ =	shalt  }
0x45: {  	_ =	shalt  }
0x46: {  	_ =	shalt  }
0x47: {  	_ =	shalt  }
0x48: {  	_ =	shalt  }
0x49: {  	_ =	shalt  }
0x4a: {  	_ =	shalt  }
0x4b: {  	_ =	shalt  }
0x4c: {  	_ =	shalt  }
0x4d: {  	_ =	shalt  }
0x4e: {  	_ =	shalt  }
0x4f: {  	_ =	shalt  }
0x50: {  	_ =	shalt  }
0x51: {  	_ =	shalt  }
0x52: {  	_ =	shalt  }
0x53: {  	_ =	shalt  }
0x54: {  	_ =	shalt  }
0x55: {  	_ =	shalt  }
0x56: {  	_ =	shalt  }
0x57: {  	_ =	shalt  }
0x58: {  	_ =	shalt  }
0x59: {  	_ =	shalt  }
0x5a: {  	_ =	shalt  }
0x5b: {  	_ =	shalt  }
0x5c: {  	_ =	shalt  }
0x5d: {  	_ =	shalt  }
0x5e: {  	_ =	shalt  }
0x5f: {  	_ =	shalt  }
0x60: {  	_ =	shalt  }
0x61: {  	_ =	shalt  }
0x62: {  	_ =	shalt  }
0x63: {  	_ =	shalt  }
0x64: {  	_ =	shalt  }
0x65: {  	_ =	shalt  }
0x66: {  	_ =	shalt  }
0x67: {  	_ =	shalt  }
0x68: {  	_ =	shalt  }
0x69: {  	_ =	shalt  }
0x6a: {  	_ =	shalt  }
0x6b: {  	_ =	shalt  }
0x6c: {  	_ =	shalt  }
0x6d: {  	_ =	shalt  }
0x6e: {  	_ =	shalt  }
0x6f: {  	_ =	shalt  }
0x70: {  	_ =	shalt  }
0x71: {  	_ =	shalt  }
0x72: {  	_ =	shalt  }
0x73: {  	_ =	shalt  }
0x74: {  	_ =	shalt  }
0x75: {  	_ =	shalt  }
0x76: {  	_ =	shalt  }
0x77: {  	_ =	shalt  }
0x78: {  	_ =	shalt  }
0x79: {  	_ =	shalt  }
0x7a: {  	_ =	shalt  }
0x7b: {  	_ =	shalt  }
0x7c: {  	_ =	shalt  }
0x7d: {  	_ =	shalt  }
0x7e: {  	_ =	shalt  }
0x7f: {  	_ =	shalt  }
0x80: {  	_ =	shalt  }
0x81: {  	_ =	shalt  }
0x82: {  	_ =	shalt  }
0x83: {  	_ =	shalt  }
0x84: {  	_ =	shalt  }
0x85: {  	_ =	shalt  }
0x86: {  	_ =	shalt  }
0x87: {  	_ =	shalt  }
.Lfunc_end0:
.L_simem_size_0:
called_computation_lowered:
.L_overlay_start_0:
0x88: {  	s2 =	sld [smem:$0x3FD9]  }
0x89: {  	s3 =	sld [smem:$0x3FFE];
	_ =	sdelay $0x1  }
0x8a: {  	s1 =	srdreg.scid  }
0x8b: {  	s0 =	sand.u32 $0x1, s1  }
0x8c: {  	s17 =	sshll.u32 s0, $0xA;
	s2 =	sadd.s32 s3, s2  }
0x8d: {  	s2 =	sadd.s32 s2, s17  }
0x8e: {  	[smem:$0x3FC3] =	sst s2  }
0x8f: {  	_ = 	snop  }
0x90: {  	s2 =	sld [smem:$0x3FC9];
	(tm) =	ssettm $0x1  }
0x91: {  	s18 =	sld [smem:$0x3FFB];
	_ =	sdelay $0x3  }
0x92: {  	_ =	strace s18  }
0x93: {  	s3 =	sld [smem:$0x3FFC];
	_ =	sdelay $0x3  }
0x94: {  	_ =	strace s3  }
0x95: {  	s3 =	sld [smem:$0x3FFD];
	_ =	sdelay $0x3  }
0x96: {  	_ =	strace s3  }
0x97: {  	_ =	strace $0x8FFFFFFF  }
0x98: {  	s19 =	sld [smem:$0x3FDB];
	_ =	sdelay $0x1  }
0x99: {  	s4 =	simm.s32 $_scs_section_size  }
0x9a: {  	s5 =	simm.s32 $_size__tile_overlayer_lowered;
	s6 =	simm.s32 $_tile_overlayer_lowered  }
0x9b: {  	s22 =	simm.s32 $0x1BFF;
	s21 =	sshll.u32 s6, $0x1;
	s3 =	sadd.s32 s4, s19  }
0x9c: {  	s7 =	simm.s32 $0x0;
	s20 =	sshll.u32 s5, $0x1;
	s5 =	sadd.s32 s21, s3  }
0x9d: {  	[timem:s7], [sflag:s22] =	dma.local [hbm:s5], s20  }
0x9e: {  	_ =	swait.ge [sflag:s22], s20  }
0x9f: {  	s4 =	ssub.s32 $0x0, s20;
	[sflag:s22] =	ssyncset.done $0x0  }
0xa0: {  	[sflag:s22] =	ssyncadd.s32 s4;
	_ =	sdelay $0x1  }
0xa1: {  	s23 =	simm.s32 $0x1B8B  }
0xa2: {  	_ =	swait.ge [sflag:s23], $0x1  }
0xa3: {  	[sflag:s23] =	ssyncset.done $0x0  }
0xa4: {  	s25 =	simm.s32 $0x1B8E;
	s24 =	sld [smem:$0x3FFE];
	[sflag:s23] =	ssyncadd.s32 $0xFFFFFFFF  }
0xa5: {  	s26 =	simm.s32 $execute0_lowered;
	[smem:$0x3FD2] =	sst s25  }
0xa6: {  	s5 =	sshll.u32 s26, $0x1;
	_ =	strace $0x80000046;
	[dreg:$0x1] =	wrdreg $0xFFFFFFFF  }
0xa7: {  	s28 =	simm.s32 $_size_execute0_lowered;
	s3 =	sadd.s32 s3, s5;
	[dreg:$0x0] =	wrdreg $0x0  }
0xa8: {  	s5 =	sshll.u32 s28, $0x1;
	[dreg:$0x2] =	wrdreg s3  }
0xa9: {  	[dreg:$0x3] =	wrdreg s5  }
0xaa: {  	[dreg:$0x4] =	wrdreg $0xC0  }
0xab: {  	_ =	task [dreg:s7], $0x5FFFF  }
0xac: {  	[dreg:$0x1] =	wrdreg $0xFFFFFFFF  }
0xad: {  	[dreg:$0x0] =	wrdreg $0x60  }
0xae: {  	[dreg:$0x2] =	wrdreg s2  }
0xaf: {  	[dreg:$0x3] =	wrdreg s24  }
0xb0: {  	[dreg:$0x4] =	wrdreg $0x9  }
0xb1: {  	_ =	task.clear_ibuf [dreg:s7], $0x5FFFF;
	_ =	strace $0x90000046  }
0xb2: {  	s29 =	simm.s32 $0x9;
	_ =	strace $0x80000048  }
0xb3: {  	_ =	swait.ge [sflag:s29], $0x1  }
0xb4: {  	[sflag:s29] =	ssyncadd.s32 $0xFFFFFFFF  }
0xb5: {  	_ =	strace $0x90000048  }
0xb6: {  	_ =	sfence  }
0xb7: {  	s30 =	sld [smem:$0x0];
	_ =	sdelay $0x2  }
0xb8: {  	s31 =	sshll.u32 s1, $0xD;
	s1 =	sshrl.u32 s1, $0x2  }
0xb9: {  	s3 =	sand.u32 $0x4000, s31;
	s1 =	sadd.s32 s1, s30  }
0xba: {  	s0 =	sor.u32 s3, s0;
	s1 =	sshll.u32 s1, $0x11  }
0xbb: {  	s0 =	sor.u32 s1, s0  }
0xbc: {  	s0 =	sadd.s32 $0x8F2B, s0  }
0xbd: {  	[sflag:s0] =	ssyncadd.remote.s32 $0x1  }
0xbe: {  	_ =	sfence.sel $0xFFFF  }
0xbf: {  	[dreg:$0x0] =	wrdreg $0xFFFFFFFF;
	(pc) =	sbr.abs _section_cstart, $3  }
0xc0: {  	[dreg:$0x1] =	wrdreg $0xFFFFFFFF  }
0xc1: {  	_ =	task.clear_ibuf [dreg:s7], $0x2FFFF;
	_ =	strace $0x9FFFFFFF  }
0xc2: {  	(tm) =	ssettm $0x7FFFFFFF  }
0xc3: {  	_ =	shalt  }
tec
execute0_lowered:
.L_overlay_start_1:
0x0: {  	(tag) =	ssettag $0x1  }
0x1: {  	s0 =	rddreg [dreg:$0x0]  }
0x2: {  	s1 =	rddreg [dreg:$0x1];
	s2 =	simm.s32 $0x0  }
0x3: {  	s3 =	srdreg.scid;
	s6 =	stileid.u32;
	s19 =	simm.s32 $0x880  }
0x4: {  	s20 =	simm.s32 $0x1080;
	s21 =	simm.s32 $0x1880;
	s28 =	simm.s32 $0x4880  }
0x5: {  	s29 =	simm.s32 $0x5080;
	s30 =	simm.s32 $0x5880;
	s31 =	simm.s32 $0x6080  }
0x6: {  	s10 =	simm.s32 $0x7880;
	s11 =	simm.s32 $0x8080;
	s12 =	simm.s32 $0x8880  }
0x7: {  	s13 =	simm.s32 $0x9080;
	s14 =	simm.s32 $0x9880;
	s15 =	simm.s32 $0xA080  }
0x8: {  	s16 =	simm.s32 $0xA880;
	s17 =	simm.s32 $0xB080;
	[smem:$0x7FF] =	sst s2  }
0x9: {  	s4 =	sand.u32 $0x1, s3;
	s5 =	sadd.s32 $0x8E00, s1;
	s6 =	sshll.u32 s6, $0x8  }
0xa: {  	s3 =	sadd.s32 $0x9000, s1;
	s7 =	sshll.u32 s4, $0x7;
	s4 =	ssub.s32 $0x2, s4  }
0xb: {  	_ =	strace $0x80000047;
	s6 =	sor.u32 s7, s6;
	s22 =	sshrl.u32 s4, $0x1  }
0xc: {  	s8 =	sshrl.u32 s6, $0x3;
	s9 =	sshll.u32 s6, $0x7;
	s7 =	ssub.s32 s4, s22  }
0xd: {  	s6 =	sor.u32 $0x40, s6;
	s4 =	sadd.s32 $0x9100, s1;
	s22 =	simm.s32 $0x2080  }
0xe: {  	s23 =	sadd.s32 s5, s8;
	s24 =	sand.u32 $0x3C000, s9;
	s26 =	sshrl.u32 s6, $0x3  }
0xf: {  	s6 =	sshll.u32 s6, $0x7;
	s7 =	smax.u32 s7, $0x1;
	s9 =	simm.s32 $0xB880  }
0x10: {  	[dreg:$0x3] =	wrdreg s23;
	s25 =	sadd.s32 s0, s24;
	s8 =	sadd.s32 s5, s26  }
0x11: {  	s6 =	sand.u32 $0x3E000, s6;
	s5 =	sadd.s32 $0x9200, s1;
	s23 =	simm.s32 $0x2880  }
0x12: {  	v2 =	vlaneseq.u32;
	s24 =	simm.s32 $0x3080;
	s26 =	simm.s32 $0x4080;
	[dreg:$0x4] =	wrdreg s25  }
0x13: {  	vm0 =	vmmov $0xffff;
	v1 =	vshrl.u32 v2, $0x3;
	[dreg:$0x5] =	wrdreg s8;
	s0 =	sadd.s32 s0, s6;
	s6 =	sadd.s32 $0x9300, s1  }
0x14: {  	v0 =	vand.u32 $0x7, v2;
	v2 =	vor.u32 $0x8, v2;
	v1 =	vmul.u32 $0x8, v1;
	s8 =	simm.s32 $0x1;
	s25 =	simm.s32 $0x3880;
	[dreg:$0x6] =	wrdreg s0  }
.LBB2_1:
0x15: {  	s18 =	rddreg [dreg:$0x3]  }
0x16: {  	[tilespmem:s2], [sflag:$0x1] =	stream.linear.gather [hbm4b:s18+s2], $0x40, $0x38;
	[tilespmem:$0x10080] =	vst v63  }
0x17: {  	_ =	swait.ge [sflag:s8], $0x40  }
0x18: {  	[sflag:s8] =	ssyncset.done $0x0  }
0x19: {  	s0 =	simm.s32 $0x80;
	s1 =	rddreg [dreg:$0x4];
	[sflag:s8] =	ssyncadd.s32 $0xFFFFFFC0  }
0x1a: {  	[tilespmem:s0], [sflag:$0x1] =	stream.linear.gather [hbm4b:s1+s2], $0x10000, $0x38;
	[tilespmem:$0x10080] =	vst v63  }
0x1b: {  	_ =	swait.ge [sflag:s8], $0x10000  }
0x1c: {  	[sflag:s8] =	ssyncset.done $0x0  }
0x1d: {  	[sflag:s8] =	ssyncadd.s32 $0xFFFF0000  }
0x1e: {  	v3 =	vld [tilespmem:$0x0];
	_ =	sdelay $0x4  }
0x1f: {  	v4 =	vshll.u32 v3, $0x3  }
0x20: {  	v3 =	vand.u32 $0x7, v3;
	v4 =	vand.u32 $0xFFFFFFC0, v4  }
0x21: {  	v3 =	vor.u32 v3, v4  }
0x22: {  	v4 =	vperm.xlane v3, v0;
	_ =	sdelay $0x1  }
0x23: {  	v4 =	vadd.s32 v1, v4;
	_ =	sdelay $0x4  }
0x24: {  	[hbm4b:s3+s2] =	stream.indirect_vreg.scatter [tilespmem:s0], [sflag:$0x1], $0x80, v4, vm0, $0xb8;
	[tilespmem:$0x10080] =	vst v63  }
0x25: {  	v3 =	vperm.xlane v3, v2  }
0x26: {  	[hbm4b:s4+s2] =	stream.indirect_vreg.scatter [tilespmem:s19], [sflag:$0x1], $0x80, v4, vm0, $0xb8;
	[tilespmem:$0x10080] =	vst v63  }
0x27: {  	v3 =	vadd.s32 v1, v3  }
0x28: {  	[hbm4b:s5+s2] =	stream.indirect_vreg.scatter [tilespmem:s20], [sflag:$0x1], $0x80, v4, vm0, $0xb8;
	[tilespmem:$0x10080] =	vst v63  }
0x29: {  	_ = 	snop  }
0x2a: {  	[hbm4b:s6+s2] =	stream.indirect_vreg.scatter [tilespmem:s21], [sflag:$0x1], $0x80, v4, vm0, $0xb8;
	[tilespmem:$0x10080] =	vst v63  }
0x2b: {  	_ = 	snop  }
0x2c: {  	[hbm4b:s3+s2] =	stream.indirect_vreg.scatter [tilespmem:s22], [sflag:$0x1], $0x80, v3, vm0, $0xb8;
	[tilespmem:$0x10080] =	vst v63  }
0x2d: {  	_ = 	snop  }
0x2e: {  	[hbm4b:s4+s2] =	stream.indirect_vreg.scatter [tilespmem:s23], [sflag:$0x1], $0x80, v3, vm0, $0xb8;
	[tilespmem:$0x10080] =	vst v63  }
0x2f: {  	_ = 	snop  }
0x30: {  	[hbm4b:s5+s2] =	stream.indirect_vreg.scatter [tilespmem:s24], [sflag:$0x1], $0x80, v3, vm0, $0xb8;
	[tilespmem:$0x10080] =	vst v63  }
0x31: {  	_ = 	snop  }
0x32: {  	[hbm4b:s6+s2] =	stream.indirect_vreg.scatter [tilespmem:s25], [sflag:$0x1], $0x80, v3, vm0, $0xb8;
	[tilespmem:$0x10080] =	vst v63  }
0x33: {  	v3 =	vld [tilespmem:$0x10];
	_ =	sdelay $0x4  }
0x34: {  	v57 =	vshll.u32 v3, $0x3  }
0x35: {  	v3 =	vand.u32 $0x7, v3;
	v4 =	vand.u32 $0xFFFFFFC0, v57  }
0x36: {  	v3 =	vor.u32 v3, v4  }
0x37: {  	v4 =	vperm.xlane v3, v0;
	_ =	sdelay $0x1  }
0x38: {  	v4 =	vadd.s32 v1, v4;
	_ =	sdelay $0x4  }
0x39: {  	[hbm4b:s3+s2] =	stream.indirect_vreg.scatter [tilespmem:s26], [sflag:$0x1], $0x80, v4, vm0, $0xb8;
	[tilespmem:$0x10080] =	vst v63  }
0x3a: {  	v3 =	vperm.xlane v3, v2  }
0x3b: {  	[hbm4b:s4+s2] =	stream.indirect_vreg.scatter [tilespmem:s28], [sflag:$0x1], $0x80, v4, vm0, $0xb8;
	[tilespmem:$0x10080] =	vst v63  }
0x3c: {  	v3 =	vadd.s32 v1, v3  }
0x3d: {  	[hbm4b:s5+s2] =	stream.indirect_vreg.scatter [tilespmem:s29], [sflag:$0x1], $0x80, v4, vm0, $0xb8;
	[tilespmem:$0x10080] =	vst v63  }
0x3e: {  	_ = 	snop  }
0x3f: {  	[hbm4b:s6+s2] =	stream.indirect_vreg.scatter [tilespmem:s30], [sflag:$0x1], $0x80, v4, vm0, $0xb8;
	[tilespmem:$0x10080] =	vst v63  }
0x40: {  	_ = 	snop  }
0x41: {  	[hbm4b:s3+s2] =	stream.indirect_vreg.scatter [tilespmem:s31], [sflag:$0x1], $0x80, v3, vm0, $0xb8;
	[tilespmem:$0x10080] =	vst v63  }
0x42: {  	s1 =	simm.s32 $0x6880  }
0x43: {  	[hbm4b:s4+s2] =	stream.indirect_vreg.scatter [tilespmem:s1], [sflag:$0x1], $0x80, v3, vm0, $0xb8;
	[tilespmem:$0x10080] =	vst v63  }
0x44: {  	s1 =	simm.s32 $0x7080  }
0x45: {  	[hbm4b:s5+s2] =	stream.indirect_vreg.scatter [tilespmem:s1], [sflag:$0x1], $0x80, v3, vm0, $0xb8;
	[tilespmem:$0x10080] =	vst v63  }
0x46: {  	_ = 	snop  }
0x47: {  	[hbm4b:s6+s2] =	stream.indirect_vreg.scatter [tilespmem:s10], [sflag:$0x1], $0x80, v3, vm0, $0xb8;
	[tilespmem:$0x10080] =	vst v63  }
0x48: {  	v3 =	vld [tilespmem:$0x20];
	_ =	sdelay $0x4  }
0x49: {  	v58 =	vshll.u32 v3, $0x3  }
0x4a: {  	v3 =	vand.u32 $0x7, v3;
	v4 =	vand.u32 $0xFFFFFFC0, v58  }
0x4b: {  	v3 =	vor.u32 v3, v4  }
0x4c: {  	v4 =	vperm.xlane v3, v0;
	_ =	sdelay $0x1  }
0x4d: {  	v4 =	vadd.s32 v1, v4;
	_ =	sdelay $0x4  }
0x4e: {  	[hbm4b:s3+s2] =	stream.indirect_vreg.scatter [tilespmem:s11], [sflag:$0x1], $0x80, v4, vm0, $0xb8;
	[tilespmem:$0x10080] =	vst v63  }
0x4f: {  	v3 =	vperm.xlane v3, v2  }
0x50: {  	[hbm4b:s4+s2] =	stream.indirect_vreg.scatter [tilespmem:s12], [sflag:$0x1], $0x80, v4, vm0, $0xb8;
	[tilespmem:$0x10080] =	vst v63  }
0x51: {  	v3 =	vadd.s32 v1, v3  }
0x52: {  	[hbm4b:s5+s2] =	stream.indirect_vreg.scatter [tilespmem:s13], [sflag:$0x1], $0x80, v4, vm0, $0xb8;
	[tilespmem:$0x10080] =	vst v63  }
0x53: {  	_ = 	snop  }
0x54: {  	[hbm4b:s6+s2] =	stream.indirect_vreg.scatter [tilespmem:s14], [sflag:$0x1], $0x80, v4, vm0, $0xb8;
	[tilespmem:$0x10080] =	vst v63  }
0x55: {  	_ = 	snop  }
0x56: {  	[hbm4b:s3+s2] =	stream.indirect_vreg.scatter [tilespmem:s15], [sflag:$0x1], $0x80, v3, vm0, $0xb8;
	[tilespmem:$0x10080] =	vst v63  }
0x57: {  	_ = 	snop  }
0x58: {  	[hbm4b:s4+s2] =	stream.indirect_vreg.scatter [tilespmem:s16], [sflag:$0x1], $0x80, v3, vm0, $0xb8;
	[tilespmem:$0x10080] =	vst v63  }
0x59: {  	_ = 	snop  }
0x5a: {  	[hbm4b:s5+s2] =	stream.indirect_vreg.scatter [tilespmem:s17], [sflag:$0x1], $0x80, v3, vm0, $0xb8;
	[tilespmem:$0x10080] =	vst v63  }
0x5b: {  	_ = 	snop  }
0x5c: {  	[hbm4b:s6+s2] =	stream.indirect_vreg.scatter [tilespmem:s9], [sflag:$0x1], $0x80, v3, vm0, $0xb8;
	[tilespmem:$0x10080] =	vst v63  }
0x5d: {  	v3 =	vld [tilespmem:$0x30];
	_ =	sdelay $0x4  }
0x5e: {  	v59 =	vshll.u32 v3, $0x3  }
0x5f: {  	v3 =	vand.u32 $0x7, v3;
	v4 =	vand.u32 $0xFFFFFFC0, v59  }
0x60: {  	v3 =	vor.u32 v3, v4  }
0x61: {  	v4 =	vperm.xlane v3, v0;
	_ =	sdelay $0x1  }
0x62: {  	v4 =	vadd.s32 v1, v4;
	_ =	sdelay $0x3  }
0x63: {  	s18 =	simm.s32 $0xC080  }
0x64: {  	[hbm4b:s3+s2] =	stream.indirect_vreg.scatter [tilespmem:s18], [sflag:$0x1], $0x80, v4, vm0, $0xb8;
	[tilespmem:$0x10080] =	vst v63  }
0x65: {  	v3 =	vperm.xlane v3, v2;
	s18 =	simm.s32 $0xC880  }
0x66: {  	[hbm4b:s4+s2] =	stream.indirect_vreg.scatter [tilespmem:s18], [sflag:$0x1], $0x80, v4, vm0, $0xb8;
	[tilespmem:$0x10080] =	vst v63  }
0x67: {  	v3 =	vadd.s32 v1, v3;
	s18 =	simm.s32 $0xD080  }
0x68: {  	[hbm4b:s5+s2] =	stream.indirect_vreg.scatter [tilespmem:s18], [sflag:$0x1], $0x80, v4, vm0, $0xb8;
	[tilespmem:$0x10080] =	vst v63  }
0x69: {  	s18 =	simm.s32 $0xD880  }
0x6a: {  	[hbm4b:s6+s2] =	stream.indirect_vreg.scatter [tilespmem:s18], [sflag:$0x1], $0x80, v4, vm0, $0xb8;
	[tilespmem:$0x10080] =	vst v63  }
0x6b: {  	s18 =	simm.s32 $0xE080  }
0x6c: {  	[hbm4b:s3+s2] =	stream.indirect_vreg.scatter [tilespmem:s18], [sflag:$0x1], $0x80, v3, vm0, $0xb8;
	[tilespmem:$0x10080] =	vst v63  }
0x6d: {  	s18 =	simm.s32 $0xE880  }
0x6e: {  	[hbm4b:s4+s2] =	stream.indirect_vreg.scatter [tilespmem:s18], [sflag:$0x1], $0x80, v3, vm0, $0xb8;
	[tilespmem:$0x10080] =	vst v63  }
0x6f: {  	s18 =	simm.s32 $0xF080  }
0x70: {  	[hbm4b:s5+s2] =	stream.indirect_vreg.scatter [tilespmem:s18], [sflag:$0x1], $0x80, v3, vm0, $0xb8;
	[tilespmem:$0x10080] =	vst v63  }
0x71: {  	s18 =	simm.s32 $0xF880  }
0x72: {  	[hbm4b:s6+s2] =	stream.indirect_vreg.scatter [tilespmem:s18], [sflag:$0x1], $0x80, v3, vm0, $0xb8;
	[tilespmem:$0x10080] =	vst v63  }
0x73: {  	_ =	swait.ge [sflag:s8], $0x10000  }
0x74: {  	[sflag:s8] =	ssyncset.done $0x0  }
0x75: {  	s18 =	rddreg [dreg:$0x5];
	[sflag:s8] =	ssyncadd.s32 $0xFFFF0000  }
0x76: {  	[tilespmem:s2], [sflag:$0x1] =	stream.linear.gather [hbm4b:s18+s2], $0x40, $0x38;
	[tilespmem:$0x10080] =	vst v63  }
0x77: {  	_ =	swait.ge [sflag:s8], $0x40  }
0x78: {  	[sflag:s8] =	ssyncset.done $0x0  }
0x79: {  	s18 =	rddreg [dreg:$0x6];
	[sflag:s8] =	ssyncadd.s32 $0xFFFFFFC0  }
0x7a: {  	[tilespmem:s0], [sflag:$0x1] =	stream.linear.gather [hbm4b:s18+s2], $0x10000, $0x38;
	[tilespmem:$0x10080] =	vst v63  }
0x7b: {  	_ =	swait.ge [sflag:s8], $0x10000  }
0x7c: {  	[sflag:s8] =	ssyncset.done $0x0  }
0x7d: {  	[sflag:s8] =	ssyncadd.s32 $0xFFFF0000  }
0x7e: {  	v3 =	vld [tilespmem:$0x0];
	_ =	sdelay $0x4  }
0x7f: {  	v60 =	vshll.u32 v3, $0x3  }
0x80: {  	v3 =	vand.u32 $0x7, v3;
	v4 =	vand.u32 $0xFFFFFFC0, v60  }
0x81: {  	v3 =	vor.u32 v3, v4  }
0x82: {  	v4 =	vperm.xlane v3, v0;
	_ =	sdelay $0x1  }
0x83: {  	v4 =	vadd.s32 v1, v4;
	_ =	sdelay $0x4  }
0x84: {  	[hbm4b:s3+s2] =	stream.indirect_vreg.scatter [tilespmem:s0], [sflag:$0x1], $0x80, v4, vm0, $0xb8;
	[tilespmem:$0x10080] =	vst v63  }
0x85: {  	v3 =	vperm.xlane v3, v2  }
0x86: {  	[hbm4b:s4+s2] =	stream.indirect_vreg.scatter [tilespmem:s19], [sflag:$0x1], $0x80, v4, vm0, $0xb8;
	[tilespmem:$0x10080] =	vst v63  }
0x87: {  	v3 =	vadd.s32 v1, v3  }
0x88: {  	[hbm4b:s5+s2] =	stream.indirect_vreg.scatter [tilespmem:s20], [sflag:$0x1], $0x80, v4, vm0, $0xb8;
	[tilespmem:$0x10080] =	vst v63  }
0x89: {  	_ = 	snop  }
0x8a: {  	[hbm4b:s6+s2] =	stream.indirect_vreg.scatter [tilespmem:s21], [sflag:$0x1], $0x80, v4, vm0, $0xb8;
	[tilespmem:$0x10080] =	vst v63  }
0x8b: {  	_ = 	snop  }
0x8c: {  	[hbm4b:s3+s2] =	stream.indirect_vreg.scatter [tilespmem:s22], [sflag:$0x1], $0x80, v3, vm0, $0xb8;
	[tilespmem:$0x10080] =	vst v63  }
0x8d: {  	_ = 	snop  }
0x8e: {  	[hbm4b:s4+s2] =	stream.indirect_vreg.scatter [tilespmem:s23], [sflag:$0x1], $0x80, v3, vm0, $0xb8;
	[tilespmem:$0x10080] =	vst v63  }
0x8f: {  	_ = 	snop  }
0x90: {  	[hbm4b:s5+s2] =	stream.indirect_vreg.scatter [tilespmem:s24], [sflag:$0x1], $0x80, v3, vm0, $0xb8;
	[tilespmem:$0x10080] =	vst v63  }
0x91: {  	_ = 	snop  }
0x92: {  	[hbm4b:s6+s2] =	stream.indirect_vreg.scatter [tilespmem:s25], [sflag:$0x1], $0x80, v3, vm0, $0xb8;
	[tilespmem:$0x10080] =	vst v63  }
0x93: {  	v3 =	vld [tilespmem:$0x10];
	_ =	sdelay $0x4  }
0x94: {  	v61 =	vshll.u32 v3, $0x3  }
0x95: {  	v3 =	vand.u32 $0x7, v3;
	v4 =	vand.u32 $0xFFFFFFC0, v61  }
0x96: {  	v3 =	vor.u32 v3, v4  }
0x97: {  	v4 =	vperm.xlane v3, v0;
	_ =	sdelay $0x1  }
0x98: {  	v4 =	vadd.s32 v1, v4;
	_ =	sdelay $0x4  }
0x99: {  	[hbm4b:s3+s2] =	stream.indirect_vreg.scatter [tilespmem:s26], [sflag:$0x1], $0x80, v4, vm0, $0xb8;
	[tilespmem:$0x10080] =	vst v63  }
0x9a: {  	v3 =	vperm.xlane v3, v2  }
0x9b: {  	[hbm4b:s4+s2] =	stream.indirect_vreg.scatter [tilespmem:s28], [sflag:$0x1], $0x80, v4, vm0, $0xb8;
	[tilespmem:$0x10080] =	vst v63  }
0x9c: {  	v3 =	vadd.s32 v1, v3  }
0x9d: {  	[hbm4b:s5+s2] =	stream.indirect_vreg.scatter [tilespmem:s29], [sflag:$0x1], $0x80, v4, vm0, $0xb8;
	[tilespmem:$0x10080] =	vst v63  }
0x9e: {  	_ = 	snop  }
0x9f: {  	[hbm4b:s6+s2] =	stream.indirect_vreg.scatter [tilespmem:s30], [sflag:$0x1], $0x80, v4, vm0, $0xb8;
	[tilespmem:$0x10080] =	vst v63  }
0xa0: {  	_ = 	snop  }
0xa1: {  	[hbm4b:s3+s2] =	stream.indirect_vreg.scatter [tilespmem:s31], [sflag:$0x1], $0x80, v3, vm0, $0xb8;
	[tilespmem:$0x10080] =	vst v63  }
0xa2: {  	s18 =	simm.s32 $0x6880  }
0xa3: {  	[hbm4b:s4+s2] =	stream.indirect_vreg.scatter [tilespmem:s18], [sflag:$0x1], $0x80, v3, vm0, $0xb8;
	[tilespmem:$0x10080] =	vst v63  }
0xa4: {  	_ = 	snop  }
0xa5: {  	[hbm4b:s5+s2] =	stream.indirect_vreg.scatter [tilespmem:s1], [sflag:$0x1], $0x80, v3, vm0, $0xb8;
	[tilespmem:$0x10080] =	vst v63  }
0xa6: {  	_ = 	snop  }
0xa7: {  	[hbm4b:s6+s2] =	stream.indirect_vreg.scatter [tilespmem:s10], [sflag:$0x1], $0x80, v3, vm0, $0xb8;
	[tilespmem:$0x10080] =	vst v63  }
0xa8: {  	v3 =	vld [tilespmem:$0x20];
	_ =	sdelay $0x4  }
0xa9: {  	v62 =	vshll.u32 v3, $0x3  }
0xaa: {  	v3 =	vand.u32 $0x7, v3;
	v4 =	vand.u32 $0xFFFFFFC0, v62  }
0xab: {  	v3 =	vor.u32 v3, v4  }
0xac: {  	v4 =	vperm.xlane v3, v0;
	_ =	sdelay $0x1  }
0xad: {  	v4 =	vadd.s32 v1, v4;
	_ =	sdelay $0x4  }
0xae: {  	[hbm4b:s3+s2] =	stream.indirect_vreg.scatter [tilespmem:s11], [sflag:$0x1], $0x80, v4, vm0, $0xb8;
	[tilespmem:$0x10080] =	vst v63  }
0xaf: {  	v3 =	vperm.xlane v3, v2  }
0xb0: {  	[hbm4b:s4+s2] =	stream.indirect_vreg.scatter [tilespmem:s12], [sflag:$0x1], $0x80, v4, vm0, $0xb8;
	[tilespmem:$0x10080] =	vst v63  }
0xb1: {  	v3 =	vadd.s32 v1, v3  }
0xb2: {  	[hbm4b:s5+s2] =	stream.indirect_vreg.scatter [tilespmem:s13], [sflag:$0x1], $0x80, v4, vm0, $0xb8;
	[tilespmem:$0x10080] =	vst v63  }
0xb3: {  	_ = 	snop  }
0xb4: {  	[hbm4b:s6+s2] =	stream.indirect_vreg.scatter [tilespmem:s14], [sflag:$0x1], $0x80, v4, vm0, $0xb8;
	[tilespmem:$0x10080] =	vst v63  }
0xb5: {  	_ = 	snop  }
0xb6: {  	[hbm4b:s3+s2] =	stream.indirect_vreg.scatter [tilespmem:s15], [sflag:$0x1], $0x80, v3, vm0, $0xb8;
	[tilespmem:$0x10080] =	vst v63  }
0xb7: {  	_ = 	snop  }
0xb8: {  	[hbm4b:s4+s2] =	stream.indirect_vreg.scatter [tilespmem:s16], [sflag:$0x1], $0x80, v3, vm0, $0xb8;
	[tilespmem:$0x10080] =	vst v63  }
0xb9: {  	_ = 	snop  }
0xba: {  	[hbm4b:s5+s2] =	stream.indirect_vreg.scatter [tilespmem:s17], [sflag:$0x1], $0x80, v3, vm0, $0xb8;
	[tilespmem:$0x10080] =	vst v63  }
0xbb: {  	_ = 	snop  }
0xbc: {  	[hbm4b:s6+s2] =	stream.indirect_vreg.scatter [tilespmem:s9], [sflag:$0x1], $0x80, v3, vm0, $0xb8;
	[tilespmem:$0x10080] =	vst v63  }
0xbd: {  	v3 =	vld [tilespmem:$0x30];
	_ =	sdelay $0x4  }
0xbe: {  	v63 =	vshll.u32 v3, $0x3  }
0xbf: {  	v3 =	vand.u32 $0x7, v3;
	v4 =	vand.u32 $0xFFFFFFC0, v63  }
0xc0: {  	v3 =	vor.u32 v3, v4  }
0xc1: {  	v4 =	vperm.xlane v3, v0;
	_ =	sdelay $0x1  }
0xc2: {  	v4 =	vadd.s32 v1, v4;
	_ =	sdelay $0x3  }
0xc3: {  	s1 =	simm.s32 $0xC080  }
0xc4: {  	[hbm4b:s3+s2] =	stream.indirect_vreg.scatter [tilespmem:s1], [sflag:$0x1], $0x80, v4, vm0, $0xb8;
	[tilespmem:$0x10080] =	vst v63  }
0xc5: {  	s18 =	simm.s32 $0xC880;
	v3 =	vperm.xlane v3, v2  }
0xc6: {  	[hbm4b:s4+s2] =	stream.indirect_vreg.scatter [tilespmem:s18], [sflag:$0x1], $0x80, v4, vm0, $0xb8;
	[tilespmem:$0x10080] =	vst v63  }
0xc7: {  	v3 =	vadd.s32 v1, v3;
	s1 =	simm.s32 $0xD080  }
0xc8: {  	[hbm4b:s5+s2] =	stream.indirect_vreg.scatter [tilespmem:s1], [sflag:$0x1], $0x80, v4, vm0, $0xb8;
	[tilespmem:$0x10080] =	vst v63  }
0xc9: {  	s18 =	simm.s32 $0xD880  }
0xca: {  	[hbm4b:s6+s2] =	stream.indirect_vreg.scatter [tilespmem:s18], [sflag:$0x1], $0x80, v4, vm0, $0xb8;
	[tilespmem:$0x10080] =	vst v63  }
0xcb: {  	s1 =	simm.s32 $0xE080  }
0xcc: {  	[hbm4b:s3+s2] =	stream.indirect_vreg.scatter [tilespmem:s1], [sflag:$0x1], $0x80, v3, vm0, $0xb8;
	[tilespmem:$0x10080] =	vst v63  }
0xcd: {  	s18 =	simm.s32 $0xE880  }
0xce: {  	[hbm4b:s4+s2] =	stream.indirect_vreg.scatter [tilespmem:s18], [sflag:$0x1], $0x80, v3, vm0, $0xb8;
	[tilespmem:$0x10080] =	vst v63  }
0xcf: {  	p0 =	sne.s32 s7, $0x1;
	s1 =	simm.s32 $0xF080  }
0xd0: {  	[hbm4b:s5+s2] =	stream.indirect_vreg.scatter [tilespmem:s1], [sflag:$0x1], $0x80, v3, vm0, $0xb8;
	[tilespmem:$0x10080] =	vst v63  }
.Ltmp0:
0xd1: {  	s18 =	simm.s32 $0xF880;
	(pc) =	sbr.rel @p0 .LBB2_1-.Ltmp0, $4  }
0xd2: {  	[hbm4b:s6+s2] =	stream.indirect_vreg.scatter [tilespmem:s18], [sflag:$0x1], $0x80, v3, vm0, $0xb8;
	[tilespmem:$0x10080] =	vst v63  }
0xd3: {  	_ =	swait.ge [sflag:s8], $0x10000  }
0xd4: {  	[sflag:s8] =	ssyncset.done $0x0  }
0xd5: {  	s7 =	sadd.s32 $0xFFFFFFFF, s7;
	[sflag:s8] =	ssyncadd.s32 $0xFFFF0000  }
0xd6: {  	_ =	sfence.sel $0x180000  }
0xd7: {  	[bflag:$0x0] =	sbarrier.arrive $0xFFFF  }
0xd8: {  	_ =	strace $0x90000047  }
0xd9: {  	s0 =	stileid.u32;
	[bflag:$0x2] =	sbarrier.arrive $0xFFFF  }
0xda: {  	p0 =	sne.s32 s0, $0x0;
	s0 =	rddreg [dreg:$0x2]  }
0xdb: {  	s0 =	sadd.s32 @!p0 $0x100000, s0  }
0xdc: {  	[sflag:s0] =	ssyncadd.tile.s32 @!p0 $0x1;
	_ =	shalt  }
.Lfunc_end2:
_tile_overlayer_lowered:
.L_overlay_start_2:
0xdd: {  	(tag) =	ssettag $0x2  }
0xde: {  	s0 =	rddreg [dreg:$0x0];
	s2 =	stileid.u32  }
0xdf: {  	s1 =	rddreg [dreg:$0x1];
	p0 =	sne.s32 s2, $0x0  }
0xe0: {  	s3 =	rddreg [dreg:$0x2];
	[bflag:$0x3] =	sbarrier.arrive $0xFFFF;
	s2 =	simm.s32 @!p0 $0x1C01  }
0xe1: {  	[timem:s3], [sflag:s2] =	dma.local @!p0 [hbm:s0], s1  }
0xe2: {  	s0 =	simm.s32 @!p0 $0x1  }
0xe3: {  	_ =	swait.ge @!p0 [sflag:s0], s1  }
0xe4: {  	s1 =	ssub.s32 @!p0 $0x0, s1;
	[sflag:s0] =	ssyncset.done @!p0 $0x0  }
0xe5: {  	[sflag:s0] =	ssyncadd.s32 @!p0 s1  }
0xe6: {  	[bflag:$0x3] =	sbarrier.arrive $0xFFFF  }
0xe7: {  	_ =	shalt  }

// kernel: kernel.9.cloned.1.call-start
scs
__scs_entry_jumppad:
0x0: {  	(pc) =	sbr.rel $0x88, $3  }
0x1: {  	(tag) =	ssettag $0x0;
	lr =	simm.s32 $0x1  }
0x2: {  	[smem:$0x3F9C] =	sst lr;
	_ =	strace $0xD0000000  }
0x3: {  	_ = 	snop  }
0x4: {  	_ = 	snop  }
0x5: {  	_ = 	snop  }
0x6: {  	_ = 	snop  }
0x7: {  	_ = 	snop  }
__scs_overlays_trampoline_lowered:
0x8: {  	[smem:$0x3FAB] =	sst s0  }
0x9: {  	[smem:$0x3FAC] =	sst s1  }
0xa: {  	[smem:$0x3FAD] =	sst s2  }
0xb: {  	[smem:$0x3FAE] =	sst s3  }
0xc: {  	[smem:$0x3FAF] =	sst s4  }
0xd: {  	[smem:$0x3FB0] =	sst s5  }
0xe: {  	[smem:$0x3FB1] =	sst s6  }
0xf: {  	[smem:$0x3FB2] =	sst s7  }
0x10: {  	[smem:$0x3FB3] =	sst s8  }
0x11: {  	[smem:$0x3FB4] =	sst s9;
	s0 =	simm.s32 @!p0 $0x0  }
0x12: {  	s1 =	sld [smem:$0x3F9A];
	s0 =	simm.s32 @p0 $0x1  }
0x13: {  	[smem:$0x3FB5] =	sst s0;
	s0 =	simm.s32 @!p1 $0x0  }
0x14: {  	s2 =	sld [smem:$0x3F99];
	s0 =	simm.s32 @p1 $0x1  }
0x15: {  	[smem:$0x3FB6] =	sst s0;
	s0 =	simm.s32 @!p2 $0x0  }
0x16: {  	s3 =	sld [smem:$0x3FDB];
	s0 =	simm.s32 @p2 $0x1  }
0x17: {  	s4 =	simm.s32 $0x1BF5;
	[smem:$0x3FB8] =	sst s0  }
0x18: {  	s0 =	sld [smem:$0x3F9B];
	_ =	swait.ge [sflag:s4], $0x0  }
0x19: {  	s7 =	sld [smem:$0x3F9C]  }
0x1a: {  	s8 =	sadd.s32 $0xFFFFE003, lr  }
0x1b: {  	s9 =	sadd.s32 $0xFFFFFEF7, lr;
	s5 =	simm.s32 $0xFFFFFFFF;
	p2 =	slt.u32 s8, $0xFFFFF086  }
0x1c: {  	p1 =	slt.u32 s9, $0xF7A;
	s5 =	simm.s32 @!p2 $0x0  }
0x1d: {  	s5 =	simm.s32 @p1 $0x1;
	p0 =	seq.s32 s7, s2  }
0x1e: {  	s7 =	smul.u32 @!p0 $0xF7A, s2;
	p2 =	seq.s32 @!p0 s5, $0x0  }
0x1f: {  	s9 =	smul.u32 $0xF7A, s1;
	s8 =	simm.s32 @!p0 $0x1BF5;
	p2 =	por !p2, p0  }
0x20: {  	[sflag:s8] =	ssyncset.s32 @!p0 $0xFFFFF086;
	s6 =	sadd.s32 @!p0 s3, s7;
	s7 =	simm.s32 @!p0 $0x108  }
0x21: {  	s3 =	sadd.s32 s3, s9;
	s6 =	sadd.s32 @!p0 $0x88, s6;
	s7 =	simm.s32 @p2 $0x1082  }
0x22: {  	[simem:s7], [sflag:s8] =	dma.local @!p0 [hbm:s6], $0xF7A  }
0x23: {  	s9 =	sor.u32 $0xD0000000, s2;
	s6 =	simm.s32 $0x108;
	_ =	swait.ge @!p0 [sflag:s8], $0x0  }
0x24: {  	s3 =	sadd.s32 $0x88, s3;
	s6 =	simm.s32 @!p1 $0x1082;
	[sflag:s4] =	ssyncset.s32 $0xFFFFF086  }
0x25: {  	[simem:s6], [sflag:s4] =	dma.local [hbm:s3], $0xF7A  }
0x26: {  	[smem:$0x3F9C] =	sst s1;
	(tag) =	ssettag s2;
	_ =	strace s9  }
0x27: {  	s1 =	sld [smem:$0x3FAC]  }
0x28: {  	s2 =	sld [smem:$0x3FAD]  }
0x29: {  	s4 =	sld [smem:$0x3FAF]  }
0x2a: {  	p0 =	seq.s32 s5, $0x0;
	s5 =	sld [smem:$0x3FB0]  }
0x2b: {  	s6 =	sld [smem:$0x3FB1]  }
0x2c: {  	s7 =	sld [smem:$0x3FB2]  }
0x2d: {  	s3 =	simm.s32 $0x108;
	s8 =	sld [smem:$0x3FB3]  }
0x2e: {  	s3 =	simm.s32 @!p0 $0x1082;
	s9 =	sld [smem:$0x3FB4]  }
0x2f: {  	lr =	sadd.s32 s0, s3;
	s0 =	sld [smem:$0x3FAB]  }
0x30: {  	s3 =	sld [smem:$0x3FAE]  }
0x31: {  	[smem:$0x3FB7] =	sst s10  }
0x32: {  	s10 =	sld [smem:$0x3FB5];
	_ =	sdelay $0x3  }
0x33: {  	p0 =	seq.s32 s10, $0x1;
	s10 =	sld [smem:$0x3FB7];
	_ =	sdelay $0x3  }
0x34: {  	[smem:$0x3FB7] =	sst s10  }
0x35: {  	s10 =	sld [smem:$0x3FB6];
	_ =	sdelay $0x3  }
0x36: {  	p1 =	seq.s32 s10, $0x1;
	s10 =	sld [smem:$0x3FB7];
	_ =	sdelay $0x3  }
0x37: {  	[smem:$0x3FB7] =	sst s10  }
0x38: {  	s10 =	sld [smem:$0x3FB8]  }
0x39: {  	_ = 	snop;
	(pc) =	sbr.ind lr, $3  }
0x3a: {  	_ = 	snop  }
0x3b: {  	_ = 	snop  }
0x3c: {  	p2 =	seq.s32 s10, $0x1;
	s10 =	sld [smem:$0x3FB7]  }
0x3d: {  	_ =	shalt  }
0x3e: {  	_ =	shalt  }
0x3f: {  	_ =	shalt  }
0x40: {  	_ =	shalt  }
0x41: {  	_ =	shalt  }
0x42: {  	_ =	shalt  }
0x43: {  	_ =	shalt  }
0x44: {  	_ =	shalt  }
0x45: {  	_ =	shalt  }
0x46: {  	_ =	shalt  }
0x47: {  	_ =	shalt  }
0x48: {  	_ =	shalt  }
0x49: {  	_ =	shalt  }
0x4a: {  	_ =	shalt  }
0x4b: {  	_ =	shalt  }
0x4c: {  	_ =	shalt  }
0x4d: {  	_ =	shalt  }
0x4e: {  	_ =	shalt  }
0x4f: {  	_ =	shalt  }
0x50: {  	_ =	shalt  }
0x51: {  	_ =	shalt  }
0x52: {  	_ =	shalt  }
0x53: {  	_ =	shalt  }
0x54: {  	_ =	shalt  }
0x55: {  	_ =	shalt  }
0x56: {  	_ =	shalt  }
0x57: {  	_ =	shalt  }
0x58: {  	_ =	shalt  }
0x59: {  	_ =	shalt  }
0x5a: {  	_ =	shalt  }
0x5b: {  	_ =	shalt  }
0x5c: {  	_ =	shalt  }
0x5d: {  	_ =	shalt  }
0x5e: {  	_ =	shalt  }
0x5f: {  	_ =	shalt  }
0x60: {  	_ =	shalt  }
0x61: {  	_ =	shalt  }
0x62: {  	_ =	shalt  }
0x63: {  	_ =	shalt  }
0x64: {  	_ =	shalt  }
0x65: {  	_ =	shalt  }
0x66: {  	_ =	shalt  }
0x67: {  	_ =	shalt  }
0x68: {  	_ =	shalt  }
0x69: {  	_ =	shalt  }
0x6a: {  	_ =	shalt  }
0x6b: {  	_ =	shalt  }
0x6c: {  	_ =	shalt  }
0x6d: {  	_ =	shalt  }
0x6e: {  	_ =	shalt  }
0x6f: {  	_ =	shalt  }
0x70: {  	_ =	shalt  }
0x71: {  	_ =	shalt  }
0x72: {  	_ =	shalt  }
0x73: {  	_ =	shalt  }
0x74: {  	_ =	shalt  }
0x75: {  	_ =	shalt  }
0x76: {  	_ =	shalt  }
0x77: {  	_ =	shalt  }
0x78: {  	_ =	shalt  }
0x79: {  	_ =	shalt  }
0x7a: {  	_ =	shalt  }
0x7b: {  	_ =	shalt  }
0x7c: {  	_ =	shalt  }
0x7d: {  	_ =	shalt  }
0x7e: {  	_ =	shalt  }
0x7f: {  	_ =	shalt  }
0x80: {  	_ =	shalt  }
0x81: {  	_ =	shalt  }
0x82: {  	_ =	shalt  }
0x83: {  	_ =	shalt  }
0x84: {  	_ =	shalt  }
0x85: {  	_ =	shalt  }
0x86: {  	_ =	shalt  }
0x87: {  	_ =	shalt  }
.Lfunc_end0:
.L_simem_size_0:
called_computation.1_lowered:
.L_overlay_start_0:
0x88: {  	s2 =	sld [smem:$0x3FD9]  }
0x89: {  	s3 =	sld [smem:$0x3FFE];
	_ =	sdelay $0x1  }
0x8a: {  	s1 =	srdreg.scid  }
0x8b: {  	s0 =	sand.u32 $0x1, s1  }
0x8c: {  	s17 =	sshll.u32 s0, $0xA;
	s2 =	sadd.s32 s3, s2  }
0x8d: {  	s2 =	sadd.s32 s2, s17  }
0x8e: {  	[smem:$0x3FC3] =	sst s2  }
0x8f: {  	_ = 	snop  }
0x90: {  	s2 =	sld [smem:$0x3FD0];
	(tm) =	ssettm $0x1  }
0x91: {  	s18 =	sld [smem:$0x3FFB];
	_ =	sdelay $0x3  }
0x92: {  	_ =	strace s18  }
0x93: {  	s3 =	sld [smem:$0x3FFC];
	_ =	sdelay $0x3  }
0x94: {  	_ =	strace s3  }
0x95: {  	s3 =	sld [smem:$0x3FFD];
	_ =	sdelay $0x3  }
0x96: {  	_ =	strace s3  }
0x97: {  	_ =	strace $0x8FFFFFFF  }
0x98: {  	s19 =	sld [smem:$0x3FDB];
	_ =	sdelay $0x1  }
0x99: {  	s4 =	simm.s32 $_scs_section_size  }
0x9a: {  	s5 =	simm.s32 $_size__tile_overlayer_lowered;
	s6 =	simm.s32 $_tile_overlayer_lowered  }
0x9b: {  	s22 =	simm.s32 $0x1BFF;
	s21 =	sshll.u32 s6, $0x1;
	s3 =	sadd.s32 s4, s19  }
0x9c: {  	s7 =	simm.s32 $0x0;
	s20 =	sshll.u32 s5, $0x1;
	s5 =	sadd.s32 s21, s3  }
0x9d: {  	[timem:s7], [sflag:s22] =	dma.local [hbm:s5], s20  }
0x9e: {  	_ =	swait.ge [sflag:s22], s20  }
0x9f: {  	s4 =	ssub.s32 $0x0, s20;
	[sflag:s22] =	ssyncset.done $0x0  }
0xa0: {  	[sflag:s22] =	ssyncadd.s32 s4;
	_ =	sdelay $0x1  }
0xa1: {  	s23 =	simm.s32 $0x1B8B  }
0xa2: {  	_ =	swait.ge [sflag:s23], $0x1  }
0xa3: {  	[sflag:s23] =	ssyncset.done $0x0  }
0xa4: {  	s25 =	simm.s32 $0x1B8E;
	s24 =	sld [smem:$0x3FFE];
	[sflag:s23] =	ssyncadd.s32 $0xFFFFFFFF  }
0xa5: {  	s26 =	simm.s32 $execute0_lowered;
	[smem:$0x3FD2] =	sst s25  }
0xa6: {  	s5 =	sshll.u32 s26, $0x1;
	_ =	strace $0x80000049;
	[dreg:$0x1] =	wrdreg $0xFFFFFFFF  }
0xa7: {  	s28 =	simm.s32 $_size_execute0_lowered;
	s3 =	sadd.s32 s3, s5;
	[dreg:$0x0] =	wrdreg $0x0  }
0xa8: {  	s5 =	sshll.u32 s28, $0x1;
	[dreg:$0x2] =	wrdreg s3  }
0xa9: {  	[dreg:$0x3] =	wrdreg s5  }
0xaa: {  	[dreg:$0x4] =	wrdreg $0xC0  }
0xab: {  	_ =	task [dreg:s7], $0x5FFFF  }
0xac: {  	[dreg:$0x1] =	wrdreg $0xFFFFFFFF  }
0xad: {  	[dreg:$0x0] =	wrdreg $0x60  }
0xae: {  	[dreg:$0x2] =	wrdreg s24  }
0xaf: {  	[dreg:$0x3] =	wrdreg s2  }
0xb0: {  	[dreg:$0x4] =	wrdreg $0x9  }
0xb1: {  	_ =	task.clear_ibuf [dreg:s7], $0x5FFFF;
	_ =	strace $0x90000049  }
0xb2: {  	s29 =	simm.s32 $0x9;
	_ =	strace $0x8000004B  }
0xb3: {  	_ =	swait.ge [sflag:s29], $0x1  }
0xb4: {  	[sflag:s29] =	ssyncadd.s32 $0xFFFFFFFF  }
0xb5: {  	_ =	strace $0x9000004B  }
0xb6: {  	_ =	sfence  }
0xb7: {  	s30 =	sld [smem:$0x0];
	_ =	sdelay $0x2  }
0xb8: {  	s31 =	sshll.u32 s1, $0xD;
	s1 =	sshrl.u32 s1, $0x2  }
0xb9: {  	s3 =	sand.u32 $0x4000, s31;
	s1 =	sadd.s32 s1, s30  }
0xba: {  	s0 =	sor.u32 s3, s0;
	s1 =	sshll.u32 s1, $0x11  }
0xbb: {  	s0 =	sor.u32 s1, s0  }
0xbc: {  	s0 =	sadd.s32 $0x8F2B, s0  }
0xbd: {  	[sflag:s0] =	ssyncadd.remote.s32 $0x1  }
0xbe: {  	_ =	sfence.sel $0xFFFF  }
0xbf: {  	[dreg:$0x0] =	wrdreg $0xFFFFFFFF;
	(pc) =	sbr.abs _section_cstart, $3  }
0xc0: {  	[dreg:$0x1] =	wrdreg $0xFFFFFFFF  }
0xc1: {  	_ =	task.clear_ibuf [dreg:s7], $0x2FFFF;
	_ =	strace $0x9FFFFFFF  }
0xc2: {  	(tm) =	ssettm $0x7FFFFFFF  }
0xc3: {  	_ =	shalt  }
tec
execute0_lowered:
.L_overlay_start_1:
0x0: {  	(tag) =	ssettag $0x1  }
0x1: {  	s0 =	rddreg [dreg:$0x0]  }
0x2: {  	s1 =	rddreg [dreg:$0x1]  }
0x3: {  	s2 =	simm.s32 $0x0;
	s3 =	srdreg.scid;
	s5 =	stileid.u32  }
0x4: {  	s16 =	simm.s32 $0x1;
	s18 =	simm.s32 $0x2100;
	s28 =	simm.s32 $0x10900  }
0x5: {  	s29 =	simm.s32 $0x11100;
	s12 =	simm.s32 $0x11900;
	s30 =	simm.s32 $0x0  }
0x6: {  	[smem:$0x7FF] =	sst s2;
	s4 =	sand.u32 $0x1, s3;
	s5 =	sshll.u32 s5, $0x7  }
0x7: {  	s3 =	sadd.s32 $0xC9000, s0;
	s10 =	sadd.s32 $0x8E00, s0;
	s6 =	sshll.u32 s4, $0x6  }
0x8: {  	s9 =	sadd.s32 $0xC9300, s0;
	s7 =	ssub.s32 $0x2, s4;
	s5 =	sor.u32 s6, s5  }
0x9: {  	_ =	strace $0x8000004A;
	s8 =	sshrl.u32 s7, $0x1;
	s6 =	sshll.u32 s5, $0x4  }
0xa: {  	s19 =	sshrl.u32 s5, $0x3;
	s11 =	ssub.s32 s7, s8;
	s7 =	sadd.s32 $0xC9100, s0  }
0xb: {  	s8 =	sadd.s32 $0xC9200, s0;
	s21 =	sor.u32 $0x20, s5;
	s22 =	sshll.u32 s5, $0x7  }
0xc: {  	s5 =	simm.s32 $0xA900;
	s6 =	sadd.s32 s6, s0;
	s4 =	sadd.s32 s10, s19  }
0xd: {  	s23 =	sshrl.u32 s21, $0x3;
	s0 =	sadd.s32 s1, s22;
	s25 =	sshll.u32 s21, $0x7  }
0xe: {  	s31 =	smax.u32 s11, $0x1;
	s19 =	simm.s32 $0xB900;
	[dreg:$0x5] =	wrdreg s0  }
0xf: {  	s21 =	simm.s32 $0xC900;
	s6 =	sadd.s32 $0xE00, s6;
	[dreg:$0x9] =	wrdreg s31  }
0x10: {  	s22 =	simm.s32 $0xD100;
	s20 =	sadd.s32 $0x100, s4;
	[dreg:$0x3] =	wrdreg s6  }
0x11: {  	v2 =	vlaneseq.u32;
	s11 =	simm.s32 $0x10100;
	s24 =	sadd.s32 s10, s23;
	[dreg:$0x4] =	wrdreg s20  }
0x12: {  	v0 =	vand.u32 $0x7, v2;
	v1 =	vshrl.u32 v2, $0x3;
	s26 =	sadd.s32 $0x104, s4;
	s0 =	sadd.s32 s1, s25;
	[dreg:$0x6] =	wrdreg s24  }
0x13: {  	v63 =	vor.u32 $0x8, v2;
	[tilespmem:$0x1FFD0] =	vst v0;
	v62 =	vmul.u32 $0x8, v1;
	s23 =	simm.s32 $0xD900;
	s25 =	simm.s32 $0xE900;
	[dreg:$0x7] =	wrdreg s26  }
0x14: {  	[tilespmem:$0x1FFF0] =	vst v63;
	s10 =	simm.s32 $0xF100;
	[dreg:$0x8] =	wrdreg s0;
	s6 =	simm.s32 $0xB100  }
0x15: {  	vm0 =	vmmov $0xffff;
	[tilespmem:$0x1FFE0] =	vst v62;
	s20 =	simm.s32 $0xC100;
	s24 =	simm.s32 $0xE100;
	s26 =	simm.s32 $0xF900  }
.LBB2_1:
0x16: {  	s0 =	rddreg [dreg:$0x3];
	s1 =	simm.s32 $0x100  }
0x17: {  	[tilespmem:s1], [sflag:$0x1] =	stream.linear.gather [hbm4b:s0+s2], $0x2000, $0x38;
	[tilespmem:$0x12100] =	vst v63  }
0x18: {  	_ =	swait.ge [sflag:s16], $0x2000  }
0x19: {  	[sflag:s16] =	ssyncset.done $0x0  }
0x1a: {  	[sflag:s16] =	ssyncadd.s32 $0xFFFFE000  }
0x1b: {  	[tilespmem:s2], [sflag:$0x1] =	stream.linear.gather [hbm4b:s4+s2], $0x20, $0x38;
	[tilespmem:$0x12100] =	vst v63  }
0x1c: {  	_ =	swait.ge [sflag:s16], $0x20  }
0x1d: {  	[sflag:s16] =	ssyncset.done $0x0  }
0x1e: {  	s15 =	simm.s32 $0x80;
	s14 =	rddreg [dreg:$0x4];
	[sflag:s16] =	ssyncadd.s32 $0xFFFFFFE0  }
0x1f: {  	[tilespmem:s15], [sflag:$0x1] =	stream.linear.gather [hbm4b:s14+s2], $0x20, $0x38;
	[tilespmem:$0x12100] =	vst v63  }
0x20: {  	_ =	swait.ge [sflag:s16], $0x20  }
0x21: {  	[sflag:s16] =	ssyncset.done $0x0  }
0x22: {  	[sflag:s16] =	ssyncadd.s32 $0xFFFFFFE0  }
0x23: {  	v3 =	vld [tilespmem:$0x0];
	_ =	sdelay $0x2  }
0x24: {  	v0 =	vld [tilespmem:$0x1FFD0];
	_ =	sdelay $0x1  }
0x25: {  	v1 =	vld [tilespmem:$0x1FFE0];
	v4 =	vshll.u32 v3, $0x3  }
0x26: {  	v3 =	vand.u32 $0x7, v3;
	v4 =	vand.u32 $0xFFFFFFC0, v4  }
0x27: {  	v3 =	vor.u32 v3, v4  }
0x28: {  	v4 =	vperm.xlane v3, v0;
	_ =	sdelay $0x1  }
0x29: {  	v4 =	vadd.s32 v1, v4  }
0x2a: {  	v2 =	vld [tilespmem:$0x1FFF0];
	_ =	sdelay $0x3  }
0x2b: {  	[tilespmem:s18], [sflag:$0x1] =	stream.indirect_vreg.gather [hbm4b:s3+s2], $0x80, v4, vm0, $0xb8;
	[tilespmem:$0x12100] =	vst v63  }
0x2c: {  	s17 =	simm.s32 $0x2900;
	v3 =	vperm.xlane v3, v2  }
0x2d: {  	[tilespmem:s17], [sflag:$0x1] =	stream.indirect_vreg.gather [hbm4b:s7+s2], $0x80, v4, vm0, $0xb8;
	[tilespmem:$0x12100] =	vst v63  }
0x2e: {  	s1 =	simm.s32 $0x3100;
	v3 =	vadd.s32 v1, v3  }
0x2f: {  	[tilespmem:s1], [sflag:$0x1] =	stream.indirect_vreg.gather [hbm4b:s8+s2], $0x80, v4, vm0, $0xb8;
	[tilespmem:$0x12100] =	vst v63  }
0x30: {  	s13 =	simm.s32 $0x3900  }
0x31: {  	[tilespmem:s13], [sflag:$0x1] =	stream.indirect_vreg.gather [hbm4b:s9+s2], $0x80, v4, vm0, $0xb8;
	[tilespmem:$0x12100] =	vst v63  }
0x32: {  	s14 =	simm.s32 $0x4100  }
0x33: {  	[tilespmem:s14], [sflag:$0x1] =	stream.indirect_vreg.gather [hbm4b:s3+s2], $0x80, v3, vm0, $0xb8;
	[tilespmem:$0x12100] =	vst v63  }
0x34: {  	s15 =	simm.s32 $0x4900  }
0x35: {  	[tilespmem:s15], [sflag:$0x1] =	stream.indirect_vreg.gather [hbm4b:s7+s2], $0x80, v3, vm0, $0xb8;
	[tilespmem:$0x12100] =	vst v63  }
0x36: {  	s17 =	simm.s32 $0x5100  }
0x37: {  	[tilespmem:s17], [sflag:$0x1] =	stream.indirect_vreg.gather [hbm4b:s8+s2], $0x80, v3, vm0, $0xb8;
	[tilespmem:$0x12100] =	vst v63  }
0x38: {  	s1 =	simm.s32 $0x5900  }
0x39: {  	[tilespmem:s1], [sflag:$0x1] =	stream.indirect_vreg.gather [hbm4b:s9+s2], $0x80, v3, vm0, $0xb8;
	[tilespmem:$0x12100] =	vst v63  }
0x3a: {  	v3 =	vld [tilespmem:$0x10];
	_ =	sdelay $0x4  }
0x3b: {  	v60 =	vshll.u32 v3, $0x3  }
0x3c: {  	v3 =	vand.u32 $0x7, v3;
	v4 =	vand.u32 $0xFFFFFFC0, v60  }
0x3d: {  	v3 =	vor.u32 v3, v4  }
0x3e: {  	v4 =	vperm.xlane v3, v0;
	_ =	sdelay $0x1  }
0x3f: {  	v4 =	vadd.s32 v1, v4;
	_ =	sdelay $0x3  }
0x40: {  	s13 =	simm.s32 $0x6100  }
0x41: {  	[tilespmem:s13], [sflag:$0x1] =	stream.indirect_vreg.gather [hbm4b:s3+s2], $0x80, v4, vm0, $0xb8;
	[tilespmem:$0x12100] =	vst v63  }
0x42: {  	s14 =	simm.s32 $0x6900;
	v3 =	vperm.xlane v3, v2  }
0x43: {  	[tilespmem:s14], [sflag:$0x1] =	stream.indirect_vreg.gather [hbm4b:s7+s2], $0x80, v4, vm0, $0xb8;
	[tilespmem:$0x12100] =	vst v63  }
0x44: {  	s15 =	simm.s32 $0x7100;
	v3 =	vadd.s32 v1, v3  }
0x45: {  	[tilespmem:s15], [sflag:$0x1] =	stream.indirect_vreg.gather [hbm4b:s8+s2], $0x80, v4, vm0, $0xb8;
	[tilespmem:$0x12100] =	vst v63  }
0x46: {  	s17 =	simm.s32 $0x7900  }
0x47: {  	[tilespmem:s17], [sflag:$0x1] =	stream.indirect_vreg.gather [hbm4b:s9+s2], $0x80, v4, vm0, $0xb8;
	[tilespmem:$0x12100] =	vst v63  }
0x48: {  	s1 =	simm.s32 $0x8100  }
0x49: {  	[tilespmem:s1], [sflag:$0x1] =	stream.indirect_vreg.gather [hbm4b:s3+s2], $0x80, v3, vm0, $0xb8;
	[tilespmem:$0x12100] =	vst v63  }
0x4a: {  	s13 =	simm.s32 $0x8900  }
0x4b: {  	[tilespmem:s13], [sflag:$0x1] =	stream.indirect_vreg.gather [hbm4b:s7+s2], $0x80, v3, vm0, $0xb8;
	[tilespmem:$0x12100] =	vst v63  }
0x4c: {  	s14 =	simm.s32 $0x9100  }
0x4d: {  	[tilespmem:s14], [sflag:$0x1] =	stream.indirect_vreg.gather [hbm4b:s8+s2], $0x80, v3, vm0, $0xb8;
	[tilespmem:$0x12100] =	vst v63  }
0x4e: {  	s15 =	simm.s32 $0x9900  }
0x4f: {  	[tilespmem:s15], [sflag:$0x1] =	stream.indirect_vreg.gather [hbm4b:s9+s2], $0x80, v3, vm0, $0xb8;
	[tilespmem:$0x12100] =	vst v63  }
0x50: {  	_ =	swait.ge [sflag:s16], $0x8000  }
0x51: {  	[sflag:s16] =	ssyncset.done $0x0  }
0x52: {  	[sflag:s16] =	ssyncadd.s32 $0xFFFF8000  }
0x53: {  	v61 =	vld [tilespmem:$0x80];
	_ =	sdelay $0x4  }
0x54: {  	v62 =	vshll.u32 v61, $0x3  }
0x55: {  	v3 =	vand.u32 $0x7, v61;
	v4 =	vand.u32 $0xFFFFFFC0, v62  }
0x56: {  	v3 =	vor.u32 v3, v4  }
0x57: {  	v4 =	vperm.xlane v3, v0;
	_ =	sdelay $0x1  }
0x58: {  	v4 =	vadd.s32 v1, v4;
	_ =	sdelay $0x3  }
0x59: {  	s17 =	simm.s32 $0xA100  }
0x5a: {  	[tilespmem:s17], [sflag:$0x1] =	stream.indirect_vreg.gather [hbm4b:s3+s2], $0x80, v4, vm0, $0xb8;
	[tilespmem:$0x12100] =	vst v63  }
0x5b: {  	v3 =	vperm.xlane v3, v2  }
0x5c: {  	[tilespmem:s5], [sflag:$0x1] =	stream.indirect_vreg.gather [hbm4b:s7+s2], $0x80, v4, vm0, $0xb8;
	[tilespmem:$0x12100] =	vst v63  }
0x5d: {  	v3 =	vadd.s32 v1, v3  }
0x5e: {  	[tilespmem:s6], [sflag:$0x1] =	stream.indirect_vreg.gather [hbm4b:s8+s2], $0x80, v4, vm0, $0xb8;
	[tilespmem:$0x12100] =	vst v63  }
0x5f: {  	_ = 	snop  }
0x60: {  	[tilespmem:s19], [sflag:$0x1] =	stream.indirect_vreg.gather [hbm4b:s9+s2], $0x80, v4, vm0, $0xb8;
	[tilespmem:$0x12100] =	vst v63  }
0x61: {  	_ = 	snop  }
0x62: {  	[tilespmem:s20], [sflag:$0x1] =	stream.indirect_vreg.gather [hbm4b:s3+s2], $0x80, v3, vm0, $0xb8;
	[tilespmem:$0x12100] =	vst v63  }
0x63: {  	_ = 	snop  }
0x64: {  	[tilespmem:s21], [sflag:$0x1] =	stream.indirect_vreg.gather [hbm4b:s7+s2], $0x80, v3, vm0, $0xb8;
	[tilespmem:$0x12100] =	vst v63  }
0x65: {  	_ = 	snop  }
0x66: {  	[tilespmem:s22], [sflag:$0x1] =	stream.indirect_vreg.gather [hbm4b:s8+s2], $0x80, v3, vm0, $0xb8;
	[tilespmem:$0x12100] =	vst v63  }
0x67: {  	_ = 	snop  }
0x68: {  	[tilespmem:s23], [sflag:$0x1] =	stream.indirect_vreg.gather [hbm4b:s9+s2], $0x80, v3, vm0, $0xb8;
	[tilespmem:$0x12100] =	vst v63  }
0x69: {  	v3 =	vld [tilespmem:$0x90];
	_ =	sdelay $0x4  }
0x6a: {  	v63 =	vshll.u32 v3, $0x3  }
0x6b: {  	v3 =	vand.u32 $0x7, v3;
	v4 =	vand.u32 $0xFFFFFFC0, v63  }
0x6c: {  	v3 =	vor.u32 v3, v4  }
0x6d: {  	v4 =	vperm.xlane v3, v0;
	_ =	sdelay $0x1  }
0x6e: {  	v4 =	vadd.s32 v1, v4;
	_ =	sdelay $0x4  }
0x6f: {  	[tilespmem:s24], [sflag:$0x1] =	stream.indirect_vreg.gather [hbm4b:s3+s2], $0x80, v4, vm0, $0xb8;
	[tilespmem:$0x12100] =	vst v63  }
0x70: {  	v3 =	vperm.xlane v3, v2  }
0x71: {  	[tilespmem:s25], [sflag:$0x1] =	stream.indirect_vreg.gather [hbm4b:s7+s2], $0x80, v4, vm0, $0xb8;
	[tilespmem:$0x12100] =	vst v63  }
0x72: {  	v3 =	vadd.s32 v1, v3  }
0x73: {  	[tilespmem:s10], [sflag:$0x1] =	stream.indirect_vreg.gather [hbm4b:s8+s2], $0x80, v4, vm0, $0xb8;
	[tilespmem:$0x12100] =	vst v63  }
0x74: {  	_ = 	snop  }
0x75: {  	[tilespmem:s26], [sflag:$0x1] =	stream.indirect_vreg.gather [hbm4b:s9+s2], $0x80, v4, vm0, $0xb8;
	[tilespmem:$0x12100] =	vst v63  }
0x76: {  	_ = 	snop  }
0x77: {  	[tilespmem:s11], [sflag:$0x1] =	stream.indirect_vreg.gather [hbm4b:s3+s2], $0x80, v3, vm0, $0xb8;
	[tilespmem:$0x12100] =	vst v63  }
0x78: {  	_ = 	snop  }
0x79: {  	[tilespmem:s28], [sflag:$0x1] =	stream.indirect_vreg.gather [hbm4b:s7+s2], $0x80, v3, vm0, $0xb8;
	[tilespmem:$0x12100] =	vst v63  }
0x7a: {  	_ = 	snop  }
0x7b: {  	[tilespmem:s29], [sflag:$0x1] =	stream.indirect_vreg.gather [hbm4b:s8+s2], $0x80, v3, vm0, $0xb8;
	[tilespmem:$0x12100] =	vst v63  }
0x7c: {  	_ = 	snop  }
0x7d: {  	[tilespmem:s12], [sflag:$0x1] =	stream.indirect_vreg.gather [hbm4b:s9+s2], $0x80, v3, vm0, $0xb8;
	[tilespmem:$0x12100] =	vst v63  }
0x7e: {  	_ =	swait.ge [sflag:s16], $0x8000  }
0x7f: {  	s31 =	simm.s32 $0x0;
	s0 =	simm.s32 $0x0;
	[sflag:s16] =	ssyncset.done $0x0  }
0x80: {  	s13 =	simm.s32 $0x110;
	s14 =	simm.s32 $0x0;
	[sflag:s16] =	ssyncadd.s32 $0xFFFF8000  }
.LBB2_2:
0x81: {  	v3 =	vld [tilespmem:s13+$0xFFFFFFF0];
	s1 =	sand.u32 $0x6000, s14;
	s15 =	sand.u32 $0x380, s0  }
0x82: {  	v4 =	vld [tilespmem:s13+$0x0];
	s1 =	sor.u32 s15, s1  }
0x83: {  	v6 =	vld [tilespmem:s1+$0x2100]  }
0x84: {  	v7 =	vld [tilespmem:s1+$0xA100]  }
0x85: {  	v10 =	vld [tilespmem:s1+$0x2110]  }
0x86: {  	v11 =	vld [tilespmem:s1+$0xA110]  }
0x87: {  	v14 =	vld [tilespmem:s1+$0x2120]  }
0x88: {  	v17 =	vld [tilespmem:s1+$0xA120]  }
0x89: {  	v20 =	vld [tilespmem:s1+$0x2130]  }
0x8a: {  	v21 =	vld [tilespmem:s1+$0xA130]  }
0x8b: {  	v26 =	vld [tilespmem:s1+$0x2140]  }
0x8c: {  	v27 =	vld [tilespmem:s1+$0xA140]  }
0x8d: {  	v28 =	vld [tilespmem:s1+$0x2150]  }
0x8e: {  	v29 =	vld [tilespmem:s1+$0xA150]  }
0x8f: {  	v30 =	vld [tilespmem:s1+$0x2160]  }
0x90: {  	v31 =	vld [tilespmem:s1+$0xA160]  }
0x91: {  	v32 =	vld [tilespmem:s1+$0x2170]  }
0x92: {  	v33 =	vld [tilespmem:s1+$0xA170]  }
0x93: {  	v34 =	vld [tilespmem:s1+$0x2500]  }
0x94: {  	v35 =	vld [tilespmem:s1+$0xA500]  }
0x95: {  	v36 =	vld [tilespmem:s1+$0x2510]  }
0x96: {  	v37 =	vld [tilespmem:s1+$0xA510]  }
0x97: {  	v38 =	vld [tilespmem:s1+$0x2520]  }
0x98: {  	v39 =	vld [tilespmem:s1+$0xA520]  }
0x99: {  	v40 =	vld [tilespmem:s1+$0x2530]  }
0x9a: {  	v41 =	vld [tilespmem:s1+$0xA530]  }
0x9b: {  	v42 =	vld [tilespmem:s1+$0x2540]  }
0x9c: {  	v43 =	vld [tilespmem:s1+$0xA540]  }
0x9d: {  	v44 =	vld [tilespmem:s1+$0x2550]  }
0x9e: {  	v45 =	vld [tilespmem:s1+$0xA550]  }
0x9f: {  	v46 =	vld [tilespmem:s1+$0x2560]  }
0xa0: {  	v47 =	vld [tilespmem:s1+$0xA560]  }
0xa1: {  	v48 =	vld [tilespmem:s1+$0x2570]  }
0xa2: {  	v49 =	vld [tilespmem:s1+$0xA570]  }
0xa3: {  	v50 =	vld [tilespmem:s1+$0x2900]  }
0xa4: {  	v51 =	vld [tilespmem:s1+$0xA900]  }
0xa5: {  	v52 =	vld [tilespmem:s1+$0x2910]  }
0xa6: {  	v53 =	vld [tilespmem:s1+$0xA910]  }
0xa7: {  	v54 =	vld [tilespmem:s1+$0x2920]  }
0xa8: {  	v55 =	vld [tilespmem:s1+$0xA920]  }
0xa9: {  	v56 =	vld [tilespmem:s1+$0x2930]  }
0xaa: {  	v57 =	vld [tilespmem:s1+$0xA930]  }
0xab: {  	v58 =	vld [tilespmem:s1+$0x2940]  }
0xac: {  	v59 =	vld [tilespmem:s1+$0xA940]  }
0xad: {  	v60 =	vld [tilespmem:s1+$0x2950]  }
0xae: {  	v61 =	vld [tilespmem:s1+$0xA950]  }
0xaf: {  	v62 =	vld [tilespmem:s1+$0x2960]  }
0xb0: {  	v63 =	vld [tilespmem:s1+$0xA960]  }
0xb1: {  	v5 =	vld [tilespmem:s1+$0x2970]  }
0xb2: {  	v2 =	vld [tilespmem:s1+$0xA970]  }
0xb3: {  	v24 =	vld [tilespmem:s1+$0x2D00]  }
0xb4: {  	v25 =	vld [tilespmem:s1+$0xAD00]  }
0xb5: {  	v22 =	vld [tilespmem:s1+$0x2D10]  }
0xb6: {  	v23 =	vld [tilespmem:s1+$0xAD10]  }
0xb7: {  	v18 =	vld [tilespmem:s1+$0x2D20]  }
0xb8: {  	v0 =	vld [tilespmem:s1+$0x2D60]  }
0xb9: {  	v19 =	vld [tilespmem:s1+$0xAD20]  }
0xba: {  	v15 =	vld [tilespmem:s1+$0x2D30]  }
0xbb: {  	v16 =	vld [tilespmem:s1+$0xAD30]  }
0xbc: {  	v12 =	vld [tilespmem:s1+$0x2D40];
	v1 =	vmul.f32 v6, v3  }
0xbd: {  	v13 =	vld [tilespmem:s1+$0xAD40];
	[tilespmem:$0x1FFC0] =	vst v0;
	v0 =	vmul.f32 v7, v4;
	v10 =	vmul.f32 v10, v3  }
0xbe: {  	v8 =	vld [tilespmem:s1+$0x2D50];
	v11 =	vmul.f32 v11, v4;
	v14 =	vmul.f32 v14, v3  }
0xbf: {  	v9 =	vld [tilespmem:s1+$0xAD50];
	v17 =	vmul.f32 v17, v4;
	v20 =	vmul.f32 v20, v3  }
0xc0: {  	v7 =	vld [tilespmem:s1+$0xAD60];
	v21 =	vmul.f32 v21, v4;
	v26 =	vmul.f32 v26, v3  }
0xc1: {  	v6 =	vld [tilespmem:s1+$0x2D70];
	v27 =	vmul.f32 v27, v4;
	v34 =	vmul.f32 v34, v3  }
0xc2: {  	v35 =	vmul.f32 v35, v4;
	v38 =	vmul.f32 v38, v3;
	v1 =	vadd.f32 v0, v1;
	v0 =	vld [tilespmem:s1+$0xAD70]  }
0xc3: {  	v39 =	vmul.f32 v39, v4;
	v40 =	vmul.f32 v40, v3;
	v10 =	vadd.f32 v11, v10;
	v11 =	vld [tilespmem:s1+$0x3100]  }
0xc4: {  	v5 =	vmul.f32 v5, v3;
	v2 =	vmul.f32 v2, v4;
	[tilespmem:s1+$0x2100] =	vst v1;
	v1 =	vadd.f32 v17, v14;
	v14 =	vld [tilespmem:s1+$0xB100]  }
0xc5: {  	[tilespmem:s1+$0x2110] =	vst v10;
	v10 =	vadd.f32 v21, v20;
	v21 =	vmul.f32 v28, v3;
	v28 =	vmul.f32 v29, v4;
	v17 =	vld [tilespmem:s1+$0x3110]  }
0xc6: {  	v52 =	vmul.f32 v52, v3;
	v2 =	vadd.f32 v2, v5;
	v20 =	vld [tilespmem:s1+$0xB110];
	v29 =	vmul.f32 v33, v4;
	[tilespmem:s1+$0x2120] =	vst v1  }
0xc7: {  	v1 =	vadd.f32 v27, v26;
	v26 =	vmul.f32 v30, v3;
	[tilespmem:s1+$0x2130] =	vst v10;
	v10 =	vadd.f32 v28, v21;
	v21 =	vld [tilespmem:s1+$0x3120]  }
0xc8: {  	v27 =	vmul.f32 v31, v4;
	v28 =	vmul.f32 v32, v3;
	v31 =	vld [tilespmem:s1+$0x3130]  }
0xc9: {  	v24 =	vmul.f32 v24, v3;
	v25 =	vmul.f32 v25, v4;
	[tilespmem:s1+$0x2970] =	vst v2;
	v32 =	vld [tilespmem:s1+$0xB130]  }
0xca: {  	v18 =	vmul.f32 v18, v3;
	v33 =	vadd.f32 v27, v26;
	v26 =	vld [tilespmem:s1+$0xB120];
	[tilespmem:s1+$0x2150] =	vst v10;
	v10 =	vadd.f32 v29, v28  }
0xcb: {  	[tilespmem:s1+$0x2140] =	vst v1;
	v28 =	vmul.f32 v36, v3;
	v36 =	vmul.f32 v37, v4;
	v37 =	vadd.f32 v35, v34;
	v34 =	vld [tilespmem:s1+$0xB140]  }
0xcc: {  	v19 =	vmul.f32 v19, v4;
	v12 =	vmul.f32 v12, v3;
	v35 =	vld [tilespmem:s1+$0x3150];
	[tilespmem:s1+$0x2160] =	vst v33  }
0xcd: {  	v13 =	vmul.f32 v13, v4;
	v27 =	vld [tilespmem:s1+$0xB520];
	v29 =	vadd.f32 v25, v24;
	[tilespmem:s1+$0x2170] =	vst v10;
	v10 =	vadd.f32 v36, v28  }
0xce: {  	v36 =	vmul.f32 v41, v4;
	v33 =	vld [tilespmem:s1+$0x3140];
	[tilespmem:s1+$0x2500] =	vst v37;
	v37 =	vadd.f32 v39, v38;
	v38 =	vmul.f32 v42, v3  }
0xcf: {  	v39 =	vmul.f32 v43, v4;
	v41 =	vmul.f32 v45, v4;
	v28 =	vld [tilespmem:s1+$0x3520];
	[tilespmem:s1+$0x2D00] =	vst v29  }
0xd0: {  	v43 =	vmul.f32 v46, v3;
	[tilespmem:s1+$0x2510] =	vst v10;
	v10 =	vadd.f32 v36, v40;
	v40 =	vmul.f32 v44, v3;
	v36 =	vld [tilespmem:s1+$0xB150]  }
0xd1: {  	v46 =	vmul.f32 v48, v3;
	[tilespmem:s1+$0x2520] =	vst v37;
	v42 =	vadd.f32 v39, v38;
	v44 =	vmul.f32 v47, v4;
	v37 =	vld [tilespmem:s1+$0x3160]  }
0xd2: {  	v47 =	vmul.f32 v49, v4;
	v49 =	vmul.f32 v50, v3;
	v38 =	vld [tilespmem:s1+$0xB160];
	[tilespmem:s1+$0x2530] =	vst v10;
	v45 =	vadd.f32 v41, v40  }
0xd3: {  	v50 =	vmul.f32 v51, v4;
	v39 =	vld [tilespmem:s1+$0x3170];
	[tilespmem:s1+$0x2540] =	vst v42;
	v48 =	vadd.f32 v44, v43;
	v44 =	vmul.f32 v53, v4  }
0xd4: {  	v51 =	vadd.f32 v47, v46;
	v46 =	vmul.f32 v54, v3;
	v47 =	vmul.f32 v55, v4;
	v40 =	vld [tilespmem:s1+$0xB170];
	[tilespmem:s1+$0x2550] =	vst v45  }
0xd5: {  	v41 =	vld [tilespmem:s1+$0x3500];
	v53 =	vmul.f32 v59, v4;
	v55 =	vmul.f32 v60, v3;
	[tilespmem:s1+$0x2560] =	vst v48;
	v45 =	vadd.f32 v50, v49  }
0xd6: {  	v42 =	vld [tilespmem:s1+$0xB500];
	v59 =	vmul.f32 v63, v4;
	v63 =	vmul.f32 v23, v4;
	[tilespmem:s1+$0x2570] =	vst v51;
	v48 =	vadd.f32 v44, v52  }
0xd7: {  	v43 =	vld [tilespmem:s1+$0x3510];
	v49 =	vmul.f32 v56, v3;
	v50 =	vmul.f32 v57, v4;
	v51 =	vadd.f32 v47, v46;
	[tilespmem:s1+$0x2900] =	vst v45  }
0xd8: {  	v23 =	vld [tilespmem:s1+$0xB530];
	v25 =	vmul.f32 v33, v3;
	v52 =	vmul.f32 v58, v3;
	v47 =	vadd.f32 v19, v18;
	[tilespmem:s1+$0x2910] =	vst v48  }
0xd9: {  	v56 =	vmul.f32 v61, v4;
	v58 =	vmul.f32 v62, v3;
	v44 =	vld [tilespmem:s1+$0xB510];
	v54 =	vadd.f32 v50, v49;
	[tilespmem:s1+$0x2920] =	vst v51  }
0xda: {  	v62 =	vmul.f32 v22, v3;
	v22 =	vld [tilespmem:s1+$0x3530];
	v46 =	vmul.f32 v16, v4;
	v57 =	vadd.f32 v53, v52;
	[tilespmem:s1+$0x2D20] =	vst v47  }
0xdb: {  	v16 =	vld [tilespmem:s1+$0xB540];
	v33 =	vmul.f32 v37, v3;
	v60 =	vadd.f32 v56, v55;
	v45 =	vmul.f32 v15, v3;
	[tilespmem:s1+$0x2930] =	vst v54  }
0xdc: {  	v18 =	vld [tilespmem:s1+$0x3910];
	v61 =	vadd.f32 v59, v58;
	v49 =	vmul.f32 v8, v3;
	v50 =	vmul.f32 v9, v4;
	[tilespmem:s1+$0x2940] =	vst v57  }
0xdd: {  	v19 =	vld [tilespmem:s1+$0xB910];
	v30 =	vadd.f32 v63, v62;
	v56 =	vmul.f32 v11, v3;
	v58 =	vmul.f32 v17, v3;
	[tilespmem:s1+$0x2950] =	vst v60  }
0xde: {  	v15 =	vld [tilespmem:s1+$0x3540];
	v51 =	vadd.f32 v13, v12;
	v59 =	vmul.f32 v20, v4;
	v62 =	vmul.f32 v26, v4;
	[tilespmem:s1+$0x2960] =	vst v61  }
0xdf: {  	v9 =	vld [tilespmem:s1+$0x3550];
	v20 =	vmul.f32 v31, v3;
	v26 =	vmul.f32 v34, v4;
	[tilespmem:s1+$0x2D10] =	vst v30;
	v48 =	vadd.f32 v46, v45  }
0xe0: {  	v52 =	vld [tilespmem:$0x1FFC0];
	v31 =	vmul.f32 v36, v4;
	v34 =	vmul.f32 v38, v4;
	v53 =	vadd.f32 v50, v49;
	[tilespmem:s1+$0x2D40] =	vst v51  }
0xe1: {  	v12 =	vld [tilespmem:s1+$0xB550];
	v36 =	vmul.f32 v39, v3;
	v37 =	vmul.f32 v40, v4;
	v63 =	vadd.f32 v59, v58;
	[tilespmem:s1+$0x2D30] =	vst v48  }
0xe2: {  	v11 =	vld [tilespmem:s1+$0x3570];
	v61 =	vmul.f32 v21, v3;
	v21 =	vmul.f32 v32, v4;
	v32 =	vadd.f32 v26, v25;
	[tilespmem:s1+$0x2D50] =	vst v53  }
0xe3: {  	v13 =	vld [tilespmem:s1+$0xB570];
	v39 =	vmul.f32 v41, v3;
	v40 =	vmul.f32 v42, v4;
	v38 =	vadd.f32 v34, v33;
	[tilespmem:s1+$0x3110] =	vst v63  }
0xe4: {  	v0 =	vmul.f32 v0, v4;
	v17 =	vld [tilespmem:s1+$0xB900];
	v54 =	vmul.f32 v6, v3;
	v42 =	vadd.f32 v37, v36;
	[tilespmem:s1+$0x3140] =	vst v32  }
0xe5: {  	v41 =	vld [tilespmem:s1+$0xB920];
	v57 =	vmul.f32 v14, v4;
	v47 =	vadd.f32 v40, v39;
	[tilespmem:s1+$0x3160] =	vst v38  }
0xe6: {  	v6 =	vld [tilespmem:s1+$0x3560];
	v0 =	vadd.f32 v0, v54;
	[tilespmem:s1+$0x3170] =	vst v42  }
0xe7: {  	v14 =	vld [tilespmem:s1+$0x3900];
	v60 =	vadd.f32 v57, v56;
	[tilespmem:s1+$0x3500] =	vst v47  }
0xe8: {  	v7 =	vmul.f32 v7, v4;
	v30 =	vmul.f32 v35, v3;
	v46 =	vld [tilespmem:s1+$0x3930];
	v24 =	vadd.f32 v62, v61;
	[tilespmem:s1+$0x2D70] =	vst v0  }
0xe9: {  	v43 =	vmul.f32 v43, v3;
	v50 =	vld [tilespmem:s1+$0xB930];
	v45 =	vmul.f32 v44, v4;
	v29 =	vadd.f32 v21, v20;
	[tilespmem:s1+$0x3100] =	vst v60  }
0xea: {  	v49 =	vmul.f32 v27, v4;
	v58 =	vld [tilespmem:s1+$0x3950];
	v35 =	vadd.f32 v31, v30;
	v10 =	vmul.f32 v52, v3;
	[tilespmem:s1+$0x3120] =	vst v24  }
0xeb: {  	v36 =	vld [tilespmem:s1+$0xB970];
	v53 =	vmul.f32 v23, v4;
	v51 =	vadd.f32 v45, v43;
	v52 =	vmul.f32 v22, v3;
	[tilespmem:s1+$0x3130] =	vst v29  }
0xec: {  	v40 =	vld [tilespmem:s1+$0xB940];
	v57 =	vmul.f32 v16, v4;
	v56 =	vmul.f32 v15, v3;
	[tilespmem:s1+$0x3150] =	vst v35;
	v55 =	vadd.f32 v7, v10  }
0xed: {  	v20 =	vld [tilespmem:s1+$0x3920];
	v26 =	vmul.f32 v11, v3;
	v27 =	vmul.f32 v13, v4;
	[tilespmem:s1+$0x3510] =	vst v51;
	v59 =	vadd.f32 v53, v52  }
0xee: {  	v62 =	vld [tilespmem:s1+$0xB950];
	v61 =	vmul.f32 v12, v4;
	v60 =	vmul.f32 v9, v3;
	v63 =	vadd.f32 v57, v56;
	[tilespmem:s1+$0x2D60] =	vst v55  }
0xef: {  	v34 =	vmul.f32 v18, v3;
	v16 =	vld [tilespmem:s1+$0x3960];
	v35 =	vmul.f32 v19, v4;
	v33 =	vadd.f32 v27, v26;
	[tilespmem:s1+$0x3530] =	vst v59  }
0xf0: {  	v48 =	vmul.f32 v28, v3;
	v28 =	vld [tilespmem:s1+$0xB960];
	v31 =	vmul.f32 v17, v4;
	v23 =	vadd.f32 v61, v60;
	[tilespmem:s1+$0x3540] =	vst v63  }
0xf1: {  	v32 =	vld [tilespmem:s1+$0x3970];
	v39 =	vmul.f32 v41, v4;
	v30 =	vmul.f32 v14, v3;
	v41 =	vadd.f32 v35, v34;
	[tilespmem:s1+$0x3570] =	vst v33  }
0xf2: {  	v10 =	vld [tilespmem:s1+$0xB560];
	v42 =	vmul.f32 v46, v3;
	v43 =	vmul.f32 v50, v4;
	v55 =	vadd.f32 v49, v48;
	[tilespmem:s1+$0x3550] =	vst v23  }
0xf3: {  	v54 =	vld [tilespmem:s1+$0x3940];
	v37 =	vadd.f32 v31, v30;
	v38 =	vmul.f32 v20, v3;
	[tilespmem:s1+$0x3910] =	vst v41  }
0xf4: {  	v45 =	vmul.f32 v58, v3;
	v46 =	vmul.f32 v62, v4;
	v47 =	vadd.f32 v43, v42;
	[tilespmem:s1+$0x3520] =	vst v55  }
0xf5: {  	v48 =	vmul.f32 v16, v3;
	v49 =	vmul.f32 v28, v4;
	[tilespmem:s1+$0x3900] =	vst v37;
	v44 =	vadd.f32 v39, v38  }
0xf6: {  	v52 =	vmul.f32 v36, v4;
	v51 =	vmul.f32 v32, v3;
	v50 =	vadd.f32 v46, v45;
	[tilespmem:s1+$0x3930] =	vst v47  }
0xf7: {  	v6 =	vmul.f32 v6, v3;
	v53 =	vadd.f32 v49, v48;
	v12 =	vmul.f32 v10, v4;
	[tilespmem:s1+$0x3920] =	vst v44  }
0xf8: {  	s17 =	sand.u32 $0x7, s31;
	v54 =	vmul.f32 v54, v3;
	v55 =	vmul.f32 v40, v4;
	v56 =	vadd.f32 v52, v51;
	[tilespmem:s1+$0x3950] =	vst v50  }
0xf9: {  	s15 =	sshll.u32 s17, $0x7;
	[tilespmem:s1+$0x3960] =	vst v53;
	v29 =	vadd.f32 v12, v6  }
0xfa: {  	s15 =	sadd.s32 s15, s14;
	v2 =	vadd.f32 v55, v54;
	[tilespmem:s1+$0x3970] =	vst v56  }
0xfb: {  	s17 =	sor.u32 $0x1C00, s15;
	[tilespmem:s1+$0x3560] =	vst v29  }
0xfc: {  	[tilespmem:s1+$0x3940] =	vst v2;
	v0 =	vld [tilespmem:s17+$0x2100]  }
0xfd: {  	v1 =	vld [tilespmem:s17+$0xA100];
	_ =	sdelay $0x4  }
0xfe: {  	v0 =	vmul.f32 v0, v3;
	v1 =	vmul.f32 v1, v4;
	_ =	sdelay $0x1  }
0xff: {  	v0 =	vadd.f32 v1, v0;
	_ =	sdelay $0x1  }
0x100: {  	[tilespmem:s17+$0x2100] =	vst v0;
	s17 =	sor.u32 $0x1C10, s15  }
0x101: {  	v0 =	vld [tilespmem:s17+$0x2100]  }
0x102: {  	v57 =	vld [tilespmem:s17+$0xA100];
	_ =	sdelay $0x4  }
0x103: {  	v0 =	vmul.f32 v0, v3;
	v1 =	vmul.f32 v57, v4;
	_ =	sdelay $0x1  }
0x104: {  	v0 =	vadd.f32 v1, v0;
	_ =	sdelay $0x1  }
0x105: {  	[tilespmem:s17+$0x2100] =	vst v0;
	s17 =	sor.u32 $0x1C20, s15  }
0x106: {  	v0 =	vld [tilespmem:s17+$0x2100]  }
0x107: {  	v58 =	vld [tilespmem:s17+$0xA100];
	_ =	sdelay $0x4  }
0x108: {  	v0 =	vmul.f32 v0, v3;
	v1 =	vmul.f32 v58, v4;
	_ =	sdelay $0x1  }
0x109: {  	v0 =	vadd.f32 v1, v0;
	_ =	sdelay $0x1  }
0x10a: {  	[tilespmem:s17+$0x2100] =	vst v0;
	s17 =	sor.u32 $0x1C30, s15  }
0x10b: {  	v0 =	vld [tilespmem:s17+$0x2100]  }
0x10c: {  	v59 =	vld [tilespmem:s17+$0xA100];
	_ =	sdelay $0x4  }
0x10d: {  	v0 =	vmul.f32 v0, v3;
	v1 =	vmul.f32 v59, v4;
	_ =	sdelay $0x1  }
0x10e: {  	v0 =	vadd.f32 v1, v0;
	_ =	sdelay $0x1  }
0x10f: {  	[tilespmem:s17+$0x2100] =	vst v0;
	s17 =	sor.u32 $0x1C40, s15  }
0x110: {  	v0 =	vld [tilespmem:s17+$0x2100]  }
0x111: {  	v60 =	vld [tilespmem:s17+$0xA100];
	_ =	sdelay $0x4  }
0x112: {  	v0 =	vmul.f32 v0, v3;
	v1 =	vmul.f32 v60, v4;
	_ =	sdelay $0x1  }
0x113: {  	v0 =	vadd.f32 v1, v0;
	_ =	sdelay $0x1  }
0x114: {  	[tilespmem:s17+$0x2100] =	vst v0;
	s17 =	sor.u32 $0x1C50, s15  }
0x115: {  	v0 =	vld [tilespmem:s17+$0x2100]  }
0x116: {  	v61 =	vld [tilespmem:s17+$0xA100];
	_ =	sdelay $0x4  }
0x117: {  	v0 =	vmul.f32 v0, v3;
	v1 =	vmul.f32 v61, v4;
	_ =	sdelay $0x1  }
0x118: {  	v0 =	vadd.f32 v1, v0;
	_ =	sdelay $0x1  }
0x119: {  	[tilespmem:s17+$0x2100] =	vst v0;
	s17 =	sor.u32 $0x1C60, s15  }
0x11a: {  	v0 =	vld [tilespmem:s17+$0x2100]  }
0x11b: {  	v62 =	vld [tilespmem:s17+$0xA100];
	_ =	sdelay $0x4  }
0x11c: {  	v0 =	vmul.f32 v0, v3;
	v1 =	vmul.f32 v62, v4;
	_ =	sdelay $0x1  }
0x11d: {  	v0 =	vadd.f32 v1, v0;
	_ =	sdelay $0x1  }
0x11e: {  	[tilespmem:s17+$0x2100] =	vst v0;
	s17 =	sor.u32 $0x1C70, s15  }
0x11f: {  	v0 =	vld [tilespmem:s17+$0x2100]  }
0x120: {  	v63 =	vld [tilespmem:s17+$0xA100];
	_ =	sdelay $0x3  }
0x121: {  	p0 =	sne.s32 s0, $0xF80  }
.Ltmp0:
0x122: {  	v0 =	vmul.f32 v0, v3;
	v1 =	vmul.f32 v63, v4;
	(pc) =	sbr.rel @p0 .LBB2_2-.Ltmp0, $4  }
0x123: {  	_ = 	snop  }
0x124: {  	v0 =	vadd.f32 v1, v0  }
0x125: {  	s31 =	sadd.s32 $0x1, s31  }
0x126: {  	s13 =	sadd.s32 $0x80, s13;
	s0 =	sadd.s32 $0x80, s0;
	s14 =	sadd.s32 $0x400, s14;
	[tilespmem:s17+$0x2100] =	vst v0  }
0x127: {  	s13 =	simm.s32 $0x0;
	s0 =	rddreg [dreg:$0x5]  }
0x128: {  	[hbm4b:s0+s13] =	stream.linear.scatter [tilespmem:s18], [sflag:$0x1], $0x8000, $0x38;
	[tilespmem:$0x12100] =	vst v63  }
0x129: {  	_ =	swait.ge [sflag:s16], $0x8000  }
0x12a: {  	[sflag:s16] =	ssyncset.done $0x0  }
0x12b: {  	s15 =	rddreg [dreg:$0x6];
	[sflag:s16] =	ssyncadd.s32 $0xFFFF8000  }
0x12c: {  	[tilespmem:s13], [sflag:$0x1] =	stream.linear.gather [hbm4b:s15+s13], $0x20, $0x38;
	[tilespmem:$0x12100] =	vst v63  }
0x12d: {  	_ =	swait.ge [sflag:s16], $0x20  }
0x12e: {  	[sflag:s16] =	ssyncset.done $0x0  }
0x12f: {  	s1 =	simm.s32 $0x80;
	s17 =	rddreg [dreg:$0x7];
	[sflag:s16] =	ssyncadd.s32 $0xFFFFFFE0  }
0x130: {  	[tilespmem:s1], [sflag:$0x1] =	stream.linear.gather [hbm4b:s17+s13], $0x20, $0x38;
	[tilespmem:$0x12100] =	vst v63  }
0x131: {  	_ =	swait.ge [sflag:s16], $0x20  }
0x132: {  	[sflag:s16] =	ssyncset.done $0x0  }
0x133: {  	[sflag:s16] =	ssyncadd.s32 $0xFFFFFFE0  }
0x134: {  	v0 =	vld [tilespmem:$0x0];
	_ =	sdelay $0x2  }
0x135: {  	v2 =	vld [tilespmem:$0x1FFD0];
	_ =	sdelay $0x1  }
0x136: {  	v3 =	vld [tilespmem:$0x1FFE0];
	v1 =	vshll.u32 v0, $0x3  }
0x137: {  	v0 =	vand.u32 $0x7, v0;
	v1 =	vand.u32 $0xFFFFFFC0, v1  }
0x138: {  	v0 =	vor.u32 v0, v1  }
0x139: {  	v1 =	vperm.xlane v0, v2;
	_ =	sdelay $0x1  }
0x13a: {  	v1 =	vadd.s32 v3, v1  }
0x13b: {  	v4 =	vld [tilespmem:$0x1FFF0];
	_ =	sdelay $0x3  }
0x13c: {  	[tilespmem:s18], [sflag:$0x1] =	stream.indirect_vreg.gather [hbm4b:s3+s13], $0x80, v1, vm0, $0xb8;
	[tilespmem:$0x12100] =	vst v63  }
0x13d: {  	s1 =	simm.s32 $0x2900;
	v0 =	vperm.xlane v0, v4  }
0x13e: {  	[tilespmem:s1], [sflag:$0x1] =	stream.indirect_vreg.gather [hbm4b:s7+s13], $0x80, v1, vm0, $0xb8;
	[tilespmem:$0x12100] =	vst v63  }
0x13f: {  	s14 =	simm.s32 $0x3100;
	v0 =	vadd.s32 v3, v0  }
0x140: {  	[tilespmem:s14], [sflag:$0x1] =	stream.indirect_vreg.gather [hbm4b:s8+s13], $0x80, v1, vm0, $0xb8;
	[tilespmem:$0x12100] =	vst v63  }
0x141: {  	s15 =	simm.s32 $0x3900  }
0x142: {  	[tilespmem:s15], [sflag:$0x1] =	stream.indirect_vreg.gather [hbm4b:s9+s13], $0x80, v1, vm0, $0xb8;
	[tilespmem:$0x12100] =	vst v63  }
0x143: {  	s17 =	simm.s32 $0x4100  }
0x144: {  	[tilespmem:s17], [sflag:$0x1] =	stream.indirect_vreg.gather [hbm4b:s3+s13], $0x80, v0, vm0, $0xb8;
	[tilespmem:$0x12100] =	vst v63  }
0x145: {  	s1 =	simm.s32 $0x4900  }
0x146: {  	[tilespmem:s1], [sflag:$0x1] =	stream.indirect_vreg.gather [hbm4b:s7+s13], $0x80, v0, vm0, $0xb8;
	[tilespmem:$0x12100] =	vst v63  }
0x147: {  	s14 =	simm.s32 $0x5100  }
0x148: {  	[tilespmem:s14], [sflag:$0x1] =	stream.indirect_vreg.gather [hbm4b:s8+s13], $0x80, v0, vm0, $0xb8;
	[tilespmem:$0x12100] =	vst v63  }
0x149: {  	s15 =	simm.s32 $0x5900  }
0x14a: {  	[tilespmem:s15], [sflag:$0x1] =	stream.indirect_vreg.gather [hbm4b:s9+s13], $0x80, v0, vm0, $0xb8;
	[tilespmem:$0x12100] =	vst v63  }
0x14b: {  	v0 =	vld [tilespmem:$0x10];
	_ =	sdelay $0x4  }
0x14c: {  	v60 =	vshll.u32 v0, $0x3  }
0x14d: {  	v0 =	vand.u32 $0x7, v0;
	v1 =	vand.u32 $0xFFFFFFC0, v60  }
0x14e: {  	v0 =	vor.u32 v0, v1  }
0x14f: {  	v1 =	vperm.xlane v0, v2;
	_ =	sdelay $0x1  }
0x150: {  	v1 =	vadd.s32 v3, v1;
	_ =	sdelay $0x3  }
0x151: {  	s17 =	simm.s32 $0x6100  }
0x152: {  	[tilespmem:s17], [sflag:$0x1] =	stream.indirect_vreg.gather [hbm4b:s3+s13], $0x80, v1, vm0, $0xb8;
	[tilespmem:$0x12100] =	vst v63  }
0x153: {  	s1 =	simm.s32 $0x6900;
	v0 =	vperm.xlane v0, v4  }
0x154: {  	[tilespmem:s1], [sflag:$0x1] =	stream.indirect_vreg.gather [hbm4b:s7+s13], $0x80, v1, vm0, $0xb8;
	[tilespmem:$0x12100] =	vst v63  }
0x155: {  	s14 =	simm.s32 $0x7100;
	v0 =	vadd.s32 v3, v0  }
0x156: {  	[tilespmem:s14], [sflag:$0x1] =	stream.indirect_vreg.gather [hbm4b:s8+s13], $0x80, v1, vm0, $0xb8;
	[tilespmem:$0x12100] =	vst v63  }
0x157: {  	s15 =	simm.s32 $0x7900  }
0x158: {  	[tilespmem:s15], [sflag:$0x1] =	stream.indirect_vreg.gather [hbm4b:s9+s13], $0x80, v1, vm0, $0xb8;
	[tilespmem:$0x12100] =	vst v63  }
0x159: {  	s17 =	simm.s32 $0x8100  }
0x15a: {  	[tilespmem:s17], [sflag:$0x1] =	stream.indirect_vreg.gather [hbm4b:s3+s13], $0x80, v0, vm0, $0xb8;
	[tilespmem:$0x12100] =	vst v63  }
0x15b: {  	s1 =	simm.s32 $0x8900  }
0x15c: {  	[tilespmem:s1], [sflag:$0x1] =	stream.indirect_vreg.gather [hbm4b:s7+s13], $0x80, v0, vm0, $0xb8;
	[tilespmem:$0x12100] =	vst v63  }
0x15d: {  	s14 =	simm.s32 $0x9100  }
0x15e: {  	[tilespmem:s14], [sflag:$0x1] =	stream.indirect_vreg.gather [hbm4b:s8+s13], $0x80, v0, vm0, $0xb8;
	[tilespmem:$0x12100] =	vst v63  }
0x15f: {  	s15 =	simm.s32 $0x9900  }
0x160: {  	[tilespmem:s15], [sflag:$0x1] =	stream.indirect_vreg.gather [hbm4b:s9+s13], $0x80, v0, vm0, $0xb8;
	[tilespmem:$0x12100] =	vst v63  }
0x161: {  	_ =	swait.ge [sflag:s16], $0x8000  }
0x162: {  	[sflag:s16] =	ssyncset.done $0x0  }
0x163: {  	[sflag:s16] =	ssyncadd.s32 $0xFFFF8000  }
0x164: {  	v61 =	vld [tilespmem:$0x80];
	_ =	sdelay $0x4  }
0x165: {  	v62 =	vshll.u32 v61, $0x3  }
0x166: {  	v0 =	vand.u32 $0x7, v61;
	v1 =	vand.u32 $0xFFFFFFC0, v62  }
0x167: {  	v0 =	vor.u32 v0, v1  }
0x168: {  	v1 =	vperm.xlane v0, v2;
	_ =	sdelay $0x1  }
0x169: {  	v1 =	vadd.s32 v3, v1;
	_ =	sdelay $0x3  }
0x16a: {  	s17 =	simm.s32 $0xA100  }
0x16b: {  	[tilespmem:s17], [sflag:$0x1] =	stream.indirect_vreg.gather [hbm4b:s3+s13], $0x80, v1, vm0, $0xb8;
	[tilespmem:$0x12100] =	vst v63  }
0x16c: {  	v0 =	vperm.xlane v0, v4  }
0x16d: {  	[tilespmem:s5], [sflag:$0x1] =	stream.indirect_vreg.gather [hbm4b:s7+s13], $0x80, v1, vm0, $0xb8;
	[tilespmem:$0x12100] =	vst v63  }
0x16e: {  	v0 =	vadd.s32 v3, v0  }
0x16f: {  	[tilespmem:s6], [sflag:$0x1] =	stream.indirect_vreg.gather [hbm4b:s8+s13], $0x80, v1, vm0, $0xb8;
	[tilespmem:$0x12100] =	vst v63  }
0x170: {  	_ = 	snop  }
0x171: {  	[tilespmem:s19], [sflag:$0x1] =	stream.indirect_vreg.gather [hbm4b:s9+s13], $0x80, v1, vm0, $0xb8;
	[tilespmem:$0x12100] =	vst v63  }
0x172: {  	_ = 	snop  }
0x173: {  	[tilespmem:s20], [sflag:$0x1] =	stream.indirect_vreg.gather [hbm4b:s3+s13], $0x80, v0, vm0, $0xb8;
	[tilespmem:$0x12100] =	vst v63  }
0x174: {  	_ = 	snop  }
0x175: {  	[tilespmem:s21], [sflag:$0x1] =	stream.indirect_vreg.gather [hbm4b:s7+s13], $0x80, v0, vm0, $0xb8;
	[tilespmem:$0x12100] =	vst v63  }
0x176: {  	_ = 	snop  }
0x177: {  	[tilespmem:s22], [sflag:$0x1] =	stream.indirect_vreg.gather [hbm4b:s8+s13], $0x80, v0, vm0, $0xb8;
	[tilespmem:$0x12100] =	vst v63  }
0x178: {  	_ = 	snop  }
0x179: {  	[tilespmem:s23], [sflag:$0x1] =	stream.indirect_vreg.gather [hbm4b:s9+s13], $0x80, v0, vm0, $0xb8;
	[tilespmem:$0x12100] =	vst v63  }
0x17a: {  	v0 =	vld [tilespmem:$0x90];
	_ =	sdelay $0x4  }
0x17b: {  	v63 =	vshll.u32 v0, $0x3  }
0x17c: {  	v0 =	vand.u32 $0x7, v0;
	v1 =	vand.u32 $0xFFFFFFC0, v63  }
0x17d: {  	v0 =	vor.u32 v0, v1  }
0x17e: {  	v1 =	vperm.xlane v0, v2;
	_ =	sdelay $0x1  }
0x17f: {  	v1 =	vadd.s32 v3, v1;
	_ =	sdelay $0x4  }
0x180: {  	[tilespmem:s24], [sflag:$0x1] =	stream.indirect_vreg.gather [hbm4b:s3+s13], $0x80, v1, vm0, $0xb8;
	[tilespmem:$0x12100] =	vst v63  }
0x181: {  	v0 =	vperm.xlane v0, v4  }
0x182: {  	[tilespmem:s25], [sflag:$0x1] =	stream.indirect_vreg.gather [hbm4b:s7+s13], $0x80, v1, vm0, $0xb8;
	[tilespmem:$0x12100] =	vst v63  }
0x183: {  	v0 =	vadd.s32 v3, v0  }
0x184: {  	[tilespmem:s10], [sflag:$0x1] =	stream.indirect_vreg.gather [hbm4b:s8+s13], $0x80, v1, vm0, $0xb8;
	[tilespmem:$0x12100] =	vst v63  }
0x185: {  	_ = 	snop  }
0x186: {  	[tilespmem:s26], [sflag:$0x1] =	stream.indirect_vreg.gather [hbm4b:s9+s13], $0x80, v1, vm0, $0xb8;
	[tilespmem:$0x12100] =	vst v63  }
0x187: {  	_ = 	snop  }
0x188: {  	[tilespmem:s11], [sflag:$0x1] =	stream.indirect_vreg.gather [hbm4b:s3+s13], $0x80, v0, vm0, $0xb8;
	[tilespmem:$0x12100] =	vst v63  }
0x189: {  	_ = 	snop  }
0x18a: {  	[tilespmem:s28], [sflag:$0x1] =	stream.indirect_vreg.gather [hbm4b:s7+s13], $0x80, v0, vm0, $0xb8;
	[tilespmem:$0x12100] =	vst v63  }
0x18b: {  	_ = 	snop  }
0x18c: {  	[tilespmem:s29], [sflag:$0x1] =	stream.indirect_vreg.gather [hbm4b:s8+s13], $0x80, v0, vm0, $0xb8;
	[tilespmem:$0x12100] =	vst v63  }
0x18d: {  	_ = 	snop  }
0x18e: {  	[tilespmem:s12], [sflag:$0x1] =	stream.indirect_vreg.gather [hbm4b:s9+s13], $0x80, v0, vm0, $0xb8;
	[tilespmem:$0x12100] =	vst v63  }
0x18f: {  	_ =	swait.ge [sflag:s16], $0x8000  }
0x190: {  	s31 =	simm.s32 $0x1110;
	[sflag:s16] =	ssyncset.done $0x0  }
0x191: {  	s0 =	simm.s32 $0x0;
	s14 =	simm.s32 $0x0;
	[sflag:s16] =	ssyncadd.s32 $0xFFFF8000  }
.LBB2_4:
0x192: {  	v3 =	vld [tilespmem:s31+$0xFFFFFFF0];
	s1 =	sand.u32 $0x6000, s14;
	s15 =	sand.u32 $0x380, s0  }
0x193: {  	v4 =	vld [tilespmem:s31+$0x0];
	s1 =	sor.u32 s15, s1  }
0x194: {  	v0 =	vld [tilespmem:s1+$0x2100]  }
0x195: {  	v1 =	vld [tilespmem:s1+$0xA100]  }
0x196: {  	v2 =	vld [tilespmem:s1+$0x2110]  }
0x197: {  	v6 =	vld [tilespmem:s1+$0xA110]  }
0x198: {  	v10 =	vld [tilespmem:s1+$0x2120]  }
0x199: {  	v11 =	vld [tilespmem:s1+$0xA120]  }
0x19a: {  	v14 =	vld [tilespmem:s1+$0x2130]  }
0x19b: {  	v17 =	vld [tilespmem:s1+$0xA130]  }
0x19c: {  	v20 =	vld [tilespmem:s1+$0x2140]  }
0x19d: {  	v21 =	vld [tilespmem:s1+$0xA140]  }
0x19e: {  	v26 =	vld [tilespmem:s1+$0x2150]  }
0x19f: {  	v27 =	vld [tilespmem:s1+$0xA150]  }
0x1a0: {  	v28 =	vld [tilespmem:s1+$0x2160]  }
0x1a1: {  	v29 =	vld [tilespmem:s1+$0xA160]  }
0x1a2: {  	v30 =	vld [tilespmem:s1+$0x2170]  }
0x1a3: {  	v31 =	vld [tilespmem:s1+$0xA170]  }
0x1a4: {  	v32 =	vld [tilespmem:s1+$0x2500]  }
0x1a5: {  	v33 =	vld [tilespmem:s1+$0xA500]  }
0x1a6: {  	v34 =	vld [tilespmem:s1+$0x2510]  }
0x1a7: {  	v35 =	vld [tilespmem:s1+$0xA510]  }
0x1a8: {  	v36 =	vld [tilespmem:s1+$0x2520]  }
0x1a9: {  	v37 =	vld [tilespmem:s1+$0xA520]  }
0x1aa: {  	v38 =	vld [tilespmem:s1+$0x2530]  }
0x1ab: {  	v39 =	vld [tilespmem:s1+$0xA530]  }
0x1ac: {  	v40 =	vld [tilespmem:s1+$0x2540]  }
0x1ad: {  	v41 =	vld [tilespmem:s1+$0xA540]  }
0x1ae: {  	v42 =	vld [tilespmem:s1+$0x2550]  }
0x1af: {  	v43 =	vld [tilespmem:s1+$0xA550]  }
0x1b0: {  	v44 =	vld [tilespmem:s1+$0x2560]  }
0x1b1: {  	v45 =	vld [tilespmem:s1+$0xA560]  }
0x1b2: {  	v46 =	vld [tilespmem:s1+$0x2570]  }
0x1b3: {  	v47 =	vld [tilespmem:s1+$0xA570]  }
0x1b4: {  	v48 =	vld [tilespmem:s1+$0x2900]  }
0x1b5: {  	v49 =	vld [tilespmem:s1+$0xA900]  }
0x1b6: {  	v50 =	vld [tilespmem:s1+$0x2910]  }
0x1b7: {  	v51 =	vld [tilespmem:s1+$0xA910]  }
0x1b8: {  	v52 =	vld [tilespmem:s1+$0x2920]  }
0x1b9: {  	v53 =	vld [tilespmem:s1+$0xA920]  }
0x1ba: {  	v54 =	vld [tilespmem:s1+$0x2930]  }
0x1bb: {  	v55 =	vld [tilespmem:s1+$0xA930]  }
0x1bc: {  	v56 =	vld [tilespmem:s1+$0x2940]  }
0x1bd: {  	v57 =	vld [tilespmem:s1+$0xA940]  }
0x1be: {  	v58 =	vld [tilespmem:s1+$0x2950]  }
0x1bf: {  	v59 =	vld [tilespmem:s1+$0xA950]  }
0x1c0: {  	v60 =	vld [tilespmem:s1+$0x2960]  }
0x1c1: {  	v61 =	vld [tilespmem:s1+$0xA960]  }
0x1c2: {  	v62 =	vld [tilespmem:s1+$0x2970]  }
0x1c3: {  	v63 =	vld [tilespmem:s1+$0xA970]  }
0x1c4: {  	v24 =	vld [tilespmem:s1+$0x2D00]  }
0x1c5: {  	v25 =	vld [tilespmem:s1+$0xAD00]  }
0x1c6: {  	v22 =	vld [tilespmem:s1+$0x2D10]  }
0x1c7: {  	v23 =	vld [tilespmem:s1+$0xAD10]  }
0x1c8: {  	v18 =	vld [tilespmem:s1+$0x2D20]  }
0x1c9: {  	v19 =	vld [tilespmem:s1+$0xAD20]  }
0x1ca: {  	v15 =	vld [tilespmem:s1+$0x2D30]  }
0x1cb: {  	v16 =	vld [tilespmem:s1+$0xAD30]  }
0x1cc: {  	v5 =	vld [tilespmem:s1+$0x2D60]  }
0x1cd: {  	v12 =	vld [tilespmem:s1+$0x2D40]  }
0x1ce: {  	v13 =	vld [tilespmem:s1+$0xAD40]  }
0x1cf: {  	v8 =	vld [tilespmem:s1+$0x2D50]  }
0x1d0: {  	v9 =	vld [tilespmem:s1+$0xAD50];
	v0 =	vmul.f32 v0, v3;
	v1 =	vmul.f32 v1, v4  }
0x1d1: {  	v7 =	vld [tilespmem:s1+$0xAD60];
	[tilespmem:$0x1FFA0] =	vst v5;
	v5 =	vmul.f32 v2, v3;
	v2 =	vmul.f32 v6, v4  }
0x1d2: {  	v6 =	vld [tilespmem:s1+$0x2D70];
	v17 =	vmul.f32 v17, v4;
	v0 =	vadd.f32 v1, v0  }
0x1d3: {  	v1 =	vmul.f32 v10, v3;
	v10 =	vld [tilespmem:s1+$0xAD70];
	v5 =	vadd.f32 v2, v5;
	v2 =	vmul.f32 v14, v3  }
0x1d4: {  	v11 =	vmul.f32 v11, v4;
	v14 =	vld [tilespmem:s1+$0xB100]  }
0x1d5: {  	v26 =	vmul.f32 v26, v3;
	v2 =	vadd.f32 v17, v2;
	v17 =	vld [tilespmem:s1+$0x3110]  }
0x1d6: {  	[tilespmem:s1+$0x2100] =	vst v0;
	v0 =	vadd.f32 v11, v1;
	v1 =	vmul.f32 v20, v3;
	v11 =	vmul.f32 v21, v4;
	v20 =	vld [tilespmem:s1+$0xB110]  }
0x1d7: {  	v27 =	vmul.f32 v27, v4;
	v30 =	vmul.f32 v30, v3;
	v21 =	vld [tilespmem:s1+$0x3120];
	[tilespmem:$0x1FFB0] =	vst v6  }
0x1d8: {  	v31 =	vmul.f32 v31, v4;
	v33 =	vmul.f32 v33, v4;
	v6 =	vld [tilespmem:s1+$0x3100];
	[tilespmem:s1+$0x2120] =	vst v0;
	v0 =	vadd.f32 v11, v1  }
0x1d9: {  	v1 =	vmul.f32 v28, v3;
	v11 =	vmul.f32 v29, v4;
	[tilespmem:s1+$0x2130] =	vst v2;
	v2 =	vadd.f32 v27, v26;
	v26 =	vld [tilespmem:s1+$0xB120]  }
0x1da: {  	v42 =	vmul.f32 v42, v3;
	[tilespmem:s1+$0x2110] =	vst v5;
	v5 =	vmul.f32 v34, v3;
	v28 =	vld [tilespmem:s1+$0x3130]  }
0x1db: {  	v34 =	vmul.f32 v37, v4;
	v29 =	vld [tilespmem:s1+$0xB130];
	[tilespmem:s1+$0x2140] =	vst v0;
	v0 =	vadd.f32 v11, v1;
	v1 =	vmul.f32 v32, v3  }
0x1dc: {  	v37 =	vmul.f32 v39, v4;
	[tilespmem:s1+$0x2150] =	vst v2;
	v2 =	vadd.f32 v31, v30;
	v32 =	vmul.f32 v35, v4;
	v30 =	vld [tilespmem:s1+$0x3140]  }
0x1dd: {  	v31 =	vld [tilespmem:s1+$0xB140];
	[tilespmem:s1+$0x2160] =	vst v0;
	v0 =	vadd.f32 v33, v1;
	v33 =	vmul.f32 v36, v3;
	v36 =	vmul.f32 v38, v3  }
0x1de: {  	v39 =	vmul.f32 v40, v3;
	v40 =	vmul.f32 v41, v4;
	v11 =	vld [tilespmem:s1+$0xB550];
	[tilespmem:s1+$0x2170] =	vst v2;
	v35 =	vadd.f32 v32, v5  }
0x1df: {  	v56 =	vmul.f32 v56, v3;
	v32 =	vld [tilespmem:s1+$0x3150];
	[tilespmem:s1+$0x2500] =	vst v0;
	v38 =	vadd.f32 v34, v33;
	v41 =	vadd.f32 v37, v36  }
0x1e0: {  	[tilespmem:s1+$0x2510] =	vst v35;
	v36 =	vmul.f32 v43, v4;
	v37 =	vadd.f32 v40, v39;
	v39 =	vmul.f32 v45, v4;
	v33 =	vld [tilespmem:s1+$0xB150]  }
0x1e1: {  	v34 =	vld [tilespmem:s1+$0x3160];
	v45 =	vmul.f32 v49, v4;
	[tilespmem:s1+$0x2520] =	vst v38;
	v38 =	vmul.f32 v44, v3  }
0x1e2: {  	v35 =	vld [tilespmem:s1+$0xB160];
	[tilespmem:s1+$0x2530] =	vst v41;
	v40 =	vadd.f32 v36, v42;
	v41 =	vmul.f32 v46, v3;
	v42 =	vmul.f32 v47, v4  }
0x1e3: {  	[tilespmem:s1+$0x2540] =	vst v37;
	v44 =	vmul.f32 v48, v3;
	v47 =	vmul.f32 v50, v3;
	v36 =	vld [tilespmem:s1+$0x3170];
	v43 =	vadd.f32 v39, v38  }
0x1e4: {  	v48 =	vmul.f32 v51, v4;
	v50 =	vmul.f32 v52, v3;
	v37 =	vld [tilespmem:s1+$0xB170];
	[tilespmem:s1+$0x2550] =	vst v40;
	v46 =	vadd.f32 v42, v41  }
0x1e5: {  	v51 =	vmul.f32 v53, v4;
	v53 =	vmul.f32 v54, v3;
	v49 =	vadd.f32 v45, v44;
	v38 =	vld [tilespmem:s1+$0x3500];
	[tilespmem:s1+$0x2560] =	vst v43  }
0x1e6: {  	v54 =	vmul.f32 v55, v4;
	v52 =	vadd.f32 v48, v47;
	v44 =	vmul.f32 v57, v4;
	v39 =	vld [tilespmem:s1+$0xB500];
	[tilespmem:s1+$0x2570] =	vst v46  }
0x1e7: {  	v55 =	vadd.f32 v51, v50;
	v47 =	vmul.f32 v59, v4;
	v40 =	vld [tilespmem:s1+$0x3510];
	v50 =	vmul.f32 v61, v4;
	[tilespmem:s1+$0x2900] =	vst v49  }
0x1e8: {  	v45 =	vadd.f32 v54, v53;
	v41 =	vld [tilespmem:s1+$0xB510];
	v53 =	vmul.f32 v63, v4;
	[tilespmem:s1+$0x2910] =	vst v52;
	v46 =	vmul.f32 v58, v3  }
0x1e9: {  	v42 =	vld [tilespmem:s1+$0x3520];
	v59 =	vmul.f32 v23, v4;
	[tilespmem:s1+$0x2920] =	vst v55;
	v48 =	vadd.f32 v44, v56;
	v49 =	vmul.f32 v60, v3  }
0x1ea: {  	v23 =	vld [tilespmem:s1+$0x3530];
	v61 =	vmul.f32 v18, v3;
	[tilespmem:s1+$0x2930] =	vst v45;
	v52 =	vmul.f32 v62, v3;
	v51 =	vadd.f32 v47, v46  }
0x1eb: {  	v18 =	vld [tilespmem:s1+$0xB530];
	v55 =	vmul.f32 v24, v3;
	v56 =	vmul.f32 v25, v4;
	[tilespmem:s1+$0x2940] =	vst v48;
	v54 =	vadd.f32 v50, v49  }
0x1ec: {  	v24 =	vld [tilespmem:s1+$0xB520];
	v58 =	vmul.f32 v22, v3;
	v62 =	vmul.f32 v19, v4;
	v57 =	vadd.f32 v53, v52;
	[tilespmem:s1+$0x2950] =	vst v51  }
0x1ed: {  	v22 =	vmul.f32 v15, v3;
	v25 =	vmul.f32 v16, v4;
	v16 =	vld [tilespmem:s1+$0x3540];
	v60 =	vadd.f32 v56, v55;
	[tilespmem:s1+$0x2960] =	vst v54  }
0x1ee: {  	v43 =	vmul.f32 v12, v3;
	v44 =	vmul.f32 v13, v4;
	v12 =	vld [tilespmem:s1+$0xB540];
	v63 =	vadd.f32 v59, v58;
	[tilespmem:s1+$0x2970] =	vst v57  }
0x1ef: {  	v13 =	vld [tilespmem:s1+$0x3570];
	v27 =	vadd.f32 v62, v61;
	v46 =	vmul.f32 v8, v3;
	v47 =	vmul.f32 v9, v4;
	[tilespmem:s1+$0x2D00] =	vst v60  }
0x1f0: {  	v15 =	vld [tilespmem:s1+$0x3900];
	v45 =	vadd.f32 v25, v22;
	v55 =	vmul.f32 v14, v4;
	v58 =	vmul.f32 v20, v4;
	[tilespmem:s1+$0x2D10] =	vst v63  }
0x1f1: {  	v19 =	vld [tilespmem:s1+$0x3910];
	v48 =	vadd.f32 v44, v43;
	v22 =	vmul.f32 v30, v3;
	v25 =	vmul.f32 v31, v4;
	[tilespmem:s1+$0x2D20] =	vst v27  }
0x1f2: {  	v9 =	vld [tilespmem:s1+$0x3550];
	v30 =	vmul.f32 v34, v3;
	v31 =	vmul.f32 v35, v4;
	[tilespmem:s1+$0x2D30] =	vst v45;
	v50 =	vadd.f32 v47, v46  }
0x1f3: {  	v49 =	vld [tilespmem:$0x1FFA0];
	v20 =	vmul.f32 v29, v4;
	[tilespmem:s1+$0x2D40] =	vst v48;
	v54 =	vmul.f32 v6, v3;
	v29 =	vadd.f32 v25, v22  }
0x1f4: {  	v52 =	vmul.f32 v10, v4;
	v10 =	vld [tilespmem:s1+$0x3560];
	v57 =	vmul.f32 v17, v3;
	v35 =	vadd.f32 v31, v30;
	[tilespmem:s1+$0x2D50] =	vst v50  }
0x1f5: {  	v61 =	vmul.f32 v26, v4;
	v14 =	vld [tilespmem:s1+$0xB570];
	v60 =	vmul.f32 v21, v3;
	v59 =	vadd.f32 v55, v54;
	[tilespmem:s1+$0x3140] =	vst v29  }
0x1f6: {  	v7 =	vmul.f32 v7, v4;
	v44 =	vld [tilespmem:s1+$0x3930];
	v63 =	vmul.f32 v28, v3;
	v62 =	vadd.f32 v58, v57;
	[tilespmem:s1+$0x3160] =	vst v35  }
0x1f7: {  	v51 =	vld [tilespmem:$0x1FFB0];
	v27 =	vmul.f32 v32, v3;
	v28 =	vmul.f32 v33, v4;
	v21 =	vadd.f32 v61, v60;
	[tilespmem:s1+$0x3100] =	vst v59  }
0x1f8: {  	v34 =	vmul.f32 v37, v4;
	v17 =	vld [tilespmem:s1+$0xB900];
	v33 =	vmul.f32 v36, v3;
	v26 =	vadd.f32 v20, v63;
	[tilespmem:s1+$0x3110] =	vst v62  }
0x1f9: {  	v37 =	vmul.f32 v39, v4;
	v36 =	vmul.f32 v38, v3;
	v38 =	vld [tilespmem:s1+$0xB920];
	v32 =	vadd.f32 v28, v27;
	[tilespmem:s1+$0x3120] =	vst v21  }
0x1fa: {  	v40 =	vmul.f32 v40, v3;
	v43 =	vmul.f32 v41, v4;
	v48 =	vld [tilespmem:s1+$0xB930];
	v39 =	vadd.f32 v34, v33;
	[tilespmem:s1+$0x3130] =	vst v26  }
0x1fb: {  	v31 =	vld [tilespmem:s1+$0x3970];
	v45 =	vadd.f32 v37, v36;
	v50 =	vmul.f32 v23, v3;
	v1 =	vmul.f32 v49, v3;
	[tilespmem:s1+$0x3150] =	vst v32  }
0x1fc: {  	v20 =	vld [tilespmem:s1+$0xB910];
	v23 =	vmul.f32 v13, v3;
	v49 =	vadd.f32 v43, v40;
	[tilespmem:s1+$0x3170] =	vst v39;
	v26 =	vmul.f32 v14, v4  }
0x1fd: {  	v46 =	vmul.f32 v42, v3;
	v55 =	vld [tilespmem:s1+$0x3950];
	[tilespmem:s1+$0x3500] =	vst v45;
	v5 =	vmul.f32 v51, v3;
	v53 =	vadd.f32 v7, v1  }
0x1fe: {  	v47 =	vmul.f32 v24, v4;
	v58 =	vmul.f32 v11, v4;
	v63 =	vld [tilespmem:s1+$0x3960];
	[tilespmem:s1+$0x3510] =	vst v49;
	v32 =	vadd.f32 v26, v23  }
0x1ff: {  	v27 =	vld [tilespmem:s1+$0xB960];
	v29 =	vmul.f32 v15, v3;
	v57 =	vmul.f32 v9, v3;
	v56 =	vadd.f32 v52, v5;
	[tilespmem:s1+$0x2D60] =	vst v53  }
0x200: {  	v35 =	vld [tilespmem:s1+$0xB970];
	v41 =	vmul.f32 v44, v3;
	v30 =	vmul.f32 v17, v4;
	v52 =	vadd.f32 v47, v46;
	[tilespmem:s1+$0x3570] =	vst v32  }
0x201: {  	v21 =	vld [tilespmem:s1+$0x3920];
	v42 =	vmul.f32 v48, v4;
	v53 =	vmul.f32 v16, v3;
	v16 =	vadd.f32 v58, v57;
	[tilespmem:s1+$0x2D70] =	vst v56  }
0x202: {  	v59 =	vld [tilespmem:s1+$0xB950];
	v51 =	vmul.f32 v18, v4;
	v36 =	vadd.f32 v30, v29;
	[tilespmem:s1+$0x3520] =	vst v52  }
0x203: {  	v54 =	vmul.f32 v12, v4;
	v39 =	vld [tilespmem:s1+$0xB940];
	v46 =	vadd.f32 v42, v41;
	[tilespmem:s1+$0x3550] =	vst v16  }
0x204: {  	v33 =	vmul.f32 v19, v3;
	v7 =	vld [tilespmem:s1+$0xB560];
	v34 =	vmul.f32 v20, v4;
	v56 =	vadd.f32 v51, v50;
	[tilespmem:s1+$0x3900] =	vst v36  }
0x205: {  	v18 =	vld [tilespmem:s1+$0x3940];
	v47 =	vmul.f32 v63, v3;
	v48 =	vmul.f32 v27, v4;
	v60 =	vadd.f32 v54, v53;
	[tilespmem:s1+$0x3930] =	vst v46  }
0x206: {  	v38 =	vmul.f32 v38, v4;
	v37 =	vmul.f32 v21, v3;
	v40 =	vadd.f32 v34, v33;
	[tilespmem:s1+$0x3530] =	vst v56  }
0x207: {  	v44 =	vmul.f32 v55, v3;
	v45 =	vmul.f32 v59, v4;
	v52 =	vadd.f32 v48, v47;
	[tilespmem:s1+$0x3540] =	vst v60  }
0x208: {  	v50 =	vmul.f32 v31, v3;
	v51 =	vmul.f32 v35, v4;
	v43 =	vadd.f32 v38, v37;
	[tilespmem:s1+$0x3910] =	vst v40  }
0x209: {  	v61 =	vmul.f32 v10, v3;
	v62 =	vmul.f32 v7, v4;
	v49 =	vadd.f32 v45, v44;
	[tilespmem:s1+$0x3960] =	vst v52  }
0x20a: {  	s17 =	sand.u32 $0x7, s13;
	v54 =	vmul.f32 v39, v4;
	v53 =	vmul.f32 v18, v3;
	v55 =	vadd.f32 v51, v50;
	[tilespmem:s1+$0x3920] =	vst v43  }
0x20b: {  	s15 =	sshll.u32 s17, $0x7;
	v28 =	vadd.f32 v62, v61;
	[tilespmem:s1+$0x3950] =	vst v49  }
0x20c: {  	s15 =	sadd.s32 s15, s14;
	v56 =	vadd.f32 v54, v53;
	[tilespmem:s1+$0x3970] =	vst v55  }
0x20d: {  	s17 =	sor.u32 $0x1C00, s15;
	[tilespmem:s1+$0x3560] =	vst v28  }
0x20e: {  	[tilespmem:s1+$0x3940] =	vst v56;
	v0 =	vld [tilespmem:s17+$0x2100]  }
0x20f: {  	v1 =	vld [tilespmem:s17+$0xA100];
	_ =	sdelay $0x4  }
0x210: {  	v0 =	vmul.f32 v0, v3;
	v1 =	vmul.f32 v1, v4;
	_ =	sdelay $0x1  }
0x211: {  	v0 =	vadd.f32 v1, v0;
	_ =	sdelay $0x1  }
0x212: {  	[tilespmem:s17+$0x2100] =	vst v0;
	s17 =	sor.u32 $0x1C10, s15  }
0x213: {  	v0 =	vld [tilespmem:s17+$0x2100]  }
0x214: {  	v57 =	vld [tilespmem:s17+$0xA100];
	_ =	sdelay $0x4  }
0x215: {  	v0 =	vmul.f32 v0, v3;
	v1 =	vmul.f32 v57, v4;
	_ =	sdelay $0x1  }
0x216: {  	v0 =	vadd.f32 v1, v0;
	_ =	sdelay $0x1  }
0x217: {  	[tilespmem:s17+$0x2100] =	vst v0;
	s17 =	sor.u32 $0x1C20, s15  }
0x218: {  	v0 =	vld [tilespmem:s17+$0x2100]  }
0x219: {  	v58 =	vld [tilespmem:s17+$0xA100];
	_ =	sdelay $0x4  }
0x21a: {  	v0 =	vmul.f32 v0, v3;
	v1 =	vmul.f32 v58, v4;
	_ =	sdelay $0x1  }
0x21b: {  	v0 =	vadd.f32 v1, v0;
	_ =	sdelay $0x1  }
0x21c: {  	[tilespmem:s17+$0x2100] =	vst v0;
	s17 =	sor.u32 $0x1C30, s15  }
0x21d: {  	v0 =	vld [tilespmem:s17+$0x2100]  }
0x21e: {  	v59 =	vld [tilespmem:s17+$0xA100];
	_ =	sdelay $0x4  }
0x21f: {  	v0 =	vmul.f32 v0, v3;
	v1 =	vmul.f32 v59, v4;
	_ =	sdelay $0x1  }
0x220: {  	v0 =	vadd.f32 v1, v0;
	_ =	sdelay $0x1  }
0x221: {  	[tilespmem:s17+$0x2100] =	vst v0;
	s17 =	sor.u32 $0x1C40, s15  }
0x222: {  	v0 =	vld [tilespmem:s17+$0x2100]  }
0x223: {  	v60 =	vld [tilespmem:s17+$0xA100];
	_ =	sdelay $0x4  }
0x224: {  	v0 =	vmul.f32 v0, v3;
	v1 =	vmul.f32 v60, v4;
	_ =	sdelay $0x1  }
0x225: {  	v0 =	vadd.f32 v1, v0;
	_ =	sdelay $0x1  }
0x226: {  	[tilespmem:s17+$0x2100] =	vst v0;
	s17 =	sor.u32 $0x1C50, s15  }
0x227: {  	v0 =	vld [tilespmem:s17+$0x2100]  }
0x228: {  	v61 =	vld [tilespmem:s17+$0xA100];
	_ =	sdelay $0x4  }
0x229: {  	v0 =	vmul.f32 v0, v3;
	v1 =	vmul.f32 v61, v4;
	_ =	sdelay $0x1  }
0x22a: {  	v0 =	vadd.f32 v1, v0;
	_ =	sdelay $0x1  }
0x22b: {  	[tilespmem:s17+$0x2100] =	vst v0;
	s17 =	sor.u32 $0x1C60, s15  }
0x22c: {  	v0 =	vld [tilespmem:s17+$0x2100]  }
0x22d: {  	v62 =	vld [tilespmem:s17+$0xA100];
	_ =	sdelay $0x4  }
0x22e: {  	v0 =	vmul.f32 v0, v3;
	v1 =	vmul.f32 v62, v4;
	_ =	sdelay $0x1  }
0x22f: {  	v0 =	vadd.f32 v1, v0;
	_ =	sdelay $0x1  }
0x230: {  	[tilespmem:s17+$0x2100] =	vst v0;
	s17 =	sor.u32 $0x1C70, s15  }
0x231: {  	v0 =	vld [tilespmem:s17+$0x2100]  }
0x232: {  	v63 =	vld [tilespmem:s17+$0xA100];
	_ =	sdelay $0x3  }
0x233: {  	p0 =	sne.s32 s0, $0xF80  }
.Ltmp1:
0x234: {  	v0 =	vmul.f32 v0, v3;
	v1 =	vmul.f32 v63, v4;
	(pc) =	sbr.rel @p0 .LBB2_4-.Ltmp1, $4  }
0x235: {  	_ = 	snop  }
0x236: {  	v0 =	vadd.f32 v1, v0  }
0x237: {  	s13 =	sadd.s32 $0x1, s13  }
0x238: {  	s31 =	sadd.s32 $0x80, s31;
	s0 =	sadd.s32 $0x80, s0;
	s14 =	sadd.s32 $0x400, s14;
	[tilespmem:s17+$0x2100] =	vst v0  }
0x239: {  	s0 =	rddreg [dreg:$0x8]  }
0x23a: {  	[hbm4b:s0+s2] =	stream.linear.scatter [tilespmem:s18], [sflag:$0x1], $0x8000, $0x38;
	[tilespmem:$0x12100] =	vst v63  }
0x23b: {  	_ =	swait.ge [sflag:s16], $0x8000  }
0x23c: {  	s30 =	sadd.s32 $0x1, s30;
	s31 =	rddreg [dreg:$0x9]  }
0x23d: {  	p0 =	sne.s32 s30, s31  }
.Ltmp2:
0x23e: {  	_ = 	snop;
	(pc) =	sbr.rel @p0 .LBB2_1-.Ltmp2, $3  }
0x23f: {  	_ =	sdelay $0x1  }
0x240: {  	[sflag:s16] =	ssyncset.done $0x0  }
0x241: {  	[sflag:s16] =	ssyncadd.s32 $0xFFFF8000  }
0x242: {  	_ =	sfence.sel $0x180000  }
0x243: {  	[bflag:$0x0] =	sbarrier.arrive $0xFFFF  }
0x244: {  	_ =	strace $0x9000004A  }
0x245: {  	s0 =	stileid.u32;
	[bflag:$0x2] =	sbarrier.arrive $0xFFFF  }
0x246: {  	p0 =	sne.s32 s0, $0x0;
	s0 =	rddreg [dreg:$0x2]  }
0x247: {  	s0 =	sadd.s32 @!p0 $0x100000, s0  }
0x248: {  	[sflag:s0] =	ssyncadd.tile.s32 @!p0 $0x1;
	_ =	shalt  }
.Lfunc_end2:
_tile_overlayer_lowered:
.L_overlay_start_2:
0x249: {  	(tag) =	ssettag $0x2  }
0x24a: {  	s0 =	rddreg [dreg:$0x0];
	s2 =	stileid.u32  }
0x24b: {  	s1 =	rddreg [dreg:$0x1];
	p0 =	sne.s32 s2, $0x0  }
0x24c: {  	s3 =	rddreg [dreg:$0x2];
	[bflag:$0x3] =	sbarrier.arrive $0xFFFF;
	s2 =	simm.s32 @!p0 $0x1C01  }
0x24d: {  	[timem:s3], [sflag:s2] =	dma.local @!p0 [hbm:s0], s1  }
0x24e: {  	s0 =	simm.s32 @!p0 $0x1  }
0x24f: {  	_ =	swait.ge @!p0 [sflag:s0], s1  }
0x250: {  	s1 =	ssub.s32 @!p0 $0x0, s1;
	[sflag:s0] =	ssyncset.done @!p0 $0x0  }
0x251: {  	[sflag:s0] =	ssyncadd.s32 @!p0 s1  }
0x252: {  	[bflag:$0x3] =	sbarrier.arrive $0xFFFF  }
0x253: {  	_ =	shalt  }

</sc_bundles>
